<compile_context>
chip_gen: v7x
topology: tpu7x:2x2x1
jax: 0.10.2.dev20260603
libtpu: 0.0.44.dev20260713+nightly
codegen_flags: <defaults>
</compile_context>

<pallas_src>
import functools
import numpy as np
import jax
import jax.numpy as jnp
from jax import lax
from jax.experimental import pallas as pl
from jax.experimental.pallas import tpu as pltpu
from jax.experimental.pallas import tpu_sc as plsc

N_NODES = 50000
N_CP = 17
N_ENTRIES = 1000000
BATCH_NODES = 4096
PENALTY = 10.0
TIME_MAX = 100.0

NW = 32
CHUNK = 2048
NCHUNK = 16
EV_PER_W = CHUNK * NCHUNK
E_PAD = NW * EV_PER_W
NODES_PER_W = BATCH_NODES // NW
T4_W = 8
TROWS = 8
TN_W = 40

_CP = (np.arange(N_CP, dtype=np.float32) / np.float32(N_CP - 1)) * np.float32(TIME_MAX + 0.0001)
_SEG = float(_CP[1] - _CP[0])

P_LOG, P_PR1, P_PR2 = 0, 1, 2
P_S0, P_S1, P_PQ, P_PC = 4, 21, 38, 55
P_H = 72


def _perm_matrix():
    P = np.zeros((2 * N_CP, TROWS * 8), dtype=np.float32)
    for j in range(TROWS):
        for c in range(8):
            t = 2 * j + c // 2
            if t <= N_CP - 1:
                src_col = t if c % 2 == 0 else N_CP + t
                P[src_col, 8 * j + c] = 1.0
    return P



def _prep_body(z_ref, p_ref, t4_ref):
    ze = jnp.exp(z_ref[...])
    mask = jnp.int32(-65536)
    b = lax.bitcast_convert_type(ze, jnp.int32)
    hi = lax.bitcast_convert_type(jnp.bitwise_and(b, mask), jnp.float32)
    r = ze - hi
    rb = lax.bitcast_convert_type(r, jnp.int32)
    mid = lax.bitcast_convert_type(jnp.bitwise_and(rb, mask), jnp.float32)
    pb = p_ref[...].astype(jnp.bfloat16)
    acc = jnp.dot(hi.astype(jnp.bfloat16), pb, preferred_element_type=jnp.float32)
    acc = acc + jnp.dot(mid.astype(jnp.bfloat16), pb, preferred_element_type=jnp.float32)
    t4_ref[...] = acc


def _prep(zf, perm):
    blk = 10000
    grid = N_NODES // blk
    return pl.pallas_call(
        _prep_body,
        grid=(grid,),
        in_specs=[
            pl.BlockSpec((blk, 2 * N_CP), lambda i: (i, 0)),
            pl.BlockSpec((2 * N_CP, TROWS * 8), lambda i: (0, 0)),
        ],
        out_specs=pl.BlockSpec((blk, TROWS * 8), lambda i: (i, 0)),
        out_shape=jax.ShapeDtypeStruct((N_NODES, TROWS * 8), jnp.float32),
    )(zf, perm)



def _log16(x):
    bits = lax.bitcast_convert_type(x, jnp.int32)
    e = lax.shift_right_arithmetic(bits, 23) - 127
    mb = jnp.bitwise_or(jnp.bitwise_and(bits, 0x7FFFFF), 0x3F800000)
    m = lax.bitcast_convert_type(mb, jnp.float32)
    big = m > jnp.float32(1.4142135)
    m = jnp.where(big, m * jnp.float32(0.5), m)
    ef = e.astype(jnp.float32) + jnp.where(big, jnp.float32(1.0), jnp.float32(0.0))
    t = (m - jnp.float32(1.0)) / (m + jnp.float32(1.0))
    t2 = t * t
    p = t * (jnp.float32(2.0) + t2 * (jnp.float32(2.0 / 3.0)
         + t2 * (jnp.float32(0.4) + t2 * jnp.float32(2.0 / 7.0))))
    return ef * jnp.float32(0.6931471805599453) + p


def _rsqrt16(x):
    i = lax.bitcast_convert_type(x, jnp.int32)
    i = jnp.int32(0x5F3759DF) - lax.shift_right_arithmetic(i, 1)
    y = lax.bitcast_convert_type(i, jnp.float32)
    for _ in range(3):
        y = y * (jnp.float32(1.5) - jnp.float32(0.5) * x * y * y)
    return y



def _sc_body(t4_hbm, ts_hbm, s_hbm, r_hbm, nodes_hbm, out_hbm,
             s_b0, s_b1, r_b0, r_b1, ts_b0, ts_b1, d_b0, d_b1,
             si_b0, si_b1, ri_b0, ri_b1, kp_b0, kp_b1,
             sr_b0, sr_b1, rr_b0, rr_b1,
             nidx_v, nidx8_v, nrow8_v, part_v,
             ld_sem0, ld_sem1, g_sem0, g_sem1, n_sem):
    wid = lax.axis_index("s") * 2 + lax.axis_index("c")
    iota = lax.iota(jnp.int32, 16)

    s_b, r_b, ts_b = (s_b0, s_b1), (r_b0, r_b1), (ts_b0, ts_b1)
    d_b, si_b, ri_b = (d_b0, d_b1), (si_b0, si_b1), (ri_b0, ri_b1)
    kp_b = (kp_b0, kp_b1)
    srow_b, rrow_b = (sr_b0, sr_b1), (rr_b0, rr_b1)
    ld_sems = (ld_sem0, ld_sem1)
    g_sems = (g_sem0, g_sem1)

    nbase = pl.multiple_of(wid * NODES_PER_W, NODES_PER_W)
    pltpu.sync_copy(nodes_hbm.at[pl.ds(nbase, NODES_PER_W)], nidx_v)
    for g in range(NODES_PER_W // 16):
        nv = nidx_v[pl.ds(g * 16, 16)]
        for j in range(TROWS):
            plsc.store_scatter(
                nidx8_v, [(g * 16 + iota) * TROWS + j], nv * TROWS + j)
    nh = pltpu.async_copy(t4_hbm.at[nidx8_v], nrow8_v, n_sem)

    ebase0 = pl.multiple_of(wid * EV_PER_W, EV_PER_W)

    def fire_ld(nominal, sl):
        off = pl.multiple_of(
            jnp.minimum(nominal, N_ENTRIES - CHUNK), 8)
        pltpu.async_copy(s_hbm.at[pl.ds(off, CHUNK)], s_b[sl], ld_sems[sl])
        pltpu.async_copy(r_hbm.at[pl.ds(off, CHUNK)], r_b[sl], ld_sems[sl])
        pltpu.async_copy(ts_hbm.at[pl.ds(off, CHUNK)], ts_b[sl], ld_sems[sl])

    for sl in (0, 1):
        fire_ld(ebase0 + sl * CHUNK, sl)

    def node_phase():
        nh.wait()

        def node_k(k, carry):
            pr1, pr2 = carry
            is_pair = k < N_CP - 1
            ja = jnp.minimum(lax.shift_right_logical(k, 1), TROWS - 1)
            ca = 2 * (k - 2 * ja)
            jb = jnp.minimum(lax.shift_right_logical(k + 1, 1), TROWS - 1)
            cb2 = 2 * (k + 1 - 2 * jb)
            ca_v = jnp.full((16,), 0, jnp.int32) + ca
            cb_v = jnp.full((16,), 0, jnp.int32) + cb2

            def body(g, c):
                s0, s1, pq, pc, p1, p2 = c
                nloc = g * 16 + iota
                rowa = nloc * TROWS + ja
                rowb = nloc * TROWS + jb
                a0 = plsc.load_gather(nrow8_v, [rowa, ca_v])
                a1 = plsc.load_gather(nrow8_v, [rowa, ca_v + 1])
                b0 = plsc.load_gather(nrow8_v, [rowb, cb_v])
                b1 = plsc.load_gather(nrow8_v, [rowb, cb_v + 1])
                qk = a0 * a0 + a1 * a1
                qn = b0 * b0 + b1 * b1
                cd = a0 * b0 + a1 * b1
                d0 = b0 - a0
                d1 = b1 - a1
                cs = cd * _rsqrt16(qk * qn) - jnp.float32(1.0)
                return (s0 + a0, s1 + a1, pq + qk, pc + cd,
                        p1 + d0 * d0 + d1 * d1, p2 + cs * cs)

            z = jnp.zeros((16,), jnp.float32)
            s0, s1, pq, pc, p1, p2 = lax.fori_loop(
                0, NODES_PER_W // 16, body, (z, z, z, z, z, z))
            part_v[pl.ds((P_S0 + k) * 16, 16)] = s0
            part_v[pl.ds((P_S1 + k) * 16, 16)] = s1
            part_v[pl.ds((P_PQ + k) * 16, 16)] = pq
            part_v[pl.ds((P_PC + k) * 16, 16)] = jnp.where(is_pair, pc, jnp.float32(0.0))
            pr1 = pr1 + jnp.where(is_pair, p1, jnp.float32(0.0))
            pr2 = pr2 + jnp.where(is_pair, p2, jnp.float32(0.0))
            return pr1, pr2

        z16 = jnp.zeros((16,), jnp.float32)
        pr1_tot, pr2_tot = lax.fori_loop(0, N_CP, node_k, (z16, z16))
        part_v[pl.ds(P_PR1 * 16, 16)] = pr1_tot
        part_v[pl.ds(P_PR2 * 16, 16)] = pr2_tot
        part_v[pl.ds(3 * 16, 16)] = z16

    seg = jnp.float32(_SEG)

    def phase_a(sl):
        ssl, rsl, tsl = s_b[sl], r_b[sl], ts_b[sl]
        dsl, sil, ril, kpl = d_b[sl], si_b[sl], ri_b[sl], kp_b[sl]

        def body(g, _):
            sv = ssl[pl.ds(g * 16, 16)]
            rv = rsl[pl.ds(g * 16, 16)]
            tv = tsl[pl.ds(g * 16, 16)]
            t = tv / seg
            kap = t.astype(jnp.int32)
            d = t - kap.astype(jnp.float32)
            jrow = lax.shift_right_logical(kap, 1)
            sil[pl.ds(g * 16, 16)] = sv * TROWS + jrow
            ril[pl.ds(g * 16, 16)] = rv * TROWS + jrow
            kpl[pl.ds(g * 16, 16)] = lax.shift_left(jnp.bitwise_and(kap, 1), 1)
            dsl[pl.ds(g * 16, 16)] = d
            return 0

        lax.fori_loop(0, CHUNK // 16, body, 0)

    def fire_gathers(sl):
        pltpu.async_copy(t4_hbm.at[si_b[sl]], srow_b[sl], g_sems[sl])
        pltpu.async_copy(t4_hbm.at[ri_b[sl]], rrow_b[sl], g_sems[sl])

    def drain_gathers(sl):
        pltpu.make_async_copy(t4_hbm.at[pl.ds(0, CHUNK)], srow_b[sl], g_sems[sl]).wait()
        pltpu.make_async_copy(t4_hbm.at[pl.ds(0, CHUNK)], rrow_b[sl], g_sems[sl]).wait()

    def drain_ld(sl):
        pltpu.make_async_copy(s_hbm.at[pl.ds(0, CHUNK)], s_b[sl], ld_sems[sl]).wait()
        pltpu.make_async_copy(r_hbm.at[pl.ds(0, CHUNK)], r_b[sl], ld_sems[sl]).wait()
        pltpu.make_async_copy(ts_hbm.at[pl.ds(0, CHUNK)], ts_b[sl], ld_sems[sl]).wait()

    def phase_c(ci, sl, acc):
        srs, rrs, dsl, kpl = srow_b[sl], rrow_b[sl], d_b[sl], kp_b[sl]
        cbase = ebase0 + ci * CHUNK

        def body(g, acc):
            row = g * 16 + iota
            cb = kpl[pl.ds(g * 16, 16)]
            sc0 = plsc.load_gather(srs, [row, cb])
            sc1 = plsc.load_gather(srs, [row, cb + 1])
            sn0 = plsc.load_gather(srs, [row, cb + 2])
            sn1 = plsc.load_gather(srs, [row, cb + 3])
            rc0 = plsc.load_gather(rrs, [row, cb])
            rc1 = plsc.load_gather(rrs, [row, cb + 1])
            rn0 = plsc.load_gather(rrs, [row, cb + 2])
            rn1 = plsc.load_gather(rrs, [row, cb + 3])
            d = dsl[pl.ds(g * 16, 16)]
            omd = jnp.float32(1.0) - d
            u0 = omd * sc0 + d * sn0
            u1 = omd * sc1 + d * sn1
            v0 = omd * rc0 + d * rn0
            v1 = omd * rc1 + d * rn1
            first = u0 * v0 + u1 * v1
            lg = _log16(first)
            glob = cbase + g * 16 + iota
            return acc + jnp.where(glob < N_ENTRIES, lg, jnp.float32(0.0))

        return lax.fori_loop(0, CHUNK // 16, body, acc)

    drain_ld(0)
    phase_a(0)
    fire_gathers(0)
    drain_ld(1)
    phase_a(1)
    fire_gathers(1)
    fire_ld(ebase0 + 2 * CHUNK, 0)
    fire_ld(ebase0 + 3 * CHUNK, 1)

    node_phase()

    def pipe_body(i2, acc):
        a = 2 * i2
        acc = phase_c(a, 0, drain_gathers(0) or acc)
        drain_ld(0)
        phase_a(0)
        fire_gathers(0)
        fire_ld(ebase0 + (a + 4) * CHUNK, 0)
        acc = phase_c(a + 1, 1, drain_gathers(1) or acc)
        drain_ld(1)
        phase_a(1)
        fire_gathers(1)
        fire_ld(ebase0 + (a + 5) * CHUNK, 1)
        return acc

    acc = lax.fori_loop(0, NCHUNK // 2 - 1, pipe_body,
                        jnp.zeros((16,), jnp.float32))
    acc = phase_c(NCHUNK - 2, 0, drain_gathers(0) or acc)
    acc = phase_c(NCHUNK - 1, 1, drain_gathers(1) or acc)
    drain_ld(0)
    drain_ld(1)

    part_v[pl.ds(P_LOG * 16, 16)] = acc
    pltpu.sync_copy(part_v, out_hbm.at[wid])


def _sc_call(t4, ts_p, s_p, r_p, nodes):
    mesh = plsc.VectorSubcoreMesh(core_axis_name="c", subcore_axis_name="s")
    f = functools.partial(
        pl.kernel,
        out_type=jax.ShapeDtypeStruct((NW, P_H * 16), jnp.float32),
        mesh=mesh,
        compiler_params=pltpu.CompilerParams(
            needs_layout_passes=False, use_tc_tiling_on_sc=False),
        scratch_types=[
            pltpu.VMEM((CHUNK,), jnp.int32),
            pltpu.VMEM((CHUNK,), jnp.int32),
            pltpu.VMEM((CHUNK,), jnp.int32),
            pltpu.VMEM((CHUNK,), jnp.int32),
            pltpu.VMEM((CHUNK,), jnp.float32),
            pltpu.VMEM((CHUNK,), jnp.float32),
            pltpu.VMEM((CHUNK,), jnp.float32),
            pltpu.VMEM((CHUNK,), jnp.float32),
            pltpu.VMEM((CHUNK,), jnp.int32),
            pltpu.VMEM((CHUNK,), jnp.int32),
            pltpu.VMEM((CHUNK,), jnp.int32),
            pltpu.VMEM((CHUNK,), jnp.int32),
            pltpu.VMEM((CHUNK,), jnp.int32),
            pltpu.VMEM((CHUNK,), jnp.int32),
            pltpu.VMEM((CHUNK, T4_W), jnp.float32),
            pltpu.VMEM((CHUNK, T4_W), jnp.float32),
            pltpu.VMEM((CHUNK, T4_W), jnp.float32),
            pltpu.VMEM((CHUNK, T4_W), jnp.float32),
            pltpu.VMEM((NODES_PER_W,), jnp.int32),
            pltpu.VMEM((NODES_PER_W * TROWS,), jnp.int32),
            pltpu.VMEM((NODES_PER_W * TROWS, 8), jnp.float32),
            pltpu.VMEM((P_H * 16,), jnp.float32),
            pltpu.SemaphoreType.DMA,
            pltpu.SemaphoreType.DMA,
            pltpu.SemaphoreType.DMA,
            pltpu.SemaphoreType.DMA,
            pltpu.SemaphoreType.DMA,
        ],
    )(_sc_body)
    return f(t4, ts_p, s_p, r_p, nodes)



def _fin_body(pp_ref, o_ref):
    S = jnp.sum(jnp.sum(pp_ref[...], axis=0), axis=-1)
    prior = (jnp.float32(PENALTY / (BATCH_NODES * 2 * (N_CP - 1))) * S[P_PR1]
             + jnp.float32(PENALTY) * S[P_PR2])
    integral = jnp.float32(0.0)
    for k in range(N_CP - 1):
        dss_k = S[P_S0 + k] * S[P_S0 + k] + S[P_S1 + k] * S[P_S1 + k]
        dss_n = S[P_S0 + k + 1] * S[P_S0 + k + 1] + S[P_S1 + k + 1] * S[P_S1 + k + 1]
        dcr = S[P_S0 + k] * S[P_S0 + k + 1] + S[P_S1 + k] * S[P_S1 + k + 1]
        sij = ((dss_k - S[P_PQ + k]) / 6 + (dss_n - S[P_PQ + k + 1]) / 6
               + (dcr - S[P_PC + k]) / 6)
        integral = integral + jnp.float32(_CP[k + 1] - _CP[k]) * sij
    o_ref[...] = jnp.broadcast_to(prior - S[P_LOG] + integral, (1, 1))


def _finish(partials):
    return pl.pallas_call(
        _fin_body,
        out_shape=jax.ShapeDtypeStruct((1, 1), jnp.float32),
    )(partials)



@jax.jit
def kernel(Z, timestamps, nodes, senders, receivers):
    zf = Z.reshape(N_NODES, 2 * N_CP)
    t4v = _prep(zf, jnp.asarray(_perm_matrix()))
    t4 = t4v.reshape(N_NODES * TROWS, 8)

    partials = _sc_call(t4, timestamps, senders.astype(jnp.int32),
                        receivers.astype(jnp.int32), nodes.astype(jnp.int32))
    return _finish(partials.reshape(NW, P_H, 16))[0, 0]

# --- scband reference (transcript-rebuilt; emitter-appended) ---
"""Pipeline reference for scband-model-clpm-10385230922347 (READ-ONLY COPY).

The authoritative reference and input builder live on the scoring server;
editing this copy changes nothing except your own understanding.
"""

import jax, jax.numpy as jnp
import numpy as np

N_NODES = 50000
N_CP = 17  # n_change_points=16 -> 17 grid points after __init__
N_ENTRIES = 1000000
BATCH_NODES = 4096
PENALTY = 10.0
TIME_MAX = 100.0


def setup_inputs(seed: int = 0) -> dict:
    key = jax.random.key(seed)
    k1, k2, k3, k4, k5 = jax.random.split(key, 5)
    Z = jax.random.normal(k1, (N_NODES, 2, N_CP), dtype=jnp.float32)
    timestamps = jax.random.uniform(k2, (N_ENTRIES,), dtype=jnp.float32, minval=0.0, maxval=TIME_MAX)
    senders = jax.random.randint(k3, (N_ENTRIES,), 0, N_NODES)
    receivers = jax.random.randint(k4, (N_ENTRIES,), 0, N_NODES)
    nodes = jax.random.randint(k5, (BATCH_NODES,), 0, N_NODES)
    return {"Z": Z, "timestamps": timestamps, "nodes": nodes, "senders": senders, "receivers": receivers}


def reference(Z, timestamps, nodes, senders, receivers):
    # Faithful JAX port of ModelCLPM.projection_model_negloglike.
    n_cp = Z.shape[2]
    change_points = jnp.arange(n_cp, dtype=jnp.float32) / (n_cp - 1) * (TIME_MAX + 0.0001)
    segment_length = change_points[1] - change_points[0]

    Ze = jnp.exp(Z)
    norm_Z = jnp.sqrt(jnp.sum(Ze ** 2, axis=1, keepdims=True))
    scaled_Z = Ze / norm_Z

    prior = PENALTY * jnp.mean((Ze[nodes, :, 1:n_cp] - Ze[nodes, :, :-1]) ** 2)
    prior = prior + PENALTY * jnp.sum((jnp.sum(scaled_Z[nodes, :, 1:n_cp] * scaled_Z[nodes, :, :-1], axis=1) - 1.0) ** 2)

    kappa = jnp.floor(timestamps / segment_length).astype(jnp.int32)
    deltas = timestamps / segment_length - kappa.astype(jnp.float32)
    one_minus_deltas = 1.0 - deltas

    # gather per-event latent positions: [E, 2]
    Z_sender_cur = Ze[senders, :, kappa]
    Z_sender_new = Ze[senders, :, kappa + 1]
    Z_receiv_cur = Ze[receivers, :, kappa]
    Z_receiv_new = Ze[receivers, :, kappa + 1]

    first = one_minus_deltas ** 2 * jnp.sum(Z_sender_cur * Z_receiv_cur, axis=1)
    first = first + deltas * one_minus_deltas * jnp.sum(Z_sender_cur * Z_receiv_new, axis=1)
    first = first + deltas * one_minus_deltas * jnp.sum(Z_sender_new * Z_receiv_cur, axis=1)
    first = first + deltas ** 2 * jnp.sum(Z_sender_new * Z_receiv_new, axis=1)

    integral = jnp.zeros((), dtype=jnp.float32)
    for k in range(n_cp - 1):
        tau_cur = change_points[k]
        tau_new = change_points[k + 1]
        Z_cur = Ze[nodes, :, k]
        Z_new = Ze[nodes, :, k + 1]
        Sij00 = (jnp.sum(Z_cur @ Z_cur.T) - jnp.sum(Z_cur * Z_cur)) / 6
        Sij11 = (jnp.sum(Z_new @ Z_new.T) - jnp.sum(Z_new * Z_new)) / 6
        Sij01 = (jnp.sum(Z_cur @ Z_new.T) - jnp.sum(Z_cur * Z_new)) / 12
        Sij10 = (jnp.sum(Z_new @ Z_cur.T) - jnp.sum(Z_new * Z_cur)) / 12
        integral = integral + (tau_new - tau_cur) * (Sij00 + Sij11 + Sij01 + Sij10)

    return prior - jnp.sum(jnp.log(first)) + integral

if __name__ == "__main__":
    import jax
    _d = setup_inputs()
    print(jax.jit(kernel)(*tuple(_d.values())))

</pallas_src>

<mosaic_0001>
#map = affine_map<(d0, d1) -> (0, 0)>
#map1 = affine_map<(d0, d1) -> (0)>
module attributes {stable_mosaic.version = 14 : i64} {
  func.func @_sc_body(%arg0: i32, %arg1: i32, %arg2: memref<400000x8xf32, #tpu.memory_space<hbm>>, %arg3: memref<1000000xf32, #tpu.memory_space<hbm>>, %arg4: memref<1000000xi32, #tpu.memory_space<hbm>>, %arg5: memref<1000000xi32, #tpu.memory_space<hbm>>, %arg6: memref<4096xi32, #tpu.memory_space<hbm>>, %arg7: memref<32x1152xf32, #tpu.memory_space<hbm>>, %arg8: memref<2048xi32, #tpu.memory_space<vmem>>, %arg9: memref<2048xi32, #tpu.memory_space<vmem>>, %arg10: memref<2048xi32, #tpu.memory_space<vmem>>, %arg11: memref<2048xi32, #tpu.memory_space<vmem>>, %arg12: memref<2048xf32, #tpu.memory_space<vmem>>, %arg13: memref<2048xf32, #tpu.memory_space<vmem>>, %arg14: memref<2048xf32, #tpu.memory_space<vmem>>, %arg15: memref<2048xf32, #tpu.memory_space<vmem>>, %arg16: memref<2048xi32, #tpu.memory_space<vmem>>, %arg17: memref<2048xi32, #tpu.memory_space<vmem>>, %arg18: memref<2048xi32, #tpu.memory_space<vmem>>, %arg19: memref<2048xi32, #tpu.memory_space<vmem>>, %arg20: memref<2048xi32, #tpu.memory_space<vmem>>, %arg21: memref<2048xi32, #tpu.memory_space<vmem>>, %arg22: memref<2048x8xf32, #tpu.memory_space<vmem>>, %arg23: memref<2048x8xf32, #tpu.memory_space<vmem>>, %arg24: memref<2048x8xf32, #tpu.memory_space<vmem>>, %arg25: memref<2048x8xf32, #tpu.memory_space<vmem>>, %arg26: memref<128xi32, #tpu.memory_space<vmem>>, %arg27: memref<1024xi32, #tpu.memory_space<vmem>>, %arg28: memref<1024x8xf32, #tpu.memory_space<vmem>>, %arg29: memref<1152xf32, #tpu.memory_space<vmem>>, %arg30: memref<!tpu.dma_semaphore, #tpu.memory_space<semaphore_mem>>, %arg31: memref<!tpu.dma_semaphore, #tpu.memory_space<semaphore_mem>>, %arg32: memref<!tpu.dma_semaphore, #tpu.memory_space<semaphore_mem>>, %arg33: memref<!tpu.dma_semaphore, #tpu.memory_space<semaphore_mem>>, %arg34: memref<!tpu.dma_semaphore, #tpu.memory_space<semaphore_mem>>) attributes {dimension_semantics = [#tpu.dimension_semantics<core_parallel>, #tpu.dimension_semantics<subcore_parallel>], iteration_bounds = array<i64: 2, 16>, scalar_prefetch = 0 : i64, scratch_operands = 27 : i64, tpu.core_type = #tpu.core_type<sc_vector_subcore>, window_params = [{transform_indices = #map}, {transform_indices = #map1}, {transform_indices = #map1}, {transform_indices = #map1}, {transform_indices = #map1}, {transform_indices = #map}]} {
    %mul3A = arith.constant 2 : i32
    %mul3A_0 = arith.muli %arg1, %mul3A : i32
    %add3A = arith.addi %mul3A_0, %arg0 : i32
    %iota3A = tpu.iota {dimensions = array<i32: 0>} : vector<16xi32>
    %mul3A_1 = arith.constant 128 : i32
    %mul3A_2 = arith.muli %add3A, %mul3A_1 : i32
    %multiple_of3A = tpu.assume_multiple %mul3A_2, 128 : i32
    "tpu.region"() ({
      %run_scoped3A = tpu.sem_alloc : memref<!tpu.dma_semaphore, #tpu.memory_space<semaphore_mem>>
      %dma_start3A_1166 = tpu.memref_slice %arg6[%multiple_of3A] : memref<4096xi32, #tpu.memory_space<hbm>> -> memref<128xi32, #tpu.memory_space<hbm>>
      %dma_start3A_1167 = tpu.memref_slice %arg6[%multiple_of3A] : memref<4096xi32, #tpu.memory_space<hbm>> -> memref<128xi32, #tpu.memory_space<hbm>>
      tpu.enqueue_dma source(%dma_start3A_1167 : memref<128xi32, #tpu.memory_space<hbm>>) target(%arg26 : memref<128xi32, #tpu.memory_space<vmem>>) target_semaphore(%run_scoped3A : memref<!tpu.dma_semaphore, #tpu.memory_space<semaphore_mem>>)
      %dma_wait3A_1168 = tpu.memref_slice %arg6[%multiple_of3A] : memref<4096xi32, #tpu.memory_space<hbm>> -> memref<128xi32, #tpu.memory_space<hbm>>
      %dma_wait3A_1169 = tpu.memref_slice %arg6[%multiple_of3A] : memref<4096xi32, #tpu.memory_space<hbm>> -> memref<128xi32, #tpu.memory_space<hbm>>
      tpu.wait_dma2 semaphore(%run_scoped3A : memref<!tpu.dma_semaphore, #tpu.memory_space<semaphore_mem>>) src(%dma_wait3A_1169 : memref<128xi32, #tpu.memory_space<hbm>>) dst(%arg26 : memref<128xi32, #tpu.memory_space<vmem>>)
      tpu.yield
    }) : () -> ()
    %get3A = arith.constant 0 : index
    %get3A_3 = tpu.vector_load %arg26[%get3A] {strides = array<i32>} : memref<128xi32, #tpu.memory_space<vmem>>, vector<16xi32>,
    %add3A_4 = arith.constant 0 : i32
    %add3A_5 = vector.broadcast %add3A_4 : i32 to vector<16xi32>
    %add3A_6 = arith.addi %add3A_5, %iota3A : vector<16xi32>
    %mul3A_7 = arith.constant 8 : i32
    %mul3A_8 = vector.broadcast %mul3A_7 : i32 to vector<16xi32>
    %mul3A_9 = arith.muli %add3A_6, %mul3A_8 : vector<16xi32>
    %add3A_10 = arith.constant 0 : i32
    %add3A_11 = vector.broadcast %add3A_10 : i32 to vector<16xi32>
    %add3A_12 = arith.addi %mul3A_9, %add3A_11 : vector<16xi32>
    %mul3A_13 = arith.constant 8 : i32
    %mul3A_14 = vector.broadcast %mul3A_13 : i32 to vector<16xi32>
    %mul3A_15 = arith.muli %get3A_3, %mul3A_14 : vector<16xi32>
    %add3A_16 = arith.constant 0 : i32
    %add3A_17 = vector.broadcast %add3A_16 : i32 to vector<16xi32>
    %add3A_18 = arith.addi %mul3A_15, %add3A_17 : vector<16xi32>
    tpu.vector_store_idx %arg27[%add3A_12], %add3A_18 : memref<1024xi32, #tpu.memory_space<vmem>>[vector<16xi32>], vector<16xi32>,
    %add3A_19 = arith.constant 0 : i32
    %add3A_20 = vector.broadcast %add3A_19 : i32 to vector<16xi32>
    %add3A_21 = arith.addi %add3A_20, %iota3A : vector<16xi32>
    %mul3A_22 = arith.constant 8 : i32
    %mul3A_23 = vector.broadcast %mul3A_22 : i32 to vector<16xi32>
    %mul3A_24 = arith.muli %add3A_21, %mul3A_23 : vector<16xi32>
    %add3A_25 = arith.constant 1 : i32
    %add3A_26 = vector.broadcast %add3A_25 : i32 to vector<16xi32>
    %add3A_27 = arith.addi %mul3A_24, %add3A_26 : vector<16xi32>
    %mul3A_28 = arith.constant 8 : i32
    %mul3A_29 = vector.broadcast %mul3A_28 : i32 to vector<16xi32>
    %mul3A_30 = arith.muli %get3A_3, %mul3A_29 : vector<16xi32>
    %add3A_31 = arith.constant 1 : i32
    %add3A_32 = vector.broadcast %add3A_31 : i32 to vector<16xi32>
    %add3A_33 = arith.addi %mul3A_30, %add3A_32 : vector<16xi32>
    tpu.vector_store_idx %arg27[%add3A_27], %add3A_33 : memref<1024xi32, #tpu.memory_space<vmem>>[vector<16xi32>], vector<16xi32>,
    %add3A_34 = arith.constant 0 : i32
    %add3A_35 = vector.broadcast %add3A_34 : i32 to vector<16xi32>
    %add3A_36 = arith.addi %add3A_35, %iota3A : vector<16xi32>
    %mul3A_37 = arith.constant 8 : i32
    %mul3A_38 = vector.broadcast %mul3A_37 : i32 to vector<16xi32>
    %mul3A_39 = arith.muli %add3A_36, %mul3A_38 : vector<16xi32>
    %add3A_40 = arith.constant 2 : i32
    %add3A_41 = vector.broadcast %add3A_40 : i32 to vector<16xi32>
    %add3A_42 = arith.addi %mul3A_39, %add3A_41 : vector<16xi32>
    %mul3A_43 = arith.constant 8 : i32
    %mul3A_44 = vector.broadcast %mul3A_43 : i32 to vector<16xi32>
    %mul3A_45 = arith.muli %get3A_3, %mul3A_44 : vector<16xi32>
    %add3A_46 = arith.constant 2 : i32
    %add3A_47 = vector.broadcast %add3A_46 : i32 to vector<16xi32>
    %add3A_48 = arith.addi %mul3A_45, %add3A_47 : vector<16xi32>
    tpu.vector_store_idx %arg27[%add3A_42], %add3A_48 : memref<1024xi32, #tpu.memory_space<vmem>>[vector<16xi32>], vector<16xi32>,
    %add3A_49 = arith.constant 0 : i32
    %add3A_50 = vector.broadcast %add3A_49 : i32 to vector<16xi32>
    %add3A_51 = arith.addi %add3A_50, %iota3A : vector<16xi32>
    %mul3A_52 = arith.constant 8 : i32
    %mul3A_53 = vector.broadcast %mul3A_52 : i32 to vector<16xi32>
    %mul3A_54 = arith.muli %add3A_51, %mul3A_53 : vector<16xi32>
    %add3A_55 = arith.constant 3 : i32
    %add3A_56 = vector.broadcast %add3A_55 : i32 to vector<16xi32>
    %add3A_57 = arith.addi %mul3A_54, %add3A_56 : vector<16xi32>
    %mul3A_58 = arith.constant 8 : i32
    %mul3A_59 = vector.broadcast %mul3A_58 : i32 to vector<16xi32>
    %mul3A_60 = arith.muli %get3A_3, %mul3A_59 : vector<16xi32>
    %add3A_61 = arith.constant 3 : i32
    %add3A_62 = vector.broadcast %add3A_61 : i32 to vector<16xi32>
    %add3A_63 = arith.addi %mul3A_60, %add3A_62 : vector<16xi32>
    tpu.vector_store_idx %arg27[%add3A_57], %add3A_63 : memref<1024xi32, #tpu.memory_space<vmem>>[vector<16xi32>], vector<16xi32>,
    %add3A_64 = arith.constant 0 : i32
    %add3A_65 = vector.broadcast %add3A_64 : i32 to vector<16xi32>
    %add3A_66 = arith.addi %add3A_65, %iota3A : vector<16xi32>
    %mul3A_67 = arith.constant 8 : i32
    %mul3A_68 = vector.broadcast %mul3A_67 : i32 to vector<16xi32>
    %mul3A_69 = arith.muli %add3A_66, %mul3A_68 : vector<16xi32>
    %add3A_70 = arith.constant 4 : i32
    %add3A_71 = vector.broadcast %add3A_70 : i32 to vector<16xi32>
    %add3A_72 = arith.addi %mul3A_69, %add3A_71 : vector<16xi32>
    %mul3A_73 = arith.constant 8 : i32
    %mul3A_74 = vector.broadcast %mul3A_73 : i32 to vector<16xi32>
    %mul3A_75 = arith.muli %get3A_3, %mul3A_74 : vector<16xi32>
    %add3A_76 = arith.constant 4 : i32
    %add3A_77 = vector.broadcast %add3A_76 : i32 to vector<16xi32>
    %add3A_78 = arith.addi %mul3A_75, %add3A_77 : vector<16xi32>
    tpu.vector_store_idx %arg27[%add3A_72], %add3A_78 : memref<1024xi32, #tpu.memory_space<vmem>>[vector<16xi32>], vector<16xi32>,
    %add3A_79 = arith.constant 0 : i32
    %add3A_80 = vector.broadcast %add3A_79 : i32 to vector<16xi32>
    %add3A_81 = arith.addi %add3A_80, %iota3A : vector<16xi32>
    %mul3A_82 = arith.constant 8 : i32
    %mul3A_83 = vector.broadcast %mul3A_82 : i32 to vector<16xi32>
    %mul3A_84 = arith.muli %add3A_81, %mul3A_83 : vector<16xi32>
    %add3A_85 = arith.constant 5 : i32
    %add3A_86 = vector.broadcast %add3A_85 : i32 to vector<16xi32>
    %add3A_87 = arith.addi %mul3A_84, %add3A_86 : vector<16xi32>
    %mul3A_88 = arith.constant 8 : i32
    %mul3A_89 = vector.broadcast %mul3A_88 : i32 to vector<16xi32>
    %mul3A_90 = arith.muli %get3A_3, %mul3A_89 : vector<16xi32>
    %add3A_91 = arith.constant 5 : i32
    %add3A_92 = vector.broadcast %add3A_91 : i32 to vector<16xi32>
    %add3A_93 = arith.addi %mul3A_90, %add3A_92 : vector<16xi32>
    tpu.vector_store_idx %arg27[%add3A_87], %add3A_93 : memref<1024xi32, #tpu.memory_space<vmem>>[vector<16xi32>], vector<16xi32>,
    %add3A_94 = arith.constant 0 : i32
    %add3A_95 = vector.broadcast %add3A_94 : i32 to vector<16xi32>
    %add3A_96 = arith.addi %add3A_95, %iota3A : vector<16xi32>
    %mul3A_97 = arith.constant 8 : i32
    %mul3A_98 = vector.broadcast %mul3A_97 : i32 to vector<16xi32>
    %mul3A_99 = arith.muli %add3A_96, %mul3A_98 : vector<16xi32>
    %add3A_100 = arith.constant 6 : i32
    %add3A_101 = vector.broadcast %add3A_100 : i32 to vector<16xi32>
    %add3A_102 = arith.addi %mul3A_99, %add3A_101 : vector<16xi32>
    %mul3A_103 = arith.constant 8 : i32
    %mul3A_104 = vector.broadcast %mul3A_103 : i32 to vector<16xi32>
    %mul3A_105 = arith.muli %get3A_3, %mul3A_104 : vector<16xi32>
    %add3A_106 = arith.constant 6 : i32
    %add3A_107 = vector.broadcast %add3A_106 : i32 to vector<16xi32>
    %add3A_108 = arith.addi %mul3A_105, %add3A_107 : vector<16xi32>
    tpu.vector_store_idx %arg27[%add3A_102], %add3A_108 : memref<1024xi32, #tpu.memory_space<vmem>>[vector<16xi32>], vector<16xi32>,
    %add3A_109 = arith.constant 0 : i32
    %add3A_110 = vector.broadcast %add3A_109 : i32 to vector<16xi32>
    %add3A_111 = arith.addi %add3A_110, %iota3A : vector<16xi32>
    %mul3A_112 = arith.constant 8 : i32
    %mul3A_113 = vector.broadcast %mul3A_112 : i32 to vector<16xi32>
    %mul3A_114 = arith.muli %add3A_111, %mul3A_113 : vector<16xi32>
    %add3A_115 = arith.constant 7 : i32
    %add3A_116 = vector.broadcast %add3A_115 : i32 to vector<16xi32>
    %add3A_117 = arith.addi %mul3A_114, %add3A_116 : vector<16xi32>
    %mul3A_118 = arith.constant 8 : i32
    %mul3A_119 = vector.broadcast %mul3A_118 : i32 to vector<16xi32>
    %mul3A_120 = arith.muli %get3A_3, %mul3A_119 : vector<16xi32>
    %add3A_121 = arith.constant 7 : i32
    %add3A_122 = vector.broadcast %add3A_121 : i32 to vector<16xi32>
    %add3A_123 = arith.addi %mul3A_120, %add3A_122 : vector<16xi32>
    tpu.vector_store_idx %arg27[%add3A_117], %add3A_123 : memref<1024xi32, #tpu.memory_space<vmem>>[vector<16xi32>], vector<16xi32>,
    %get3A_124 = arith.constant 16 : index
    %get3A_125 = tpu.vector_load %arg26[%get3A_124] {strides = array<i32>} : memref<128xi32, #tpu.memory_space<vmem>>, vector<16xi32>,
    %add3A_126 = arith.constant 16 : i32
    %add3A_127 = vector.broadcast %add3A_126 : i32 to vector<16xi32>
    %add3A_128 = arith.addi %add3A_127, %iota3A : vector<16xi32>
    %mul3A_129 = arith.constant 8 : i32
    %mul3A_130 = vector.broadcast %mul3A_129 : i32 to vector<16xi32>
    %mul3A_131 = arith.muli %add3A_128, %mul3A_130 : vector<16xi32>
    %add3A_132 = arith.constant 0 : i32
    %add3A_133 = vector.broadcast %add3A_132 : i32 to vector<16xi32>
    %add3A_134 = arith.addi %mul3A_131, %add3A_133 : vector<16xi32>
    %mul3A_135 = arith.constant 8 : i32
    %mul3A_136 = vector.broadcast %mul3A_135 : i32 to vector<16xi32>
    %mul3A_137 = arith.muli %get3A_125, %mul3A_136 : vector<16xi32>
    %add3A_138 = arith.constant 0 : i32
    %add3A_139 = vector.broadcast %add3A_138 : i32 to vector<16xi32>
    %add3A_140 = arith.addi %mul3A_137, %add3A_139 : vector<16xi32>
    tpu.vector_store_idx %arg27[%add3A_134], %add3A_140 : memref<1024xi32, #tpu.memory_space<vmem>>[vector<16xi32>], vector<16xi32>,
    %add3A_141 = arith.constant 16 : i32
    %add3A_142 = vector.broadcast %add3A_141 : i32 to vector<16xi32>
    %add3A_143 = arith.addi %add3A_142, %iota3A : vector<16xi32>
    %mul3A_144 = arith.constant 8 : i32
    %mul3A_145 = vector.broadcast %mul3A_144 : i32 to vector<16xi32>
    %mul3A_146 = arith.muli %add3A_143, %mul3A_145 : vector<16xi32>
    %add3A_147 = arith.constant 1 : i32
    %add3A_148 = vector.broadcast %add3A_147 : i32 to vector<16xi32>
    %add3A_149 = arith.addi %mul3A_146, %add3A_148 : vector<16xi32>
    %mul3A_150 = arith.constant 8 : i32
    %mul3A_151 = vector.broadcast %mul3A_150 : i32 to vector<16xi32>
    %mul3A_152 = arith.muli %get3A_125, %mul3A_151 : vector<16xi32>
    %add3A_153 = arith.constant 1 : i32
    %add3A_154 = vector.broadcast %add3A_153 : i32 to vector<16xi32>
    %add3A_155 = arith.addi %mul3A_152, %add3A_154 : vector<16xi32>
    tpu.vector_store_idx %arg27[%add3A_149], %add3A_155 : memref<1024xi32, #tpu.memory_space<vmem>>[vector<16xi32>], vector<16xi32>,
    %add3A_156 = arith.constant 16 : i32
    %add3A_157 = vector.broadcast %add3A_156 : i32 to vector<16xi32>
    %add3A_158 = arith.addi %add3A_157, %iota3A : vector<16xi32>
    %mul3A_159 = arith.constant 8 : i32
    %mul3A_160 = vector.broadcast %mul3A_159 : i32 to vector<16xi32>
    %mul3A_161 = arith.muli %add3A_158, %mul3A_160 : vector<16xi32>
    %add3A_162 = arith.constant 2 : i32
    %add3A_163 = vector.broadcast %add3A_162 : i32 to vector<16xi32>
    %add3A_164 = arith.addi %mul3A_161, %add3A_163 : vector<16xi32>
    %mul3A_165 = arith.constant 8 : i32
    %mul3A_166 = vector.broadcast %mul3A_165 : i32 to vector<16xi32>
    %mul3A_167 = arith.muli %get3A_125, %mul3A_166 : vector<16xi32>
    %add3A_168 = arith.constant 2 : i32
    %add3A_169 = vector.broadcast %add3A_168 : i32 to vector<16xi32>
    %add3A_170 = arith.addi %mul3A_167, %add3A_169 : vector<16xi32>
    tpu.vector_store_idx %arg27[%add3A_164], %add3A_170 : memref<1024xi32, #tpu.memory_space<vmem>>[vector<16xi32>], vector<16xi32>,
    %add3A_171 = arith.constant 16 : i32
    %add3A_172 = vector.broadcast %add3A_171 : i32 to vector<16xi32>
    %add3A_173 = arith.addi %add3A_172, %iota3A : vector<16xi32>
    %mul3A_174 = arith.constant 8 : i32
    %mul3A_175 = vector.broadcast %mul3A_174 : i32 to vector<16xi32>
    %mul3A_176 = arith.muli %add3A_173, %mul3A_175 : vector<16xi32>
    %add3A_177 = arith.constant 3 : i32
    %add3A_178 = vector.broadcast %add3A_177 : i32 to vector<16xi32>
    %add3A_179 = arith.addi %mul3A_176, %add3A_178 : vector<16xi32>
    %mul3A_180 = arith.constant 8 : i32
    %mul3A_181 = vector.broadcast %mul3A_180 : i32 to vector<16xi32>
    %mul3A_182 = arith.muli %get3A_125, %mul3A_181 : vector<16xi32>
    %add3A_183 = arith.constant 3 : i32
    %add3A_184 = vector.broadcast %add3A_183 : i32 to vector<16xi32>
    %add3A_185 = arith.addi %mul3A_182, %add3A_184 : vector<16xi32>
    tpu.vector_store_idx %arg27[%add3A_179], %add3A_185 : memref<1024xi32, #tpu.memory_space<vmem>>[vector<16xi32>], vector<16xi32>,
    %add3A_186 = arith.constant 16 : i32
    %add3A_187 = vector.broadcast %add3A_186 : i32 to vector<16xi32>
    %add3A_188 = arith.addi %add3A_187, %iota3A : vector<16xi32>
    %mul3A_189 = arith.constant 8 : i32
    %mul3A_190 = vector.broadcast %mul3A_189 : i32 to vector<16xi32>
    %mul3A_191 = arith.muli %add3A_188, %mul3A_190 : vector<16xi32>
    %add3A_192 = arith.constant 4 : i32
    %add3A_193 = vector.broadcast %add3A_192 : i32 to vector<16xi32>
    %add3A_194 = arith.addi %mul3A_191, %add3A_193 : vector<16xi32>
    %mul3A_195 = arith.constant 8 : i32
    %mul3A_196 = vector.broadcast %mul3A_195 : i32 to vector<16xi32>
    %mul3A_197 = arith.muli %get3A_125, %mul3A_196 : vector<16xi32>
    %add3A_198 = arith.constant 4 : i32
    %add3A_199 = vector.broadcast %add3A_198 : i32 to vector<16xi32>
    %add3A_200 = arith.addi %mul3A_197, %add3A_199 : vector<16xi32>
    tpu.vector_store_idx %arg27[%add3A_194], %add3A_200 : memref<1024xi32, #tpu.memory_space<vmem>>[vector<16xi32>], vector<16xi32>,
    %add3A_201 = arith.constant 16 : i32
    %add3A_202 = vector.broadcast %add3A_201 : i32 to vector<16xi32>
    %add3A_203 = arith.addi %add3A_202, %iota3A : vector<16xi32>
    %mul3A_204 = arith.constant 8 : i32
    %mul3A_205 = vector.broadcast %mul3A_204 : i32 to vector<16xi32>
    %mul3A_206 = arith.muli %add3A_203, %mul3A_205 : vector<16xi32>
    %add3A_207 = arith.constant 5 : i32
    %add3A_208 = vector.broadcast %add3A_207 : i32 to vector<16xi32>
    %add3A_209 = arith.addi %mul3A_206, %add3A_208 : vector<16xi32>
    %mul3A_210 = arith.constant 8 : i32
    %mul3A_211 = vector.broadcast %mul3A_210 : i32 to vector<16xi32>
    %mul3A_212 = arith.muli %get3A_125, %mul3A_211 : vector<16xi32>
    %add3A_213 = arith.constant 5 : i32
    %add3A_214 = vector.broadcast %add3A_213 : i32 to vector<16xi32>
    %add3A_215 = arith.addi %mul3A_212, %add3A_214 : vector<16xi32>
    tpu.vector_store_idx %arg27[%add3A_209], %add3A_215 : memref<1024xi32, #tpu.memory_space<vmem>>[vector<16xi32>], vector<16xi32>,
    %add3A_216 = arith.constant 16 : i32
    %add3A_217 = vector.broadcast %add3A_216 : i32 to vector<16xi32>
    %add3A_218 = arith.addi %add3A_217, %iota3A : vector<16xi32>
    %mul3A_219 = arith.constant 8 : i32
    %mul3A_220 = vector.broadcast %mul3A_219 : i32 to vector<16xi32>
    %mul3A_221 = arith.muli %add3A_218, %mul3A_220 : vector<16xi32>
    %add3A_222 = arith.constant 6 : i32
    %add3A_223 = vector.broadcast %add3A_222 : i32 to vector<16xi32>
    %add3A_224 = arith.addi %mul3A_221, %add3A_223 : vector<16xi32>
    %mul3A_225 = arith.constant 8 : i32
    %mul3A_226 = vector.broadcast %mul3A_225 : i32 to vector<16xi32>
    %mul3A_227 = arith.muli %get3A_125, %mul3A_226 : vector<16xi32>
    %add3A_228 = arith.constant 6 : i32
    %add3A_229 = vector.broadcast %add3A_228 : i32 to vector<16xi32>
    %add3A_230 = arith.addi %mul3A_227, %add3A_229 : vector<16xi32>
    tpu.vector_store_idx %arg27[%add3A_224], %add3A_230 : memref<1024xi32, #tpu.memory_space<vmem>>[vector<16xi32>], vector<16xi32>,
    %add3A_231 = arith.constant 16 : i32
    %add3A_232 = vector.broadcast %add3A_231 : i32 to vector<16xi32>
    %add3A_233 = arith.addi %add3A_232, %iota3A : vector<16xi32>
    %mul3A_234 = arith.constant 8 : i32
    %mul3A_235 = vector.broadcast %mul3A_234 : i32 to vector<16xi32>
    %mul3A_236 = arith.muli %add3A_233, %mul3A_235 : vector<16xi32>
    %add3A_237 = arith.constant 7 : i32
    %add3A_238 = vector.broadcast %add3A_237 : i32 to vector<16xi32>
    %add3A_239 = arith.addi %mul3A_236, %add3A_238 : vector<16xi32>
    %mul3A_240 = arith.constant 8 : i32
    %mul3A_241 = vector.broadcast %mul3A_240 : i32 to vector<16xi32>
    %mul3A_242 = arith.muli %get3A_125, %mul3A_241 : vector<16xi32>
    %add3A_243 = arith.constant 7 : i32
    %add3A_244 = vector.broadcast %add3A_243 : i32 to vector<16xi32>
    %add3A_245 = arith.addi %mul3A_242, %add3A_244 : vector<16xi32>
    tpu.vector_store_idx %arg27[%add3A_239], %add3A_245 : memref<1024xi32, #tpu.memory_space<vmem>>[vector<16xi32>], vector<16xi32>,
    %get3A_246 = arith.constant 32 : index
    %get3A_247 = tpu.vector_load %arg26[%get3A_246] {strides = array<i32>} : memref<128xi32, #tpu.memory_space<vmem>>, vector<16xi32>,
    %add3A_248 = arith.constant 32 : i32
    %add3A_249 = vector.broadcast %add3A_248 : i32 to vector<16xi32>
    %add3A_250 = arith.addi %add3A_249, %iota3A : vector<16xi32>
    %mul3A_251 = arith.constant 8 : i32
    %mul3A_252 = vector.broadcast %mul3A_251 : i32 to vector<16xi32>
    %mul3A_253 = arith.muli %add3A_250, %mul3A_252 : vector<16xi32>
    %add3A_254 = arith.constant 0 : i32
    %add3A_255 = vector.broadcast %add3A_254 : i32 to vector<16xi32>
    %add3A_256 = arith.addi %mul3A_253, %add3A_255 : vector<16xi32>
    %mul3A_257 = arith.constant 8 : i32
    %mul3A_258 = vector.broadcast %mul3A_257 : i32 to vector<16xi32>
    %mul3A_259 = arith.muli %get3A_247, %mul3A_258 : vector<16xi32>
    %add3A_260 = arith.constant 0 : i32
    %add3A_261 = vector.broadcast %add3A_260 : i32 to vector<16xi32>
    %add3A_262 = arith.addi %mul3A_259, %add3A_261 : vector<16xi32>
    tpu.vector_store_idx %arg27[%add3A_256], %add3A_262 : memref<1024xi32, #tpu.memory_space<vmem>>[vector<16xi32>], vector<16xi32>,
    %add3A_263 = arith.constant 32 : i32
    %add3A_264 = vector.broadcast %add3A_263 : i32 to vector<16xi32>
    %add3A_265 = arith.addi %add3A_264, %iota3A : vector<16xi32>
    %mul3A_266 = arith.constant 8 : i32
    %mul3A_267 = vector.broadcast %mul3A_266 : i32 to vector<16xi32>
    %mul3A_268 = arith.muli %add3A_265, %mul3A_267 : vector<16xi32>
    %add3A_269 = arith.constant 1 : i32
    %add3A_270 = vector.broadcast %add3A_269 : i32 to vector<16xi32>
    %add3A_271 = arith.addi %mul3A_268, %add3A_270 : vector<16xi32>
    %mul3A_272 = arith.constant 8 : i32
    %mul3A_273 = vector.broadcast %mul3A_272 : i32 to vector<16xi32>
    %mul3A_274 = arith.muli %get3A_247, %mul3A_273 : vector<16xi32>
    %add3A_275 = arith.constant 1 : i32
    %add3A_276 = vector.broadcast %add3A_275 : i32 to vector<16xi32>
    %add3A_277 = arith.addi %mul3A_274, %add3A_276 : vector<16xi32>
    tpu.vector_store_idx %arg27[%add3A_271], %add3A_277 : memref<1024xi32, #tpu.memory_space<vmem>>[vector<16xi32>], vector<16xi32>,
    %add3A_278 = arith.constant 32 : i32
    %add3A_279 = vector.broadcast %add3A_278 : i32 to vector<16xi32>
    %add3A_280 = arith.addi %add3A_279, %iota3A : vector<16xi32>
    %mul3A_281 = arith.constant 8 : i32
    %mul3A_282 = vector.broadcast %mul3A_281 : i32 to vector<16xi32>
    %mul3A_283 = arith.muli %add3A_280, %mul3A_282 : vector<16xi32>
    %add3A_284 = arith.constant 2 : i32
    %add3A_285 = vector.broadcast %add3A_284 : i32 to vector<16xi32>
    %add3A_286 = arith.addi %mul3A_283, %add3A_285 : vector<16xi32>
    %mul3A_287 = arith.constant 8 : i32
    %mul3A_288 = vector.broadcast %mul3A_287 : i32 to vector<16xi32>
    %mul3A_289 = arith.muli %get3A_247, %mul3A_288 : vector<16xi32>
    %add3A_290 = arith.constant 2 : i32
    %add3A_291 = vector.broadcast %add3A_290 : i32 to vector<16xi32>
    %add3A_292 = arith.addi %mul3A_289, %add3A_291 : vector<16xi32>
    tpu.vector_store_idx %arg27[%add3A_286], %add3A_292 : memref<1024xi32, #tpu.memory_space<vmem>>[vector<16xi32>], vector<16xi32>,
    %add3A_293 = arith.constant 32 : i32
    %add3A_294 = vector.broadcast %add3A_293 : i32 to vector<16xi32>
    %add3A_295 = arith.addi %add3A_294, %iota3A : vector<16xi32>
    %mul3A_296 = arith.constant 8 : i32
    %mul3A_297 = vector.broadcast %mul3A_296 : i32 to vector<16xi32>
    %mul3A_298 = arith.muli %add3A_295, %mul3A_297 : vector<16xi32>
    %add3A_299 = arith.constant 3 : i32
    %add3A_300 = vector.broadcast %add3A_299 : i32 to vector<16xi32>
    %add3A_301 = arith.addi %mul3A_298, %add3A_300 : vector<16xi32>
    %mul3A_302 = arith.constant 8 : i32
    %mul3A_303 = vector.broadcast %mul3A_302 : i32 to vector<16xi32>
    %mul3A_304 = arith.muli %get3A_247, %mul3A_303 : vector<16xi32>
    %add3A_305 = arith.constant 3 : i32
    %add3A_306 = vector.broadcast %add3A_305 : i32 to vector<16xi32>
    %add3A_307 = arith.addi %mul3A_304, %add3A_306 : vector<16xi32>
    tpu.vector_store_idx %arg27[%add3A_301], %add3A_307 : memref<1024xi32, #tpu.memory_space<vmem>>[vector<16xi32>], vector<16xi32>,
    %add3A_308 = arith.constant 32 : i32
    %add3A_309 = vector.broadcast %add3A_308 : i32 to vector<16xi32>
    %add3A_310 = arith.addi %add3A_309, %iota3A : vector<16xi32>
    %mul3A_311 = arith.constant 8 : i32
    %mul3A_312 = vector.broadcast %mul3A_311 : i32 to vector<16xi32>
    %mul3A_313 = arith.muli %add3A_310, %mul3A_312 : vector<16xi32>
    %add3A_314 = arith.constant 4 : i32
    %add3A_315 = vector.broadcast %add3A_314 : i32 to vector<16xi32>
    %add3A_316 = arith.addi %mul3A_313, %add3A_315 : vector<16xi32>
    %mul3A_317 = arith.constant 8 : i32
    %mul3A_318 = vector.broadcast %mul3A_317 : i32 to vector<16xi32>
    %mul3A_319 = arith.muli %get3A_247, %mul3A_318 : vector<16xi32>
    %add3A_320 = arith.constant 4 : i32
    %add3A_321 = vector.broadcast %add3A_320 : i32 to vector<16xi32>
    %add3A_322 = arith.addi %mul3A_319, %add3A_321 : vector<16xi32>
    tpu.vector_store_idx %arg27[%add3A_316], %add3A_322 : memref<1024xi32, #tpu.memory_space<vmem>>[vector<16xi32>], vector<16xi32>,
    %add3A_323 = arith.constant 32 : i32
    %add3A_324 = vector.broadcast %add3A_323 : i32 to vector<16xi32>
    %add3A_325 = arith.addi %add3A_324, %iota3A : vector<16xi32>
    %mul3A_326 = arith.constant 8 : i32
    %mul3A_327 = vector.broadcast %mul3A_326 : i32 to vector<16xi32>
    %mul3A_328 = arith.muli %add3A_325, %mul3A_327 : vector<16xi32>
    %add3A_329 = arith.constant 5 : i32
    %add3A_330 = vector.broadcast %add3A_329 : i32 to vector<16xi32>
    %add3A_331 = arith.addi %mul3A_328, %add3A_330 : vector<16xi32>
    %mul3A_332 = arith.constant 8 : i32
    %mul3A_333 = vector.broadcast %mul3A_332 : i32 to vector<16xi32>
    %mul3A_334 = arith.muli %get3A_247, %mul3A_333 : vector<16xi32>
    %add3A_335 = arith.constant 5 : i32
    %add3A_336 = vector.broadcast %add3A_335 : i32 to vector<16xi32>
    %add3A_337 = arith.addi %mul3A_334, %add3A_336 : vector<16xi32>
    tpu.vector_store_idx %arg27[%add3A_331], %add3A_337 : memref<1024xi32, #tpu.memory_space<vmem>>[vector<16xi32>], vector<16xi32>,
    %add3A_338 = arith.constant 32 : i32
    %add3A_339 = vector.broadcast %add3A_338 : i32 to vector<16xi32>
    %add3A_340 = arith.addi %add3A_339, %iota3A : vector<16xi32>
    %mul3A_341 = arith.constant 8 : i32
    %mul3A_342 = vector.broadcast %mul3A_341 : i32 to vector<16xi32>
    %mul3A_343 = arith.muli %add3A_340, %mul3A_342 : vector<16xi32>
    %add3A_344 = arith.constant 6 : i32
    %add3A_345 = vector.broadcast %add3A_344 : i32 to vector<16xi32>
    %add3A_346 = arith.addi %mul3A_343, %add3A_345 : vector<16xi32>
    %mul3A_347 = arith.constant 8 : i32
    %mul3A_348 = vector.broadcast %mul3A_347 : i32 to vector<16xi32>
    %mul3A_349 = arith.muli %get3A_247, %mul3A_348 : vector<16xi32>
    %add3A_350 = arith.constant 6 : i32
    %add3A_351 = vector.broadcast %add3A_350 : i32 to vector<16xi32>
    %add3A_352 = arith.addi %mul3A_349, %add3A_351 : vector<16xi32>
    tpu.vector_store_idx %arg27[%add3A_346], %add3A_352 : memref<1024xi32, #tpu.memory_space<vmem>>[vector<16xi32>], vector<16xi32>,
    %add3A_353 = arith.constant 32 : i32
    %add3A_354 = vector.broadcast %add3A_353 : i32 to vector<16xi32>
    %add3A_355 = arith.addi %add3A_354, %iota3A : vector<16xi32>
    %mul3A_356 = arith.constant 8 : i32
    %mul3A_357 = vector.broadcast %mul3A_356 : i32 to vector<16xi32>
    %mul3A_358 = arith.muli %add3A_355, %mul3A_357 : vector<16xi32>
    %add3A_359 = arith.constant 7 : i32
    %add3A_360 = vector.broadcast %add3A_359 : i32 to vector<16xi32>
    %add3A_361 = arith.addi %mul3A_358, %add3A_360 : vector<16xi32>
    %mul3A_362 = arith.constant 8 : i32
    %mul3A_363 = vector.broadcast %mul3A_362 : i32 to vector<16xi32>
    %mul3A_364 = arith.muli %get3A_247, %mul3A_363 : vector<16xi32>
    %add3A_365 = arith.constant 7 : i32
    %add3A_366 = vector.broadcast %add3A_365 : i32 to vector<16xi32>
    %add3A_367 = arith.addi %mul3A_364, %add3A_366 : vector<16xi32>
    tpu.vector_store_idx %arg27[%add3A_361], %add3A_367 : memref<1024xi32, #tpu.memory_space<vmem>>[vector<16xi32>], vector<16xi32>,
    %get3A_368 = arith.constant 48 : index
    %get3A_369 = tpu.vector_load %arg26[%get3A_368] {strides = array<i32>} : memref<128xi32, #tpu.memory_space<vmem>>, vector<16xi32>,
    %add3A_370 = arith.constant 48 : i32
    %add3A_371 = vector.broadcast %add3A_370 : i32 to vector<16xi32>
    %add3A_372 = arith.addi %add3A_371, %iota3A : vector<16xi32>
    %mul3A_373 = arith.constant 8 : i32
    %mul3A_374 = vector.broadcast %mul3A_373 : i32 to vector<16xi32>
    %mul3A_375 = arith.muli %add3A_372, %mul3A_374 : vector<16xi32>
    %add3A_376 = arith.constant 0 : i32
    %add3A_377 = vector.broadcast %add3A_376 : i32 to vector<16xi32>
    %add3A_378 = arith.addi %mul3A_375, %add3A_377 : vector<16xi32>
    %mul3A_379 = arith.constant 8 : i32
    %mul3A_380 = vector.broadcast %mul3A_379 : i32 to vector<16xi32>
    %mul3A_381 = arith.muli %get3A_369, %mul3A_380 : vector<16xi32>
    %add3A_382 = arith.constant 0 : i32
    %add3A_383 = vector.broadcast %add3A_382 : i32 to vector<16xi32>
    %add3A_384 = arith.addi %mul3A_381, %add3A_383 : vector<16xi32>
    tpu.vector_store_idx %arg27[%add3A_378], %add3A_384 : memref<1024xi32, #tpu.memory_space<vmem>>[vector<16xi32>], vector<16xi32>,
    %add3A_385 = arith.constant 48 : i32
    %add3A_386 = vector.broadcast %add3A_385 : i32 to vector<16xi32>
    %add3A_387 = arith.addi %add3A_386, %iota3A : vector<16xi32>
    %mul3A_388 = arith.constant 8 : i32
    %mul3A_389 = vector.broadcast %mul3A_388 : i32 to vector<16xi32>
    %mul3A_390 = arith.muli %add3A_387, %mul3A_389 : vector<16xi32>
    %add3A_391 = arith.constant 1 : i32
    %add3A_392 = vector.broadcast %add3A_391 : i32 to vector<16xi32>
    %add3A_393 = arith.addi %mul3A_390, %add3A_392 : vector<16xi32>
    %mul3A_394 = arith.constant 8 : i32
    %mul3A_395 = vector.broadcast %mul3A_394 : i32 to vector<16xi32>
    %mul3A_396 = arith.muli %get3A_369, %mul3A_395 : vector<16xi32>
    %add3A_397 = arith.constant 1 : i32
    %add3A_398 = vector.broadcast %add3A_397 : i32 to vector<16xi32>
    %add3A_399 = arith.addi %mul3A_396, %add3A_398 : vector<16xi32>
    tpu.vector_store_idx %arg27[%add3A_393], %add3A_399 : memref<1024xi32, #tpu.memory_space<vmem>>[vector<16xi32>], vector<16xi32>,
    %add3A_400 = arith.constant 48 : i32
    %add3A_401 = vector.broadcast %add3A_400 : i32 to vector<16xi32>
    %add3A_402 = arith.addi %add3A_401, %iota3A : vector<16xi32>
    %mul3A_403 = arith.constant 8 : i32
    %mul3A_404 = vector.broadcast %mul3A_403 : i32 to vector<16xi32>
    %mul3A_405 = arith.muli %add3A_402, %mul3A_404 : vector<16xi32>
    %add3A_406 = arith.constant 2 : i32
    %add3A_407 = vector.broadcast %add3A_406 : i32 to vector<16xi32>
    %add3A_408 = arith.addi %mul3A_405, %add3A_407 : vector<16xi32>
    %mul3A_409 = arith.constant 8 : i32
    %mul3A_410 = vector.broadcast %mul3A_409 : i32 to vector<16xi32>
    %mul3A_411 = arith.muli %get3A_369, %mul3A_410 : vector<16xi32>
    %add3A_412 = arith.constant 2 : i32
    %add3A_413 = vector.broadcast %add3A_412 : i32 to vector<16xi32>
    %add3A_414 = arith.addi %mul3A_411, %add3A_413 : vector<16xi32>
    tpu.vector_store_idx %arg27[%add3A_408], %add3A_414 : memref<1024xi32, #tpu.memory_space<vmem>>[vector<16xi32>], vector<16xi32>,
    %add3A_415 = arith.constant 48 : i32
    %add3A_416 = vector.broadcast %add3A_415 : i32 to vector<16xi32>
    %add3A_417 = arith.addi %add3A_416, %iota3A : vector<16xi32>
    %mul3A_418 = arith.constant 8 : i32
    %mul3A_419 = vector.broadcast %mul3A_418 : i32 to vector<16xi32>
    %mul3A_420 = arith.muli %add3A_417, %mul3A_419 : vector<16xi32>
    %add3A_421 = arith.constant 3 : i32
    %add3A_422 = vector.broadcast %add3A_421 : i32 to vector<16xi32>
    %add3A_423 = arith.addi %mul3A_420, %add3A_422 : vector<16xi32>
    %mul3A_424 = arith.constant 8 : i32
    %mul3A_425 = vector.broadcast %mul3A_424 : i32 to vector<16xi32>
    %mul3A_426 = arith.muli %get3A_369, %mul3A_425 : vector<16xi32>
    %add3A_427 = arith.constant 3 : i32
    %add3A_428 = vector.broadcast %add3A_427 : i32 to vector<16xi32>
    %add3A_429 = arith.addi %mul3A_426, %add3A_428 : vector<16xi32>
    tpu.vector_store_idx %arg27[%add3A_423], %add3A_429 : memref<1024xi32, #tpu.memory_space<vmem>>[vector<16xi32>], vector<16xi32>,
    %add3A_430 = arith.constant 48 : i32
    %add3A_431 = vector.broadcast %add3A_430 : i32 to vector<16xi32>
    %add3A_432 = arith.addi %add3A_431, %iota3A : vector<16xi32>
    %mul3A_433 = arith.constant 8 : i32
    %mul3A_434 = vector.broadcast %mul3A_433 : i32 to vector<16xi32>
    %mul3A_435 = arith.muli %add3A_432, %mul3A_434 : vector<16xi32>
    %add3A_436 = arith.constant 4 : i32
    %add3A_437 = vector.broadcast %add3A_436 : i32 to vector<16xi32>
    %add3A_438 = arith.addi %mul3A_435, %add3A_437 : vector<16xi32>
    %mul3A_439 = arith.constant 8 : i32
    %mul3A_440 = vector.broadcast %mul3A_439 : i32 to vector<16xi32>
    %mul3A_441 = arith.muli %get3A_369, %mul3A_440 : vector<16xi32>
    %add3A_442 = arith.constant 4 : i32
    %add3A_443 = vector.broadcast %add3A_442 : i32 to vector<16xi32>
    %add3A_444 = arith.addi %mul3A_441, %add3A_443 : vector<16xi32>
    tpu.vector_store_idx %arg27[%add3A_438], %add3A_444 : memref<1024xi32, #tpu.memory_space<vmem>>[vector<16xi32>], vector<16xi32>,
    %add3A_445 = arith.constant 48 : i32
    %add3A_446 = vector.broadcast %add3A_445 : i32 to vector<16xi32>
    %add3A_447 = arith.addi %add3A_446, %iota3A : vector<16xi32>
    %mul3A_448 = arith.constant 8 : i32
    %mul3A_449 = vector.broadcast %mul3A_448 : i32 to vector<16xi32>
    %mul3A_450 = arith.muli %add3A_447, %mul3A_449 : vector<16xi32>
    %add3A_451 = arith.constant 5 : i32
    %add3A_452 = vector.broadcast %add3A_451 : i32 to vector<16xi32>
    %add3A_453 = arith.addi %mul3A_450, %add3A_452 : vector<16xi32>
    %mul3A_454 = arith.constant 8 : i32
    %mul3A_455 = vector.broadcast %mul3A_454 : i32 to vector<16xi32>
    %mul3A_456 = arith.muli %get3A_369, %mul3A_455 : vector<16xi32>
    %add3A_457 = arith.constant 5 : i32
    %add3A_458 = vector.broadcast %add3A_457 : i32 to vector<16xi32>
    %add3A_459 = arith.addi %mul3A_456, %add3A_458 : vector<16xi32>
    tpu.vector_store_idx %arg27[%add3A_453], %add3A_459 : memref<1024xi32, #tpu.memory_space<vmem>>[vector<16xi32>], vector<16xi32>,
    %add3A_460 = arith.constant 48 : i32
    %add3A_461 = vector.broadcast %add3A_460 : i32 to vector<16xi32>
    %add3A_462 = arith.addi %add3A_461, %iota3A : vector<16xi32>
    %mul3A_463 = arith.constant 8 : i32
    %mul3A_464 = vector.broadcast %mul3A_463 : i32 to vector<16xi32>
    %mul3A_465 = arith.muli %add3A_462, %mul3A_464 : vector<16xi32>
    %add3A_466 = arith.constant 6 : i32
    %add3A_467 = vector.broadcast %add3A_466 : i32 to vector<16xi32>
    %add3A_468 = arith.addi %mul3A_465, %add3A_467 : vector<16xi32>
    %mul3A_469 = arith.constant 8 : i32
    %mul3A_470 = vector.broadcast %mul3A_469 : i32 to vector<16xi32>
    %mul3A_471 = arith.muli %get3A_369, %mul3A_470 : vector<16xi32>
    %add3A_472 = arith.constant 6 : i32
    %add3A_473 = vector.broadcast %add3A_472 : i32 to vector<16xi32>
    %add3A_474 = arith.addi %mul3A_471, %add3A_473 : vector<16xi32>
    tpu.vector_store_idx %arg27[%add3A_468], %add3A_474 : memref<1024xi32, #tpu.memory_space<vmem>>[vector<16xi32>], vector<16xi32>,
    %add3A_475 = arith.constant 48 : i32
    %add3A_476 = vector.broadcast %add3A_475 : i32 to vector<16xi32>
    %add3A_477 = arith.addi %add3A_476, %iota3A : vector<16xi32>
    %mul3A_478 = arith.constant 8 : i32
    %mul3A_479 = vector.broadcast %mul3A_478 : i32 to vector<16xi32>
    %mul3A_480 = arith.muli %add3A_477, %mul3A_479 : vector<16xi32>
    %add3A_481 = arith.constant 7 : i32
    %add3A_482 = vector.broadcast %add3A_481 : i32 to vector<16xi32>
    %add3A_483 = arith.addi %mul3A_480, %add3A_482 : vector<16xi32>
    %mul3A_484 = arith.constant 8 : i32
    %mul3A_485 = vector.broadcast %mul3A_484 : i32 to vector<16xi32>
    %mul3A_486 = arith.muli %get3A_369, %mul3A_485 : vector<16xi32>
    %add3A_487 = arith.constant 7 : i32
    %add3A_488 = vector.broadcast %add3A_487 : i32 to vector<16xi32>
    %add3A_489 = arith.addi %mul3A_486, %add3A_488 : vector<16xi32>
    tpu.vector_store_idx %arg27[%add3A_483], %add3A_489 : memref<1024xi32, #tpu.memory_space<vmem>>[vector<16xi32>], vector<16xi32>,
    %get3A_490 = arith.constant 64 : index
    %get3A_491 = tpu.vector_load %arg26[%get3A_490] {strides = array<i32>} : memref<128xi32, #tpu.memory_space<vmem>>, vector<16xi32>,
    %add3A_492 = arith.constant 64 : i32
    %add3A_493 = vector.broadcast %add3A_492 : i32 to vector<16xi32>
    %add3A_494 = arith.addi %add3A_493, %iota3A : vector<16xi32>
    %mul3A_495 = arith.constant 8 : i32
    %mul3A_496 = vector.broadcast %mul3A_495 : i32 to vector<16xi32>
    %mul3A_497 = arith.muli %add3A_494, %mul3A_496 : vector<16xi32>
    %add3A_498 = arith.constant 0 : i32
    %add3A_499 = vector.broadcast %add3A_498 : i32 to vector<16xi32>
    %add3A_500 = arith.addi %mul3A_497, %add3A_499 : vector<16xi32>
    %mul3A_501 = arith.constant 8 : i32
    %mul3A_502 = vector.broadcast %mul3A_501 : i32 to vector<16xi32>
    %mul3A_503 = arith.muli %get3A_491, %mul3A_502 : vector<16xi32>
    %add3A_504 = arith.constant 0 : i32
    %add3A_505 = vector.broadcast %add3A_504 : i32 to vector<16xi32>
    %add3A_506 = arith.addi %mul3A_503, %add3A_505 : vector<16xi32>
    tpu.vector_store_idx %arg27[%add3A_500], %add3A_506 : memref<1024xi32, #tpu.memory_space<vmem>>[vector<16xi32>], vector<16xi32>,
    %add3A_507 = arith.constant 64 : i32
    %add3A_508 = vector.broadcast %add3A_507 : i32 to vector<16xi32>
    %add3A_509 = arith.addi %add3A_508, %iota3A : vector<16xi32>
    %mul3A_510 = arith.constant 8 : i32
    %mul3A_511 = vector.broadcast %mul3A_510 : i32 to vector<16xi32>
    %mul3A_512 = arith.muli %add3A_509, %mul3A_511 : vector<16xi32>
    %add3A_513 = arith.constant 1 : i32
    %add3A_514 = vector.broadcast %add3A_513 : i32 to vector<16xi32>
    %add3A_515 = arith.addi %mul3A_512, %add3A_514 : vector<16xi32>
    %mul3A_516 = arith.constant 8 : i32
    %mul3A_517 = vector.broadcast %mul3A_516 : i32 to vector<16xi32>
    %mul3A_518 = arith.muli %get3A_491, %mul3A_517 : vector<16xi32>
    %add3A_519 = arith.constant 1 : i32
    %add3A_520 = vector.broadcast %add3A_519 : i32 to vector<16xi32>
    %add3A_521 = arith.addi %mul3A_518, %add3A_520 : vector<16xi32>
    tpu.vector_store_idx %arg27[%add3A_515], %add3A_521 : memref<1024xi32, #tpu.memory_space<vmem>>[vector<16xi32>], vector<16xi32>,
    %add3A_522 = arith.constant 64 : i32
    %add3A_523 = vector.broadcast %add3A_522 : i32 to vector<16xi32>
    %add3A_524 = arith.addi %add3A_523, %iota3A : vector<16xi32>
    %mul3A_525 = arith.constant 8 : i32
    %mul3A_526 = vector.broadcast %mul3A_525 : i32 to vector<16xi32>
    %mul3A_527 = arith.muli %add3A_524, %mul3A_526 : vector<16xi32>
    %add3A_528 = arith.constant 2 : i32
    %add3A_529 = vector.broadcast %add3A_528 : i32 to vector<16xi32>
    %add3A_530 = arith.addi %mul3A_527, %add3A_529 : vector<16xi32>
    %mul3A_531 = arith.constant 8 : i32
    %mul3A_532 = vector.broadcast %mul3A_531 : i32 to vector<16xi32>
    %mul3A_533 = arith.muli %get3A_491, %mul3A_532 : vector<16xi32>
    %add3A_534 = arith.constant 2 : i32
    %add3A_535 = vector.broadcast %add3A_534 : i32 to vector<16xi32>
    %add3A_536 = arith.addi %mul3A_533, %add3A_535 : vector<16xi32>
    tpu.vector_store_idx %arg27[%add3A_530], %add3A_536 : memref<1024xi32, #tpu.memory_space<vmem>>[vector<16xi32>], vector<16xi32>,
    %add3A_537 = arith.constant 64 : i32
    %add3A_538 = vector.broadcast %add3A_537 : i32 to vector<16xi32>
    %add3A_539 = arith.addi %add3A_538, %iota3A : vector<16xi32>
    %mul3A_540 = arith.constant 8 : i32
    %mul3A_541 = vector.broadcast %mul3A_540 : i32 to vector<16xi32>
    %mul3A_542 = arith.muli %add3A_539, %mul3A_541 : vector<16xi32>
    %add3A_543 = arith.constant 3 : i32
    %add3A_544 = vector.broadcast %add3A_543 : i32 to vector<16xi32>
    %add3A_545 = arith.addi %mul3A_542, %add3A_544 : vector<16xi32>
    %mul3A_546 = arith.constant 8 : i32
    %mul3A_547 = vector.broadcast %mul3A_546 : i32 to vector<16xi32>
    %mul3A_548 = arith.muli %get3A_491, %mul3A_547 : vector<16xi32>
    %add3A_549 = arith.constant 3 : i32
    %add3A_550 = vector.broadcast %add3A_549 : i32 to vector<16xi32>
    %add3A_551 = arith.addi %mul3A_548, %add3A_550 : vector<16xi32>
    tpu.vector_store_idx %arg27[%add3A_545], %add3A_551 : memref<1024xi32, #tpu.memory_space<vmem>>[vector<16xi32>], vector<16xi32>,
    %add3A_552 = arith.constant 64 : i32
    %add3A_553 = vector.broadcast %add3A_552 : i32 to vector<16xi32>
    %add3A_554 = arith.addi %add3A_553, %iota3A : vector<16xi32>
    %mul3A_555 = arith.constant 8 : i32
    %mul3A_556 = vector.broadcast %mul3A_555 : i32 to vector<16xi32>
    %mul3A_557 = arith.muli %add3A_554, %mul3A_556 : vector<16xi32>
    %add3A_558 = arith.constant 4 : i32
    %add3A_559 = vector.broadcast %add3A_558 : i32 to vector<16xi32>
    %add3A_560 = arith.addi %mul3A_557, %add3A_559 : vector<16xi32>
    %mul3A_561 = arith.constant 8 : i32
    %mul3A_562 = vector.broadcast %mul3A_561 : i32 to vector<16xi32>
    %mul3A_563 = arith.muli %get3A_491, %mul3A_562 : vector<16xi32>
    %add3A_564 = arith.constant 4 : i32
    %add3A_565 = vector.broadcast %add3A_564 : i32 to vector<16xi32>
    %add3A_566 = arith.addi %mul3A_563, %add3A_565 : vector<16xi32>
    tpu.vector_store_idx %arg27[%add3A_560], %add3A_566 : memref<1024xi32, #tpu.memory_space<vmem>>[vector<16xi32>], vector<16xi32>,
    %add3A_567 = arith.constant 64 : i32
    %add3A_568 = vector.broadcast %add3A_567 : i32 to vector<16xi32>
    %add3A_569 = arith.addi %add3A_568, %iota3A : vector<16xi32>
    %mul3A_570 = arith.constant 8 : i32
    %mul3A_571 = vector.broadcast %mul3A_570 : i32 to vector<16xi32>
    %mul3A_572 = arith.muli %add3A_569, %mul3A_571 : vector<16xi32>
    %add3A_573 = arith.constant 5 : i32
    %add3A_574 = vector.broadcast %add3A_573 : i32 to vector<16xi32>
    %add3A_575 = arith.addi %mul3A_572, %add3A_574 : vector<16xi32>
    %mul3A_576 = arith.constant 8 : i32
    %mul3A_577 = vector.broadcast %mul3A_576 : i32 to vector<16xi32>
    %mul3A_578 = arith.muli %get3A_491, %mul3A_577 : vector<16xi32>
    %add3A_579 = arith.constant 5 : i32
    %add3A_580 = vector.broadcast %add3A_579 : i32 to vector<16xi32>
    %add3A_581 = arith.addi %mul3A_578, %add3A_580 : vector<16xi32>
    tpu.vector_store_idx %arg27[%add3A_575], %add3A_581 : memref<1024xi32, #tpu.memory_space<vmem>>[vector<16xi32>], vector<16xi32>,
    %add3A_582 = arith.constant 64 : i32
    %add3A_583 = vector.broadcast %add3A_582 : i32 to vector<16xi32>
    %add3A_584 = arith.addi %add3A_583, %iota3A : vector<16xi32>
    %mul3A_585 = arith.constant 8 : i32
    %mul3A_586 = vector.broadcast %mul3A_585 : i32 to vector<16xi32>
    %mul3A_587 = arith.muli %add3A_584, %mul3A_586 : vector<16xi32>
    %add3A_588 = arith.constant 6 : i32
    %add3A_589 = vector.broadcast %add3A_588 : i32 to vector<16xi32>
    %add3A_590 = arith.addi %mul3A_587, %add3A_589 : vector<16xi32>
    %mul3A_591 = arith.constant 8 : i32
    %mul3A_592 = vector.broadcast %mul3A_591 : i32 to vector<16xi32>
    %mul3A_593 = arith.muli %get3A_491, %mul3A_592 : vector<16xi32>
    %add3A_594 = arith.constant 6 : i32
    %add3A_595 = vector.broadcast %add3A_594 : i32 to vector<16xi32>
    %add3A_596 = arith.addi %mul3A_593, %add3A_595 : vector<16xi32>
    tpu.vector_store_idx %arg27[%add3A_590], %add3A_596 : memref<1024xi32, #tpu.memory_space<vmem>>[vector<16xi32>], vector<16xi32>,
    %add3A_597 = arith.constant 64 : i32
    %add3A_598 = vector.broadcast %add3A_597 : i32 to vector<16xi32>
    %add3A_599 = arith.addi %add3A_598, %iota3A : vector<16xi32>
    %mul3A_600 = arith.constant 8 : i32
    %mul3A_601 = vector.broadcast %mul3A_600 : i32 to vector<16xi32>
    %mul3A_602 = arith.muli %add3A_599, %mul3A_601 : vector<16xi32>
    %add3A_603 = arith.constant 7 : i32
    %add3A_604 = vector.broadcast %add3A_603 : i32 to vector<16xi32>
    %add3A_605 = arith.addi %mul3A_602, %add3A_604 : vector<16xi32>
    %mul3A_606 = arith.constant 8 : i32
    %mul3A_607 = vector.broadcast %mul3A_606 : i32 to vector<16xi32>
    %mul3A_608 = arith.muli %get3A_491, %mul3A_607 : vector<16xi32>
    %add3A_609 = arith.constant 7 : i32
    %add3A_610 = vector.broadcast %add3A_609 : i32 to vector<16xi32>
    %add3A_611 = arith.addi %mul3A_608, %add3A_610 : vector<16xi32>
    tpu.vector_store_idx %arg27[%add3A_605], %add3A_611 : memref<1024xi32, #tpu.memory_space<vmem>>[vector<16xi32>], vector<16xi32>,
    %get3A_612 = arith.constant 80 : index
    %get3A_613 = tpu.vector_load %arg26[%get3A_612] {strides = array<i32>} : memref<128xi32, #tpu.memory_space<vmem>>, vector<16xi32>,
    %add3A_614 = arith.constant 80 : i32
    %add3A_615 = vector.broadcast %add3A_614 : i32 to vector<16xi32>
    %add3A_616 = arith.addi %add3A_615, %iota3A : vector<16xi32>
    %mul3A_617 = arith.constant 8 : i32
    %mul3A_618 = vector.broadcast %mul3A_617 : i32 to vector<16xi32>
    %mul3A_619 = arith.muli %add3A_616, %mul3A_618 : vector<16xi32>
    %add3A_620 = arith.constant 0 : i32
    %add3A_621 = vector.broadcast %add3A_620 : i32 to vector<16xi32>
    %add3A_622 = arith.addi %mul3A_619, %add3A_621 : vector<16xi32>
    %mul3A_623 = arith.constant 8 : i32
    %mul3A_624 = vector.broadcast %mul3A_623 : i32 to vector<16xi32>
    %mul3A_625 = arith.muli %get3A_613, %mul3A_624 : vector<16xi32>
    %add3A_626 = arith.constant 0 : i32
    %add3A_627 = vector.broadcast %add3A_626 : i32 to vector<16xi32>
    %add3A_628 = arith.addi %mul3A_625, %add3A_627 : vector<16xi32>
    tpu.vector_store_idx %arg27[%add3A_622], %add3A_628 : memref<1024xi32, #tpu.memory_space<vmem>>[vector<16xi32>], vector<16xi32>,
    %add3A_629 = arith.constant 80 : i32
    %add3A_630 = vector.broadcast %add3A_629 : i32 to vector<16xi32>
    %add3A_631 = arith.addi %add3A_630, %iota3A : vector<16xi32>
    %mul3A_632 = arith.constant 8 : i32
    %mul3A_633 = vector.broadcast %mul3A_632 : i32 to vector<16xi32>
    %mul3A_634 = arith.muli %add3A_631, %mul3A_633 : vector<16xi32>
    %add3A_635 = arith.constant 1 : i32
    %add3A_636 = vector.broadcast %add3A_635 : i32 to vector<16xi32>
    %add3A_637 = arith.addi %mul3A_634, %add3A_636 : vector<16xi32>
    %mul3A_638 = arith.constant 8 : i32
    %mul3A_639 = vector.broadcast %mul3A_638 : i32 to vector<16xi32>
    %mul3A_640 = arith.muli %get3A_613, %mul3A_639 : vector<16xi32>
    %add3A_641 = arith.constant 1 : i32
    %add3A_642 = vector.broadcast %add3A_641 : i32 to vector<16xi32>
    %add3A_643 = arith.addi %mul3A_640, %add3A_642 : vector<16xi32>
    tpu.vector_store_idx %arg27[%add3A_637], %add3A_643 : memref<1024xi32, #tpu.memory_space<vmem>>[vector<16xi32>], vector<16xi32>,
    %add3A_644 = arith.constant 80 : i32
    %add3A_645 = vector.broadcast %add3A_644 : i32 to vector<16xi32>
    %add3A_646 = arith.addi %add3A_645, %iota3A : vector<16xi32>
    %mul3A_647 = arith.constant 8 : i32
    %mul3A_648 = vector.broadcast %mul3A_647 : i32 to vector<16xi32>
    %mul3A_649 = arith.muli %add3A_646, %mul3A_648 : vector<16xi32>
    %add3A_650 = arith.constant 2 : i32
    %add3A_651 = vector.broadcast %add3A_650 : i32 to vector<16xi32>
    %add3A_652 = arith.addi %mul3A_649, %add3A_651 : vector<16xi32>
    %mul3A_653 = arith.constant 8 : i32
    %mul3A_654 = vector.broadcast %mul3A_653 : i32 to vector<16xi32>
    %mul3A_655 = arith.muli %get3A_613, %mul3A_654 : vector<16xi32>
    %add3A_656 = arith.constant 2 : i32
    %add3A_657 = vector.broadcast %add3A_656 : i32 to vector<16xi32>
    %add3A_658 = arith.addi %mul3A_655, %add3A_657 : vector<16xi32>
    tpu.vector_store_idx %arg27[%add3A_652], %add3A_658 : memref<1024xi32, #tpu.memory_space<vmem>>[vector<16xi32>], vector<16xi32>,
    %add3A_659 = arith.constant 80 : i32
    %add3A_660 = vector.broadcast %add3A_659 : i32 to vector<16xi32>
    %add3A_661 = arith.addi %add3A_660, %iota3A : vector<16xi32>
    %mul3A_662 = arith.constant 8 : i32
    %mul3A_663 = vector.broadcast %mul3A_662 : i32 to vector<16xi32>
    %mul3A_664 = arith.muli %add3A_661, %mul3A_663 : vector<16xi32>
    %add3A_665 = arith.constant 3 : i32
    %add3A_666 = vector.broadcast %add3A_665 : i32 to vector<16xi32>
    %add3A_667 = arith.addi %mul3A_664, %add3A_666 : vector<16xi32>
    %mul3A_668 = arith.constant 8 : i32
    %mul3A_669 = vector.broadcast %mul3A_668 : i32 to vector<16xi32>
    %mul3A_670 = arith.muli %get3A_613, %mul3A_669 : vector<16xi32>
    %add3A_671 = arith.constant 3 : i32
    %add3A_672 = vector.broadcast %add3A_671 : i32 to vector<16xi32>
    %add3A_673 = arith.addi %mul3A_670, %add3A_672 : vector<16xi32>
    tpu.vector_store_idx %arg27[%add3A_667], %add3A_673 : memref<1024xi32, #tpu.memory_space<vmem>>[vector<16xi32>], vector<16xi32>,
    %add3A_674 = arith.constant 80 : i32
    %add3A_675 = vector.broadcast %add3A_674 : i32 to vector<16xi32>
    %add3A_676 = arith.addi %add3A_675, %iota3A : vector<16xi32>
    %mul3A_677 = arith.constant 8 : i32
    %mul3A_678 = vector.broadcast %mul3A_677 : i32 to vector<16xi32>
    %mul3A_679 = arith.muli %add3A_676, %mul3A_678 : vector<16xi32>
    %add3A_680 = arith.constant 4 : i32
    %add3A_681 = vector.broadcast %add3A_680 : i32 to vector<16xi32>
    %add3A_682 = arith.addi %mul3A_679, %add3A_681 : vector<16xi32>
    %mul3A_683 = arith.constant 8 : i32
    %mul3A_684 = vector.broadcast %mul3A_683 : i32 to vector<16xi32>
    %mul3A_685 = arith.muli %get3A_613, %mul3A_684 : vector<16xi32>
    %add3A_686 = arith.constant 4 : i32
    %add3A_687 = vector.broadcast %add3A_686 : i32 to vector<16xi32>
    %add3A_688 = arith.addi %mul3A_685, %add3A_687 : vector<16xi32>
    tpu.vector_store_idx %arg27[%add3A_682], %add3A_688 : memref<1024xi32, #tpu.memory_space<vmem>>[vector<16xi32>], vector<16xi32>,
    %add3A_689 = arith.constant 80 : i32
    %add3A_690 = vector.broadcast %add3A_689 : i32 to vector<16xi32>
    %add3A_691 = arith.addi %add3A_690, %iota3A : vector<16xi32>
    %mul3A_692 = arith.constant 8 : i32
    %mul3A_693 = vector.broadcast %mul3A_692 : i32 to vector<16xi32>
    %mul3A_694 = arith.muli %add3A_691, %mul3A_693 : vector<16xi32>
    %add3A_695 = arith.constant 5 : i32
    %add3A_696 = vector.broadcast %add3A_695 : i32 to vector<16xi32>
    %add3A_697 = arith.addi %mul3A_694, %add3A_696 : vector<16xi32>
    %mul3A_698 = arith.constant 8 : i32
    %mul3A_699 = vector.broadcast %mul3A_698 : i32 to vector<16xi32>
    %mul3A_700 = arith.muli %get3A_613, %mul3A_699 : vector<16xi32>
    %add3A_701 = arith.constant 5 : i32
    %add3A_702 = vector.broadcast %add3A_701 : i32 to vector<16xi32>
    %add3A_703 = arith.addi %mul3A_700, %add3A_702 : vector<16xi32>
    tpu.vector_store_idx %arg27[%add3A_697], %add3A_703 : memref<1024xi32, #tpu.memory_space<vmem>>[vector<16xi32>], vector<16xi32>,
    %add3A_704 = arith.constant 80 : i32
    %add3A_705 = vector.broadcast %add3A_704 : i32 to vector<16xi32>
    %add3A_706 = arith.addi %add3A_705, %iota3A : vector<16xi32>
    %mul3A_707 = arith.constant 8 : i32
    %mul3A_708 = vector.broadcast %mul3A_707 : i32 to vector<16xi32>
    %mul3A_709 = arith.muli %add3A_706, %mul3A_708 : vector<16xi32>
    %add3A_710 = arith.constant 6 : i32
    %add3A_711 = vector.broadcast %add3A_710 : i32 to vector<16xi32>
    %add3A_712 = arith.addi %mul3A_709, %add3A_711 : vector<16xi32>
    %mul3A_713 = arith.constant 8 : i32
    %mul3A_714 = vector.broadcast %mul3A_713 : i32 to vector<16xi32>
    %mul3A_715 = arith.muli %get3A_613, %mul3A_714 : vector<16xi32>
    %add3A_716 = arith.constant 6 : i32
    %add3A_717 = vector.broadcast %add3A_716 : i32 to vector<16xi32>
    %add3A_718 = arith.addi %mul3A_715, %add3A_717 : vector<16xi32>
    tpu.vector_store_idx %arg27[%add3A_712], %add3A_718 : memref<1024xi32, #tpu.memory_space<vmem>>[vector<16xi32>], vector<16xi32>,
    %add3A_719 = arith.constant 80 : i32
    %add3A_720 = vector.broadcast %add3A_719 : i32 to vector<16xi32>
    %add3A_721 = arith.addi %add3A_720, %iota3A : vector<16xi32>
    %mul3A_722 = arith.constant 8 : i32
    %mul3A_723 = vector.broadcast %mul3A_722 : i32 to vector<16xi32>
    %mul3A_724 = arith.muli %add3A_721, %mul3A_723 : vector<16xi32>
    %add3A_725 = arith.constant 7 : i32
    %add3A_726 = vector.broadcast %add3A_725 : i32 to vector<16xi32>
    %add3A_727 = arith.addi %mul3A_724, %add3A_726 : vector<16xi32>
    %mul3A_728 = arith.constant 8 : i32
    %mul3A_729 = vector.broadcast %mul3A_728 : i32 to vector<16xi32>
    %mul3A_730 = arith.muli %get3A_613, %mul3A_729 : vector<16xi32>
    %add3A_731 = arith.constant 7 : i32
    %add3A_732 = vector.broadcast %add3A_731 : i32 to vector<16xi32>
    %add3A_733 = arith.addi %mul3A_730, %add3A_732 : vector<16xi32>
    tpu.vector_store_idx %arg27[%add3A_727], %add3A_733 : memref<1024xi32, #tpu.memory_space<vmem>>[vector<16xi32>], vector<16xi32>,
    %get3A_734 = arith.constant 96 : index
    %get3A_735 = tpu.vector_load %arg26[%get3A_734] {strides = array<i32>} : memref<128xi32, #tpu.memory_space<vmem>>, vector<16xi32>,
    %add3A_736 = arith.constant 96 : i32
    %add3A_737 = vector.broadcast %add3A_736 : i32 to vector<16xi32>
    %add3A_738 = arith.addi %add3A_737, %iota3A : vector<16xi32>
    %mul3A_739 = arith.constant 8 : i32
    %mul3A_740 = vector.broadcast %mul3A_739 : i32 to vector<16xi32>
    %mul3A_741 = arith.muli %add3A_738, %mul3A_740 : vector<16xi32>
    %add3A_742 = arith.constant 0 : i32
    %add3A_743 = vector.broadcast %add3A_742 : i32 to vector<16xi32>
    %add3A_744 = arith.addi %mul3A_741, %add3A_743 : vector<16xi32>
    %mul3A_745 = arith.constant 8 : i32
    %mul3A_746 = vector.broadcast %mul3A_745 : i32 to vector<16xi32>
    %mul3A_747 = arith.muli %get3A_735, %mul3A_746 : vector<16xi32>
    %add3A_748 = arith.constant 0 : i32
    %add3A_749 = vector.broadcast %add3A_748 : i32 to vector<16xi32>
    %add3A_750 = arith.addi %mul3A_747, %add3A_749 : vector<16xi32>
    tpu.vector_store_idx %arg27[%add3A_744], %add3A_750 : memref<1024xi32, #tpu.memory_space<vmem>>[vector<16xi32>], vector<16xi32>,
    %add3A_751 = arith.constant 96 : i32
    %add3A_752 = vector.broadcast %add3A_751 : i32 to vector<16xi32>
    %add3A_753 = arith.addi %add3A_752, %iota3A : vector<16xi32>
    %mul3A_754 = arith.constant 8 : i32
    %mul3A_755 = vector.broadcast %mul3A_754 : i32 to vector<16xi32>
    %mul3A_756 = arith.muli %add3A_753, %mul3A_755 : vector<16xi32>
    %add3A_757 = arith.constant 1 : i32
    %add3A_758 = vector.broadcast %add3A_757 : i32 to vector<16xi32>
    %add3A_759 = arith.addi %mul3A_756, %add3A_758 : vector<16xi32>
    %mul3A_760 = arith.constant 8 : i32
    %mul3A_761 = vector.broadcast %mul3A_760 : i32 to vector<16xi32>
    %mul3A_762 = arith.muli %get3A_735, %mul3A_761 : vector<16xi32>
    %add3A_763 = arith.constant 1 : i32
    %add3A_764 = vector.broadcast %add3A_763 : i32 to vector<16xi32>
    %add3A_765 = arith.addi %mul3A_762, %add3A_764 : vector<16xi32>
    tpu.vector_store_idx %arg27[%add3A_759], %add3A_765 : memref<1024xi32, #tpu.memory_space<vmem>>[vector<16xi32>], vector<16xi32>,
    %add3A_766 = arith.constant 96 : i32
    %add3A_767 = vector.broadcast %add3A_766 : i32 to vector<16xi32>
    %add3A_768 = arith.addi %add3A_767, %iota3A : vector<16xi32>
    %mul3A_769 = arith.constant 8 : i32
    %mul3A_770 = vector.broadcast %mul3A_769 : i32 to vector<16xi32>
    %mul3A_771 = arith.muli %add3A_768, %mul3A_770 : vector<16xi32>
    %add3A_772 = arith.constant 2 : i32
    %add3A_773 = vector.broadcast %add3A_772 : i32 to vector<16xi32>
    %add3A_774 = arith.addi %mul3A_771, %add3A_773 : vector<16xi32>
    %mul3A_775 = arith.constant 8 : i32
    %mul3A_776 = vector.broadcast %mul3A_775 : i32 to vector<16xi32>
    %mul3A_777 = arith.muli %get3A_735, %mul3A_776 : vector<16xi32>
    %add3A_778 = arith.constant 2 : i32
    %add3A_779 = vector.broadcast %add3A_778 : i32 to vector<16xi32>
    %add3A_780 = arith.addi %mul3A_777, %add3A_779 : vector<16xi32>
    tpu.vector_store_idx %arg27[%add3A_774], %add3A_780 : memref<1024xi32, #tpu.memory_space<vmem>>[vector<16xi32>], vector<16xi32>,
    %add3A_781 = arith.constant 96 : i32
    %add3A_782 = vector.broadcast %add3A_781 : i32 to vector<16xi32>
    %add3A_783 = arith.addi %add3A_782, %iota3A : vector<16xi32>
    %mul3A_784 = arith.constant 8 : i32
    %mul3A_785 = vector.broadcast %mul3A_784 : i32 to vector<16xi32>
    %mul3A_786 = arith.muli %add3A_783, %mul3A_785 : vector<16xi32>
    %add3A_787 = arith.constant 3 : i32
    %add3A_788 = vector.broadcast %add3A_787 : i32 to vector<16xi32>
    %add3A_789 = arith.addi %mul3A_786, %add3A_788 : vector<16xi32>
    %mul3A_790 = arith.constant 8 : i32
    %mul3A_791 = vector.broadcast %mul3A_790 : i32 to vector<16xi32>
    %mul3A_792 = arith.muli %get3A_735, %mul3A_791 : vector<16xi32>
    %add3A_793 = arith.constant 3 : i32
    %add3A_794 = vector.broadcast %add3A_793 : i32 to vector<16xi32>
    %add3A_795 = arith.addi %mul3A_792, %add3A_794 : vector<16xi32>
    tpu.vector_store_idx %arg27[%add3A_789], %add3A_795 : memref<1024xi32, #tpu.memory_space<vmem>>[vector<16xi32>], vector<16xi32>,
    %add3A_796 = arith.constant 96 : i32
    %add3A_797 = vector.broadcast %add3A_796 : i32 to vector<16xi32>
    %add3A_798 = arith.addi %add3A_797, %iota3A : vector<16xi32>
    %mul3A_799 = arith.constant 8 : i32
    %mul3A_800 = vector.broadcast %mul3A_799 : i32 to vector<16xi32>
    %mul3A_801 = arith.muli %add3A_798, %mul3A_800 : vector<16xi32>
    %add3A_802 = arith.constant 4 : i32
    %add3A_803 = vector.broadcast %add3A_802 : i32 to vector<16xi32>
    %add3A_804 = arith.addi %mul3A_801, %add3A_803 : vector<16xi32>
    %mul3A_805 = arith.constant 8 : i32
    %mul3A_806 = vector.broadcast %mul3A_805 : i32 to vector<16xi32>
    %mul3A_807 = arith.muli %get3A_735, %mul3A_806 : vector<16xi32>
    %add3A_808 = arith.constant 4 : i32
    %add3A_809 = vector.broadcast %add3A_808 : i32 to vector<16xi32>
    %add3A_810 = arith.addi %mul3A_807, %add3A_809 : vector<16xi32>
    tpu.vector_store_idx %arg27[%add3A_804], %add3A_810 : memref<1024xi32, #tpu.memory_space<vmem>>[vector<16xi32>], vector<16xi32>,
    %add3A_811 = arith.constant 96 : i32
    %add3A_812 = vector.broadcast %add3A_811 : i32 to vector<16xi32>
    %add3A_813 = arith.addi %add3A_812, %iota3A : vector<16xi32>
    %mul3A_814 = arith.constant 8 : i32
    %mul3A_815 = vector.broadcast %mul3A_814 : i32 to vector<16xi32>
    %mul3A_816 = arith.muli %add3A_813, %mul3A_815 : vector<16xi32>
    %add3A_817 = arith.constant 5 : i32
    %add3A_818 = vector.broadcast %add3A_817 : i32 to vector<16xi32>
    %add3A_819 = arith.addi %mul3A_816, %add3A_818 : vector<16xi32>
    %mul3A_820 = arith.constant 8 : i32
    %mul3A_821 = vector.broadcast %mul3A_820 : i32 to vector<16xi32>
    %mul3A_822 = arith.muli %get3A_735, %mul3A_821 : vector<16xi32>
    %add3A_823 = arith.constant 5 : i32
    %add3A_824 = vector.broadcast %add3A_823 : i32 to vector<16xi32>
    %add3A_825 = arith.addi %mul3A_822, %add3A_824 : vector<16xi32>
    tpu.vector_store_idx %arg27[%add3A_819], %add3A_825 : memref<1024xi32, #tpu.memory_space<vmem>>[vector<16xi32>], vector<16xi32>,
    %add3A_826 = arith.constant 96 : i32
    %add3A_827 = vector.broadcast %add3A_826 : i32 to vector<16xi32>
    %add3A_828 = arith.addi %add3A_827, %iota3A : vector<16xi32>
    %mul3A_829 = arith.constant 8 : i32
    %mul3A_830 = vector.broadcast %mul3A_829 : i32 to vector<16xi32>
    %mul3A_831 = arith.muli %add3A_828, %mul3A_830 : vector<16xi32>
    %add3A_832 = arith.constant 6 : i32
    %add3A_833 = vector.broadcast %add3A_832 : i32 to vector<16xi32>
    %add3A_834 = arith.addi %mul3A_831, %add3A_833 : vector<16xi32>
    %mul3A_835 = arith.constant 8 : i32
    %mul3A_836 = vector.broadcast %mul3A_835 : i32 to vector<16xi32>
    %mul3A_837 = arith.muli %get3A_735, %mul3A_836 : vector<16xi32>
    %add3A_838 = arith.constant 6 : i32
    %add3A_839 = vector.broadcast %add3A_838 : i32 to vector<16xi32>
    %add3A_840 = arith.addi %mul3A_837, %add3A_839 : vector<16xi32>
    tpu.vector_store_idx %arg27[%add3A_834], %add3A_840 : memref<1024xi32, #tpu.memory_space<vmem>>[vector<16xi32>], vector<16xi32>,
    %add3A_841 = arith.constant 96 : i32
    %add3A_842 = vector.broadcast %add3A_841 : i32 to vector<16xi32>
    %add3A_843 = arith.addi %add3A_842, %iota3A : vector<16xi32>
    %mul3A_844 = arith.constant 8 : i32
    %mul3A_845 = vector.broadcast %mul3A_844 : i32 to vector<16xi32>
    %mul3A_846 = arith.muli %add3A_843, %mul3A_845 : vector<16xi32>
    %add3A_847 = arith.constant 7 : i32
    %add3A_848 = vector.broadcast %add3A_847 : i32 to vector<16xi32>
    %add3A_849 = arith.addi %mul3A_846, %add3A_848 : vector<16xi32>
    %mul3A_850 = arith.constant 8 : i32
    %mul3A_851 = vector.broadcast %mul3A_850 : i32 to vector<16xi32>
    %mul3A_852 = arith.muli %get3A_735, %mul3A_851 : vector<16xi32>
    %add3A_853 = arith.constant 7 : i32
    %add3A_854 = vector.broadcast %add3A_853 : i32 to vector<16xi32>
    %add3A_855 = arith.addi %mul3A_852, %add3A_854 : vector<16xi32>
    tpu.vector_store_idx %arg27[%add3A_849], %add3A_855 : memref<1024xi32, #tpu.memory_space<vmem>>[vector<16xi32>], vector<16xi32>,
    %get3A_856 = arith.constant 112 : index
    %get3A_857 = tpu.vector_load %arg26[%get3A_856] {strides = array<i32>} : memref<128xi32, #tpu.memory_space<vmem>>, vector<16xi32>,
    %add3A_858 = arith.constant 112 : i32
    %add3A_859 = vector.broadcast %add3A_858 : i32 to vector<16xi32>
    %add3A_860 = arith.addi %add3A_859, %iota3A : vector<16xi32>
    %mul3A_861 = arith.constant 8 : i32
    %mul3A_862 = vector.broadcast %mul3A_861 : i32 to vector<16xi32>
    %mul3A_863 = arith.muli %add3A_860, %mul3A_862 : vector<16xi32>
    %add3A_864 = arith.constant 0 : i32
    %add3A_865 = vector.broadcast %add3A_864 : i32 to vector<16xi32>
    %add3A_866 = arith.addi %mul3A_863, %add3A_865 : vector<16xi32>
    %mul3A_867 = arith.constant 8 : i32
    %mul3A_868 = vector.broadcast %mul3A_867 : i32 to vector<16xi32>
    %mul3A_869 = arith.muli %get3A_857, %mul3A_868 : vector<16xi32>
    %add3A_870 = arith.constant 0 : i32
    %add3A_871 = vector.broadcast %add3A_870 : i32 to vector<16xi32>
    %add3A_872 = arith.addi %mul3A_869, %add3A_871 : vector<16xi32>
    tpu.vector_store_idx %arg27[%add3A_866], %add3A_872 : memref<1024xi32, #tpu.memory_space<vmem>>[vector<16xi32>], vector<16xi32>,
    %add3A_873 = arith.constant 112 : i32
    %add3A_874 = vector.broadcast %add3A_873 : i32 to vector<16xi32>
    %add3A_875 = arith.addi %add3A_874, %iota3A : vector<16xi32>
    %mul3A_876 = arith.constant 8 : i32
    %mul3A_877 = vector.broadcast %mul3A_876 : i32 to vector<16xi32>
    %mul3A_878 = arith.muli %add3A_875, %mul3A_877 : vector<16xi32>
    %add3A_879 = arith.constant 1 : i32
    %add3A_880 = vector.broadcast %add3A_879 : i32 to vector<16xi32>
    %add3A_881 = arith.addi %mul3A_878, %add3A_880 : vector<16xi32>
    %mul3A_882 = arith.constant 8 : i32
    %mul3A_883 = vector.broadcast %mul3A_882 : i32 to vector<16xi32>
    %mul3A_884 = arith.muli %get3A_857, %mul3A_883 : vector<16xi32>
    %add3A_885 = arith.constant 1 : i32
    %add3A_886 = vector.broadcast %add3A_885 : i32 to vector<16xi32>
    %add3A_887 = arith.addi %mul3A_884, %add3A_886 : vector<16xi32>
    tpu.vector_store_idx %arg27[%add3A_881], %add3A_887 : memref<1024xi32, #tpu.memory_space<vmem>>[vector<16xi32>], vector<16xi32>,
    %add3A_888 = arith.constant 112 : i32
    %add3A_889 = vector.broadcast %add3A_888 : i32 to vector<16xi32>
    %add3A_890 = arith.addi %add3A_889, %iota3A : vector<16xi32>
    %mul3A_891 = arith.constant 8 : i32
    %mul3A_892 = vector.broadcast %mul3A_891 : i32 to vector<16xi32>
    %mul3A_893 = arith.muli %add3A_890, %mul3A_892 : vector<16xi32>
    %add3A_894 = arith.constant 2 : i32
    %add3A_895 = vector.broadcast %add3A_894 : i32 to vector<16xi32>
    %add3A_896 = arith.addi %mul3A_893, %add3A_895 : vector<16xi32>
    %mul3A_897 = arith.constant 8 : i32
    %mul3A_898 = vector.broadcast %mul3A_897 : i32 to vector<16xi32>
    %mul3A_899 = arith.muli %get3A_857, %mul3A_898 : vector<16xi32>
    %add3A_900 = arith.constant 2 : i32
    %add3A_901 = vector.broadcast %add3A_900 : i32 to vector<16xi32>
    %add3A_902 = arith.addi %mul3A_899, %add3A_901 : vector<16xi32>
    tpu.vector_store_idx %arg27[%add3A_896], %add3A_902 : memref<1024xi32, #tpu.memory_space<vmem>>[vector<16xi32>], vector<16xi32>,
    %add3A_903 = arith.constant 112 : i32
    %add3A_904 = vector.broadcast %add3A_903 : i32 to vector<16xi32>
    %add3A_905 = arith.addi %add3A_904, %iota3A : vector<16xi32>
    %mul3A_906 = arith.constant 8 : i32
    %mul3A_907 = vector.broadcast %mul3A_906 : i32 to vector<16xi32>
    %mul3A_908 = arith.muli %add3A_905, %mul3A_907 : vector<16xi32>
    %add3A_909 = arith.constant 3 : i32
    %add3A_910 = vector.broadcast %add3A_909 : i32 to vector<16xi32>
    %add3A_911 = arith.addi %mul3A_908, %add3A_910 : vector<16xi32>
    %mul3A_912 = arith.constant 8 : i32
    %mul3A_913 = vector.broadcast %mul3A_912 : i32 to vector<16xi32>
    %mul3A_914 = arith.muli %get3A_857, %mul3A_913 : vector<16xi32>
    %add3A_915 = arith.constant 3 : i32
    %add3A_916 = vector.broadcast %add3A_915 : i32 to vector<16xi32>
    %add3A_917 = arith.addi %mul3A_914, %add3A_916 : vector<16xi32>
    tpu.vector_store_idx %arg27[%add3A_911], %add3A_917 : memref<1024xi32, #tpu.memory_space<vmem>>[vector<16xi32>], vector<16xi32>,
    %add3A_918 = arith.constant 112 : i32
    %add3A_919 = vector.broadcast %add3A_918 : i32 to vector<16xi32>
    %add3A_920 = arith.addi %add3A_919, %iota3A : vector<16xi32>
    %mul3A_921 = arith.constant 8 : i32
    %mul3A_922 = vector.broadcast %mul3A_921 : i32 to vector<16xi32>
    %mul3A_923 = arith.muli %add3A_920, %mul3A_922 : vector<16xi32>
    %add3A_924 = arith.constant 4 : i32
    %add3A_925 = vector.broadcast %add3A_924 : i32 to vector<16xi32>
    %add3A_926 = arith.addi %mul3A_923, %add3A_925 : vector<16xi32>
    %mul3A_927 = arith.constant 8 : i32
    %mul3A_928 = vector.broadcast %mul3A_927 : i32 to vector<16xi32>
    %mul3A_929 = arith.muli %get3A_857, %mul3A_928 : vector<16xi32>
    %add3A_930 = arith.constant 4 : i32
    %add3A_931 = vector.broadcast %add3A_930 : i32 to vector<16xi32>
    %add3A_932 = arith.addi %mul3A_929, %add3A_931 : vector<16xi32>
    tpu.vector_store_idx %arg27[%add3A_926], %add3A_932 : memref<1024xi32, #tpu.memory_space<vmem>>[vector<16xi32>], vector<16xi32>,
    %add3A_933 = arith.constant 112 : i32
    %add3A_934 = vector.broadcast %add3A_933 : i32 to vector<16xi32>
    %add3A_935 = arith.addi %add3A_934, %iota3A : vector<16xi32>
    %mul3A_936 = arith.constant 8 : i32
    %mul3A_937 = vector.broadcast %mul3A_936 : i32 to vector<16xi32>
    %mul3A_938 = arith.muli %add3A_935, %mul3A_937 : vector<16xi32>
    %add3A_939 = arith.constant 5 : i32
    %add3A_940 = vector.broadcast %add3A_939 : i32 to vector<16xi32>
    %add3A_941 = arith.addi %mul3A_938, %add3A_940 : vector<16xi32>
    %mul3A_942 = arith.constant 8 : i32
    %mul3A_943 = vector.broadcast %mul3A_942 : i32 to vector<16xi32>
    %mul3A_944 = arith.muli %get3A_857, %mul3A_943 : vector<16xi32>
    %add3A_945 = arith.constant 5 : i32
    %add3A_946 = vector.broadcast %add3A_945 : i32 to vector<16xi32>
    %add3A_947 = arith.addi %mul3A_944, %add3A_946 : vector<16xi32>
    tpu.vector_store_idx %arg27[%add3A_941], %add3A_947 : memref<1024xi32, #tpu.memory_space<vmem>>[vector<16xi32>], vector<16xi32>,
    %add3A_948 = arith.constant 112 : i32
    %add3A_949 = vector.broadcast %add3A_948 : i32 to vector<16xi32>
    %add3A_950 = arith.addi %add3A_949, %iota3A : vector<16xi32>
    %mul3A_951 = arith.constant 8 : i32
    %mul3A_952 = vector.broadcast %mul3A_951 : i32 to vector<16xi32>
    %mul3A_953 = arith.muli %add3A_950, %mul3A_952 : vector<16xi32>
    %add3A_954 = arith.constant 6 : i32
    %add3A_955 = vector.broadcast %add3A_954 : i32 to vector<16xi32>
    %add3A_956 = arith.addi %mul3A_953, %add3A_955 : vector<16xi32>
    %mul3A_957 = arith.constant 8 : i32
    %mul3A_958 = vector.broadcast %mul3A_957 : i32 to vector<16xi32>
    %mul3A_959 = arith.muli %get3A_857, %mul3A_958 : vector<16xi32>
    %add3A_960 = arith.constant 6 : i32
    %add3A_961 = vector.broadcast %add3A_960 : i32 to vector<16xi32>
    %add3A_962 = arith.addi %mul3A_959, %add3A_961 : vector<16xi32>
    tpu.vector_store_idx %arg27[%add3A_956], %add3A_962 : memref<1024xi32, #tpu.memory_space<vmem>>[vector<16xi32>], vector<16xi32>,
    %add3A_963 = arith.constant 112 : i32
    %add3A_964 = vector.broadcast %add3A_963 : i32 to vector<16xi32>
    %add3A_965 = arith.addi %add3A_964, %iota3A : vector<16xi32>
    %mul3A_966 = arith.constant 8 : i32
    %mul3A_967 = vector.broadcast %mul3A_966 : i32 to vector<16xi32>
    %mul3A_968 = arith.muli %add3A_965, %mul3A_967 : vector<16xi32>
    %add3A_969 = arith.constant 7 : i32
    %add3A_970 = vector.broadcast %add3A_969 : i32 to vector<16xi32>
    %add3A_971 = arith.addi %mul3A_968, %add3A_970 : vector<16xi32>
    %mul3A_972 = arith.constant 8 : i32
    %mul3A_973 = vector.broadcast %mul3A_972 : i32 to vector<16xi32>
    %mul3A_974 = arith.muli %get3A_857, %mul3A_973 : vector<16xi32>
    %add3A_975 = arith.constant 7 : i32
    %add3A_976 = vector.broadcast %add3A_975 : i32 to vector<16xi32>
    %add3A_977 = arith.addi %mul3A_974, %add3A_976 : vector<16xi32>
    tpu.vector_store_idx %arg27[%add3A_971], %add3A_977 : memref<1024xi32, #tpu.memory_space<vmem>>[vector<16xi32>], vector<16xi32>,
    %dma_start3A = arith.constant 0 : i32
    %dma_start3A_978 = arith.constant 0 : i32
    %dma_start3A_979 = tpu.memref_slice %arg2[%dma_start3A, %dma_start3A_978] : memref<400000x8xf32, #tpu.memory_space<hbm>> -> memref<400000x8xf32, #tpu.memory_space<hbm>>
    tpu.enqueue_indirect_dma source(%dma_start3A_979 : memref<400000x8xf32, #tpu.memory_space<hbm>>) target(%arg28 : memref<1024x8xf32, #tpu.memory_space<vmem>>) offsets(%arg27 : memref<1024xi32, #tpu.memory_space<vmem>>) semaphore(%arg34 : memref<!tpu.dma_semaphore, #tpu.memory_space<semaphore_mem>>)
    %mul3A_980 = arith.constant 32768 : i32
    %mul3A_981 = arith.muli %add3A, %mul3A_980 : i32
    %multiple_of3A_982 = tpu.assume_multiple %mul3A_981, 32768 : i32
    %add3A_983 = arith.constant 0 : i32
    %add3A_984 = arith.addi %multiple_of3A_982, %add3A_983 : i32
    %min3A = arith.constant 997952 : i32
    %min3A_985 = arith.minsi %add3A_984, %min3A : i32
    %multiple_of3A_986 = tpu.assume_multiple %min3A_985, 8 : i32
    %dma_start3A_987 = tpu.memref_slice %arg4[%multiple_of3A_986] : memref<1000000xi32, #tpu.memory_space<hbm>> -> memref<2048xi32, #tpu.memory_space<hbm>>
    %dma_start3A_988 = tpu.memref_slice %arg4[%multiple_of3A_986] : memref<1000000xi32, #tpu.memory_space<hbm>> -> memref<2048xi32, #tpu.memory_space<hbm>>
    tpu.enqueue_dma source(%dma_start3A_988 : memref<2048xi32, #tpu.memory_space<hbm>>) target(%arg8 : memref<2048xi32, #tpu.memory_space<vmem>>) target_semaphore(%arg30 : memref<!tpu.dma_semaphore, #tpu.memory_space<semaphore_mem>>)
    %dma_start3A_989 = tpu.memref_slice %arg5[%multiple_of3A_986] : memref<1000000xi32, #tpu.memory_space<hbm>> -> memref<2048xi32, #tpu.memory_space<hbm>>
    %dma_start3A_990 = tpu.memref_slice %arg5[%multiple_of3A_986] : memref<1000000xi32, #tpu.memory_space<hbm>> -> memref<2048xi32, #tpu.memory_space<hbm>>
    tpu.enqueue_dma source(%dma_start3A_990 : memref<2048xi32, #tpu.memory_space<hbm>>) target(%arg10 : memref<2048xi32, #tpu.memory_space<vmem>>) target_semaphore(%arg30 : memref<!tpu.dma_semaphore, #tpu.memory_space<semaphore_mem>>)
    %dma_start3A_991 = tpu.memref_slice %arg3[%multiple_of3A_986] : memref<1000000xf32, #tpu.memory_space<hbm>> -> memref<2048xf32, #tpu.memory_space<hbm>>
    %dma_start3A_992 = tpu.memref_slice %arg3[%multiple_of3A_986] : memref<1000000xf32, #tpu.memory_space<hbm>> -> memref<2048xf32, #tpu.memory_space<hbm>>
    tpu.enqueue_dma source(%dma_start3A_992 : memref<2048xf32, #tpu.memory_space<hbm>>) target(%arg12 : memref<2048xf32, #tpu.memory_space<vmem>>) target_semaphore(%arg30 : memref<!tpu.dma_semaphore, #tpu.memory_space<semaphore_mem>>)
    %add3A_993 = arith.constant 2048 : i32
    %add3A_994 = arith.addi %multiple_of3A_982, %add3A_993 : i32
    %min3A_995 = arith.constant 997952 : i32
    %min3A_996 = arith.minsi %add3A_994, %min3A_995 : i32
    %multiple_of3A_997 = tpu.assume_multiple %min3A_996, 8 : i32
    %dma_start3A_998 = tpu.memref_slice %arg4[%multiple_of3A_997] : memref<1000000xi32, #tpu.memory_space<hbm>> -> memref<2048xi32, #tpu.memory_space<hbm>>
    %dma_start3A_999 = tpu.memref_slice %arg4[%multiple_of3A_997] : memref<1000000xi32, #tpu.memory_space<hbm>> -> memref<2048xi32, #tpu.memory_space<hbm>>
    tpu.enqueue_dma source(%dma_start3A_999 : memref<2048xi32, #tpu.memory_space<hbm>>) target(%arg9 : memref<2048xi32, #tpu.memory_space<vmem>>) target_semaphore(%arg31 : memref<!tpu.dma_semaphore, #tpu.memory_space<semaphore_mem>>)
    %dma_start3A_1000 = tpu.memref_slice %arg5[%multiple_of3A_997] : memref<1000000xi32, #tpu.memory_space<hbm>> -> memref<2048xi32, #tpu.memory_space<hbm>>
    %dma_start3A_1001 = tpu.memref_slice %arg5[%multiple_of3A_997] : memref<1000000xi32, #tpu.memory_space<hbm>> -> memref<2048xi32, #tpu.memory_space<hbm>>
    tpu.enqueue_dma source(%dma_start3A_1001 : memref<2048xi32, #tpu.memory_space<hbm>>) target(%arg11 : memref<2048xi32, #tpu.memory_space<vmem>>) target_semaphore(%arg31 : memref<!tpu.dma_semaphore, #tpu.memory_space<semaphore_mem>>)
    %dma_start3A_1002 = tpu.memref_slice %arg3[%multiple_of3A_997] : memref<1000000xf32, #tpu.memory_space<hbm>> -> memref<2048xf32, #tpu.memory_space<hbm>>
    %dma_start3A_1003 = tpu.memref_slice %arg3[%multiple_of3A_997] : memref<1000000xf32, #tpu.memory_space<hbm>> -> memref<2048xf32, #tpu.memory_space<hbm>>
    tpu.enqueue_dma source(%dma_start3A_1003 : memref<2048xf32, #tpu.memory_space<hbm>>) target(%arg13 : memref<2048xf32, #tpu.memory_space<vmem>>) target_semaphore(%arg31 : memref<!tpu.dma_semaphore, #tpu.memory_space<semaphore_mem>>)
    %dma_wait3A = arith.constant 0 : i32
    %dma_wait3A_1004 = tpu.memref_slice %arg4[%dma_wait3A] : memref<1000000xi32, #tpu.memory_space<hbm>> -> memref<2048xi32, #tpu.memory_space<hbm>>
    %dma_wait3A_1005 = arith.constant 0 : i32
    %dma_wait3A_1006 = tpu.memref_slice %arg4[%dma_wait3A_1005] : memref<1000000xi32, #tpu.memory_space<hbm>> -> memref<2048xi32, #tpu.memory_space<hbm>>
    tpu.wait_dma2 semaphore(%arg30 : memref<!tpu.dma_semaphore, #tpu.memory_space<semaphore_mem>>) src(%dma_wait3A_1006 : memref<2048xi32, #tpu.memory_space<hbm>>) dst(%arg8 : memref<2048xi32, #tpu.memory_space<vmem>>)
    %dma_wait3A_1007 = arith.constant 0 : i32
    %dma_wait3A_1008 = tpu.memref_slice %arg5[%dma_wait3A_1007] : memref<1000000xi32, #tpu.memory_space<hbm>> -> memref<2048xi32, #tpu.memory_space<hbm>>
    %dma_wait3A_1009 = arith.constant 0 : i32
    %dma_wait3A_1010 = tpu.memref_slice %arg5[%dma_wait3A_1009] : memref<1000000xi32, #tpu.memory_space<hbm>> -> memref<2048xi32, #tpu.memory_space<hbm>>
    tpu.wait_dma2 semaphore(%arg30 : memref<!tpu.dma_semaphore, #tpu.memory_space<semaphore_mem>>) src(%dma_wait3A_1010 : memref<2048xi32, #tpu.memory_space<hbm>>) dst(%arg10 : memref<2048xi32, #tpu.memory_space<vmem>>)
    %dma_wait3A_1011 = arith.constant 0 : i32
    %dma_wait3A_1012 = tpu.memref_slice %arg3[%dma_wait3A_1011] : memref<1000000xf32, #tpu.memory_space<hbm>> -> memref<2048xf32, #tpu.memory_space<hbm>>
    %dma_wait3A_1013 = arith.constant 0 : i32
    %dma_wait3A_1014 = tpu.memref_slice %arg3[%dma_wait3A_1013] : memref<1000000xf32, #tpu.memory_space<hbm>> -> memref<2048xf32, #tpu.memory_space<hbm>>
    tpu.wait_dma2 semaphore(%arg30 : memref<!tpu.dma_semaphore, #tpu.memory_space<semaphore_mem>>) src(%dma_wait3A_1014 : memref<2048xf32, #tpu.memory_space<hbm>>) dst(%arg12 : memref<2048xf32, #tpu.memory_space<vmem>>)
    %scan3A = arith.constant 6.2500062 : f32
    %scan3A_1015 = arith.constant 0 : i32
    %scan3A_1016 = arith.constant 0 : i32
    %scan3A_1017 = arith.constant 128 : i32
    %scan3A_1018 = arith.addi %scan3A_1016, %scan3A_1017 : i32
    %scan3A_1019 = arith.constant 1 : i32
    %scan3A_1020 = scf.for %scan3A_1166 = %scan3A_1016 to %scan3A_1018 step %scan3A_1019 iter_args(%scan3A_1167 = %scan3A_1015) -> (i32)  : i32 {
      %mul3A_1168 = arith.constant 16 : i32
      %mul3A_1169 = arith.muli %scan3A_1166, %mul3A_1168 : i32
      %get3A_1170 = arith.index_cast %mul3A_1169 : i32 to index
      %get3A_1171 = tpu.vector_load %arg8[%get3A_1170] {strides = array<i32>} : memref<2048xi32, #tpu.memory_space<vmem>>, vector<16xi32>,
      %mul3A_1172 = arith.constant 16 : i32
      %mul3A_1173 = arith.muli %scan3A_1166, %mul3A_1172 : i32
      %get3A_1174 = arith.index_cast %mul3A_1173 : i32 to index
      %get3A_1175 = tpu.vector_load %arg10[%get3A_1174] {strides = array<i32>} : memref<2048xi32, #tpu.memory_space<vmem>>, vector<16xi32>,
      %mul3A_1176 = arith.constant 16 : i32
      %mul3A_1177 = arith.muli %scan3A_1166, %mul3A_1176 : i32
      %get3A_1178 = arith.index_cast %mul3A_1177 : i32 to index
      %get3A_1179 = tpu.vector_load %arg12[%get3A_1178] {strides = array<i32>} : memref<2048xf32, #tpu.memory_space<vmem>>, vector<16xf32>,
      %div3A = vector.broadcast %scan3A : f32 to vector<16xf32>
      %div3A_1180 = arith.divf %get3A_1179, %div3A : vector<16xf32>
      %convert_element_type3A = arith.fptosi %div3A_1180 : vector<16xf32> to vector<16xi32>
      %convert_element_type3A_1181 = arith.sitofp %convert_element_type3A : vector<16xi32> to vector<16xf32>
      %sub3A = arith.subf %div3A_1180, %convert_element_type3A_1181 : vector<16xf32>
      %shift_right_logical3A = arith.constant 1 : i32
      %shift_right_logical3A_1182 = vector.broadcast %shift_right_logical3A : i32 to vector<16xi32>
      %shift_right_logical3A_1183 = arith.shrui %convert_element_type3A, %shift_right_logical3A_1182 : vector<16xi32>
      %mul3A_1184 = arith.constant 8 : i32
      %mul3A_1185 = vector.broadcast %mul3A_1184 : i32 to vector<16xi32>
      %mul3A_1186 = arith.muli %get3A_1171, %mul3A_1185 : vector<16xi32>
      %add3A_1187 = arith.addi %mul3A_1186, %shift_right_logical3A_1183 : vector<16xi32>
      %mul3A_1188 = arith.constant 16 : i32
      %mul3A_1189 = arith.muli %scan3A_1166, %mul3A_1188 : i32
      %swap3A_1190 = arith.index_cast %mul3A_1189 : i32 to index
      %swap3A_1191 = tpu.vector_load %arg16[%swap3A_1190] {strides = array<i32>} : memref<2048xi32, #tpu.memory_space<vmem>>, vector<16xi32>,
      tpu.vector_store %arg16[%swap3A_1190], %add3A_1187 {strides = array<i32>} : memref<2048xi32, #tpu.memory_space<vmem>>, vector<16xi32>,
      %mul3A_1192 = arith.constant 8 : i32
      %mul3A_1193 = vector.broadcast %mul3A_1192 : i32 to vector<16xi32>
      %mul3A_1194 = arith.muli %get3A_1175, %mul3A_1193 : vector<16xi32>
      %add3A_1195 = arith.addi %mul3A_1194, %shift_right_logical3A_1183 : vector<16xi32>
      %mul3A_1196 = arith.constant 16 : i32
      %mul3A_1197 = arith.muli %scan3A_1166, %mul3A_1196 : i32
      %swap3A_1198 = arith.index_cast %mul3A_1197 : i32 to index
      %swap3A_1199 = tpu.vector_load %arg18[%swap3A_1198] {strides = array<i32>} : memref<2048xi32, #tpu.memory_space<vmem>>, vector<16xi32>,
      tpu.vector_store %arg18[%swap3A_1198], %add3A_1195 {strides = array<i32>} : memref<2048xi32, #tpu.memory_space<vmem>>, vector<16xi32>,
      %and3A = arith.constant 1 : i32
      %and3A_1200 = vector.broadcast %and3A : i32 to vector<16xi32>
      %and3A_1201 = arith.andi %convert_element_type3A, %and3A_1200 : vector<16xi32>
      %shift_left3A = arith.constant 1 : i32
      %shift_left3A_1202 = vector.broadcast %shift_left3A : i32 to vector<16xi32>
      %shift_left3A_1203 = arith.shli %and3A_1201, %shift_left3A_1202 : vector<16xi32>
      %mul3A_1204 = arith.constant 16 : i32
      %mul3A_1205 = arith.muli %scan3A_1166, %mul3A_1204 : i32
      %swap3A_1206 = arith.index_cast %mul3A_1205 : i32 to index
      %swap3A_1207 = tpu.vector_load %arg20[%swap3A_1206] {strides = array<i32>} : memref<2048xi32, #tpu.memory_space<vmem>>, vector<16xi32>,
      tpu.vector_store %arg20[%swap3A_1206], %shift_left3A_1203 {strides = array<i32>} : memref<2048xi32, #tpu.memory_space<vmem>>, vector<16xi32>,
      %mul3A_1208 = arith.constant 16 : i32
      %mul3A_1209 = arith.muli %scan3A_1166, %mul3A_1208 : i32
      %swap3A_1210 = arith.index_cast %mul3A_1209 : i32 to index
      %swap3A_1211 = tpu.vector_load %arg14[%swap3A_1210] {strides = array<i32>} : memref<2048xf32, #tpu.memory_space<vmem>>, vector<16xf32>,
      tpu.vector_store %arg14[%swap3A_1210], %sub3A {strides = array<i32>} : memref<2048xf32, #tpu.memory_space<vmem>>, vector<16xf32>,
      %scan3A_1212 = arith.constant 0 : i32
      scf.yield %scan3A_1212 : i32
    }
    %scan3A_1021 = arith.constant 128 : i32
    %dma_start3A_1022 = arith.constant 0 : i32
    %dma_start3A_1023 = arith.constant 0 : i32
    %dma_start3A_1024 = tpu.memref_slice %arg2[%dma_start3A_1022, %dma_start3A_1023] : memref<400000x8xf32, #tpu.memory_space<hbm>> -> memref<400000x8xf32, #tpu.memory_space<hbm>>
    tpu.enqueue_indirect_dma source(%dma_start3A_1024 : memref<400000x8xf32, #tpu.memory_space<hbm>>) target(%arg22 : memref<2048x8xf32, #tpu.memory_space<vmem>>) offsets(%arg16 : memref<2048xi32, #tpu.memory_space<vmem>>) semaphore(%arg32 : memref<!tpu.dma_semaphore, #tpu.memory_space<semaphore_mem>>)
    %dma_start3A_1025 = arith.constant 0 : i32
    %dma_start3A_1026 = arith.constant 0 : i32
    %dma_start3A_1027 = tpu.memref_slice %arg2[%dma_start3A_1025, %dma_start3A_1026] : memref<400000x8xf32, #tpu.memory_space<hbm>> -> memref<400000x8xf32, #tpu.memory_space<hbm>>
    tpu.enqueue_indirect_dma source(%dma_start3A_1027 : memref<400000x8xf32, #tpu.memory_space<hbm>>) target(%arg24 : memref<2048x8xf32, #tpu.memory_space<vmem>>) offsets(%arg18 : memref<2048xi32, #tpu.memory_space<vmem>>) semaphore(%arg32 : memref<!tpu.dma_semaphore, #tpu.memory_space<semaphore_mem>>)
    %dma_wait3A_1028 = arith.constant 0 : i32
    %dma_wait3A_1029 = tpu.memref_slice %arg4[%dma_wait3A_1028] : memref<1000000xi32, #tpu.memory_space<hbm>> -> memref<2048xi32, #tpu.memory_space<hbm>>
    %dma_wait3A_1030 = arith.constant 0 : i32
    %dma_wait3A_1031 = tpu.memref_slice %arg4[%dma_wait3A_1030] : memref<1000000xi32, #tpu.memory_space<hbm>> -> memref<2048xi32, #tpu.memory_space<hbm>>
    tpu.wait_dma2 semaphore(%arg31 : memref<!tpu.dma_semaphore, #tpu.memory_space<semaphore_mem>>) src(%dma_wait3A_1031 : memref<2048xi32, #tpu.memory_space<hbm>>) dst(%arg9 : memref<2048xi32, #tpu.memory_space<vmem>>)
    %dma_wait3A_1032 = arith.constant 0 : i32
    %dma_wait3A_1033 = tpu.memref_slice %arg5[%dma_wait3A_1032] : memref<1000000xi32, #tpu.memory_space<hbm>> -> memref<2048xi32, #tpu.memory_space<hbm>>
    %dma_wait3A_1034 = arith.constant 0 : i32
    %dma_wait3A_1035 = tpu.memref_slice %arg5[%dma_wait3A_1034] : memref<1000000xi32, #tpu.memory_space<hbm>> -> memref<2048xi32, #tpu.memory_space<hbm>>
    tpu.wait_dma2 semaphore(%arg31 : memref<!tpu.dma_semaphore, #tpu.memory_space<semaphore_mem>>) src(%dma_wait3A_1035 : memref<2048xi32, #tpu.memory_space<hbm>>) dst(%arg11 : memref<2048xi32, #tpu.memory_space<vmem>>)
    %dma_wait3A_1036 = arith.constant 0 : i32
    %dma_wait3A_1037 = tpu.memref_slice %arg3[%dma_wait3A_1036] : memref<1000000xf32, #tpu.memory_space<hbm>> -> memref<2048xf32, #tpu.memory_space<hbm>>
    %dma_wait3A_1038 = arith.constant 0 : i32
    %dma_wait3A_1039 = tpu.memref_slice %arg3[%dma_wait3A_1038] : memref<1000000xf32, #tpu.memory_space<hbm>> -> memref<2048xf32, #tpu.memory_space<hbm>>
    tpu.wait_dma2 semaphore(%arg31 : memref<!tpu.dma_semaphore, #tpu.memory_space<semaphore_mem>>) src(%dma_wait3A_1039 : memref<2048xf32, #tpu.memory_space<hbm>>) dst(%arg13 : memref<2048xf32, #tpu.memory_space<vmem>>)
    %scan3A_1040 = arith.constant 6.2500062 : f32
    %scan3A_1041 = arith.constant 0 : i32
    %scan3A_1042 = arith.constant 0 : i32
    %scan3A_1043 = arith.constant 128 : i32
    %scan3A_1044 = arith.addi %scan3A_1042, %scan3A_1043 : i32
    %scan3A_1045 = arith.constant 1 : i32
    %scan3A_1046 = scf.for %scan3A_1166 = %scan3A_1042 to %scan3A_1044 step %scan3A_1045 iter_args(%scan3A_1167 = %scan3A_1041) -> (i32)  : i32 {
      %mul3A_1168 = arith.constant 16 : i32
      %mul3A_1169 = arith.muli %scan3A_1166, %mul3A_1168 : i32
      %get3A_1170 = arith.index_cast %mul3A_1169 : i32 to index
      %get3A_1171 = tpu.vector_load %arg9[%get3A_1170] {strides = array<i32>} : memref<2048xi32, #tpu.memory_space<vmem>>, vector<16xi32>,
      %mul3A_1172 = arith.constant 16 : i32
      %mul3A_1173 = arith.muli %scan3A_1166, %mul3A_1172 : i32
      %get3A_1174 = arith.index_cast %mul3A_1173 : i32 to index
      %get3A_1175 = tpu.vector_load %arg11[%get3A_1174] {strides = array<i32>} : memref<2048xi32, #tpu.memory_space<vmem>>, vector<16xi32>,
      %mul3A_1176 = arith.constant 16 : i32
      %mul3A_1177 = arith.muli %scan3A_1166, %mul3A_1176 : i32
      %get3A_1178 = arith.index_cast %mul3A_1177 : i32 to index
      %get3A_1179 = tpu.vector_load %arg13[%get3A_1178] {strides = array<i32>} : memref<2048xf32, #tpu.memory_space<vmem>>, vector<16xf32>,
      %div3A = vector.broadcast %scan3A_1040 : f32 to vector<16xf32>
      %div3A_1180 = arith.divf %get3A_1179, %div3A : vector<16xf32>
      %convert_element_type3A = arith.fptosi %div3A_1180 : vector<16xf32> to vector<16xi32>
      %convert_element_type3A_1181 = arith.sitofp %convert_element_type3A : vector<16xi32> to vector<16xf32>
      %sub3A = arith.subf %div3A_1180, %convert_element_type3A_1181 : vector<16xf32>
      %shift_right_logical3A = arith.constant 1 : i32
      %shift_right_logical3A_1182 = vector.broadcast %shift_right_logical3A : i32 to vector<16xi32>
      %shift_right_logical3A_1183 = arith.shrui %convert_element_type3A, %shift_right_logical3A_1182 : vector<16xi32>
      %mul3A_1184 = arith.constant 8 : i32
      %mul3A_1185 = vector.broadcast %mul3A_1184 : i32 to vector<16xi32>
      %mul3A_1186 = arith.muli %get3A_1171, %mul3A_1185 : vector<16xi32>
      %add3A_1187 = arith.addi %mul3A_1186, %shift_right_logical3A_1183 : vector<16xi32>
      %mul3A_1188 = arith.constant 16 : i32
      %mul3A_1189 = arith.muli %scan3A_1166, %mul3A_1188 : i32
      %swap3A_1190 = arith.index_cast %mul3A_1189 : i32 to index
      %swap3A_1191 = tpu.vector_load %arg17[%swap3A_1190] {strides = array<i32>} : memref<2048xi32, #tpu.memory_space<vmem>>, vector<16xi32>,
      tpu.vector_store %arg17[%swap3A_1190], %add3A_1187 {strides = array<i32>} : memref<2048xi32, #tpu.memory_space<vmem>>, vector<16xi32>,
      %mul3A_1192 = arith.constant 8 : i32
      %mul3A_1193 = vector.broadcast %mul3A_1192 : i32 to vector<16xi32>
      %mul3A_1194 = arith.muli %get3A_1175, %mul3A_1193 : vector<16xi32>
      %add3A_1195 = arith.addi %mul3A_1194, %shift_right_logical3A_1183 : vector<16xi32>
      %mul3A_1196 = arith.constant 16 : i32
      %mul3A_1197 = arith.muli %scan3A_1166, %mul3A_1196 : i32
      %swap3A_1198 = arith.index_cast %mul3A_1197 : i32 to index
      %swap3A_1199 = tpu.vector_load %arg19[%swap3A_1198] {strides = array<i32>} : memref<2048xi32, #tpu.memory_space<vmem>>, vector<16xi32>,
      tpu.vector_store %arg19[%swap3A_1198], %add3A_1195 {strides = array<i32>} : memref<2048xi32, #tpu.memory_space<vmem>>, vector<16xi32>,
      %and3A = arith.constant 1 : i32
      %and3A_1200 = vector.broadcast %and3A : i32 to vector<16xi32>
      %and3A_1201 = arith.andi %convert_element_type3A, %and3A_1200 : vector<16xi32>
      %shift_left3A = arith.constant 1 : i32
      %shift_left3A_1202 = vector.broadcast %shift_left3A : i32 to vector<16xi32>
      %shift_left3A_1203 = arith.shli %and3A_1201, %shift_left3A_1202 : vector<16xi32>
      %mul3A_1204 = arith.constant 16 : i32
      %mul3A_1205 = arith.muli %scan3A_1166, %mul3A_1204 : i32
      %swap3A_1206 = arith.index_cast %mul3A_1205 : i32 to index
      %swap3A_1207 = tpu.vector_load %arg21[%swap3A_1206] {strides = array<i32>} : memref<2048xi32, #tpu.memory_space<vmem>>, vector<16xi32>,
      tpu.vector_store %arg21[%swap3A_1206], %shift_left3A_1203 {strides = array<i32>} : memref<2048xi32, #tpu.memory_space<vmem>>, vector<16xi32>,
      %mul3A_1208 = arith.constant 16 : i32
      %mul3A_1209 = arith.muli %scan3A_1166, %mul3A_1208 : i32
      %swap3A_1210 = arith.index_cast %mul3A_1209 : i32 to index
      %swap3A_1211 = tpu.vector_load %arg15[%swap3A_1210] {strides = array<i32>} : memref<2048xf32, #tpu.memory_space<vmem>>, vector<16xf32>,
      tpu.vector_store %arg15[%swap3A_1210], %sub3A {strides = array<i32>} : memref<2048xf32, #tpu.memory_space<vmem>>, vector<16xf32>,
      %scan3A_1212 = arith.constant 0 : i32
      scf.yield %scan3A_1212 : i32
    }
    %scan3A_1047 = arith.constant 128 : i32
    %dma_start3A_1048 = arith.constant 0 : i32
    %dma_start3A_1049 = arith.constant 0 : i32
    %dma_start3A_1050 = tpu.memref_slice %arg2[%dma_start3A_1048, %dma_start3A_1049] : memref<400000x8xf32, #tpu.memory_space<hbm>> -> memref<400000x8xf32, #tpu.memory_space<hbm>>
    tpu.enqueue_indirect_dma source(%dma_start3A_1050 : memref<400000x8xf32, #tpu.memory_space<hbm>>) target(%arg23 : memref<2048x8xf32, #tpu.memory_space<vmem>>) offsets(%arg17 : memref<2048xi32, #tpu.memory_space<vmem>>) semaphore(%arg33 : memref<!tpu.dma_semaphore, #tpu.memory_space<semaphore_mem>>)
    %dma_start3A_1051 = arith.constant 0 : i32
    %dma_start3A_1052 = arith.constant 0 : i32
    %dma_start3A_1053 = tpu.memref_slice %arg2[%dma_start3A_1051, %dma_start3A_1052] : memref<400000x8xf32, #tpu.memory_space<hbm>> -> memref<400000x8xf32, #tpu.memory_space<hbm>>
    tpu.enqueue_indirect_dma source(%dma_start3A_1053 : memref<400000x8xf32, #tpu.memory_space<hbm>>) target(%arg25 : memref<2048x8xf32, #tpu.memory_space<vmem>>) offsets(%arg19 : memref<2048xi32, #tpu.memory_space<vmem>>) semaphore(%arg33 : memref<!tpu.dma_semaphore, #tpu.memory_space<semaphore_mem>>)
    %add3A_1054 = arith.constant 4096 : i32
    %add3A_1055 = arith.addi %multiple_of3A_982, %add3A_1054 : i32
    %min3A_1056 = arith.constant 997952 : i32
    %min3A_1057 = arith.minsi %add3A_1055, %min3A_1056 : i32
    %multiple_of3A_1058 = tpu.assume_multiple %min3A_1057, 8 : i32
    %dma_start3A_1059 = tpu.memref_slice %arg4[%multiple_of3A_1058] : memref<1000000xi32, #tpu.memory_space<hbm>> -> memref<2048xi32, #tpu.memory_space<hbm>>
    %dma_start3A_1060 = tpu.memref_slice %arg4[%multiple_of3A_1058] : memref<1000000xi32, #tpu.memory_space<hbm>> -> memref<2048xi32, #tpu.memory_space<hbm>>
    tpu.enqueue_dma source(%dma_start3A_1060 : memref<2048xi32, #tpu.memory_space<hbm>>) target(%arg8 : memref<2048xi32, #tpu.memory_space<vmem>>) target_semaphore(%arg30 : memref<!tpu.dma_semaphore, #tpu.memory_space<semaphore_mem>>)
    %dma_start3A_1061 = tpu.memref_slice %arg5[%multiple_of3A_1058] : memref<1000000xi32, #tpu.memory_space<hbm>> -> memref<2048xi32, #tpu.memory_space<hbm>>
    %dma_start3A_1062 = tpu.memref_slice %arg5[%multiple_of3A_1058] : memref<1000000xi32, #tpu.memory_space<hbm>> -> memref<2048xi32, #tpu.memory_space<hbm>>
    tpu.enqueue_dma source(%dma_start3A_1062 : memref<2048xi32, #tpu.memory_space<hbm>>) target(%arg10 : memref<2048xi32, #tpu.memory_space<vmem>>) target_semaphore(%arg30 : memref<!tpu.dma_semaphore, #tpu.memory_space<semaphore_mem>>)
    %dma_start3A_1063 = tpu.memref_slice %arg3[%multiple_of3A_1058] : memref<1000000xf32, #tpu.memory_space<hbm>> -> memref<2048xf32, #tpu.memory_space<hbm>>
    %dma_start3A_1064 = tpu.memref_slice %arg3[%multiple_of3A_1058] : memref<1000000xf32, #tpu.memory_space<hbm>> -> memref<2048xf32, #tpu.memory_space<hbm>>
    tpu.enqueue_dma source(%dma_start3A_1064 : memref<2048xf32, #tpu.memory_space<hbm>>) target(%arg12 : memref<2048xf32, #tpu.memory_space<vmem>>) target_semaphore(%arg30 : memref<!tpu.dma_semaphore, #tpu.memory_space<semaphore_mem>>)
    %add3A_1065 = arith.constant 6144 : i32
    %add3A_1066 = arith.addi %multiple_of3A_982, %add3A_1065 : i32
    %min3A_1067 = arith.constant 997952 : i32
    %min3A_1068 = arith.minsi %add3A_1066, %min3A_1067 : i32
    %multiple_of3A_1069 = tpu.assume_multiple %min3A_1068, 8 : i32
    %dma_start3A_1070 = tpu.memref_slice %arg4[%multiple_of3A_1069] : memref<1000000xi32, #tpu.memory_space<hbm>> -> memref<2048xi32, #tpu.memory_space<hbm>>
    %dma_start3A_1071 = tpu.memref_slice %arg4[%multiple_of3A_1069] : memref<1000000xi32, #tpu.memory_space<hbm>> -> memref<2048xi32, #tpu.memory_space<hbm>>
    tpu.enqueue_dma source(%dma_start3A_1071 : memref<2048xi32, #tpu.memory_space<hbm>>) target(%arg9 : memref<2048xi32, #tpu.memory_space<vmem>>) target_semaphore(%arg31 : memref<!tpu.dma_semaphore, #tpu.memory_space<semaphore_mem>>)
    %dma_start3A_1072 = tpu.memref_slice %arg5[%multiple_of3A_1069] : memref<1000000xi32, #tpu.memory_space<hbm>> -> memref<2048xi32, #tpu.memory_space<hbm>>
    %dma_start3A_1073 = tpu.memref_slice %arg5[%multiple_of3A_1069] : memref<1000000xi32, #tpu.memory_space<hbm>> -> memref<2048xi32, #tpu.memory_space<hbm>>
    tpu.enqueue_dma source(%dma_start3A_1073 : memref<2048xi32, #tpu.memory_space<hbm>>) target(%arg11 : memref<2048xi32, #tpu.memory_space<vmem>>) target_semaphore(%arg31 : memref<!tpu.dma_semaphore, #tpu.memory_space<semaphore_mem>>)
    %dma_start3A_1074 = tpu.memref_slice %arg3[%multiple_of3A_1069] : memref<1000000xf32, #tpu.memory_space<hbm>> -> memref<2048xf32, #tpu.memory_space<hbm>>
    %dma_start3A_1075 = tpu.memref_slice %arg3[%multiple_of3A_1069] : memref<1000000xf32, #tpu.memory_space<hbm>> -> memref<2048xf32, #tpu.memory_space<hbm>>
    tpu.enqueue_dma source(%dma_start3A_1075 : memref<2048xf32, #tpu.memory_space<hbm>>) target(%arg13 : memref<2048xf32, #tpu.memory_space<vmem>>) target_semaphore(%arg31 : memref<!tpu.dma_semaphore, #tpu.memory_space<semaphore_mem>>)
    %dma_wait3A_1076 = arith.constant 0 : i32
    %dma_wait3A_1077 = arith.constant 0 : i32
    %dma_wait3A_1078 = tpu.memref_slice %arg2[%dma_wait3A_1076, %dma_wait3A_1077] : memref<400000x8xf32, #tpu.memory_space<hbm>> -> memref<400000x8xf32, #tpu.memory_space<hbm>>
    tpu.wait_indirect_dma semaphore(%arg34 : memref<!tpu.dma_semaphore, #tpu.memory_space<semaphore_mem>>) src(%dma_wait3A_1078 : memref<400000x8xf32, #tpu.memory_space<hbm>>) dst(%arg28 : memref<1024x8xf32, #tpu.memory_space<vmem>>)
    %broadcast_in_dim3A = arith.constant 0.000000e+00 : f32
    %broadcast_in_dim3A_1079 = vector.broadcast %broadcast_in_dim3A : f32 to vector<16xf32>
    %scan3A_1080 = arith.constant 0 : i32
    %scan3A_1081 = arith.constant 17 : i32
    %scan3A_1082 = arith.addi %scan3A_1080, %scan3A_1081 : i32
    %scan3A_1083 = arith.constant 1 : i32
    %scan3A_1084:2 = scf.for %scan3A_1166 = %scan3A_1080 to %scan3A_1082 step %scan3A_1083 iter_args(%scan3A_1167 = %broadcast_in_dim3A_1079, %scan3A_1168 = %broadcast_in_dim3A_1079) -> (vector<16xf32>, vector<16xf32>)  : i32 {
      %lt3A = arith.constant 16 : i32
      %lt3A_1169 = arith.cmpi slt, %scan3A_1166, %lt3A : i32
      %shift_right_logical3A = arith.constant 1 : i32
      %shift_right_logical3A_1170 = arith.shrui %scan3A_1166, %shift_right_logical3A : i32
      %min3A_1171 = arith.constant 7 : i32
      %min3A_1172 = arith.minsi %shift_right_logical3A_1170, %min3A_1171 : i32
      %mul3A_1173 = arith.constant 2 : i32
      %mul3A_1174 = arith.muli %mul3A_1173, %min3A_1172 : i32
      %sub3A = arith.subi %scan3A_1166, %mul3A_1174 : i32
      %mul3A_1175 = arith.constant 2 : i32
      %mul3A_1176 = arith.muli %mul3A_1175, %sub3A : i32
      %add3A_1177 = arith.constant 1 : i32
      %add3A_1178 = arith.addi %scan3A_1166, %add3A_1177 : i32
      %shift_right_logical3A_1179 = arith.constant 1 : i32
      %shift_right_logical3A_1180 = arith.shrui %add3A_1178, %shift_right_logical3A_1179 : i32
      %min3A_1181 = arith.constant 7 : i32
      %min3A_1182 = arith.minsi %shift_right_logical3A_1180, %min3A_1181 : i32
      %add3A_1183 = arith.constant 1 : i32
      %add3A_1184 = arith.addi %scan3A_1166, %add3A_1183 : i32
      %mul3A_1185 = arith.constant 2 : i32
      %mul3A_1186 = arith.muli %mul3A_1185, %min3A_1182 : i32
      %sub3A_1187 = arith.subi %add3A_1184, %mul3A_1186 : i32
      %mul3A_1188 = arith.constant 2 : i32
      %mul3A_1189 = arith.muli %mul3A_1188, %sub3A_1187 : i32
      %broadcast_in_dim3A_1190 = arith.constant 0 : i32
      %broadcast_in_dim3A_1191 = vector.broadcast %broadcast_in_dim3A_1190 : i32 to vector<16xi32>
      %add3A_1192 = vector.broadcast %mul3A_1176 : i32 to vector<16xi32>
      %add3A_1193 = arith.addi %broadcast_in_dim3A_1191, %add3A_1192 : vector<16xi32>
      %broadcast_in_dim3A_1194 = arith.constant 0 : i32
      %broadcast_in_dim3A_1195 = vector.broadcast %broadcast_in_dim3A_1194 : i32 to vector<16xi32>
      %add3A_1196 = vector.broadcast %mul3A_1189 : i32 to vector<16xi32>
      %add3A_1197 = arith.addi %broadcast_in_dim3A_1195, %add3A_1196 : vector<16xi32>
      %broadcast_in_dim3A_1198 = arith.constant 0.000000e+00 : f32
      %broadcast_in_dim3A_1199 = vector.broadcast %broadcast_in_dim3A_1198 : f32 to vector<16xf32>
      %scan3A_1200 = arith.constant 0 : i32
      %scan3A_1201 = arith.constant 8 : i32
      %scan3A_1202 = arith.addi %scan3A_1200, %scan3A_1201 : i32
      %scan3A_1203 = arith.constant 1 : i32
      %scan3A_1204:6 = scf.for %scan3A_1239 = %scan3A_1200 to %scan3A_1202 step %scan3A_1203 iter_args(%scan3A_1240 = %broadcast_in_dim3A_1199, %scan3A_1241 = %broadcast_in_dim3A_1199, %scan3A_1242 = %broadcast_in_dim3A_1199, %scan3A_1243 = %broadcast_in_dim3A_1199, %scan3A_1244 = %broadcast_in_dim3A_1199, %scan3A_1245 = %broadcast_in_dim3A_1199) -> (vector<16xf32>, vector<16xf32>, vector<16xf32>, vector<16xf32>, vector<16xf32>, vector<16xf32>)  : i32 {
        %mul3A_1246 = arith.constant 16 : i32
        %mul3A_1247 = arith.muli %scan3A_1239, %mul3A_1246 : i32
        %add3A_1248 = vector.broadcast %mul3A_1247 : i32 to vector<16xi32>
        %add3A_1249 = arith.addi %add3A_1248, %iota3A : vector<16xi32>
        %mul3A_1250 = arith.constant 8 : i32
        %mul3A_1251 = vector.broadcast %mul3A_1250 : i32 to vector<16xi32>
        %mul3A_1252 = arith.muli %add3A_1249, %mul3A_1251 : vector<16xi32>
        %add3A_1253 = vector.broadcast %min3A_1172 : i32 to vector<16xi32>
        %add3A_1254 = arith.addi %mul3A_1252, %add3A_1253 : vector<16xi32>
        %mul3A_1255 = arith.constant 8 : i32
        %mul3A_1256 = vector.broadcast %mul3A_1255 : i32 to vector<16xi32>
        %mul3A_1257 = arith.muli %add3A_1249, %mul3A_1256 : vector<16xi32>
        %add3A_1258 = vector.broadcast %min3A_1182 : i32 to vector<16xi32>
        %add3A_1259 = arith.addi %mul3A_1257, %add3A_1258 : vector<16xi32>
        %gather3A = tpu.vector_load_idx %arg28[%add3A_1254, %add3A_1193] : memref<1024x8xf32, #tpu.memory_space<vmem>>[vector<16xi32>, vector<16xi32>], vector<16xf32>,
        %add3A_1260 = arith.constant 1 : i32
        %add3A_1261 = vector.broadcast %add3A_1260 : i32 to vector<16xi32>
        %add3A_1262 = arith.addi %add3A_1193, %add3A_1261 : vector<16xi32>
        %gather3A_1263 = tpu.vector_load_idx %arg28[%add3A_1254, %add3A_1262] : memref<1024x8xf32, #tpu.memory_space<vmem>>[vector<16xi32>, vector<16xi32>], vector<16xf32>,
        %gather3A_1264 = tpu.vector_load_idx %arg28[%add3A_1259, %add3A_1197] : memref<1024x8xf32, #tpu.memory_space<vmem>>[vector<16xi32>, vector<16xi32>], vector<16xf32>,
        %add3A_1265 = arith.constant 1 : i32
        %add3A_1266 = vector.broadcast %add3A_1265 : i32 to vector<16xi32>
        %add3A_1267 = arith.addi %add3A_1197, %add3A_1266 : vector<16xi32>
        %gather3A_1268 = tpu.vector_load_idx %arg28[%add3A_1259, %add3A_1267] : memref<1024x8xf32, #tpu.memory_space<vmem>>[vector<16xi32>, vector<16xi32>], vector<16xf32>,
        %mul3A_1269 = arith.mulf %gather3A, %gather3A : vector<16xf32>
        %mul3A_1270 = arith.mulf %gather3A_1263, %gather3A_1263 : vector<16xf32>
        %add3A_1271 = arith.addf %mul3A_1269, %mul3A_1270 : vector<16xf32>
        %mul3A_1272 = arith.mulf %gather3A_1264, %gather3A_1264 : vector<16xf32>
        %mul3A_1273 = arith.mulf %gather3A_1268, %gather3A_1268 : vector<16xf32>
        %add3A_1274 = arith.addf %mul3A_1272, %mul3A_1273 : vector<16xf32>
        %mul3A_1275 = arith.mulf %gather3A, %gather3A_1264 : vector<16xf32>
        %mul3A_1276 = arith.mulf %gather3A_1263, %gather3A_1268 : vector<16xf32>
        %add3A_1277 = arith.addf %mul3A_1275, %mul3A_1276 : vector<16xf32>
        %sub3A_1278 = arith.subf %gather3A_1264, %gather3A : vector<16xf32>
        %sub3A_1279 = arith.subf %gather3A_1268, %gather3A_1263 : vector<16xf32>
        %mul3A_1280 = arith.mulf %add3A_1271, %add3A_1274 : vector<16xf32>
        %bitcast_convert_type3A = tpu.bitcast %mul3A_1280 : vector<16xf32> -> vector<16xi32>
        %shift_right_arithmetic3A = arith.constant 1 : i32
        %shift_right_arithmetic3A_1281 = vector.broadcast %shift_right_arithmetic3A : i32 to vector<16xi32>
        %shift_right_arithmetic3A_1282 = arith.shrsi %bitcast_convert_type3A, %shift_right_arithmetic3A_1281 : vector<16xi32>
        %sub3A_1283 = arith.constant 1597463007 : i32
        %sub3A_1284 = vector.broadcast %sub3A_1283 : i32 to vector<16xi32>
        %sub3A_1285 = arith.subi %sub3A_1284, %shift_right_arithmetic3A_1282 : vector<16xi32>
        %bitcast_convert_type3A_1286 = tpu.bitcast %sub3A_1285 : vector<16xi32> -> vector<16xf32>
        %mul3A_1287 = arith.constant 5.000000e-01 : f32
        %mul3A_1288 = vector.broadcast %mul3A_1287 : f32 to vector<16xf32>
        %mul3A_1289 = arith.mulf %mul3A_1288, %mul3A_1280 : vector<16xf32>
        %mul3A_1290 = arith.mulf %mul3A_1289, %bitcast_convert_type3A_1286 : vector<16xf32>
        %mul3A_1291 = arith.mulf %mul3A_1290, %bitcast_convert_type3A_1286 : vector<16xf32>
        %sub3A_1292 = arith.constant 1.500000e+00 : f32
        %sub3A_1293 = vector.broadcast %sub3A_1292 : f32 to vector<16xf32>
        %sub3A_1294 = arith.subf %sub3A_1293, %mul3A_1291 : vector<16xf32>
        %mul3A_1295 = arith.mulf %bitcast_convert_type3A_1286, %sub3A_1294 : vector<16xf32>
        %mul3A_1296 = arith.constant 5.000000e-01 : f32
        %mul3A_1297 = vector.broadcast %mul3A_1296 : f32 to vector<16xf32>
        %mul3A_1298 = arith.mulf %mul3A_1297, %mul3A_1280 : vector<16xf32>
        %mul3A_1299 = arith.mulf %mul3A_1298, %mul3A_1295 : vector<16xf32>
        %mul3A_1300 = arith.mulf %mul3A_1299, %mul3A_1295 : vector<16xf32>
        %sub3A_1301 = arith.constant 1.500000e+00 : f32
        %sub3A_1302 = vector.broadcast %sub3A_1301 : f32 to vector<16xf32>
        %sub3A_1303 = arith.subf %sub3A_1302, %mul3A_1300 : vector<16xf32>
        %mul3A_1304 = arith.mulf %mul3A_1295, %sub3A_1303 : vector<16xf32>
        %mul3A_1305 = arith.constant 5.000000e-01 : f32
        %mul3A_1306 = vector.broadcast %mul3A_1305 : f32 to vector<16xf32>
        %mul3A_1307 = arith.mulf %mul3A_1306, %mul3A_1280 : vector<16xf32>
        %mul3A_1308 = arith.mulf %mul3A_1307, %mul3A_1304 : vector<16xf32>
        %mul3A_1309 = arith.mulf %mul3A_1308, %mul3A_1304 : vector<16xf32>
        %sub3A_1310 = arith.constant 1.500000e+00 : f32
        %sub3A_1311 = vector.broadcast %sub3A_1310 : f32 to vector<16xf32>
        %sub3A_1312 = arith.subf %sub3A_1311, %mul3A_1309 : vector<16xf32>
        %mul3A_1313 = arith.mulf %mul3A_1304, %sub3A_1312 : vector<16xf32>
        %mul3A_1314 = arith.mulf %add3A_1277, %mul3A_1313 : vector<16xf32>
        %sub3A_1315 = arith.constant 1.000000e+00 : f32
        %sub3A_1316 = vector.broadcast %sub3A_1315 : f32 to vector<16xf32>
        %sub3A_1317 = arith.subf %mul3A_1314, %sub3A_1316 : vector<16xf32>
        %add3A_1318 = arith.addf %scan3A_1240, %gather3A : vector<16xf32>
        %add3A_1319 = arith.addf %scan3A_1241, %gather3A_1263 : vector<16xf32>
        %add3A_1320 = arith.addf %scan3A_1242, %add3A_1271 : vector<16xf32>
        %add3A_1321 = arith.addf %scan3A_1243, %add3A_1277 : vector<16xf32>
        %mul3A_1322 = arith.mulf %sub3A_1278, %sub3A_1278 : vector<16xf32>
        %add3A_1323 = arith.addf %scan3A_1244, %mul3A_1322 : vector<16xf32>
        %mul3A_1324 = arith.mulf %sub3A_1279, %sub3A_1279 : vector<16xf32>
        %add3A_1325 = arith.addf %add3A_1323, %mul3A_1324 : vector<16xf32>
        %mul3A_1326 = arith.mulf %sub3A_1317, %sub3A_1317 : vector<16xf32>
        %add3A_1327 = arith.addf %scan3A_1245, %mul3A_1326 : vector<16xf32>
        scf.yield %add3A_1318, %add3A_1319, %add3A_1320, %add3A_1321, %add3A_1325, %add3A_1327 : vector<16xf32>, vector<16xf32>, vector<16xf32>, vector<16xf32>, vector<16xf32>, vector<16xf32>
      }
      %scan3A_1205 = arith.constant 8 : i32
      %add3A_1206 = arith.constant 4 : i32
      %add3A_1207 = arith.addi %add3A_1206, %scan3A_1166 : i32
      %mul3A_1208 = arith.constant 16 : i32
      %mul3A_1209 = arith.muli %add3A_1207, %mul3A_1208 : i32
      %swap3A_1210 = arith.index_cast %mul3A_1209 : i32 to index
      %swap3A_1211 = tpu.vector_load %arg29[%swap3A_1210] {strides = array<i32>} : memref<1152xf32, #tpu.memory_space<vmem>>, vector<16xf32>,
      tpu.vector_store %arg29[%swap3A_1210], %scan3A_1204#0 {strides = array<i32>} : memref<1152xf32, #tpu.memory_space<vmem>>, vector<16xf32>,
      %add3A_1212 = arith.constant 21 : i32
      %add3A_1213 = arith.addi %add3A_1212, %scan3A_1166 : i32
      %mul3A_1214 = arith.constant 16 : i32
      %mul3A_1215 = arith.muli %add3A_1213, %mul3A_1214 : i32
      %swap3A_1216 = arith.index_cast %mul3A_1215 : i32 to index
      %swap3A_1217 = tpu.vector_load %arg29[%swap3A_1216] {strides = array<i32>} : memref<1152xf32, #tpu.memory_space<vmem>>, vector<16xf32>,
      tpu.vector_store %arg29[%swap3A_1216], %scan3A_1204#1 {strides = array<i32>} : memref<1152xf32, #tpu.memory_space<vmem>>, vector<16xf32>,
      %add3A_1218 = arith.constant 38 : i32
      %add3A_1219 = arith.addi %add3A_1218, %scan3A_1166 : i32
      %mul3A_1220 = arith.constant 16 : i32
      %mul3A_1221 = arith.muli %add3A_1219, %mul3A_1220 : i32
      %swap3A_1222 = arith.index_cast %mul3A_1221 : i32 to index
      %swap3A_1223 = tpu.vector_load %arg29[%swap3A_1222] {strides = array<i32>} : memref<1152xf32, #tpu.memory_space<vmem>>, vector<16xf32>,
      tpu.vector_store %arg29[%swap3A_1222], %scan3A_1204#2 {strides = array<i32>} : memref<1152xf32, #tpu.memory_space<vmem>>, vector<16xf32>,
      %jit3A = arith.constant 0.000000e+00 : f32
      %broadcast_in_dim3A_1224 = vector.broadcast %jit3A : f32 to vector<16xf32>
      %select_n3A = arith.select %lt3A_1169, %scan3A_1204#3, %broadcast_in_dim3A_1224 : vector<16xf32>
      %add3A_1225 = arith.constant 55 : i32
      %add3A_1226 = arith.addi %add3A_1225, %scan3A_1166 : i32
      %mul3A_1227 = arith.constant 16 : i32
      %mul3A_1228 = arith.muli %add3A_1226, %mul3A_1227 : i32
      %swap3A_1229 = arith.index_cast %mul3A_1228 : i32 to index
      %swap3A_1230 = tpu.vector_load %arg29[%swap3A_1229] {strides = array<i32>} : memref<1152xf32, #tpu.memory_space<vmem>>, vector<16xf32>,
      tpu.vector_store %arg29[%swap3A_1229], %select_n3A {strides = array<i32>} : memref<1152xf32, #tpu.memory_space<vmem>>, vector<16xf32>,
      %jit3A_1231 = arith.constant 0.000000e+00 : f32
      %broadcast_in_dim3A_1232 = vector.broadcast %jit3A_1231 : f32 to vector<16xf32>
      %select_n3A_1233 = arith.select %lt3A_1169, %scan3A_1204#4, %broadcast_in_dim3A_1232 : vector<16xf32>
      %add3A_1234 = arith.addf %scan3A_1167, %select_n3A_1233 : vector<16xf32>
      %jit3A_1235 = arith.constant 0.000000e+00 : f32
      %broadcast_in_dim3A_1236 = vector.broadcast %jit3A_1235 : f32 to vector<16xf32>
      %select_n3A_1237 = arith.select %lt3A_1169, %scan3A_1204#5, %broadcast_in_dim3A_1236 : vector<16xf32>
      %add3A_1238 = arith.addf %scan3A_1168, %select_n3A_1237 : vector<16xf32>
      scf.yield %add3A_1234, %add3A_1238 : vector<16xf32>, vector<16xf32>
    }
    %scan3A_1085 = arith.constant 17 : i32
    %swap3A = arith.constant 16 : index
    %swap3A_1086 = tpu.vector_load %arg29[%swap3A] {strides = array<i32>} : memref<1152xf32, #tpu.memory_space<vmem>>, vector<16xf32>,
    tpu.vector_store %arg29[%swap3A], %scan3A_1084#0 {strides = array<i32>} : memref<1152xf32, #tpu.memory_space<vmem>>, vector<16xf32>,
    %swap3A_1087 = arith.constant 32 : index
    %swap3A_1088 = tpu.vector_load %arg29[%swap3A_1087] {strides = array<i32>} : memref<1152xf32, #tpu.memory_space<vmem>>, vector<16xf32>,
    tpu.vector_store %arg29[%swap3A_1087], %scan3A_1084#1 {strides = array<i32>} : memref<1152xf32, #tpu.memory_space<vmem>>, vector<16xf32>,
    %swap3A_1089 = arith.constant 48 : index
    %swap3A_1090 = tpu.vector_load %arg29[%swap3A_1089] {strides = array<i32>} : memref<1152xf32, #tpu.memory_space<vmem>>, vector<16xf32>,
    tpu.vector_store %arg29[%swap3A_1089], %broadcast_in_dim3A_1079 {strides = array<i32>} : memref<1152xf32, #tpu.memory_space<vmem>>, vector<16xf32>,
    %broadcast_in_dim3A_1091 = arith.constant 0.000000e+00 : f32
    %broadcast_in_dim3A_1092 = vector.broadcast %broadcast_in_dim3A_1091 : f32 to vector<16xf32>
    %scan3A_1093 = arith.constant 6.2500062 : f32
    %scan3A_1094 = arith.constant 0 : i32
    %scan3A_1095 = arith.constant 7 : i32
    %scan3A_1096 = arith.addi %scan3A_1094, %scan3A_1095 : i32
    %scan3A_1097 = arith.constant 1 : i32
    %scan3A_1098 = scf.for %scan3A_1166 = %scan3A_1094 to %scan3A_1096 step %scan3A_1097 iter_args(%scan3A_1167 = %broadcast_in_dim3A_1092) -> (vector<16xf32>)  : i32 {
      %mul3A_1168 = arith.constant 2 : i32
      %mul3A_1169 = arith.muli %mul3A_1168, %scan3A_1166 : i32
      %dma_wait3A_1170 = arith.constant 0 : i32
      %dma_wait3A_1171 = arith.constant 0 : i32
      %dma_wait3A_1172 = tpu.memref_slice %arg2[%dma_wait3A_1170, %dma_wait3A_1171] : memref<400000x8xf32, #tpu.memory_space<hbm>> -> memref<2048x8xf32, #tpu.memory_space<hbm>>
      %dma_wait3A_1173 = arith.constant 0 : i32
      %dma_wait3A_1174 = arith.constant 0 : i32
      %dma_wait3A_1175 = tpu.memref_slice %arg2[%dma_wait3A_1173, %dma_wait3A_1174] : memref<400000x8xf32, #tpu.memory_space<hbm>> -> memref<2048x8xf32, #tpu.memory_space<hbm>>
      tpu.wait_dma2 semaphore(%arg32 : memref<!tpu.dma_semaphore, #tpu.memory_space<semaphore_mem>>) src(%dma_wait3A_1175 : memref<2048x8xf32, #tpu.memory_space<hbm>>) dst(%arg22 : memref<2048x8xf32, #tpu.memory_space<vmem>>)
      %dma_wait3A_1176 = arith.constant 0 : i32
      %dma_wait3A_1177 = arith.constant 0 : i32
      %dma_wait3A_1178 = tpu.memref_slice %arg2[%dma_wait3A_1176, %dma_wait3A_1177] : memref<400000x8xf32, #tpu.memory_space<hbm>> -> memref<2048x8xf32, #tpu.memory_space<hbm>>
      %dma_wait3A_1179 = arith.constant 0 : i32
      %dma_wait3A_1180 = arith.constant 0 : i32
      %dma_wait3A_1181 = tpu.memref_slice %arg2[%dma_wait3A_1179, %dma_wait3A_1180] : memref<400000x8xf32, #tpu.memory_space<hbm>> -> memref<2048x8xf32, #tpu.memory_space<hbm>>
      tpu.wait_dma2 semaphore(%arg32 : memref<!tpu.dma_semaphore, #tpu.memory_space<semaphore_mem>>) src(%dma_wait3A_1181 : memref<2048x8xf32, #tpu.memory_space<hbm>>) dst(%arg24 : memref<2048x8xf32, #tpu.memory_space<vmem>>)
      %mul3A_1182 = arith.constant 2048 : i32
      %mul3A_1183 = arith.muli %mul3A_1169, %mul3A_1182 : i32
      %add3A_1184 = arith.addi %multiple_of3A_982, %mul3A_1183 : i32
      %scan3A_1185 = arith.constant 0 : i32
      %scan3A_1186 = arith.constant 128 : i32
      %scan3A_1187 = arith.addi %scan3A_1185, %scan3A_1186 : i32
      %scan3A_1188 = arith.constant 1 : i32
      %scan3A_1189 = scf.for %scan3A_1292 = %scan3A_1185 to %scan3A_1187 step %scan3A_1188 iter_args(%scan3A_1293 = %scan3A_1167) -> (vector<16xf32>)  : i32 {
        %mul3A_1294 = arith.constant 16 : i32
        %mul3A_1295 = arith.muli %scan3A_1292, %mul3A_1294 : i32
        %add3A_1296 = vector.broadcast %mul3A_1295 : i32 to vector<16xi32>
        %add3A_1297 = arith.addi %add3A_1296, %iota3A : vector<16xi32>
        %mul3A_1298 = arith.constant 16 : i32
        %mul3A_1299 = arith.muli %scan3A_1292, %mul3A_1298 : i32
        %get3A_1300 = arith.index_cast %mul3A_1299 : i32 to index
        %get3A_1301 = tpu.vector_load %arg20[%get3A_1300] {strides = array<i32>} : memref<2048xi32, #tpu.memory_space<vmem>>, vector<16xi32>,
        %gather3A = tpu.vector_load_idx %arg22[%add3A_1297, %get3A_1301] : memref<2048x8xf32, #tpu.memory_space<vmem>>[vector<16xi32>, vector<16xi32>], vector<16xf32>,
        %add3A_1302 = arith.constant 1 : i32
        %add3A_1303 = vector.broadcast %add3A_1302 : i32 to vector<16xi32>
        %add3A_1304 = arith.addi %get3A_1301, %add3A_1303 : vector<16xi32>
        %gather3A_1305 = tpu.vector_load_idx %arg22[%add3A_1297, %add3A_1304] : memref<2048x8xf32, #tpu.memory_space<vmem>>[vector<16xi32>, vector<16xi32>], vector<16xf32>,
        %add3A_1306 = arith.constant 2 : i32
        %add3A_1307 = vector.broadcast %add3A_1306 : i32 to vector<16xi32>
        %add3A_1308 = arith.addi %get3A_1301, %add3A_1307 : vector<16xi32>
        %gather3A_1309 = tpu.vector_load_idx %arg22[%add3A_1297, %add3A_1308] : memref<2048x8xf32, #tpu.memory_space<vmem>>[vector<16xi32>, vector<16xi32>], vector<16xf32>,
        %add3A_1310 = arith.constant 3 : i32
        %add3A_1311 = vector.broadcast %add3A_1310 : i32 to vector<16xi32>
        %add3A_1312 = arith.addi %get3A_1301, %add3A_1311 : vector<16xi32>
        %gather3A_1313 = tpu.vector_load_idx %arg22[%add3A_1297, %add3A_1312] : memref<2048x8xf32, #tpu.memory_space<vmem>>[vector<16xi32>, vector<16xi32>], vector<16xf32>,
        %gather3A_1314 = tpu.vector_load_idx %arg24[%add3A_1297, %get3A_1301] : memref<2048x8xf32, #tpu.memory_space<vmem>>[vector<16xi32>, vector<16xi32>], vector<16xf32>,
        %add3A_1315 = arith.constant 1 : i32
        %add3A_1316 = vector.broadcast %add3A_1315 : i32 to vector<16xi32>
        %add3A_1317 = arith.addi %get3A_1301, %add3A_1316 : vector<16xi32>
        %gather3A_1318 = tpu.vector_load_idx %arg24[%add3A_1297, %add3A_1317] : memref<2048x8xf32, #tpu.memory_space<vmem>>[vector<16xi32>, vector<16xi32>], vector<16xf32>,
        %add3A_1319 = arith.constant 2 : i32
        %add3A_1320 = vector.broadcast %add3A_1319 : i32 to vector<16xi32>
        %add3A_1321 = arith.addi %get3A_1301, %add3A_1320 : vector<16xi32>
        %gather3A_1322 = tpu.vector_load_idx %arg24[%add3A_1297, %add3A_1321] : memref<2048x8xf32, #tpu.memory_space<vmem>>[vector<16xi32>, vector<16xi32>], vector<16xf32>,
        %add3A_1323 = arith.constant 3 : i32
        %add3A_1324 = vector.broadcast %add3A_1323 : i32 to vector<16xi32>
        %add3A_1325 = arith.addi %get3A_1301, %add3A_1324 : vector<16xi32>
        %gather3A_1326 = tpu.vector_load_idx %arg24[%add3A_1297, %add3A_1325] : memref<2048x8xf32, #tpu.memory_space<vmem>>[vector<16xi32>, vector<16xi32>], vector<16xf32>,
        %mul3A_1327 = arith.constant 16 : i32
        %mul3A_1328 = arith.muli %scan3A_1292, %mul3A_1327 : i32
        %get3A_1329 = arith.index_cast %mul3A_1328 : i32 to index
        %get3A_1330 = tpu.vector_load %arg14[%get3A_1329] {strides = array<i32>} : memref<2048xf32, #tpu.memory_space<vmem>>, vector<16xf32>,
        %sub3A = arith.constant 1.000000e+00 : f32
        %sub3A_1331 = vector.broadcast %sub3A : f32 to vector<16xf32>
        %sub3A_1332 = arith.subf %sub3A_1331, %get3A_1330 : vector<16xf32>
        %mul3A_1333 = arith.mulf %sub3A_1332, %gather3A : vector<16xf32>
        %mul3A_1334 = arith.mulf %get3A_1330, %gather3A_1309 : vector<16xf32>
        %add3A_1335 = arith.addf %mul3A_1333, %mul3A_1334 : vector<16xf32>
        %mul3A_1336 = arith.mulf %sub3A_1332, %gather3A_1305 : vector<16xf32>
        %mul3A_1337 = arith.mulf %get3A_1330, %gather3A_1313 : vector<16xf32>
        %add3A_1338 = arith.addf %mul3A_1336, %mul3A_1337 : vector<16xf32>
        %mul3A_1339 = arith.mulf %sub3A_1332, %gather3A_1314 : vector<16xf32>
        %mul3A_1340 = arith.mulf %get3A_1330, %gather3A_1322 : vector<16xf32>
        %add3A_1341 = arith.addf %mul3A_1339, %mul3A_1340 : vector<16xf32>
        %mul3A_1342 = arith.mulf %sub3A_1332, %gather3A_1318 : vector<16xf32>
        %mul3A_1343 = arith.mulf %get3A_1330, %gather3A_1326 : vector<16xf32>
        %add3A_1344 = arith.addf %mul3A_1342, %mul3A_1343 : vector<16xf32>
        %mul3A_1345 = arith.mulf %add3A_1335, %add3A_1341 : vector<16xf32>
        %mul3A_1346 = arith.mulf %add3A_1338, %add3A_1344 : vector<16xf32>
        %add3A_1347 = arith.addf %mul3A_1345, %mul3A_1346 : vector<16xf32>
        %bitcast_convert_type3A = tpu.bitcast %add3A_1347 : vector<16xf32> -> vector<16xi32>
        %shift_right_arithmetic3A = arith.constant 23 : i32
        %shift_right_arithmetic3A_1348 = vector.broadcast %shift_right_arithmetic3A : i32 to vector<16xi32>
        %shift_right_arithmetic3A_1349 = arith.shrsi %bitcast_convert_type3A, %shift_right_arithmetic3A_1348 : vector<16xi32>
        %sub3A_1350 = arith.constant 127 : i32
        %sub3A_1351 = vector.broadcast %sub3A_1350 : i32 to vector<16xi32>
        %sub3A_1352 = arith.subi %shift_right_arithmetic3A_1349, %sub3A_1351 : vector<16xi32>
        %and3A = arith.constant 8388607 : i32
        %and3A_1353 = vector.broadcast %and3A : i32 to vector<16xi32>
        %and3A_1354 = arith.andi %bitcast_convert_type3A, %and3A_1353 : vector<16xi32>
        %or3A = arith.constant 1065353216 : i32
        %or3A_1355 = vector.broadcast %or3A : i32 to vector<16xi32>
        %or3A_1356 = arith.ori %and3A_1354, %or3A_1355 : vector<16xi32>
        %bitcast_convert_type3A_1357 = tpu.bitcast %or3A_1356 : vector<16xi32> -> vector<16xf32>
        %gt3A = arith.constant 1.41421354 : f32
        %gt3A_1358 = vector.broadcast %gt3A : f32 to vector<16xf32>
        %gt3A_1359 = arith.cmpf ogt, %bitcast_convert_type3A_1357, %gt3A_1358 : vector<16xf32>
        %mul3A_1360 = arith.constant 5.000000e-01 : f32
        %mul3A_1361 = vector.broadcast %mul3A_1360 : f32 to vector<16xf32>
        %mul3A_1362 = arith.mulf %bitcast_convert_type3A_1357, %mul3A_1361 : vector<16xf32>
        %select_n3A = arith.select %gt3A_1359, %mul3A_1362, %bitcast_convert_type3A_1357 : vector<16xi1>, vector<16xf32>
        %convert_element_type3A = arith.sitofp %sub3A_1352 : vector<16xi32> to vector<16xf32>
        %jit3A = arith.constant 1.000000e+00 : f32
        %jit3A_1363 = arith.constant 0.000000e+00 : f32
        %broadcast_in_dim3A_1364 = vector.broadcast %jit3A : f32 to vector<16xf32>
        %broadcast_in_dim3A_1365 = vector.broadcast %jit3A_1363 : f32 to vector<16xf32>
        %select_n3A_1366 = arith.select %gt3A_1359, %broadcast_in_dim3A_1364, %broadcast_in_dim3A_1365 : vector<16xi1>, vector<16xf32>
        %add3A_1367 = arith.addf %convert_element_type3A, %select_n3A_1366 : vector<16xf32>
        %sub3A_1368 = arith.constant 1.000000e+00 : f32
        %sub3A_1369 = vector.broadcast %sub3A_1368 : f32 to vector<16xf32>
        %sub3A_1370 = arith.subf %select_n3A, %sub3A_1369 : vector<16xf32>
        %add3A_1371 = arith.constant 1.000000e+00 : f32
        %add3A_1372 = vector.broadcast %add3A_1371 : f32 to vector<16xf32>
        %add3A_1373 = arith.addf %select_n3A, %add3A_1372 : vector<16xf32>
        %div3A = arith.divf %sub3A_1370, %add3A_1373 : vector<16xf32>
        %mul3A_1374 = arith.mulf %div3A, %div3A : vector<16xf32>
        %mul3A_1375 = arith.constant 0.285714298 : f32
        %mul3A_1376 = vector.broadcast %mul3A_1375 : f32 to vector<16xf32>
        %mul3A_1377 = arith.mulf %mul3A_1374, %mul3A_1376 : vector<16xf32>
        %add3A_1378 = arith.constant 4.000000e-01 : f32
        %add3A_1379 = vector.broadcast %add3A_1378 : f32 to vector<16xf32>
        %add3A_1380 = arith.addf %add3A_1379, %mul3A_1377 : vector<16xf32>
        %mul3A_1381 = arith.mulf %mul3A_1374, %add3A_1380 : vector<16xf32>
        %add3A_1382 = arith.constant 0.666666686 : f32
        %add3A_1383 = vector.broadcast %add3A_1382 : f32 to vector<16xf32>
        %add3A_1384 = arith.addf %add3A_1383, %mul3A_1381 : vector<16xf32>
        %mul3A_1385 = arith.mulf %mul3A_1374, %add3A_1384 : vector<16xf32>
        %add3A_1386 = arith.constant 2.000000e+00 : f32
        %add3A_1387 = vector.broadcast %add3A_1386 : f32 to vector<16xf32>
        %add3A_1388 = arith.addf %add3A_1387, %mul3A_1385 : vector<16xf32>
        %mul3A_1389 = arith.mulf %div3A, %add3A_1388 : vector<16xf32>
        %mul3A_1390 = arith.constant 0.693147182 : f32
        %mul3A_1391 = vector.broadcast %mul3A_1390 : f32 to vector<16xf32>
        %mul3A_1392 = arith.mulf %add3A_1367, %mul3A_1391 : vector<16xf32>
        %add3A_1393 = arith.addf %mul3A_1392, %mul3A_1389 : vector<16xf32>
        %mul3A_1394 = arith.constant 16 : i32
        %mul3A_1395 = arith.muli %scan3A_1292, %mul3A_1394 : i32
        %add3A_1396 = arith.addi %add3A_1184, %mul3A_1395 : i32
        %add3A_1397 = vector.broadcast %add3A_1396 : i32 to vector<16xi32>
        %add3A_1398 = arith.addi %add3A_1397, %iota3A : vector<16xi32>
        %lt3A = arith.constant 1000000 : i32
        %lt3A_1399 = vector.broadcast %lt3A : i32 to vector<16xi32>
        %lt3A_1400 = arith.cmpi slt, %add3A_1398, %lt3A_1399 : vector<16xi32>
        %jit3A_1401 = arith.constant 0.000000e+00 : f32
        %broadcast_in_dim3A_1402 = vector.broadcast %jit3A_1401 : f32 to vector<16xf32>
        %select_n3A_1403 = arith.select %lt3A_1400, %add3A_1393, %broadcast_in_dim3A_1402 : vector<16xi1>, vector<16xf32>
        %add3A_1404 = arith.addf %scan3A_1293, %select_n3A_1403 : vector<16xf32>
        scf.yield %add3A_1404 : vector<16xf32>
      }
      %scan3A_1190 = arith.constant 128 : i32
      %dma_wait3A_1191 = arith.constant 0 : i32
      %dma_wait3A_1192 = tpu.memref_slice %arg4[%dma_wait3A_1191] : memref<1000000xi32, #tpu.memory_space<hbm>> -> memref<2048xi32, #tpu.memory_space<hbm>>
      %dma_wait3A_1193 = arith.constant 0 : i32
      %dma_wait3A_1194 = tpu.memref_slice %arg4[%dma_wait3A_1193] : memref<1000000xi32, #tpu.memory_space<hbm>> -> memref<2048xi32, #tpu.memory_space<hbm>>
      tpu.wait_dma2 semaphore(%arg30 : memref<!tpu.dma_semaphore, #tpu.memory_space<semaphore_mem>>) src(%dma_wait3A_1194 : memref<2048xi32, #tpu.memory_space<hbm>>) dst(%arg8 : memref<2048xi32, #tpu.memory_space<vmem>>)
      %dma_wait3A_1195 = arith.constant 0 : i32
      %dma_wait3A_1196 = tpu.memref_slice %arg5[%dma_wait3A_1195] : memref<1000000xi32, #tpu.memory_space<hbm>> -> memref<2048xi32, #tpu.memory_space<hbm>>
      %dma_wait3A_1197 = arith.constant 0 : i32
      %dma_wait3A_1198 = tpu.memref_slice %arg5[%dma_wait3A_1197] : memref<1000000xi32, #tpu.memory_space<hbm>> -> memref<2048xi32, #tpu.memory_space<hbm>>
      tpu.wait_dma2 semaphore(%arg30 : memref<!tpu.dma_semaphore, #tpu.memory_space<semaphore_mem>>) src(%dma_wait3A_1198 : memref<2048xi32, #tpu.memory_space<hbm>>) dst(%arg10 : memref<2048xi32, #tpu.memory_space<vmem>>)
      %dma_wait3A_1199 = arith.constant 0 : i32
      %dma_wait3A_1200 = tpu.memref_slice %arg3[%dma_wait3A_1199] : memref<1000000xf32, #tpu.memory_space<hbm>> -> memref<2048xf32, #tpu.memory_space<hbm>>
      %dma_wait3A_1201 = arith.constant 0 : i32
      %dma_wait3A_1202 = tpu.memref_slice %arg3[%dma_wait3A_1201] : memref<1000000xf32, #tpu.memory_space<hbm>> -> memref<2048xf32, #tpu.memory_space<hbm>>
      tpu.wait_dma2 semaphore(%arg30 : memref<!tpu.dma_semaphore, #tpu.memory_space<semaphore_mem>>) src(%dma_wait3A_1202 : memref<2048xf32, #tpu.memory_space<hbm>>) dst(%arg12 : memref<2048xf32, #tpu.memory_space<vmem>>)
      %scan3A_1203 = arith.constant 0 : i32
      %scan3A_1204 = arith.constant 0 : i32
      %scan3A_1205 = arith.constant 128 : i32
      %scan3A_1206 = arith.addi %scan3A_1204, %scan3A_1205 : i32
      %scan3A_1207 = arith.constant 1 : i32
      %scan3A_1208 = scf.for %scan3A_1292 = %scan3A_1204 to %scan3A_1206 step %scan3A_1207 iter_args(%scan3A_1293 = %scan3A_1203) -> (i32)  : i32 {
        %mul3A_1294 = arith.constant 16 : i32
        %mul3A_1295 = arith.muli %scan3A_1292, %mul3A_1294 : i32
        %get3A_1296 = arith.index_cast %mul3A_1295 : i32 to index
        %get3A_1297 = tpu.vector_load %arg8[%get3A_1296] {strides = array<i32>} : memref<2048xi32, #tpu.memory_space<vmem>>, vector<16xi32>,
        %mul3A_1298 = arith.constant 16 : i32
        %mul3A_1299 = arith.muli %scan3A_1292, %mul3A_1298 : i32
        %get3A_1300 = arith.index_cast %mul3A_1299 : i32 to index
        %get3A_1301 = tpu.vector_load %arg10[%get3A_1300] {strides = array<i32>} : memref<2048xi32, #tpu.memory_space<vmem>>, vector<16xi32>,
        %mul3A_1302 = arith.constant 16 : i32
        %mul3A_1303 = arith.muli %scan3A_1292, %mul3A_1302 : i32
        %get3A_1304 = arith.index_cast %mul3A_1303 : i32 to index
        %get3A_1305 = tpu.vector_load %arg12[%get3A_1304] {strides = array<i32>} : memref<2048xf32, #tpu.memory_space<vmem>>, vector<16xf32>,
        %div3A = vector.broadcast %scan3A_1093 : f32 to vector<16xf32>
        %div3A_1306 = arith.divf %get3A_1305, %div3A : vector<16xf32>
        %convert_element_type3A = arith.fptosi %div3A_1306 : vector<16xf32> to vector<16xi32>
        %convert_element_type3A_1307 = arith.sitofp %convert_element_type3A : vector<16xi32> to vector<16xf32>
        %sub3A = arith.subf %div3A_1306, %convert_element_type3A_1307 : vector<16xf32>
        %shift_right_logical3A = arith.constant 1 : i32
        %shift_right_logical3A_1308 = vector.broadcast %shift_right_logical3A : i32 to vector<16xi32>
        %shift_right_logical3A_1309 = arith.shrui %convert_element_type3A, %shift_right_logical3A_1308 : vector<16xi32>
        %mul3A_1310 = arith.constant 8 : i32
        %mul3A_1311 = vector.broadcast %mul3A_1310 : i32 to vector<16xi32>
        %mul3A_1312 = arith.muli %get3A_1297, %mul3A_1311 : vector<16xi32>
        %add3A_1313 = arith.addi %mul3A_1312, %shift_right_logical3A_1309 : vector<16xi32>
        %mul3A_1314 = arith.constant 16 : i32
        %mul3A_1315 = arith.muli %scan3A_1292, %mul3A_1314 : i32
        %swap3A_1316 = arith.index_cast %mul3A_1315 : i32 to index
        %swap3A_1317 = tpu.vector_load %arg16[%swap3A_1316] {strides = array<i32>} : memref<2048xi32, #tpu.memory_space<vmem>>, vector<16xi32>,
        tpu.vector_store %arg16[%swap3A_1316], %add3A_1313 {strides = array<i32>} : memref<2048xi32, #tpu.memory_space<vmem>>, vector<16xi32>,
        %mul3A_1318 = arith.constant 8 : i32
        %mul3A_1319 = vector.broadcast %mul3A_1318 : i32 to vector<16xi32>
        %mul3A_1320 = arith.muli %get3A_1301, %mul3A_1319 : vector<16xi32>
        %add3A_1321 = arith.addi %mul3A_1320, %shift_right_logical3A_1309 : vector<16xi32>
        %mul3A_1322 = arith.constant 16 : i32
        %mul3A_1323 = arith.muli %scan3A_1292, %mul3A_1322 : i32
        %swap3A_1324 = arith.index_cast %mul3A_1323 : i32 to index
        %swap3A_1325 = tpu.vector_load %arg18[%swap3A_1324] {strides = array<i32>} : memref<2048xi32, #tpu.memory_space<vmem>>, vector<16xi32>,
        tpu.vector_store %arg18[%swap3A_1324], %add3A_1321 {strides = array<i32>} : memref<2048xi32, #tpu.memory_space<vmem>>, vector<16xi32>,
        %and3A = arith.constant 1 : i32
        %and3A_1326 = vector.broadcast %and3A : i32 to vector<16xi32>
        %and3A_1327 = arith.andi %convert_element_type3A, %and3A_1326 : vector<16xi32>
        %shift_left3A = arith.constant 1 : i32
        %shift_left3A_1328 = vector.broadcast %shift_left3A : i32 to vector<16xi32>
        %shift_left3A_1329 = arith.shli %and3A_1327, %shift_left3A_1328 : vector<16xi32>
        %mul3A_1330 = arith.constant 16 : i32
        %mul3A_1331 = arith.muli %scan3A_1292, %mul3A_1330 : i32
        %swap3A_1332 = arith.index_cast %mul3A_1331 : i32 to index
        %swap3A_1333 = tpu.vector_load %arg20[%swap3A_1332] {strides = array<i32>} : memref<2048xi32, #tpu.memory_space<vmem>>, vector<16xi32>,
        tpu.vector_store %arg20[%swap3A_1332], %shift_left3A_1329 {strides = array<i32>} : memref<2048xi32, #tpu.memory_space<vmem>>, vector<16xi32>,
        %mul3A_1334 = arith.constant 16 : i32
        %mul3A_1335 = arith.muli %scan3A_1292, %mul3A_1334 : i32
        %swap3A_1336 = arith.index_cast %mul3A_1335 : i32 to index
        %swap3A_1337 = tpu.vector_load %arg14[%swap3A_1336] {strides = array<i32>} : memref<2048xf32, #tpu.memory_space<vmem>>, vector<16xf32>,
        tpu.vector_store %arg14[%swap3A_1336], %sub3A {strides = array<i32>} : memref<2048xf32, #tpu.memory_space<vmem>>, vector<16xf32>,
        %scan3A_1338 = arith.constant 0 : i32
        scf.yield %scan3A_1338 : i32
      }
      %scan3A_1209 = arith.constant 128 : i32
      %dma_start3A_1210 = arith.constant 0 : i32
      %dma_start3A_1211 = arith.constant 0 : i32
      %dma_start3A_1212 = tpu.memref_slice %arg2[%dma_start3A_1210, %dma_start3A_1211] : memref<400000x8xf32, #tpu.memory_space<hbm>> -> memref<400000x8xf32, #tpu.memory_space<hbm>>
      tpu.enqueue_indirect_dma source(%dma_start3A_1212 : memref<400000x8xf32, #tpu.memory_space<hbm>>) target(%arg22 : memref<2048x8xf32, #tpu.memory_space<vmem>>) offsets(%arg16 : memref<2048xi32, #tpu.memory_space<vmem>>) semaphore(%arg32 : memref<!tpu.dma_semaphore, #tpu.memory_space<semaphore_mem>>)
      %dma_start3A_1213 = arith.constant 0 : i32
      %dma_start3A_1214 = arith.constant 0 : i32
      %dma_start3A_1215 = tpu.memref_slice %arg2[%dma_start3A_1213, %dma_start3A_1214] : memref<400000x8xf32, #tpu.memory_space<hbm>> -> memref<400000x8xf32, #tpu.memory_space<hbm>>
      tpu.enqueue_indirect_dma source(%dma_start3A_1215 : memref<400000x8xf32, #tpu.memory_space<hbm>>) target(%arg24 : memref<2048x8xf32, #tpu.memory_space<vmem>>) offsets(%arg18 : memref<2048xi32, #tpu.memory_space<vmem>>) semaphore(%arg32 : memref<!tpu.dma_semaphore, #tpu.memory_space<semaphore_mem>>)
      %add3A_1216 = arith.constant 4 : i32
      %add3A_1217 = arith.addi %mul3A_1169, %add3A_1216 : i32
      %mul3A_1218 = arith.constant 2048 : i32
      %mul3A_1219 = arith.muli %add3A_1217, %mul3A_1218 : i32
      %add3A_1220 = arith.addi %multiple_of3A_982, %mul3A_1219 : i32
      %min3A_1221 = arith.constant 997952 : i32
      %min3A_1222 = arith.minsi %add3A_1220, %min3A_1221 : i32
      %multiple_of3A_1223 = tpu.assume_multiple %min3A_1222, 8 : i32
      %dma_start3A_1224 = tpu.memref_slice %arg4[%multiple_of3A_1223] : memref<1000000xi32, #tpu.memory_space<hbm>> -> memref<2048xi32, #tpu.memory_space<hbm>>
      %dma_start3A_1225 = tpu.memref_slice %arg4[%multiple_of3A_1223] : memref<1000000xi32, #tpu.memory_space<hbm>> -> memref<2048xi32, #tpu.memory_space<hbm>>
      tpu.enqueue_dma source(%dma_start3A_1225 : memref<2048xi32, #tpu.memory_space<hbm>>) target(%arg8 : memref<2048xi32, #tpu.memory_space<vmem>>) target_semaphore(%arg30 : memref<!tpu.dma_semaphore, #tpu.memory_space<semaphore_mem>>)
      %dma_start3A_1226 = tpu.memref_slice %arg5[%multiple_of3A_1223] : memref<1000000xi32, #tpu.memory_space<hbm>> -> memref<2048xi32, #tpu.memory_space<hbm>>
      %dma_start3A_1227 = tpu.memref_slice %arg5[%multiple_of3A_1223] : memref<1000000xi32, #tpu.memory_space<hbm>> -> memref<2048xi32, #tpu.memory_space<hbm>>
      tpu.enqueue_dma source(%dma_start3A_1227 : memref<2048xi32, #tpu.memory_space<hbm>>) target(%arg10 : memref<2048xi32, #tpu.memory_space<vmem>>) target_semaphore(%arg30 : memref<!tpu.dma_semaphore, #tpu.memory_space<semaphore_mem>>)
      %dma_start3A_1228 = tpu.memref_slice %arg3[%multiple_of3A_1223] : memref<1000000xf32, #tpu.memory_space<hbm>> -> memref<2048xf32, #tpu.memory_space<hbm>>
      %dma_start3A_1229 = tpu.memref_slice %arg3[%multiple_of3A_1223] : memref<1000000xf32, #tpu.memory_space<hbm>> -> memref<2048xf32, #tpu.memory_space<hbm>>
      tpu.enqueue_dma source(%dma_start3A_1229 : memref<2048xf32, #tpu.memory_space<hbm>>) target(%arg12 : memref<2048xf32, #tpu.memory_space<vmem>>) target_semaphore(%arg30 : memref<!tpu.dma_semaphore, #tpu.memory_space<semaphore_mem>>)
      %add3A_1230 = arith.constant 1 : i32
      %add3A_1231 = arith.addi %mul3A_1169, %add3A_1230 : i32
      %dma_wait3A_1232 = arith.constant 0 : i32
      %dma_wait3A_1233 = arith.constant 0 : i32
      %dma_wait3A_1234 = tpu.memref_slice %arg2[%dma_wait3A_1232, %dma_wait3A_1233] : memref<400000x8xf32, #tpu.memory_space<hbm>> -> memref<2048x8xf32, #tpu.memory_space<hbm>>
      %dma_wait3A_1235 = arith.constant 0 : i32
      %dma_wait3A_1236 = arith.constant 0 : i32
      %dma_wait3A_1237 = tpu.memref_slice %arg2[%dma_wait3A_1235, %dma_wait3A_1236] : memref<400000x8xf32, #tpu.memory_space<hbm>> -> memref<2048x8xf32, #tpu.memory_space<hbm>>
      tpu.wait_dma2 semaphore(%arg33 : memref<!tpu.dma_semaphore, #tpu.memory_space<semaphore_mem>>) src(%dma_wait3A_1237 : memref<2048x8xf32, #tpu.memory_space<hbm>>) dst(%arg23 : memref<2048x8xf32, #tpu.memory_space<vmem>>)
      %dma_wait3A_1238 = arith.constant 0 : i32
      %dma_wait3A_1239 = arith.constant 0 : i32
      %dma_wait3A_1240 = tpu.memref_slice %arg2[%dma_wait3A_1238, %dma_wait3A_1239] : memref<400000x8xf32, #tpu.memory_space<hbm>> -> memref<2048x8xf32, #tpu.memory_space<hbm>>
      %dma_wait3A_1241 = arith.constant 0 : i32
      %dma_wait3A_1242 = arith.constant 0 : i32
      %dma_wait3A_1243 = tpu.memref_slice %arg2[%dma_wait3A_1241, %dma_wait3A_1242] : memref<400000x8xf32, #tpu.memory_space<hbm>> -> memref<2048x8xf32, #tpu.memory_space<hbm>>
      tpu.wait_dma2 semaphore(%arg33 : memref<!tpu.dma_semaphore, #tpu.memory_space<semaphore_mem>>) src(%dma_wait3A_1243 : memref<2048x8xf32, #tpu.memory_space<hbm>>) dst(%arg25 : memref<2048x8xf32, #tpu.memory_space<vmem>>)
      %mul3A_1244 = arith.constant 2048 : i32
      %mul3A_1245 = arith.muli %add3A_1231, %mul3A_1244 : i32
      %add3A_1246 = arith.addi %multiple_of3A_982, %mul3A_1245 : i32
      %scan3A_1247 = arith.constant 0 : i32
      %scan3A_1248 = arith.constant 128 : i32
      %scan3A_1249 = arith.addi %scan3A_1247, %scan3A_1248 : i32
      %scan3A_1250 = arith.constant 1 : i32
      %scan3A_1251 = scf.for %scan3A_1292 = %scan3A_1247 to %scan3A_1249 step %scan3A_1250 iter_args(%scan3A_1293 = %scan3A_1189) -> (vector<16xf32>)  : i32 {
        %mul3A_1294 = arith.constant 16 : i32
        %mul3A_1295 = arith.muli %scan3A_1292, %mul3A_1294 : i32
        %add3A_1296 = vector.broadcast %mul3A_1295 : i32 to vector<16xi32>
        %add3A_1297 = arith.addi %add3A_1296, %iota3A : vector<16xi32>
        %mul3A_1298 = arith.constant 16 : i32
        %mul3A_1299 = arith.muli %scan3A_1292, %mul3A_1298 : i32
        %get3A_1300 = arith.index_cast %mul3A_1299 : i32 to index
        %get3A_1301 = tpu.vector_load %arg21[%get3A_1300] {strides = array<i32>} : memref<2048xi32, #tpu.memory_space<vmem>>, vector<16xi32>,
        %gather3A = tpu.vector_load_idx %arg23[%add3A_1297, %get3A_1301] : memref<2048x8xf32, #tpu.memory_space<vmem>>[vector<16xi32>, vector<16xi32>], vector<16xf32>,
        %add3A_1302 = arith.constant 1 : i32
        %add3A_1303 = vector.broadcast %add3A_1302 : i32 to vector<16xi32>
        %add3A_1304 = arith.addi %get3A_1301, %add3A_1303 : vector<16xi32>
        %gather3A_1305 = tpu.vector_load_idx %arg23[%add3A_1297, %add3A_1304] : memref<2048x8xf32, #tpu.memory_space<vmem>>[vector<16xi32>, vector<16xi32>], vector<16xf32>,
        %add3A_1306 = arith.constant 2 : i32
        %add3A_1307 = vector.broadcast %add3A_1306 : i32 to vector<16xi32>
        %add3A_1308 = arith.addi %get3A_1301, %add3A_1307 : vector<16xi32>
        %gather3A_1309 = tpu.vector_load_idx %arg23[%add3A_1297, %add3A_1308] : memref<2048x8xf32, #tpu.memory_space<vmem>>[vector<16xi32>, vector<16xi32>], vector<16xf32>,
        %add3A_1310 = arith.constant 3 : i32
        %add3A_1311 = vector.broadcast %add3A_1310 : i32 to vector<16xi32>
        %add3A_1312 = arith.addi %get3A_1301, %add3A_1311 : vector<16xi32>
        %gather3A_1313 = tpu.vector_load_idx %arg23[%add3A_1297, %add3A_1312] : memref<2048x8xf32, #tpu.memory_space<vmem>>[vector<16xi32>, vector<16xi32>], vector<16xf32>,
        %gather3A_1314 = tpu.vector_load_idx %arg25[%add3A_1297, %get3A_1301] : memref<2048x8xf32, #tpu.memory_space<vmem>>[vector<16xi32>, vector<16xi32>], vector<16xf32>,
        %add3A_1315 = arith.constant 1 : i32
        %add3A_1316 = vector.broadcast %add3A_1315 : i32 to vector<16xi32>
        %add3A_1317 = arith.addi %get3A_1301, %add3A_1316 : vector<16xi32>
        %gather3A_1318 = tpu.vector_load_idx %arg25[%add3A_1297, %add3A_1317] : memref<2048x8xf32, #tpu.memory_space<vmem>>[vector<16xi32>, vector<16xi32>], vector<16xf32>,
        %add3A_1319 = arith.constant 2 : i32
        %add3A_1320 = vector.broadcast %add3A_1319 : i32 to vector<16xi32>
        %add3A_1321 = arith.addi %get3A_1301, %add3A_1320 : vector<16xi32>
        %gather3A_1322 = tpu.vector_load_idx %arg25[%add3A_1297, %add3A_1321] : memref<2048x8xf32, #tpu.memory_space<vmem>>[vector<16xi32>, vector<16xi32>], vector<16xf32>,
        %add3A_1323 = arith.constant 3 : i32
        %add3A_1324 = vector.broadcast %add3A_1323 : i32 to vector<16xi32>
        %add3A_1325 = arith.addi %get3A_1301, %add3A_1324 : vector<16xi32>
        %gather3A_1326 = tpu.vector_load_idx %arg25[%add3A_1297, %add3A_1325] : memref<2048x8xf32, #tpu.memory_space<vmem>>[vector<16xi32>, vector<16xi32>], vector<16xf32>,
        %mul3A_1327 = arith.constant 16 : i32
        %mul3A_1328 = arith.muli %scan3A_1292, %mul3A_1327 : i32
        %get3A_1329 = arith.index_cast %mul3A_1328 : i32 to index
        %get3A_1330 = tpu.vector_load %arg15[%get3A_1329] {strides = array<i32>} : memref<2048xf32, #tpu.memory_space<vmem>>, vector<16xf32>,
        %sub3A = arith.constant 1.000000e+00 : f32
        %sub3A_1331 = vector.broadcast %sub3A : f32 to vector<16xf32>
        %sub3A_1332 = arith.subf %sub3A_1331, %get3A_1330 : vector<16xf32>
        %mul3A_1333 = arith.mulf %sub3A_1332, %gather3A : vector<16xf32>
        %mul3A_1334 = arith.mulf %get3A_1330, %gather3A_1309 : vector<16xf32>
        %add3A_1335 = arith.addf %mul3A_1333, %mul3A_1334 : vector<16xf32>
        %mul3A_1336 = arith.mulf %sub3A_1332, %gather3A_1305 : vector<16xf32>
        %mul3A_1337 = arith.mulf %get3A_1330, %gather3A_1313 : vector<16xf32>
        %add3A_1338 = arith.addf %mul3A_1336, %mul3A_1337 : vector<16xf32>
        %mul3A_1339 = arith.mulf %sub3A_1332, %gather3A_1314 : vector<16xf32>
        %mul3A_1340 = arith.mulf %get3A_1330, %gather3A_1322 : vector<16xf32>
        %add3A_1341 = arith.addf %mul3A_1339, %mul3A_1340 : vector<16xf32>
        %mul3A_1342 = arith.mulf %sub3A_1332, %gather3A_1318 : vector<16xf32>
        %mul3A_1343 = arith.mulf %get3A_1330, %gather3A_1326 : vector<16xf32>
        %add3A_1344 = arith.addf %mul3A_1342, %mul3A_1343 : vector<16xf32>
        %mul3A_1345 = arith.mulf %add3A_1335, %add3A_1341 : vector<16xf32>
        %mul3A_1346 = arith.mulf %add3A_1338, %add3A_1344 : vector<16xf32>
        %add3A_1347 = arith.addf %mul3A_1345, %mul3A_1346 : vector<16xf32>
        %bitcast_convert_type3A = tpu.bitcast %add3A_1347 : vector<16xf32> -> vector<16xi32>
        %shift_right_arithmetic3A = arith.constant 23 : i32
        %shift_right_arithmetic3A_1348 = vector.broadcast %shift_right_arithmetic3A : i32 to vector<16xi32>
        %shift_right_arithmetic3A_1349 = arith.shrsi %bitcast_convert_type3A, %shift_right_arithmetic3A_1348 : vector<16xi32>
        %sub3A_1350 = arith.constant 127 : i32
        %sub3A_1351 = vector.broadcast %sub3A_1350 : i32 to vector<16xi32>
        %sub3A_1352 = arith.subi %shift_right_arithmetic3A_1349, %sub3A_1351 : vector<16xi32>
        %and3A = arith.constant 8388607 : i32
        %and3A_1353 = vector.broadcast %and3A : i32 to vector<16xi32>
        %and3A_1354 = arith.andi %bitcast_convert_type3A, %and3A_1353 : vector<16xi32>
        %or3A = arith.constant 1065353216 : i32
        %or3A_1355 = vector.broadcast %or3A : i32 to vector<16xi32>
        %or3A_1356 = arith.ori %and3A_1354, %or3A_1355 : vector<16xi32>
        %bitcast_convert_type3A_1357 = tpu.bitcast %or3A_1356 : vector<16xi32> -> vector<16xf32>
        %gt3A = arith.constant 1.41421354 : f32
        %gt3A_1358 = vector.broadcast %gt3A : f32 to vector<16xf32>
        %gt3A_1359 = arith.cmpf ogt, %bitcast_convert_type3A_1357, %gt3A_1358 : vector<16xf32>
        %mul3A_1360 = arith.constant 5.000000e-01 : f32
        %mul3A_1361 = vector.broadcast %mul3A_1360 : f32 to vector<16xf32>
        %mul3A_1362 = arith.mulf %bitcast_convert_type3A_1357, %mul3A_1361 : vector<16xf32>
        %select_n3A = arith.select %gt3A_1359, %mul3A_1362, %bitcast_convert_type3A_1357 : vector<16xi1>, vector<16xf32>
        %convert_element_type3A = arith.sitofp %sub3A_1352 : vector<16xi32> to vector<16xf32>
        %jit3A = arith.constant 1.000000e+00 : f32
        %jit3A_1363 = arith.constant 0.000000e+00 : f32
        %broadcast_in_dim3A_1364 = vector.broadcast %jit3A : f32 to vector<16xf32>
        %broadcast_in_dim3A_1365 = vector.broadcast %jit3A_1363 : f32 to vector<16xf32>
        %select_n3A_1366 = arith.select %gt3A_1359, %broadcast_in_dim3A_1364, %broadcast_in_dim3A_1365 : vector<16xi1>, vector<16xf32>
        %add3A_1367 = arith.addf %convert_element_type3A, %select_n3A_1366 : vector<16xf32>
        %sub3A_1368 = arith.constant 1.000000e+00 : f32
        %sub3A_1369 = vector.broadcast %sub3A_1368 : f32 to vector<16xf32>
        %sub3A_1370 = arith.subf %select_n3A, %sub3A_1369 : vector<16xf32>
        %add3A_1371 = arith.constant 1.000000e+00 : f32
        %add3A_1372 = vector.broadcast %add3A_1371 : f32 to vector<16xf32>
        %add3A_1373 = arith.addf %select_n3A, %add3A_1372 : vector<16xf32>
        %div3A = arith.divf %sub3A_1370, %add3A_1373 : vector<16xf32>
        %mul3A_1374 = arith.mulf %div3A, %div3A : vector<16xf32>
        %mul3A_1375 = arith.constant 0.285714298 : f32
        %mul3A_1376 = vector.broadcast %mul3A_1375 : f32 to vector<16xf32>
        %mul3A_1377 = arith.mulf %mul3A_1374, %mul3A_1376 : vector<16xf32>
        %add3A_1378 = arith.constant 4.000000e-01 : f32
        %add3A_1379 = vector.broadcast %add3A_1378 : f32 to vector<16xf32>
        %add3A_1380 = arith.addf %add3A_1379, %mul3A_1377 : vector<16xf32>
        %mul3A_1381 = arith.mulf %mul3A_1374, %add3A_1380 : vector<16xf32>
        %add3A_1382 = arith.constant 0.666666686 : f32
        %add3A_1383 = vector.broadcast %add3A_1382 : f32 to vector<16xf32>
        %add3A_1384 = arith.addf %add3A_1383, %mul3A_1381 : vector<16xf32>
        %mul3A_1385 = arith.mulf %mul3A_1374, %add3A_1384 : vector<16xf32>
        %add3A_1386 = arith.constant 2.000000e+00 : f32
        %add3A_1387 = vector.broadcast %add3A_1386 : f32 to vector<16xf32>
        %add3A_1388 = arith.addf %add3A_1387, %mul3A_1385 : vector<16xf32>
        %mul3A_1389 = arith.mulf %div3A, %add3A_1388 : vector<16xf32>
        %mul3A_1390 = arith.constant 0.693147182 : f32
        %mul3A_1391 = vector.broadcast %mul3A_1390 : f32 to vector<16xf32>
        %mul3A_1392 = arith.mulf %add3A_1367, %mul3A_1391 : vector<16xf32>
        %add3A_1393 = arith.addf %mul3A_1392, %mul3A_1389 : vector<16xf32>
        %mul3A_1394 = arith.constant 16 : i32
        %mul3A_1395 = arith.muli %scan3A_1292, %mul3A_1394 : i32
        %add3A_1396 = arith.addi %add3A_1246, %mul3A_1395 : i32
        %add3A_1397 = vector.broadcast %add3A_1396 : i32 to vector<16xi32>
        %add3A_1398 = arith.addi %add3A_1397, %iota3A : vector<16xi32>
        %lt3A = arith.constant 1000000 : i32
        %lt3A_1399 = vector.broadcast %lt3A : i32 to vector<16xi32>
        %lt3A_1400 = arith.cmpi slt, %add3A_1398, %lt3A_1399 : vector<16xi32>
        %jit3A_1401 = arith.constant 0.000000e+00 : f32
        %broadcast_in_dim3A_1402 = vector.broadcast %jit3A_1401 : f32 to vector<16xf32>
        %select_n3A_1403 = arith.select %lt3A_1400, %add3A_1393, %broadcast_in_dim3A_1402 : vector<16xi1>, vector<16xf32>
        %add3A_1404 = arith.addf %scan3A_1293, %select_n3A_1403 : vector<16xf32>
        scf.yield %add3A_1404 : vector<16xf32>
      }
      %scan3A_1252 = arith.constant 128 : i32
      %dma_wait3A_1253 = arith.constant 0 : i32
      %dma_wait3A_1254 = tpu.memref_slice %arg4[%dma_wait3A_1253] : memref<1000000xi32, #tpu.memory_space<hbm>> -> memref<2048xi32, #tpu.memory_space<hbm>>
      %dma_wait3A_1255 = arith.constant 0 : i32
      %dma_wait3A_1256 = tpu.memref_slice %arg4[%dma_wait3A_1255] : memref<1000000xi32, #tpu.memory_space<hbm>> -> memref<2048xi32, #tpu.memory_space<hbm>>
      tpu.wait_dma2 semaphore(%arg31 : memref<!tpu.dma_semaphore, #tpu.memory_space<semaphore_mem>>) src(%dma_wait3A_1256 : memref<2048xi32, #tpu.memory_space<hbm>>) dst(%arg9 : memref<2048xi32, #tpu.memory_space<vmem>>)
      %dma_wait3A_1257 = arith.constant 0 : i32
      %dma_wait3A_1258 = tpu.memref_slice %arg5[%dma_wait3A_1257] : memref<1000000xi32, #tpu.memory_space<hbm>> -> memref<2048xi32, #tpu.memory_space<hbm>>
      %dma_wait3A_1259 = arith.constant 0 : i32
      %dma_wait3A_1260 = tpu.memref_slice %arg5[%dma_wait3A_1259] : memref<1000000xi32, #tpu.memory_space<hbm>> -> memref<2048xi32, #tpu.memory_space<hbm>>
      tpu.wait_dma2 semaphore(%arg31 : memref<!tpu.dma_semaphore, #tpu.memory_space<semaphore_mem>>) src(%dma_wait3A_1260 : memref<2048xi32, #tpu.memory_space<hbm>>) dst(%arg11 : memref<2048xi32, #tpu.memory_space<vmem>>)
      %dma_wait3A_1261 = arith.constant 0 : i32
      %dma_wait3A_1262 = tpu.memref_slice %arg3[%dma_wait3A_1261] : memref<1000000xf32, #tpu.memory_space<hbm>> -> memref<2048xf32, #tpu.memory_space<hbm>>
      %dma_wait3A_1263 = arith.constant 0 : i32
      %dma_wait3A_1264 = tpu.memref_slice %arg3[%dma_wait3A_1263] : memref<1000000xf32, #tpu.memory_space<hbm>> -> memref<2048xf32, #tpu.memory_space<hbm>>
      tpu.wait_dma2 semaphore(%arg31 : memref<!tpu.dma_semaphore, #tpu.memory_space<semaphore_mem>>) src(%dma_wait3A_1264 : memref<2048xf32, #tpu.memory_space<hbm>>) dst(%arg13 : memref<2048xf32, #tpu.memory_space<vmem>>)
      %scan3A_1265 = arith.constant 0 : i32
      %scan3A_1266 = arith.constant 0 : i32
      %scan3A_1267 = arith.constant 128 : i32
      %scan3A_1268 = arith.addi %scan3A_1266, %scan3A_1267 : i32
      %scan3A_1269 = arith.constant 1 : i32
      %scan3A_1270 = scf.for %scan3A_1292 = %scan3A_1266 to %scan3A_1268 step %scan3A_1269 iter_args(%scan3A_1293 = %scan3A_1265) -> (i32)  : i32 {
        %mul3A_1294 = arith.constant 16 : i32
        %mul3A_1295 = arith.muli %scan3A_1292, %mul3A_1294 : i32
        %get3A_1296 = arith.index_cast %mul3A_1295 : i32 to index
        %get3A_1297 = tpu.vector_load %arg9[%get3A_1296] {strides = array<i32>} : memref<2048xi32, #tpu.memory_space<vmem>>, vector<16xi32>,
        %mul3A_1298 = arith.constant 16 : i32
        %mul3A_1299 = arith.muli %scan3A_1292, %mul3A_1298 : i32
        %get3A_1300 = arith.index_cast %mul3A_1299 : i32 to index
        %get3A_1301 = tpu.vector_load %arg11[%get3A_1300] {strides = array<i32>} : memref<2048xi32, #tpu.memory_space<vmem>>, vector<16xi32>,
        %mul3A_1302 = arith.constant 16 : i32
        %mul3A_1303 = arith.muli %scan3A_1292, %mul3A_1302 : i32
        %get3A_1304 = arith.index_cast %mul3A_1303 : i32 to index
        %get3A_1305 = tpu.vector_load %arg13[%get3A_1304] {strides = array<i32>} : memref<2048xf32, #tpu.memory_space<vmem>>, vector<16xf32>,
        %div3A = vector.broadcast %scan3A_1093 : f32 to vector<16xf32>
        %div3A_1306 = arith.divf %get3A_1305, %div3A : vector<16xf32>
        %convert_element_type3A = arith.fptosi %div3A_1306 : vector<16xf32> to vector<16xi32>
        %convert_element_type3A_1307 = arith.sitofp %convert_element_type3A : vector<16xi32> to vector<16xf32>
        %sub3A = arith.subf %div3A_1306, %convert_element_type3A_1307 : vector<16xf32>
        %shift_right_logical3A = arith.constant 1 : i32
        %shift_right_logical3A_1308 = vector.broadcast %shift_right_logical3A : i32 to vector<16xi32>
        %shift_right_logical3A_1309 = arith.shrui %convert_element_type3A, %shift_right_logical3A_1308 : vector<16xi32>
        %mul3A_1310 = arith.constant 8 : i32
        %mul3A_1311 = vector.broadcast %mul3A_1310 : i32 to vector<16xi32>
        %mul3A_1312 = arith.muli %get3A_1297, %mul3A_1311 : vector<16xi32>
        %add3A_1313 = arith.addi %mul3A_1312, %shift_right_logical3A_1309 : vector<16xi32>
        %mul3A_1314 = arith.constant 16 : i32
        %mul3A_1315 = arith.muli %scan3A_1292, %mul3A_1314 : i32
        %swap3A_1316 = arith.index_cast %mul3A_1315 : i32 to index
        %swap3A_1317 = tpu.vector_load %arg17[%swap3A_1316] {strides = array<i32>} : memref<2048xi32, #tpu.memory_space<vmem>>, vector<16xi32>,
        tpu.vector_store %arg17[%swap3A_1316], %add3A_1313 {strides = array<i32>} : memref<2048xi32, #tpu.memory_space<vmem>>, vector<16xi32>,
        %mul3A_1318 = arith.constant 8 : i32
        %mul3A_1319 = vector.broadcast %mul3A_1318 : i32 to vector<16xi32>
        %mul3A_1320 = arith.muli %get3A_1301, %mul3A_1319 : vector<16xi32>
        %add3A_1321 = arith.addi %mul3A_1320, %shift_right_logical3A_1309 : vector<16xi32>
        %mul3A_1322 = arith.constant 16 : i32
        %mul3A_1323 = arith.muli %scan3A_1292, %mul3A_1322 : i32
        %swap3A_1324 = arith.index_cast %mul3A_1323 : i32 to index
        %swap3A_1325 = tpu.vector_load %arg19[%swap3A_1324] {strides = array<i32>} : memref<2048xi32, #tpu.memory_space<vmem>>, vector<16xi32>,
        tpu.vector_store %arg19[%swap3A_1324], %add3A_1321 {strides = array<i32>} : memref<2048xi32, #tpu.memory_space<vmem>>, vector<16xi32>,
        %and3A = arith.constant 1 : i32
        %and3A_1326 = vector.broadcast %and3A : i32 to vector<16xi32>
        %and3A_1327 = arith.andi %convert_element_type3A, %and3A_1326 : vector<16xi32>
        %shift_left3A = arith.constant 1 : i32
        %shift_left3A_1328 = vector.broadcast %shift_left3A : i32 to vector<16xi32>
        %shift_left3A_1329 = arith.shli %and3A_1327, %shift_left3A_1328 : vector<16xi32>
        %mul3A_1330 = arith.constant 16 : i32
        %mul3A_1331 = arith.muli %scan3A_1292, %mul3A_1330 : i32
        %swap3A_1332 = arith.index_cast %mul3A_1331 : i32 to index
        %swap3A_1333 = tpu.vector_load %arg21[%swap3A_1332] {strides = array<i32>} : memref<2048xi32, #tpu.memory_space<vmem>>, vector<16xi32>,
        tpu.vector_store %arg21[%swap3A_1332], %shift_left3A_1329 {strides = array<i32>} : memref<2048xi32, #tpu.memory_space<vmem>>, vector<16xi32>,
        %mul3A_1334 = arith.constant 16 : i32
        %mul3A_1335 = arith.muli %scan3A_1292, %mul3A_1334 : i32
        %swap3A_1336 = arith.index_cast %mul3A_1335 : i32 to index
        %swap3A_1337 = tpu.vector_load %arg15[%swap3A_1336] {strides = array<i32>} : memref<2048xf32, #tpu.memory_space<vmem>>, vector<16xf32>,
        tpu.vector_store %arg15[%swap3A_1336], %sub3A {strides = array<i32>} : memref<2048xf32, #tpu.memory_space<vmem>>, vector<16xf32>,
        %scan3A_1338 = arith.constant 0 : i32
        scf.yield %scan3A_1338 : i32
      }
      %scan3A_1271 = arith.constant 128 : i32
      %dma_start3A_1272 = arith.constant 0 : i32
      %dma_start3A_1273 = arith.constant 0 : i32
      %dma_start3A_1274 = tpu.memref_slice %arg2[%dma_start3A_1272, %dma_start3A_1273] : memref<400000x8xf32, #tpu.memory_space<hbm>> -> memref<400000x8xf32, #tpu.memory_space<hbm>>
      tpu.enqueue_indirect_dma source(%dma_start3A_1274 : memref<400000x8xf32, #tpu.memory_space<hbm>>) target(%arg23 : memref<2048x8xf32, #tpu.memory_space<vmem>>) offsets(%arg17 : memref<2048xi32, #tpu.memory_space<vmem>>) semaphore(%arg33 : memref<!tpu.dma_semaphore, #tpu.memory_space<semaphore_mem>>)
      %dma_start3A_1275 = arith.constant 0 : i32
      %dma_start3A_1276 = arith.constant 0 : i32
      %dma_start3A_1277 = tpu.memref_slice %arg2[%dma_start3A_1275, %dma_start3A_1276] : memref<400000x8xf32, #tpu.memory_space<hbm>> -> memref<400000x8xf32, #tpu.memory_space<hbm>>
      tpu.enqueue_indirect_dma source(%dma_start3A_1277 : memref<400000x8xf32, #tpu.memory_space<hbm>>) target(%arg25 : memref<2048x8xf32, #tpu.memory_space<vmem>>) offsets(%arg19 : memref<2048xi32, #tpu.memory_space<vmem>>) semaphore(%arg33 : memref<!tpu.dma_semaphore, #tpu.memory_space<semaphore_mem>>)
      %add3A_1278 = arith.constant 5 : i32
      %add3A_1279 = arith.addi %mul3A_1169, %add3A_1278 : i32
      %mul3A_1280 = arith.constant 2048 : i32
      %mul3A_1281 = arith.muli %add3A_1279, %mul3A_1280 : i32
      %add3A_1282 = arith.addi %multiple_of3A_982, %mul3A_1281 : i32
      %min3A_1283 = arith.constant 997952 : i32
      %min3A_1284 = arith.minsi %add3A_1282, %min3A_1283 : i32
      %multiple_of3A_1285 = tpu.assume_multiple %min3A_1284, 8 : i32
      %dma_start3A_1286 = tpu.memref_slice %arg4[%multiple_of3A_1285] : memref<1000000xi32, #tpu.memory_space<hbm>> -> memref<2048xi32, #tpu.memory_space<hbm>>
      %dma_start3A_1287 = tpu.memref_slice %arg4[%multiple_of3A_1285] : memref<1000000xi32, #tpu.memory_space<hbm>> -> memref<2048xi32, #tpu.memory_space<hbm>>
      tpu.enqueue_dma source(%dma_start3A_1287 : memref<2048xi32, #tpu.memory_space<hbm>>) target(%arg9 : memref<2048xi32, #tpu.memory_space<vmem>>) target_semaphore(%arg31 : memref<!tpu.dma_semaphore, #tpu.memory_space<semaphore_mem>>)
      %dma_start3A_1288 = tpu.memref_slice %arg5[%multiple_of3A_1285] : memref<1000000xi32, #tpu.memory_space<hbm>> -> memref<2048xi32, #tpu.memory_space<hbm>>
      %dma_start3A_1289 = tpu.memref_slice %arg5[%multiple_of3A_1285] : memref<1000000xi32, #tpu.memory_space<hbm>> -> memref<2048xi32, #tpu.memory_space<hbm>>
      tpu.enqueue_dma source(%dma_start3A_1289 : memref<2048xi32, #tpu.memory_space<hbm>>) target(%arg11 : memref<2048xi32, #tpu.memory_space<vmem>>) target_semaphore(%arg31 : memref<!tpu.dma_semaphore, #tpu.memory_space<semaphore_mem>>)
      %dma_start3A_1290 = tpu.memref_slice %arg3[%multiple_of3A_1285] : memref<1000000xf32, #tpu.memory_space<hbm>> -> memref<2048xf32, #tpu.memory_space<hbm>>
      %dma_start3A_1291 = tpu.memref_slice %arg3[%multiple_of3A_1285] : memref<1000000xf32, #tpu.memory_space<hbm>> -> memref<2048xf32, #tpu.memory_space<hbm>>
      tpu.enqueue_dma source(%dma_start3A_1291 : memref<2048xf32, #tpu.memory_space<hbm>>) target(%arg13 : memref<2048xf32, #tpu.memory_space<vmem>>) target_semaphore(%arg31 : memref<!tpu.dma_semaphore, #tpu.memory_space<semaphore_mem>>)
      scf.yield %scan3A_1251 : vector<16xf32>
    }
    %scan3A_1099 = arith.constant 7 : i32
    %dma_wait3A_1100 = arith.constant 0 : i32
    %dma_wait3A_1101 = arith.constant 0 : i32
    %dma_wait3A_1102 = tpu.memref_slice %arg2[%dma_wait3A_1100, %dma_wait3A_1101] : memref<400000x8xf32, #tpu.memory_space<hbm>> -> memref<2048x8xf32, #tpu.memory_space<hbm>>
    %dma_wait3A_1103 = arith.constant 0 : i32
    %dma_wait3A_1104 = arith.constant 0 : i32
    %dma_wait3A_1105 = tpu.memref_slice %arg2[%dma_wait3A_1103, %dma_wait3A_1104] : memref<400000x8xf32, #tpu.memory_space<hbm>> -> memref<2048x8xf32, #tpu.memory_space<hbm>>
    tpu.wait_dma2 semaphore(%arg32 : memref<!tpu.dma_semaphore, #tpu.memory_space<semaphore_mem>>) src(%dma_wait3A_1105 : memref<2048x8xf32, #tpu.memory_space<hbm>>) dst(%arg22 : memref<2048x8xf32, #tpu.memory_space<vmem>>)
    %dma_wait3A_1106 = arith.constant 0 : i32
    %dma_wait3A_1107 = arith.constant 0 : i32
    %dma_wait3A_1108 = tpu.memref_slice %arg2[%dma_wait3A_1106, %dma_wait3A_1107] : memref<400000x8xf32, #tpu.memory_space<hbm>> -> memref<2048x8xf32, #tpu.memory_space<hbm>>
    %dma_wait3A_1109 = arith.constant 0 : i32
    %dma_wait3A_1110 = arith.constant 0 : i32
    %dma_wait3A_1111 = tpu.memref_slice %arg2[%dma_wait3A_1109, %dma_wait3A_1110] : memref<400000x8xf32, #tpu.memory_space<hbm>> -> memref<2048x8xf32, #tpu.memory_space<hbm>>
    tpu.wait_dma2 semaphore(%arg32 : memref<!tpu.dma_semaphore, #tpu.memory_space<semaphore_mem>>) src(%dma_wait3A_1111 : memref<2048x8xf32, #tpu.memory_space<hbm>>) dst(%arg24 : memref<2048x8xf32, #tpu.memory_space<vmem>>)
    %add3A_1112 = arith.constant 28672 : i32
    %add3A_1113 = arith.addi %multiple_of3A_982, %add3A_1112 : i32
    %scan3A_1114 = arith.constant 0 : i32
    %scan3A_1115 = arith.constant 128 : i32
    %scan3A_1116 = arith.addi %scan3A_1114, %scan3A_1115 : i32
    %scan3A_1117 = arith.constant 1 : i32
    %scan3A_1118 = scf.for %scan3A_1166 = %scan3A_1114 to %scan3A_1116 step %scan3A_1117 iter_args(%scan3A_1167 = %scan3A_1098) -> (vector<16xf32>)  : i32 {
      %mul3A_1168 = arith.constant 16 : i32
      %mul3A_1169 = arith.muli %scan3A_1166, %mul3A_1168 : i32
      %add3A_1170 = vector.broadcast %mul3A_1169 : i32 to vector<16xi32>
      %add3A_1171 = arith.addi %add3A_1170, %iota3A : vector<16xi32>
      %mul3A_1172 = arith.constant 16 : i32
      %mul3A_1173 = arith.muli %scan3A_1166, %mul3A_1172 : i32
      %get3A_1174 = arith.index_cast %mul3A_1173 : i32 to index
      %get3A_1175 = tpu.vector_load %arg20[%get3A_1174] {strides = array<i32>} : memref<2048xi32, #tpu.memory_space<vmem>>, vector<16xi32>,
      %gather3A = tpu.vector_load_idx %arg22[%add3A_1171, %get3A_1175] : memref<2048x8xf32, #tpu.memory_space<vmem>>[vector<16xi32>, vector<16xi32>], vector<16xf32>,
      %add3A_1176 = arith.constant 1 : i32
      %add3A_1177 = vector.broadcast %add3A_1176 : i32 to vector<16xi32>
      %add3A_1178 = arith.addi %get3A_1175, %add3A_1177 : vector<16xi32>
      %gather3A_1179 = tpu.vector_load_idx %arg22[%add3A_1171, %add3A_1178] : memref<2048x8xf32, #tpu.memory_space<vmem>>[vector<16xi32>, vector<16xi32>], vector<16xf32>,
      %add3A_1180 = arith.constant 2 : i32
      %add3A_1181 = vector.broadcast %add3A_1180 : i32 to vector<16xi32>
      %add3A_1182 = arith.addi %get3A_1175, %add3A_1181 : vector<16xi32>
      %gather3A_1183 = tpu.vector_load_idx %arg22[%add3A_1171, %add3A_1182] : memref<2048x8xf32, #tpu.memory_space<vmem>>[vector<16xi32>, vector<16xi32>], vector<16xf32>,
      %add3A_1184 = arith.constant 3 : i32
      %add3A_1185 = vector.broadcast %add3A_1184 : i32 to vector<16xi32>
      %add3A_1186 = arith.addi %get3A_1175, %add3A_1185 : vector<16xi32>
      %gather3A_1187 = tpu.vector_load_idx %arg22[%add3A_1171, %add3A_1186] : memref<2048x8xf32, #tpu.memory_space<vmem>>[vector<16xi32>, vector<16xi32>], vector<16xf32>,
      %gather3A_1188 = tpu.vector_load_idx %arg24[%add3A_1171, %get3A_1175] : memref<2048x8xf32, #tpu.memory_space<vmem>>[vector<16xi32>, vector<16xi32>], vector<16xf32>,
      %add3A_1189 = arith.constant 1 : i32
      %add3A_1190 = vector.broadcast %add3A_1189 : i32 to vector<16xi32>
      %add3A_1191 = arith.addi %get3A_1175, %add3A_1190 : vector<16xi32>
      %gather3A_1192 = tpu.vector_load_idx %arg24[%add3A_1171, %add3A_1191] : memref<2048x8xf32, #tpu.memory_space<vmem>>[vector<16xi32>, vector<16xi32>], vector<16xf32>,
      %add3A_1193 = arith.constant 2 : i32
      %add3A_1194 = vector.broadcast %add3A_1193 : i32 to vector<16xi32>
      %add3A_1195 = arith.addi %get3A_1175, %add3A_1194 : vector<16xi32>
      %gather3A_1196 = tpu.vector_load_idx %arg24[%add3A_1171, %add3A_1195] : memref<2048x8xf32, #tpu.memory_space<vmem>>[vector<16xi32>, vector<16xi32>], vector<16xf32>,
      %add3A_1197 = arith.constant 3 : i32
      %add3A_1198 = vector.broadcast %add3A_1197 : i32 to vector<16xi32>
      %add3A_1199 = arith.addi %get3A_1175, %add3A_1198 : vector<16xi32>
      %gather3A_1200 = tpu.vector_load_idx %arg24[%add3A_1171, %add3A_1199] : memref<2048x8xf32, #tpu.memory_space<vmem>>[vector<16xi32>, vector<16xi32>], vector<16xf32>,
      %mul3A_1201 = arith.constant 16 : i32
      %mul3A_1202 = arith.muli %scan3A_1166, %mul3A_1201 : i32
      %get3A_1203 = arith.index_cast %mul3A_1202 : i32 to index
      %get3A_1204 = tpu.vector_load %arg14[%get3A_1203] {strides = array<i32>} : memref<2048xf32, #tpu.memory_space<vmem>>, vector<16xf32>,
      %sub3A = arith.constant 1.000000e+00 : f32
      %sub3A_1205 = vector.broadcast %sub3A : f32 to vector<16xf32>
      %sub3A_1206 = arith.subf %sub3A_1205, %get3A_1204 : vector<16xf32>
      %mul3A_1207 = arith.mulf %sub3A_1206, %gather3A : vector<16xf32>
      %mul3A_1208 = arith.mulf %get3A_1204, %gather3A_1183 : vector<16xf32>
      %add3A_1209 = arith.addf %mul3A_1207, %mul3A_1208 : vector<16xf32>
      %mul3A_1210 = arith.mulf %sub3A_1206, %gather3A_1179 : vector<16xf32>
      %mul3A_1211 = arith.mulf %get3A_1204, %gather3A_1187 : vector<16xf32>
      %add3A_1212 = arith.addf %mul3A_1210, %mul3A_1211 : vector<16xf32>
      %mul3A_1213 = arith.mulf %sub3A_1206, %gather3A_1188 : vector<16xf32>
      %mul3A_1214 = arith.mulf %get3A_1204, %gather3A_1196 : vector<16xf32>
      %add3A_1215 = arith.addf %mul3A_1213, %mul3A_1214 : vector<16xf32>
      %mul3A_1216 = arith.mulf %sub3A_1206, %gather3A_1192 : vector<16xf32>
      %mul3A_1217 = arith.mulf %get3A_1204, %gather3A_1200 : vector<16xf32>
      %add3A_1218 = arith.addf %mul3A_1216, %mul3A_1217 : vector<16xf32>
      %mul3A_1219 = arith.mulf %add3A_1209, %add3A_1215 : vector<16xf32>
      %mul3A_1220 = arith.mulf %add3A_1212, %add3A_1218 : vector<16xf32>
      %add3A_1221 = arith.addf %mul3A_1219, %mul3A_1220 : vector<16xf32>
      %bitcast_convert_type3A = tpu.bitcast %add3A_1221 : vector<16xf32> -> vector<16xi32>
      %shift_right_arithmetic3A = arith.constant 23 : i32
      %shift_right_arithmetic3A_1222 = vector.broadcast %shift_right_arithmetic3A : i32 to vector<16xi32>
      %shift_right_arithmetic3A_1223 = arith.shrsi %bitcast_convert_type3A, %shift_right_arithmetic3A_1222 : vector<16xi32>
      %sub3A_1224 = arith.constant 127 : i32
      %sub3A_1225 = vector.broadcast %sub3A_1224 : i32 to vector<16xi32>
      %sub3A_1226 = arith.subi %shift_right_arithmetic3A_1223, %sub3A_1225 : vector<16xi32>
      %and3A = arith.constant 8388607 : i32
      %and3A_1227 = vector.broadcast %and3A : i32 to vector<16xi32>
      %and3A_1228 = arith.andi %bitcast_convert_type3A, %and3A_1227 : vector<16xi32>
      %or3A = arith.constant 1065353216 : i32
      %or3A_1229 = vector.broadcast %or3A : i32 to vector<16xi32>
      %or3A_1230 = arith.ori %and3A_1228, %or3A_1229 : vector<16xi32>
      %bitcast_convert_type3A_1231 = tpu.bitcast %or3A_1230 : vector<16xi32> -> vector<16xf32>
      %gt3A = arith.constant 1.41421354 : f32
      %gt3A_1232 = vector.broadcast %gt3A : f32 to vector<16xf32>
      %gt3A_1233 = arith.cmpf ogt, %bitcast_convert_type3A_1231, %gt3A_1232 : vector<16xf32>
      %mul3A_1234 = arith.constant 5.000000e-01 : f32
      %mul3A_1235 = vector.broadcast %mul3A_1234 : f32 to vector<16xf32>
      %mul3A_1236 = arith.mulf %bitcast_convert_type3A_1231, %mul3A_1235 : vector<16xf32>
      %select_n3A = arith.select %gt3A_1233, %mul3A_1236, %bitcast_convert_type3A_1231 : vector<16xi1>, vector<16xf32>
      %convert_element_type3A = arith.sitofp %sub3A_1226 : vector<16xi32> to vector<16xf32>
      %jit3A = arith.constant 1.000000e+00 : f32
      %jit3A_1237 = arith.constant 0.000000e+00 : f32
      %broadcast_in_dim3A_1238 = vector.broadcast %jit3A : f32 to vector<16xf32>
      %broadcast_in_dim3A_1239 = vector.broadcast %jit3A_1237 : f32 to vector<16xf32>
      %select_n3A_1240 = arith.select %gt3A_1233, %broadcast_in_dim3A_1238, %broadcast_in_dim3A_1239 : vector<16xi1>, vector<16xf32>
      %add3A_1241 = arith.addf %convert_element_type3A, %select_n3A_1240 : vector<16xf32>
      %sub3A_1242 = arith.constant 1.000000e+00 : f32
      %sub3A_1243 = vector.broadcast %sub3A_1242 : f32 to vector<16xf32>
      %sub3A_1244 = arith.subf %select_n3A, %sub3A_1243 : vector<16xf32>
      %add3A_1245 = arith.constant 1.000000e+00 : f32
      %add3A_1246 = vector.broadcast %add3A_1245 : f32 to vector<16xf32>
      %add3A_1247 = arith.addf %select_n3A, %add3A_1246 : vector<16xf32>
      %div3A = arith.divf %sub3A_1244, %add3A_1247 : vector<16xf32>
      %mul3A_1248 = arith.mulf %div3A, %div3A : vector<16xf32>
      %mul3A_1249 = arith.constant 0.285714298 : f32
      %mul3A_1250 = vector.broadcast %mul3A_1249 : f32 to vector<16xf32>
      %mul3A_1251 = arith.mulf %mul3A_1248, %mul3A_1250 : vector<16xf32>
      %add3A_1252 = arith.constant 4.000000e-01 : f32
      %add3A_1253 = vector.broadcast %add3A_1252 : f32 to vector<16xf32>
      %add3A_1254 = arith.addf %add3A_1253, %mul3A_1251 : vector<16xf32>
      %mul3A_1255 = arith.mulf %mul3A_1248, %add3A_1254 : vector<16xf32>
      %add3A_1256 = arith.constant 0.666666686 : f32
      %add3A_1257 = vector.broadcast %add3A_1256 : f32 to vector<16xf32>
      %add3A_1258 = arith.addf %add3A_1257, %mul3A_1255 : vector<16xf32>
      %mul3A_1259 = arith.mulf %mul3A_1248, %add3A_1258 : vector<16xf32>
      %add3A_1260 = arith.constant 2.000000e+00 : f32
      %add3A_1261 = vector.broadcast %add3A_1260 : f32 to vector<16xf32>
      %add3A_1262 = arith.addf %add3A_1261, %mul3A_1259 : vector<16xf32>
      %mul3A_1263 = arith.mulf %div3A, %add3A_1262 : vector<16xf32>
      %mul3A_1264 = arith.constant 0.693147182 : f32
      %mul3A_1265 = vector.broadcast %mul3A_1264 : f32 to vector<16xf32>
      %mul3A_1266 = arith.mulf %add3A_1241, %mul3A_1265 : vector<16xf32>
      %add3A_1267 = arith.addf %mul3A_1266, %mul3A_1263 : vector<16xf32>
      %mul3A_1268 = arith.constant 16 : i32
      %mul3A_1269 = arith.muli %scan3A_1166, %mul3A_1268 : i32
      %add3A_1270 = arith.addi %add3A_1113, %mul3A_1269 : i32
      %add3A_1271 = vector.broadcast %add3A_1270 : i32 to vector<16xi32>
      %add3A_1272 = arith.addi %add3A_1271, %iota3A : vector<16xi32>
      %lt3A = arith.constant 1000000 : i32
      %lt3A_1273 = vector.broadcast %lt3A : i32 to vector<16xi32>
      %lt3A_1274 = arith.cmpi slt, %add3A_1272, %lt3A_1273 : vector<16xi32>
      %jit3A_1275 = arith.constant 0.000000e+00 : f32
      %broadcast_in_dim3A_1276 = vector.broadcast %jit3A_1275 : f32 to vector<16xf32>
      %select_n3A_1277 = arith.select %lt3A_1274, %add3A_1267, %broadcast_in_dim3A_1276 : vector<16xi1>, vector<16xf32>
      %add3A_1278 = arith.addf %scan3A_1167, %select_n3A_1277 : vector<16xf32>
      scf.yield %add3A_1278 : vector<16xf32>
    }
    %scan3A_1119 = arith.constant 128 : i32
    %dma_wait3A_1120 = arith.constant 0 : i32
    %dma_wait3A_1121 = arith.constant 0 : i32
    %dma_wait3A_1122 = tpu.memref_slice %arg2[%dma_wait3A_1120, %dma_wait3A_1121] : memref<400000x8xf32, #tpu.memory_space<hbm>> -> memref<2048x8xf32, #tpu.memory_space<hbm>>
    %dma_wait3A_1123 = arith.constant 0 : i32
    %dma_wait3A_1124 = arith.constant 0 : i32
    %dma_wait3A_1125 = tpu.memref_slice %arg2[%dma_wait3A_1123, %dma_wait3A_1124] : memref<400000x8xf32, #tpu.memory_space<hbm>> -> memref<2048x8xf32, #tpu.memory_space<hbm>>
    tpu.wait_dma2 semaphore(%arg33 : memref<!tpu.dma_semaphore, #tpu.memory_space<semaphore_mem>>) src(%dma_wait3A_1125 : memref<2048x8xf32, #tpu.memory_space<hbm>>) dst(%arg23 : memref<2048x8xf32, #tpu.memory_space<vmem>>)
    %dma_wait3A_1126 = arith.constant 0 : i32
    %dma_wait3A_1127 = arith.constant 0 : i32
    %dma_wait3A_1128 = tpu.memref_slice %arg2[%dma_wait3A_1126, %dma_wait3A_1127] : memref<400000x8xf32, #tpu.memory_space<hbm>> -> memref<2048x8xf32, #tpu.memory_space<hbm>>
    %dma_wait3A_1129 = arith.constant 0 : i32
    %dma_wait3A_1130 = arith.constant 0 : i32
    %dma_wait3A_1131 = tpu.memref_slice %arg2[%dma_wait3A_1129, %dma_wait3A_1130] : memref<400000x8xf32, #tpu.memory_space<hbm>> -> memref<2048x8xf32, #tpu.memory_space<hbm>>
    tpu.wait_dma2 semaphore(%arg33 : memref<!tpu.dma_semaphore, #tpu.memory_space<semaphore_mem>>) src(%dma_wait3A_1131 : memref<2048x8xf32, #tpu.memory_space<hbm>>) dst(%arg25 : memref<2048x8xf32, #tpu.memory_space<vmem>>)
    %add3A_1132 = arith.constant 30720 : i32
    %add3A_1133 = arith.addi %multiple_of3A_982, %add3A_1132 : i32
    %scan3A_1134 = arith.constant 0 : i32
    %scan3A_1135 = arith.constant 128 : i32
    %scan3A_1136 = arith.addi %scan3A_1134, %scan3A_1135 : i32
    %scan3A_1137 = arith.constant 1 : i32
    %scan3A_1138 = scf.for %scan3A_1166 = %scan3A_1134 to %scan3A_1136 step %scan3A_1137 iter_args(%scan3A_1167 = %scan3A_1118) -> (vector<16xf32>)  : i32 {
      %mul3A_1168 = arith.constant 16 : i32
      %mul3A_1169 = arith.muli %scan3A_1166, %mul3A_1168 : i32
      %add3A_1170 = vector.broadcast %mul3A_1169 : i32 to vector<16xi32>
      %add3A_1171 = arith.addi %add3A_1170, %iota3A : vector<16xi32>
      %mul3A_1172 = arith.constant 16 : i32
      %mul3A_1173 = arith.muli %scan3A_1166, %mul3A_1172 : i32
      %get3A_1174 = arith.index_cast %mul3A_1173 : i32 to index
      %get3A_1175 = tpu.vector_load %arg21[%get3A_1174] {strides = array<i32>} : memref<2048xi32, #tpu.memory_space<vmem>>, vector<16xi32>,
      %gather3A = tpu.vector_load_idx %arg23[%add3A_1171, %get3A_1175] : memref<2048x8xf32, #tpu.memory_space<vmem>>[vector<16xi32>, vector<16xi32>], vector<16xf32>,
      %add3A_1176 = arith.constant 1 : i32
      %add3A_1177 = vector.broadcast %add3A_1176 : i32 to vector<16xi32>
      %add3A_1178 = arith.addi %get3A_1175, %add3A_1177 : vector<16xi32>
      %gather3A_1179 = tpu.vector_load_idx %arg23[%add3A_1171, %add3A_1178] : memref<2048x8xf32, #tpu.memory_space<vmem>>[vector<16xi32>, vector<16xi32>], vector<16xf32>,
      %add3A_1180 = arith.constant 2 : i32
      %add3A_1181 = vector.broadcast %add3A_1180 : i32 to vector<16xi32>
      %add3A_1182 = arith.addi %get3A_1175, %add3A_1181 : vector<16xi32>
      %gather3A_1183 = tpu.vector_load_idx %arg23[%add3A_1171, %add3A_1182] : memref<2048x8xf32, #tpu.memory_space<vmem>>[vector<16xi32>, vector<16xi32>], vector<16xf32>,
      %add3A_1184 = arith.constant 3 : i32
      %add3A_1185 = vector.broadcast %add3A_1184 : i32 to vector<16xi32>
      %add3A_1186 = arith.addi %get3A_1175, %add3A_1185 : vector<16xi32>
      %gather3A_1187 = tpu.vector_load_idx %arg23[%add3A_1171, %add3A_1186] : memref<2048x8xf32, #tpu.memory_space<vmem>>[vector<16xi32>, vector<16xi32>], vector<16xf32>,
      %gather3A_1188 = tpu.vector_load_idx %arg25[%add3A_1171, %get3A_1175] : memref<2048x8xf32, #tpu.memory_space<vmem>>[vector<16xi32>, vector<16xi32>], vector<16xf32>,
      %add3A_1189 = arith.constant 1 : i32
      %add3A_1190 = vector.broadcast %add3A_1189 : i32 to vector<16xi32>
      %add3A_1191 = arith.addi %get3A_1175, %add3A_1190 : vector<16xi32>
      %gather3A_1192 = tpu.vector_load_idx %arg25[%add3A_1171, %add3A_1191] : memref<2048x8xf32, #tpu.memory_space<vmem>>[vector<16xi32>, vector<16xi32>], vector<16xf32>,
      %add3A_1193 = arith.constant 2 : i32
      %add3A_1194 = vector.broadcast %add3A_1193 : i32 to vector<16xi32>
      %add3A_1195 = arith.addi %get3A_1175, %add3A_1194 : vector<16xi32>
      %gather3A_1196 = tpu.vector_load_idx %arg25[%add3A_1171, %add3A_1195] : memref<2048x8xf32, #tpu.memory_space<vmem>>[vector<16xi32>, vector<16xi32>], vector<16xf32>,
      %add3A_1197 = arith.constant 3 : i32
      %add3A_1198 = vector.broadcast %add3A_1197 : i32 to vector<16xi32>
      %add3A_1199 = arith.addi %get3A_1175, %add3A_1198 : vector<16xi32>
      %gather3A_1200 = tpu.vector_load_idx %arg25[%add3A_1171, %add3A_1199] : memref<2048x8xf32, #tpu.memory_space<vmem>>[vector<16xi32>, vector<16xi32>], vector<16xf32>,
      %mul3A_1201 = arith.constant 16 : i32
      %mul3A_1202 = arith.muli %scan3A_1166, %mul3A_1201 : i32
      %get3A_1203 = arith.index_cast %mul3A_1202 : i32 to index
      %get3A_1204 = tpu.vector_load %arg15[%get3A_1203] {strides = array<i32>} : memref<2048xf32, #tpu.memory_space<vmem>>, vector<16xf32>,
      %sub3A = arith.constant 1.000000e+00 : f32
      %sub3A_1205 = vector.broadcast %sub3A : f32 to vector<16xf32>
      %sub3A_1206 = arith.subf %sub3A_1205, %get3A_1204 : vector<16xf32>
      %mul3A_1207 = arith.mulf %sub3A_1206, %gather3A : vector<16xf32>
      %mul3A_1208 = arith.mulf %get3A_1204, %gather3A_1183 : vector<16xf32>
      %add3A_1209 = arith.addf %mul3A_1207, %mul3A_1208 : vector<16xf32>
      %mul3A_1210 = arith.mulf %sub3A_1206, %gather3A_1179 : vector<16xf32>
      %mul3A_1211 = arith.mulf %get3A_1204, %gather3A_1187 : vector<16xf32>
      %add3A_1212 = arith.addf %mul3A_1210, %mul3A_1211 : vector<16xf32>
      %mul3A_1213 = arith.mulf %sub3A_1206, %gather3A_1188 : vector<16xf32>
      %mul3A_1214 = arith.mulf %get3A_1204, %gather3A_1196 : vector<16xf32>
      %add3A_1215 = arith.addf %mul3A_1213, %mul3A_1214 : vector<16xf32>
      %mul3A_1216 = arith.mulf %sub3A_1206, %gather3A_1192 : vector<16xf32>
      %mul3A_1217 = arith.mulf %get3A_1204, %gather3A_1200 : vector<16xf32>
      %add3A_1218 = arith.addf %mul3A_1216, %mul3A_1217 : vector<16xf32>
      %mul3A_1219 = arith.mulf %add3A_1209, %add3A_1215 : vector<16xf32>
      %mul3A_1220 = arith.mulf %add3A_1212, %add3A_1218 : vector<16xf32>
      %add3A_1221 = arith.addf %mul3A_1219, %mul3A_1220 : vector<16xf32>
      %bitcast_convert_type3A = tpu.bitcast %add3A_1221 : vector<16xf32> -> vector<16xi32>
      %shift_right_arithmetic3A = arith.constant 23 : i32
      %shift_right_arithmetic3A_1222 = vector.broadcast %shift_right_arithmetic3A : i32 to vector<16xi32>
      %shift_right_arithmetic3A_1223 = arith.shrsi %bitcast_convert_type3A, %shift_right_arithmetic3A_1222 : vector<16xi32>
      %sub3A_1224 = arith.constant 127 : i32
      %sub3A_1225 = vector.broadcast %sub3A_1224 : i32 to vector<16xi32>
      %sub3A_1226 = arith.subi %shift_right_arithmetic3A_1223, %sub3A_1225 : vector<16xi32>
      %and3A = arith.constant 8388607 : i32
      %and3A_1227 = vector.broadcast %and3A : i32 to vector<16xi32>
      %and3A_1228 = arith.andi %bitcast_convert_type3A, %and3A_1227 : vector<16xi32>
      %or3A = arith.constant 1065353216 : i32
      %or3A_1229 = vector.broadcast %or3A : i32 to vector<16xi32>
      %or3A_1230 = arith.ori %and3A_1228, %or3A_1229 : vector<16xi32>
      %bitcast_convert_type3A_1231 = tpu.bitcast %or3A_1230 : vector<16xi32> -> vector<16xf32>
      %gt3A = arith.constant 1.41421354 : f32
      %gt3A_1232 = vector.broadcast %gt3A : f32 to vector<16xf32>
      %gt3A_1233 = arith.cmpf ogt, %bitcast_convert_type3A_1231, %gt3A_1232 : vector<16xf32>
      %mul3A_1234 = arith.constant 5.000000e-01 : f32
      %mul3A_1235 = vector.broadcast %mul3A_1234 : f32 to vector<16xf32>
      %mul3A_1236 = arith.mulf %bitcast_convert_type3A_1231, %mul3A_1235 : vector<16xf32>
      %select_n3A = arith.select %gt3A_1233, %mul3A_1236, %bitcast_convert_type3A_1231 : vector<16xi1>, vector<16xf32>
      %convert_element_type3A = arith.sitofp %sub3A_1226 : vector<16xi32> to vector<16xf32>
      %jit3A = arith.constant 1.000000e+00 : f32
      %jit3A_1237 = arith.constant 0.000000e+00 : f32
      %broadcast_in_dim3A_1238 = vector.broadcast %jit3A : f32 to vector<16xf32>
      %broadcast_in_dim3A_1239 = vector.broadcast %jit3A_1237 : f32 to vector<16xf32>
      %select_n3A_1240 = arith.select %gt3A_1233, %broadcast_in_dim3A_1238, %broadcast_in_dim3A_1239 : vector<16xi1>, vector<16xf32>
      %add3A_1241 = arith.addf %convert_element_type3A, %select_n3A_1240 : vector<16xf32>
      %sub3A_1242 = arith.constant 1.000000e+00 : f32
      %sub3A_1243 = vector.broadcast %sub3A_1242 : f32 to vector<16xf32>
      %sub3A_1244 = arith.subf %select_n3A, %sub3A_1243 : vector<16xf32>
      %add3A_1245 = arith.constant 1.000000e+00 : f32
      %add3A_1246 = vector.broadcast %add3A_1245 : f32 to vector<16xf32>
      %add3A_1247 = arith.addf %select_n3A, %add3A_1246 : vector<16xf32>
      %div3A = arith.divf %sub3A_1244, %add3A_1247 : vector<16xf32>
      %mul3A_1248 = arith.mulf %div3A, %div3A : vector<16xf32>
      %mul3A_1249 = arith.constant 0.285714298 : f32
      %mul3A_1250 = vector.broadcast %mul3A_1249 : f32 to vector<16xf32>
      %mul3A_1251 = arith.mulf %mul3A_1248, %mul3A_1250 : vector<16xf32>
      %add3A_1252 = arith.constant 4.000000e-01 : f32
      %add3A_1253 = vector.broadcast %add3A_1252 : f32 to vector<16xf32>
      %add3A_1254 = arith.addf %add3A_1253, %mul3A_1251 : vector<16xf32>
      %mul3A_1255 = arith.mulf %mul3A_1248, %add3A_1254 : vector<16xf32>
      %add3A_1256 = arith.constant 0.666666686 : f32
      %add3A_1257 = vector.broadcast %add3A_1256 : f32 to vector<16xf32>
      %add3A_1258 = arith.addf %add3A_1257, %mul3A_1255 : vector<16xf32>
      %mul3A_1259 = arith.mulf %mul3A_1248, %add3A_1258 : vector<16xf32>
      %add3A_1260 = arith.constant 2.000000e+00 : f32
      %add3A_1261 = vector.broadcast %add3A_1260 : f32 to vector<16xf32>
      %add3A_1262 = arith.addf %add3A_1261, %mul3A_1259 : vector<16xf32>
      %mul3A_1263 = arith.mulf %div3A, %add3A_1262 : vector<16xf32>
      %mul3A_1264 = arith.constant 0.693147182 : f32
      %mul3A_1265 = vector.broadcast %mul3A_1264 : f32 to vector<16xf32>
      %mul3A_1266 = arith.mulf %add3A_1241, %mul3A_1265 : vector<16xf32>
      %add3A_1267 = arith.addf %mul3A_1266, %mul3A_1263 : vector<16xf32>
      %mul3A_1268 = arith.constant 16 : i32
      %mul3A_1269 = arith.muli %scan3A_1166, %mul3A_1268 : i32
      %add3A_1270 = arith.addi %add3A_1133, %mul3A_1269 : i32
      %add3A_1271 = vector.broadcast %add3A_1270 : i32 to vector<16xi32>
      %add3A_1272 = arith.addi %add3A_1271, %iota3A : vector<16xi32>
      %lt3A = arith.constant 1000000 : i32
      %lt3A_1273 = vector.broadcast %lt3A : i32 to vector<16xi32>
      %lt3A_1274 = arith.cmpi slt, %add3A_1272, %lt3A_1273 : vector<16xi32>
      %jit3A_1275 = arith.constant 0.000000e+00 : f32
      %broadcast_in_dim3A_1276 = vector.broadcast %jit3A_1275 : f32 to vector<16xf32>
      %select_n3A_1277 = arith.select %lt3A_1274, %add3A_1267, %broadcast_in_dim3A_1276 : vector<16xi1>, vector<16xf32>
      %add3A_1278 = arith.addf %scan3A_1167, %select_n3A_1277 : vector<16xf32>
      scf.yield %add3A_1278 : vector<16xf32>
    }
    %scan3A_1139 = arith.constant 128 : i32
    %dma_wait3A_1140 = arith.constant 0 : i32
    %dma_wait3A_1141 = tpu.memref_slice %arg4[%dma_wait3A_1140] : memref<1000000xi32, #tpu.memory_space<hbm>> -> memref<2048xi32, #tpu.memory_space<hbm>>
    %dma_wait3A_1142 = arith.constant 0 : i32
    %dma_wait3A_1143 = tpu.memref_slice %arg4[%dma_wait3A_1142] : memref<1000000xi32, #tpu.memory_space<hbm>> -> memref<2048xi32, #tpu.memory_space<hbm>>
    tpu.wait_dma2 semaphore(%arg30 : memref<!tpu.dma_semaphore, #tpu.memory_space<semaphore_mem>>) src(%dma_wait3A_1143 : memref<2048xi32, #tpu.memory_space<hbm>>) dst(%arg8 : memref<2048xi32, #tpu.memory_space<vmem>>)
    %dma_wait3A_1144 = arith.constant 0 : i32
    %dma_wait3A_1145 = tpu.memref_slice %arg5[%dma_wait3A_1144] : memref<1000000xi32, #tpu.memory_space<hbm>> -> memref<2048xi32, #tpu.memory_space<hbm>>
    %dma_wait3A_1146 = arith.constant 0 : i32
    %dma_wait3A_1147 = tpu.memref_slice %arg5[%dma_wait3A_1146] : memref<1000000xi32, #tpu.memory_space<hbm>> -> memref<2048xi32, #tpu.memory_space<hbm>>
    tpu.wait_dma2 semaphore(%arg30 : memref<!tpu.dma_semaphore, #tpu.memory_space<semaphore_mem>>) src(%dma_wait3A_1147 : memref<2048xi32, #tpu.memory_space<hbm>>) dst(%arg10 : memref<2048xi32, #tpu.memory_space<vmem>>)
    %dma_wait3A_1148 = arith.constant 0 : i32
    %dma_wait3A_1149 = tpu.memref_slice %arg3[%dma_wait3A_1148] : memref<1000000xf32, #tpu.memory_space<hbm>> -> memref<2048xf32, #tpu.memory_space<hbm>>
    %dma_wait3A_1150 = arith.constant 0 : i32
    %dma_wait3A_1151 = tpu.memref_slice %arg3[%dma_wait3A_1150] : memref<1000000xf32, #tpu.memory_space<hbm>> -> memref<2048xf32, #tpu.memory_space<hbm>>
    tpu.wait_dma2 semaphore(%arg30 : memref<!tpu.dma_semaphore, #tpu.memory_space<semaphore_mem>>) src(%dma_wait3A_1151 : memref<2048xf32, #tpu.memory_space<hbm>>) dst(%arg12 : memref<2048xf32, #tpu.memory_space<vmem>>)
    %dma_wait3A_1152 = arith.constant 0 : i32
    %dma_wait3A_1153 = tpu.memref_slice %arg4[%dma_wait3A_1152] : memref<1000000xi32, #tpu.memory_space<hbm>> -> memref<2048xi32, #tpu.memory_space<hbm>>
    %dma_wait3A_1154 = arith.constant 0 : i32
    %dma_wait3A_1155 = tpu.memref_slice %arg4[%dma_wait3A_1154] : memref<1000000xi32, #tpu.memory_space<hbm>> -> memref<2048xi32, #tpu.memory_space<hbm>>
    tpu.wait_dma2 semaphore(%arg31 : memref<!tpu.dma_semaphore, #tpu.memory_space<semaphore_mem>>) src(%dma_wait3A_1155 : memref<2048xi32, #tpu.memory_space<hbm>>) dst(%arg9 : memref<2048xi32, #tpu.memory_space<vmem>>)
    %dma_wait3A_1156 = arith.constant 0 : i32
    %dma_wait3A_1157 = tpu.memref_slice %arg5[%dma_wait3A_1156] : memref<1000000xi32, #tpu.memory_space<hbm>> -> memref<2048xi32, #tpu.memory_space<hbm>>
    %dma_wait3A_1158 = arith.constant 0 : i32
    %dma_wait3A_1159 = tpu.memref_slice %arg5[%dma_wait3A_1158] : memref<1000000xi32, #tpu.memory_space<hbm>> -> memref<2048xi32, #tpu.memory_space<hbm>>
    tpu.wait_dma2 semaphore(%arg31 : memref<!tpu.dma_semaphore, #tpu.memory_space<semaphore_mem>>) src(%dma_wait3A_1159 : memref<2048xi32, #tpu.memory_space<hbm>>) dst(%arg11 : memref<2048xi32, #tpu.memory_space<vmem>>)
    %dma_wait3A_1160 = arith.constant 0 : i32
    %dma_wait3A_1161 = tpu.memref_slice %arg3[%dma_wait3A_1160] : memref<1000000xf32, #tpu.memory_space<hbm>> -> memref<2048xf32, #tpu.memory_space<hbm>>
    %dma_wait3A_1162 = arith.constant 0 : i32
    %dma_wait3A_1163 = tpu.memref_slice %arg3[%dma_wait3A_1162] : memref<1000000xf32, #tpu.memory_space<hbm>> -> memref<2048xf32, #tpu.memory_space<hbm>>
    tpu.wait_dma2 semaphore(%arg31 : memref<!tpu.dma_semaphore, #tpu.memory_space<semaphore_mem>>) src(%dma_wait3A_1163 : memref<2048xf32, #tpu.memory_space<hbm>>) dst(%arg13 : memref<2048xf32, #tpu.memory_space<vmem>>)
    %swap3A_1164 = arith.constant 0 : index
    %swap3A_1165 = tpu.vector_load %arg29[%swap3A_1164] {strides = array<i32>} : memref<1152xf32, #tpu.memory_space<vmem>>, vector<16xf32>,
    tpu.vector_store %arg29[%swap3A_1164], %scan3A_1138 {strides = array<i32>} : memref<1152xf32, #tpu.memory_space<vmem>>, vector<16xf32>,
    "tpu.region"() ({
      %run_scoped3A = tpu.sem_alloc : memref<!tpu.dma_semaphore, #tpu.memory_space<semaphore_mem>>
      %dma_start3A_1166 = arith.constant 0 : i32
      %dma_start3A_1167 = tpu.memref_slice %arg7[%add3A, %dma_start3A_1166] : memref<32x1152xf32, #tpu.memory_space<hbm>> -> memref<1x1152xf32, #tpu.memory_space<hbm>>
      %dma_start3A_1168 = tpu.memref_squeeze %dma_start3A_1167 : memref<1x1152xf32, #tpu.memory_space<hbm>> -> memref<1152xf32, #tpu.memory_space<hbm>>
      %dma_start3A_1169 = arith.constant 0 : i32
      %dma_start3A_1170 = tpu.memref_slice %arg7[%add3A, %dma_start3A_1169] : memref<32x1152xf32, #tpu.memory_space<hbm>> -> memref<1x1152xf32, #tpu.memory_space<hbm>>
      %dma_start3A_1171 = tpu.memref_squeeze %dma_start3A_1170 : memref<1x1152xf32, #tpu.memory_space<hbm>> -> memref<1152xf32, #tpu.memory_space<hbm>>
      tpu.enqueue_dma source(%arg29 : memref<1152xf32, #tpu.memory_space<vmem>>) target(%dma_start3A_1171 : memref<1152xf32, #tpu.memory_space<hbm>>) target_semaphore(%run_scoped3A : memref<!tpu.dma_semaphore, #tpu.memory_space<semaphore_mem>>)
      %dma_wait3A_1172 = arith.constant 0 : i32
      %dma_wait3A_1173 = tpu.memref_slice %arg7[%add3A, %dma_wait3A_1172] : memref<32x1152xf32, #tpu.memory_space<hbm>> -> memref<1x1152xf32, #tpu.memory_space<hbm>>
      %dma_wait3A_1174 = tpu.memref_squeeze %dma_wait3A_1173 : memref<1x1152xf32, #tpu.memory_space<hbm>> -> memref<1152xf32, #tpu.memory_space<hbm>>
      %dma_wait3A_1175 = arith.constant 0 : i32
      %dma_wait3A_1176 = tpu.memref_slice %arg7[%add3A, %dma_wait3A_1175] : memref<32x1152xf32, #tpu.memory_space<hbm>> -> memref<1x1152xf32, #tpu.memory_space<hbm>>
      %dma_wait3A_1177 = tpu.memref_squeeze %dma_wait3A_1176 : memref<1x1152xf32, #tpu.memory_space<hbm>> -> memref<1152xf32, #tpu.memory_space<hbm>>
      tpu.wait_dma2 semaphore(%run_scoped3A : memref<!tpu.dma_semaphore, #tpu.memory_space<semaphore_mem>>) src(%arg29 : memref<1152xf32, #tpu.memory_space<vmem>>) dst(%dma_wait3A_1177 : memref<1152xf32, #tpu.memory_space<hbm>>)
      tpu.yield
    }) : () -> ()
    return
  }
}

module attributes {stable_mosaic.version = 14 : i64} {
  func.func @_prep_body(%arg0: i32, %arg1: memref<10000x34xf32, #tpu.memory_space<vmem>>, %arg2: memref<34x64xf32, #tpu.memory_space<vmem>>, %arg3: memref<10000x64xf32, #tpu.memory_space<vmem>>) attributes {dimension_semantics = [#tpu.dimension_semantics<arbitrary>], iteration_bounds = array<i64: 5>, scalar_prefetch = 0 : i64, scratch_operands = 0 : i64, tpu.core_type = #tpu.core_type<tc>, window_params = [{transform_indices = @transform_0, window_bounds = array<i64: 10000, 34>}, {pipeline_mode = #tpu.pipeline_mode<synchronous>, transform_indices = @transform_1, window_bounds = array<i64: 34, 64>}, {transform_indices = @transform_2, window_bounds = array<i64: 10000, 64>}]} {
    %get3A = arith.constant 0 : index
    %get3A_0 = arith.constant 0 : index
    %get3A_1 = vector.load %arg1[%get3A, %get3A_0] : memref<10000x34xf32, #tpu.memory_space<vmem>>, vector<10000x34xf32>
    %exp3A = math.exp %get3A_1 : vector<10000x34xf32>
    %bitcast_convert_type3A = tpu.bitcast %exp3A : vector<10000x34xf32> -> vector<10000x34xi32>
    %and3A = arith.constant -65536 : i32
    %and3A_2 = vector.broadcast %and3A : i32 to vector<10000x34xi32>
    %and3A_3 = arith.andi %bitcast_convert_type3A, %and3A_2 : vector<10000x34xi32>
    %bitcast_convert_type3A_4 = tpu.bitcast %and3A_3 : vector<10000x34xi32> -> vector<10000x34xf32>
    %sub3A = arith.subf %exp3A, %bitcast_convert_type3A_4 : vector<10000x34xf32>
    %bitcast_convert_type3A_5 = tpu.bitcast %sub3A : vector<10000x34xf32> -> vector<10000x34xi32>
    %and3A_6 = arith.constant -65536 : i32
    %and3A_7 = vector.broadcast %and3A_6 : i32 to vector<10000x34xi32>
    %and3A_8 = arith.andi %bitcast_convert_type3A_5, %and3A_7 : vector<10000x34xi32>
    %bitcast_convert_type3A_9 = tpu.bitcast %and3A_8 : vector<10000x34xi32> -> vector<10000x34xf32>
    %get3A_10 = arith.constant 0 : index
    %get3A_11 = arith.constant 0 : index
    %get3A_12 = vector.load %arg2[%get3A_10, %get3A_11] : memref<34x64xf32, #tpu.memory_space<vmem>>, vector<34x64xf32>
    %convert_element_type3A = arith.truncf %get3A_12 : vector<34x64xf32> to vector<34x64xbf16>
    %convert_element_type3A_13 = arith.truncf %bitcast_convert_type3A_4 : vector<10000x34xf32> to vector<10000x34xbf16>
    %dot_general3A = arith.constant dense<0.000000e+00> : vector<10000x64xf32>
    %dot_general3A_14 = tpu.matmul %convert_element_type3A_13, %convert_element_type3A, %dot_general3A {dimension_numbers = #tpu.dot_dimension_numbers<[1], [0], [0], [1], [0, 0, 1, 1], [], []>, transpose_lhs_hint = false} : vector<10000x34xbf16>, vector<34x64xbf16>, vector<10000x64xf32> -> vector<10000x64xf32>
    %convert_element_type3A_15 = arith.truncf %bitcast_convert_type3A_9 : vector<10000x34xf32> to vector<10000x34xbf16>
    %dot_general3A_16 = arith.constant dense<0.000000e+00> : vector<10000x64xf32>
    %dot_general3A_17 = tpu.matmul %convert_element_type3A_15, %convert_element_type3A, %dot_general3A_16 {dimension_numbers = #tpu.dot_dimension_numbers<[1], [0], [0], [1], [0, 0, 1, 1], [], []>, transpose_lhs_hint = false} : vector<10000x34xbf16>, vector<34x64xbf16>, vector<10000x64xf32> -> vector<10000x64xf32>
    %add3A = arith.addf %dot_general3A_14, %dot_general3A_17 : vector<10000x64xf32>
    %swap3A = arith.constant 0 : index
    %swap3A_18 = arith.constant 0 : index
    %swap3A_19 = vector.load %arg3[%swap3A, %swap3A_18] : memref<10000x64xf32, #tpu.memory_space<vmem>>, vector<10000x64xf32>
    tpu.vector_store %arg3[%swap3A, %swap3A_18], %add3A {strides = array<i32>} : memref<10000x64xf32, #tpu.memory_space<vmem>>, vector<10000x64xf32>,
    return
  }
  func.func @transform_0(%arg0: i32) -> (i32, i32) {
    %c0_i32 = arith.constant 0 : i32
    %c0_i32_0 = arith.constant 0 : i32
    return %arg0, %c0_i32 : i32, i32
  }
  func.func @transform_1(%arg0: i32) -> (i32, i32) {
    %c0_i32 = arith.constant 0 : i32
    %c0_i32_0 = arith.constant 0 : i32
    %c0_i32_1 = arith.constant 0 : i32
    return %c0_i32, %c0_i32_0 : i32, i32
  }
  func.func @transform_2(%arg0: i32) -> (i32, i32) {
    %c0_i32 = arith.constant 0 : i32
    %c0_i32_0 = arith.constant 0 : i32
    return %arg0, %c0_i32 : i32, i32
  }
}

module attributes {stable_mosaic.version = 14 : i64} {
  func.func @_fin_body(%arg0: memref<32x72x16xf32, #tpu.memory_space<vmem>>, %arg1: memref<1x1xf32, #tpu.memory_space<vmem>>) attributes {dimension_semantics = [], scalar_prefetch = 0 : i64, scratch_operands = 0 : i64, tpu.core_type = #tpu.core_type<tc>} {
    %get3A = arith.constant 0 : index
    %get3A_0 = arith.constant 0 : index
    %get3A_1 = arith.constant 0 : index
    %get3A_2 = vector.load %arg0[%get3A, %get3A_0, %get3A_1] : memref<32x72x16xf32, #tpu.memory_space<vmem>>, vector<32x72x16xf32>
    %reduce_sum3A = arith.constant dense<0.000000e+00> : vector<72x16xf32>
    %reduce_sum3A_3 = vector.multi_reduction <add>, %get3A_2, %reduce_sum3A [0] : vector<32x72x16xf32> to vector<72x16xf32>
    %reduce_sum3A_4 = arith.constant dense<0.000000e+00> : vector<72xf32>
    %reduce_sum3A_5 = vector.multi_reduction <add>, %reduce_sum3A_3, %reduce_sum3A_4 [1] : vector<72x16xf32> to vector<72xf32>
    %slice3A = vector.extract_strided_slice %reduce_sum3A_5 {offsets = [1], sizes = [1], strides = [1]} : vector<72xf32> to vector<1xf32>
    %squeeze3A = vector.extract %slice3A[0] : f32 from vector<1xf32>
    %mul3A = arith.constant 7.62939453E-5 : f32
    %mul3A_6 = arith.mulf %mul3A, %squeeze3A : f32
    %slice3A_7 = vector.extract_strided_slice %reduce_sum3A_5 {offsets = [2], sizes = [1], strides = [1]} : vector<72xf32> to vector<1xf32>
    %squeeze3A_8 = vector.extract %slice3A_7[0] : f32 from vector<1xf32>
    %mul3A_9 = arith.constant 1.000000e+01 : f32
    %mul3A_10 = arith.mulf %mul3A_9, %squeeze3A_8 : f32
    %add3A = arith.addf %mul3A_6, %mul3A_10 : f32
    %slice3A_11 = vector.extract_strided_slice %reduce_sum3A_5 {offsets = [4], sizes = [1], strides = [1]} : vector<72xf32> to vector<1xf32>
    %squeeze3A_12 = vector.extract %slice3A_11[0] : f32 from vector<1xf32>
    %slice3A_13 = vector.extract_strided_slice %reduce_sum3A_5 {offsets = [4], sizes = [1], strides = [1]} : vector<72xf32> to vector<1xf32>
    %squeeze3A_14 = vector.extract %slice3A_13[0] : f32 from vector<1xf32>
    %mul3A_15 = arith.mulf %squeeze3A_12, %squeeze3A_14 : f32
    %slice3A_16 = vector.extract_strided_slice %reduce_sum3A_5 {offsets = [21], sizes = [1], strides = [1]} : vector<72xf32> to vector<1xf32>
    %squeeze3A_17 = vector.extract %slice3A_16[0] : f32 from vector<1xf32>
    %slice3A_18 = vector.extract_strided_slice %reduce_sum3A_5 {offsets = [21], sizes = [1], strides = [1]} : vector<72xf32> to vector<1xf32>
    %squeeze3A_19 = vector.extract %slice3A_18[0] : f32 from vector<1xf32>
    %mul3A_20 = arith.mulf %squeeze3A_17, %squeeze3A_19 : f32
    %add3A_21 = arith.addf %mul3A_15, %mul3A_20 : f32
    %slice3A_22 = vector.extract_strided_slice %reduce_sum3A_5 {offsets = [5], sizes = [1], strides = [1]} : vector<72xf32> to vector<1xf32>
    %squeeze3A_23 = vector.extract %slice3A_22[0] : f32 from vector<1xf32>
    %slice3A_24 = vector.extract_strided_slice %reduce_sum3A_5 {offsets = [5], sizes = [1], strides = [1]} : vector<72xf32> to vector<1xf32>
    %squeeze3A_25 = vector.extract %slice3A_24[0] : f32 from vector<1xf32>
    %mul3A_26 = arith.mulf %squeeze3A_23, %squeeze3A_25 : f32
    %slice3A_27 = vector.extract_strided_slice %reduce_sum3A_5 {offsets = [22], sizes = [1], strides = [1]} : vector<72xf32> to vector<1xf32>
    %squeeze3A_28 = vector.extract %slice3A_27[0] : f32 from vector<1xf32>
    %slice3A_29 = vector.extract_strided_slice %reduce_sum3A_5 {offsets = [22], sizes = [1], strides = [1]} : vector<72xf32> to vector<1xf32>
    %squeeze3A_30 = vector.extract %slice3A_29[0] : f32 from vector<1xf32>
    %mul3A_31 = arith.mulf %squeeze3A_28, %squeeze3A_30 : f32
    %add3A_32 = arith.addf %mul3A_26, %mul3A_31 : f32
    %slice3A_33 = vector.extract_strided_slice %reduce_sum3A_5 {offsets = [4], sizes = [1], strides = [1]} : vector<72xf32> to vector<1xf32>
    %squeeze3A_34 = vector.extract %slice3A_33[0] : f32 from vector<1xf32>
    %slice3A_35 = vector.extract_strided_slice %reduce_sum3A_5 {offsets = [5], sizes = [1], strides = [1]} : vector<72xf32> to vector<1xf32>
    %squeeze3A_36 = vector.extract %slice3A_35[0] : f32 from vector<1xf32>
    %mul3A_37 = arith.mulf %squeeze3A_34, %squeeze3A_36 : f32
    %slice3A_38 = vector.extract_strided_slice %reduce_sum3A_5 {offsets = [21], sizes = [1], strides = [1]} : vector<72xf32> to vector<1xf32>
    %squeeze3A_39 = vector.extract %slice3A_38[0] : f32 from vector<1xf32>
    %slice3A_40 = vector.extract_strided_slice %reduce_sum3A_5 {offsets = [22], sizes = [1], strides = [1]} : vector<72xf32> to vector<1xf32>
    %squeeze3A_41 = vector.extract %slice3A_40[0] : f32 from vector<1xf32>
    %mul3A_42 = arith.mulf %squeeze3A_39, %squeeze3A_41 : f32
    %add3A_43 = arith.addf %mul3A_37, %mul3A_42 : f32
    %slice3A_44 = vector.extract_strided_slice %reduce_sum3A_5 {offsets = [38], sizes = [1], strides = [1]} : vector<72xf32> to vector<1xf32>
    %squeeze3A_45 = vector.extract %slice3A_44[0] : f32 from vector<1xf32>
    %sub3A = arith.subf %add3A_21, %squeeze3A_45 : f32
    %div3A = arith.constant 6.000000e+00 : f32
    %div3A_46 = arith.divf %sub3A, %div3A : f32
    %slice3A_47 = vector.extract_strided_slice %reduce_sum3A_5 {offsets = [39], sizes = [1], strides = [1]} : vector<72xf32> to vector<1xf32>
    %squeeze3A_48 = vector.extract %slice3A_47[0] : f32 from vector<1xf32>
    %sub3A_49 = arith.subf %add3A_32, %squeeze3A_48 : f32
    %div3A_50 = arith.constant 6.000000e+00 : f32
    %div3A_51 = arith.divf %sub3A_49, %div3A_50 : f32
    %add3A_52 = arith.addf %div3A_46, %div3A_51 : f32
    %slice3A_53 = vector.extract_strided_slice %reduce_sum3A_5 {offsets = [55], sizes = [1], strides = [1]} : vector<72xf32> to vector<1xf32>
    %squeeze3A_54 = vector.extract %slice3A_53[0] : f32 from vector<1xf32>
    %sub3A_55 = arith.subf %add3A_43, %squeeze3A_54 : f32
    %div3A_56 = arith.constant 6.000000e+00 : f32
    %div3A_57 = arith.divf %sub3A_55, %div3A_56 : f32
    %add3A_58 = arith.addf %add3A_52, %div3A_57 : f32
    %mul3A_59 = arith.constant 6.2500062 : f32
    %mul3A_60 = arith.mulf %mul3A_59, %add3A_58 : f32
    %add3A_61 = arith.constant 0.000000e+00 : f32
    %add3A_62 = arith.addf %add3A_61, %mul3A_60 : f32
    %slice3A_63 = vector.extract_strided_slice %reduce_sum3A_5 {offsets = [5], sizes = [1], strides = [1]} : vector<72xf32> to vector<1xf32>
    %squeeze3A_64 = vector.extract %slice3A_63[0] : f32 from vector<1xf32>
    %slice3A_65 = vector.extract_strided_slice %reduce_sum3A_5 {offsets = [5], sizes = [1], strides = [1]} : vector<72xf32> to vector<1xf32>
    %squeeze3A_66 = vector.extract %slice3A_65[0] : f32 from vector<1xf32>
    %mul3A_67 = arith.mulf %squeeze3A_64, %squeeze3A_66 : f32
    %slice3A_68 = vector.extract_strided_slice %reduce_sum3A_5 {offsets = [22], sizes = [1], strides = [1]} : vector<72xf32> to vector<1xf32>
    %squeeze3A_69 = vector.extract %slice3A_68[0] : f32 from vector<1xf32>
    %slice3A_70 = vector.extract_strided_slice %reduce_sum3A_5 {offsets = [22], sizes = [1], strides = [1]} : vector<72xf32> to vector<1xf32>
    %squeeze3A_71 = vector.extract %slice3A_70[0] : f32 from vector<1xf32>
    %mul3A_72 = arith.mulf %squeeze3A_69, %squeeze3A_71 : f32
    %add3A_73 = arith.addf %mul3A_67, %mul3A_72 : f32
    %slice3A_74 = vector.extract_strided_slice %reduce_sum3A_5 {offsets = [6], sizes = [1], strides = [1]} : vector<72xf32> to vector<1xf32>
    %squeeze3A_75 = vector.extract %slice3A_74[0] : f32 from vector<1xf32>
    %slice3A_76 = vector.extract_strided_slice %reduce_sum3A_5 {offsets = [6], sizes = [1], strides = [1]} : vector<72xf32> to vector<1xf32>
    %squeeze3A_77 = vector.extract %slice3A_76[0] : f32 from vector<1xf32>
    %mul3A_78 = arith.mulf %squeeze3A_75, %squeeze3A_77 : f32
    %slice3A_79 = vector.extract_strided_slice %reduce_sum3A_5 {offsets = [23], sizes = [1], strides = [1]} : vector<72xf32> to vector<1xf32>
    %squeeze3A_80 = vector.extract %slice3A_79[0] : f32 from vector<1xf32>
    %slice3A_81 = vector.extract_strided_slice %reduce_sum3A_5 {offsets = [23], sizes = [1], strides = [1]} : vector<72xf32> to vector<1xf32>
    %squeeze3A_82 = vector.extract %slice3A_81[0] : f32 from vector<1xf32>
    %mul3A_83 = arith.mulf %squeeze3A_80, %squeeze3A_82 : f32
    %add3A_84 = arith.addf %mul3A_78, %mul3A_83 : f32
    %slice3A_85 = vector.extract_strided_slice %reduce_sum3A_5 {offsets = [5], sizes = [1], strides = [1]} : vector<72xf32> to vector<1xf32>
    %squeeze3A_86 = vector.extract %slice3A_85[0] : f32 from vector<1xf32>
    %slice3A_87 = vector.extract_strided_slice %reduce_sum3A_5 {offsets = [6], sizes = [1], strides = [1]} : vector<72xf32> to vector<1xf32>
    %squeeze3A_88 = vector.extract %slice3A_87[0] : f32 from vector<1xf32>
    %mul3A_89 = arith.mulf %squeeze3A_86, %squeeze3A_88 : f32
    %slice3A_90 = vector.extract_strided_slice %reduce_sum3A_5 {offsets = [22], sizes = [1], strides = [1]} : vector<72xf32> to vector<1xf32>
    %squeeze3A_91 = vector.extract %slice3A_90[0] : f32 from vector<1xf32>
    %slice3A_92 = vector.extract_strided_slice %reduce_sum3A_5 {offsets = [23], sizes = [1], strides = [1]} : vector<72xf32> to vector<1xf32>
    %squeeze3A_93 = vector.extract %slice3A_92[0] : f32 from vector<1xf32>
    %mul3A_94 = arith.mulf %squeeze3A_91, %squeeze3A_93 : f32
    %add3A_95 = arith.addf %mul3A_89, %mul3A_94 : f32
    %slice3A_96 = vector.extract_strided_slice %reduce_sum3A_5 {offsets = [39], sizes = [1], strides = [1]} : vector<72xf32> to vector<1xf32>
    %squeeze3A_97 = vector.extract %slice3A_96[0] : f32 from vector<1xf32>
    %sub3A_98 = arith.subf %add3A_73, %squeeze3A_97 : f32
    %div3A_99 = arith.constant 6.000000e+00 : f32
    %div3A_100 = arith.divf %sub3A_98, %div3A_99 : f32
    %slice3A_101 = vector.extract_strided_slice %reduce_sum3A_5 {offsets = [40], sizes = [1], strides = [1]} : vector<72xf32> to vector<1xf32>
    %squeeze3A_102 = vector.extract %slice3A_101[0] : f32 from vector<1xf32>
    %sub3A_103 = arith.subf %add3A_84, %squeeze3A_102 : f32
    %div3A_104 = arith.constant 6.000000e+00 : f32
    %div3A_105 = arith.divf %sub3A_103, %div3A_104 : f32
    %add3A_106 = arith.addf %div3A_100, %div3A_105 : f32
    %slice3A_107 = vector.extract_strided_slice %reduce_sum3A_5 {offsets = [56], sizes = [1], strides = [1]} : vector<72xf32> to vector<1xf32>
    %squeeze3A_108 = vector.extract %slice3A_107[0] : f32 from vector<1xf32>
    %sub3A_109 = arith.subf %add3A_95, %squeeze3A_108 : f32
    %div3A_110 = arith.constant 6.000000e+00 : f32
    %div3A_111 = arith.divf %sub3A_109, %div3A_110 : f32
    %add3A_112 = arith.addf %add3A_106, %div3A_111 : f32
    %mul3A_113 = arith.constant 6.2500062 : f32
    %mul3A_114 = arith.mulf %mul3A_113, %add3A_112 : f32
    %add3A_115 = arith.addf %add3A_62, %mul3A_114 : f32
    %slice3A_116 = vector.extract_strided_slice %reduce_sum3A_5 {offsets = [6], sizes = [1], strides = [1]} : vector<72xf32> to vector<1xf32>
    %squeeze3A_117 = vector.extract %slice3A_116[0] : f32 from vector<1xf32>
    %slice3A_118 = vector.extract_strided_slice %reduce_sum3A_5 {offsets = [6], sizes = [1], strides = [1]} : vector<72xf32> to vector<1xf32>
    %squeeze3A_119 = vector.extract %slice3A_118[0] : f32 from vector<1xf32>
    %mul3A_120 = arith.mulf %squeeze3A_117, %squeeze3A_119 : f32
    %slice3A_121 = vector.extract_strided_slice %reduce_sum3A_5 {offsets = [23], sizes = [1], strides = [1]} : vector<72xf32> to vector<1xf32>
    %squeeze3A_122 = vector.extract %slice3A_121[0] : f32 from vector<1xf32>
    %slice3A_123 = vector.extract_strided_slice %reduce_sum3A_5 {offsets = [23], sizes = [1], strides = [1]} : vector<72xf32> to vector<1xf32>
    %squeeze3A_124 = vector.extract %slice3A_123[0] : f32 from vector<1xf32>
    %mul3A_125 = arith.mulf %squeeze3A_122, %squeeze3A_124 : f32
    %add3A_126 = arith.addf %mul3A_120, %mul3A_125 : f32
    %slice3A_127 = vector.extract_strided_slice %reduce_sum3A_5 {offsets = [7], sizes = [1], strides = [1]} : vector<72xf32> to vector<1xf32>
    %squeeze3A_128 = vector.extract %slice3A_127[0] : f32 from vector<1xf32>
    %slice3A_129 = vector.extract_strided_slice %reduce_sum3A_5 {offsets = [7], sizes = [1], strides = [1]} : vector<72xf32> to vector<1xf32>
    %squeeze3A_130 = vector.extract %slice3A_129[0] : f32 from vector<1xf32>
    %mul3A_131 = arith.mulf %squeeze3A_128, %squeeze3A_130 : f32
    %slice3A_132 = vector.extract_strided_slice %reduce_sum3A_5 {offsets = [24], sizes = [1], strides = [1]} : vector<72xf32> to vector<1xf32>
    %squeeze3A_133 = vector.extract %slice3A_132[0] : f32 from vector<1xf32>
    %slice3A_134 = vector.extract_strided_slice %reduce_sum3A_5 {offsets = [24], sizes = [1], strides = [1]} : vector<72xf32> to vector<1xf32>
    %squeeze3A_135 = vector.extract %slice3A_134[0] : f32 from vector<1xf32>
    %mul3A_136 = arith.mulf %squeeze3A_133, %squeeze3A_135 : f32
    %add3A_137 = arith.addf %mul3A_131, %mul3A_136 : f32
    %slice3A_138 = vector.extract_strided_slice %reduce_sum3A_5 {offsets = [6], sizes = [1], strides = [1]} : vector<72xf32> to vector<1xf32>
    %squeeze3A_139 = vector.extract %slice3A_138[0] : f32 from vector<1xf32>
    %slice3A_140 = vector.extract_strided_slice %reduce_sum3A_5 {offsets = [7], sizes = [1], strides = [1]} : vector<72xf32> to vector<1xf32>
    %squeeze3A_141 = vector.extract %slice3A_140[0] : f32 from vector<1xf32>
    %mul3A_142 = arith.mulf %squeeze3A_139, %squeeze3A_141 : f32
    %slice3A_143 = vector.extract_strided_slice %reduce_sum3A_5 {offsets = [23], sizes = [1], strides = [1]} : vector<72xf32> to vector<1xf32>
    %squeeze3A_144 = vector.extract %slice3A_143[0] : f32 from vector<1xf32>
    %slice3A_145 = vector.extract_strided_slice %reduce_sum3A_5 {offsets = [24], sizes = [1], strides = [1]} : vector<72xf32> to vector<1xf32>
    %squeeze3A_146 = vector.extract %slice3A_145[0] : f32 from vector<1xf32>
    %mul3A_147 = arith.mulf %squeeze3A_144, %squeeze3A_146 : f32
    %add3A_148 = arith.addf %mul3A_142, %mul3A_147 : f32
    %slice3A_149 = vector.extract_strided_slice %reduce_sum3A_5 {offsets = [40], sizes = [1], strides = [1]} : vector<72xf32> to vector<1xf32>
    %squeeze3A_150 = vector.extract %slice3A_149[0] : f32 from vector<1xf32>
    %sub3A_151 = arith.subf %add3A_126, %squeeze3A_150 : f32
    %div3A_152 = arith.constant 6.000000e+00 : f32
    %div3A_153 = arith.divf %sub3A_151, %div3A_152 : f32
    %slice3A_154 = vector.extract_strided_slice %reduce_sum3A_5 {offsets = [41], sizes = [1], strides = [1]} : vector<72xf32> to vector<1xf32>
    %squeeze3A_155 = vector.extract %slice3A_154[0] : f32 from vector<1xf32>
    %sub3A_156 = arith.subf %add3A_137, %squeeze3A_155 : f32
    %div3A_157 = arith.constant 6.000000e+00 : f32
    %div3A_158 = arith.divf %sub3A_156, %div3A_157 : f32
    %add3A_159 = arith.addf %div3A_153, %div3A_158 : f32
    %slice3A_160 = vector.extract_strided_slice %reduce_sum3A_5 {offsets = [57], sizes = [1], strides = [1]} : vector<72xf32> to vector<1xf32>
    %squeeze3A_161 = vector.extract %slice3A_160[0] : f32 from vector<1xf32>
    %sub3A_162 = arith.subf %add3A_148, %squeeze3A_161 : f32
    %div3A_163 = arith.constant 6.000000e+00 : f32
    %div3A_164 = arith.divf %sub3A_162, %div3A_163 : f32
    %add3A_165 = arith.addf %add3A_159, %div3A_164 : f32
    %mul3A_166 = arith.constant 6.25000667 : f32
    %mul3A_167 = arith.mulf %mul3A_166, %add3A_165 : f32
    %add3A_168 = arith.addf %add3A_115, %mul3A_167 : f32
    %slice3A_169 = vector.extract_strided_slice %reduce_sum3A_5 {offsets = [7], sizes = [1], strides = [1]} : vector<72xf32> to vector<1xf32>
    %squeeze3A_170 = vector.extract %slice3A_169[0] : f32 from vector<1xf32>
    %slice3A_171 = vector.extract_strided_slice %reduce_sum3A_5 {offsets = [7], sizes = [1], strides = [1]} : vector<72xf32> to vector<1xf32>
    %squeeze3A_172 = vector.extract %slice3A_171[0] : f32 from vector<1xf32>
    %mul3A_173 = arith.mulf %squeeze3A_170, %squeeze3A_172 : f32
    %slice3A_174 = vector.extract_strided_slice %reduce_sum3A_5 {offsets = [24], sizes = [1], strides = [1]} : vector<72xf32> to vector<1xf32>
    %squeeze3A_175 = vector.extract %slice3A_174[0] : f32 from vector<1xf32>
    %slice3A_176 = vector.extract_strided_slice %reduce_sum3A_5 {offsets = [24], sizes = [1], strides = [1]} : vector<72xf32> to vector<1xf32>
    %squeeze3A_177 = vector.extract %slice3A_176[0] : f32 from vector<1xf32>
    %mul3A_178 = arith.mulf %squeeze3A_175, %squeeze3A_177 : f32
    %add3A_179 = arith.addf %mul3A_173, %mul3A_178 : f32
    %slice3A_180 = vector.extract_strided_slice %reduce_sum3A_5 {offsets = [8], sizes = [1], strides = [1]} : vector<72xf32> to vector<1xf32>
    %squeeze3A_181 = vector.extract %slice3A_180[0] : f32 from vector<1xf32>
    %slice3A_182 = vector.extract_strided_slice %reduce_sum3A_5 {offsets = [8], sizes = [1], strides = [1]} : vector<72xf32> to vector<1xf32>
    %squeeze3A_183 = vector.extract %slice3A_182[0] : f32 from vector<1xf32>
    %mul3A_184 = arith.mulf %squeeze3A_181, %squeeze3A_183 : f32
    %slice3A_185 = vector.extract_strided_slice %reduce_sum3A_5 {offsets = [25], sizes = [1], strides = [1]} : vector<72xf32> to vector<1xf32>
    %squeeze3A_186 = vector.extract %slice3A_185[0] : f32 from vector<1xf32>
    %slice3A_187 = vector.extract_strided_slice %reduce_sum3A_5 {offsets = [25], sizes = [1], strides = [1]} : vector<72xf32> to vector<1xf32>
    %squeeze3A_188 = vector.extract %slice3A_187[0] : f32 from vector<1xf32>
    %mul3A_189 = arith.mulf %squeeze3A_186, %squeeze3A_188 : f32
    %add3A_190 = arith.addf %mul3A_184, %mul3A_189 : f32
    %slice3A_191 = vector.extract_strided_slice %reduce_sum3A_5 {offsets = [7], sizes = [1], strides = [1]} : vector<72xf32> to vector<1xf32>
    %squeeze3A_192 = vector.extract %slice3A_191[0] : f32 from vector<1xf32>
    %slice3A_193 = vector.extract_strided_slice %reduce_sum3A_5 {offsets = [8], sizes = [1], strides = [1]} : vector<72xf32> to vector<1xf32>
    %squeeze3A_194 = vector.extract %slice3A_193[0] : f32 from vector<1xf32>
    %mul3A_195 = arith.mulf %squeeze3A_192, %squeeze3A_194 : f32
    %slice3A_196 = vector.extract_strided_slice %reduce_sum3A_5 {offsets = [24], sizes = [1], strides = [1]} : vector<72xf32> to vector<1xf32>
    %squeeze3A_197 = vector.extract %slice3A_196[0] : f32 from vector<1xf32>
    %slice3A_198 = vector.extract_strided_slice %reduce_sum3A_5 {offsets = [25], sizes = [1], strides = [1]} : vector<72xf32> to vector<1xf32>
    %squeeze3A_199 = vector.extract %slice3A_198[0] : f32 from vector<1xf32>
    %mul3A_200 = arith.mulf %squeeze3A_197, %squeeze3A_199 : f32
    %add3A_201 = arith.addf %mul3A_195, %mul3A_200 : f32
    %slice3A_202 = vector.extract_strided_slice %reduce_sum3A_5 {offsets = [41], sizes = [1], strides = [1]} : vector<72xf32> to vector<1xf32>
    %squeeze3A_203 = vector.extract %slice3A_202[0] : f32 from vector<1xf32>
    %sub3A_204 = arith.subf %add3A_179, %squeeze3A_203 : f32
    %div3A_205 = arith.constant 6.000000e+00 : f32
    %div3A_206 = arith.divf %sub3A_204, %div3A_205 : f32
    %slice3A_207 = vector.extract_strided_slice %reduce_sum3A_5 {offsets = [42], sizes = [1], strides = [1]} : vector<72xf32> to vector<1xf32>
    %squeeze3A_208 = vector.extract %slice3A_207[0] : f32 from vector<1xf32>
    %sub3A_209 = arith.subf %add3A_190, %squeeze3A_208 : f32
    %div3A_210 = arith.constant 6.000000e+00 : f32
    %div3A_211 = arith.divf %sub3A_209, %div3A_210 : f32
    %add3A_212 = arith.addf %div3A_206, %div3A_211 : f32
    %slice3A_213 = vector.extract_strided_slice %reduce_sum3A_5 {offsets = [58], sizes = [1], strides = [1]} : vector<72xf32> to vector<1xf32>
    %squeeze3A_214 = vector.extract %slice3A_213[0] : f32 from vector<1xf32>
    %sub3A_215 = arith.subf %add3A_201, %squeeze3A_214 : f32
    %div3A_216 = arith.constant 6.000000e+00 : f32
    %div3A_217 = arith.divf %sub3A_215, %div3A_216 : f32
    %add3A_218 = arith.addf %add3A_212, %div3A_217 : f32
    %mul3A_219 = arith.constant 6.25000572 : f32
    %mul3A_220 = arith.mulf %mul3A_219, %add3A_218 : f32
    %add3A_221 = arith.addf %add3A_168, %mul3A_220 : f32
    %slice3A_222 = vector.extract_strided_slice %reduce_sum3A_5 {offsets = [8], sizes = [1], strides = [1]} : vector<72xf32> to vector<1xf32>
    %squeeze3A_223 = vector.extract %slice3A_222[0] : f32 from vector<1xf32>
    %slice3A_224 = vector.extract_strided_slice %reduce_sum3A_5 {offsets = [8], sizes = [1], strides = [1]} : vector<72xf32> to vector<1xf32>
    %squeeze3A_225 = vector.extract %slice3A_224[0] : f32 from vector<1xf32>
    %mul3A_226 = arith.mulf %squeeze3A_223, %squeeze3A_225 : f32
    %slice3A_227 = vector.extract_strided_slice %reduce_sum3A_5 {offsets = [25], sizes = [1], strides = [1]} : vector<72xf32> to vector<1xf32>
    %squeeze3A_228 = vector.extract %slice3A_227[0] : f32 from vector<1xf32>
    %slice3A_229 = vector.extract_strided_slice %reduce_sum3A_5 {offsets = [25], sizes = [1], strides = [1]} : vector<72xf32> to vector<1xf32>
    %squeeze3A_230 = vector.extract %slice3A_229[0] : f32 from vector<1xf32>
    %mul3A_231 = arith.mulf %squeeze3A_228, %squeeze3A_230 : f32
    %add3A_232 = arith.addf %mul3A_226, %mul3A_231 : f32
    %slice3A_233 = vector.extract_strided_slice %reduce_sum3A_5 {offsets = [9], sizes = [1], strides = [1]} : vector<72xf32> to vector<1xf32>
    %squeeze3A_234 = vector.extract %slice3A_233[0] : f32 from vector<1xf32>
    %slice3A_235 = vector.extract_strided_slice %reduce_sum3A_5 {offsets = [9], sizes = [1], strides = [1]} : vector<72xf32> to vector<1xf32>
    %squeeze3A_236 = vector.extract %slice3A_235[0] : f32 from vector<1xf32>
    %mul3A_237 = arith.mulf %squeeze3A_234, %squeeze3A_236 : f32
    %slice3A_238 = vector.extract_strided_slice %reduce_sum3A_5 {offsets = [26], sizes = [1], strides = [1]} : vector<72xf32> to vector<1xf32>
    %squeeze3A_239 = vector.extract %slice3A_238[0] : f32 from vector<1xf32>
    %slice3A_240 = vector.extract_strided_slice %reduce_sum3A_5 {offsets = [26], sizes = [1], strides = [1]} : vector<72xf32> to vector<1xf32>
    %squeeze3A_241 = vector.extract %slice3A_240[0] : f32 from vector<1xf32>
    %mul3A_242 = arith.mulf %squeeze3A_239, %squeeze3A_241 : f32
    %add3A_243 = arith.addf %mul3A_237, %mul3A_242 : f32
    %slice3A_244 = vector.extract_strided_slice %reduce_sum3A_5 {offsets = [8], sizes = [1], strides = [1]} : vector<72xf32> to vector<1xf32>
    %squeeze3A_245 = vector.extract %slice3A_244[0] : f32 from vector<1xf32>
    %slice3A_246 = vector.extract_strided_slice %reduce_sum3A_5 {offsets = [9], sizes = [1], strides = [1]} : vector<72xf32> to vector<1xf32>
    %squeeze3A_247 = vector.extract %slice3A_246[0] : f32 from vector<1xf32>
    %mul3A_248 = arith.mulf %squeeze3A_245, %squeeze3A_247 : f32
    %slice3A_249 = vector.extract_strided_slice %reduce_sum3A_5 {offsets = [25], sizes = [1], strides = [1]} : vector<72xf32> to vector<1xf32>
    %squeeze3A_250 = vector.extract %slice3A_249[0] : f32 from vector<1xf32>
    %slice3A_251 = vector.extract_strided_slice %reduce_sum3A_5 {offsets = [26], sizes = [1], strides = [1]} : vector<72xf32> to vector<1xf32>
    %squeeze3A_252 = vector.extract %slice3A_251[0] : f32 from vector<1xf32>
    %mul3A_253 = arith.mulf %squeeze3A_250, %squeeze3A_252 : f32
    %add3A_254 = arith.addf %mul3A_248, %mul3A_253 : f32
    %slice3A_255 = vector.extract_strided_slice %reduce_sum3A_5 {offsets = [42], sizes = [1], strides = [1]} : vector<72xf32> to vector<1xf32>
    %squeeze3A_256 = vector.extract %slice3A_255[0] : f32 from vector<1xf32>
    %sub3A_257 = arith.subf %add3A_232, %squeeze3A_256 : f32
    %div3A_258 = arith.constant 6.000000e+00 : f32
    %div3A_259 = arith.divf %sub3A_257, %div3A_258 : f32
    %slice3A_260 = vector.extract_strided_slice %reduce_sum3A_5 {offsets = [43], sizes = [1], strides = [1]} : vector<72xf32> to vector<1xf32>
    %squeeze3A_261 = vector.extract %slice3A_260[0] : f32 from vector<1xf32>
    %sub3A_262 = arith.subf %add3A_243, %squeeze3A_261 : f32
    %div3A_263 = arith.constant 6.000000e+00 : f32
    %div3A_264 = arith.divf %sub3A_262, %div3A_263 : f32
    %add3A_265 = arith.addf %div3A_259, %div3A_264 : f32
    %slice3A_266 = vector.extract_strided_slice %reduce_sum3A_5 {offsets = [59], sizes = [1], strides = [1]} : vector<72xf32> to vector<1xf32>
    %squeeze3A_267 = vector.extract %slice3A_266[0] : f32 from vector<1xf32>
    %sub3A_268 = arith.subf %add3A_254, %squeeze3A_267 : f32
    %div3A_269 = arith.constant 6.000000e+00 : f32
    %div3A_270 = arith.divf %sub3A_268, %div3A_269 : f32
    %add3A_271 = arith.addf %add3A_265, %div3A_270 : f32
    %mul3A_272 = arith.constant 6.25000572 : f32
    %mul3A_273 = arith.mulf %mul3A_272, %add3A_271 : f32
    %add3A_274 = arith.addf %add3A_221, %mul3A_273 : f32
    %slice3A_275 = vector.extract_strided_slice %reduce_sum3A_5 {offsets = [9], sizes = [1], strides = [1]} : vector<72xf32> to vector<1xf32>
    %squeeze3A_276 = vector.extract %slice3A_275[0] : f32 from vector<1xf32>
    %slice3A_277 = vector.extract_strided_slice %reduce_sum3A_5 {offsets = [9], sizes = [1], strides = [1]} : vector<72xf32> to vector<1xf32>
    %squeeze3A_278 = vector.extract %slice3A_277[0] : f32 from vector<1xf32>
    %mul3A_279 = arith.mulf %squeeze3A_276, %squeeze3A_278 : f32
    %slice3A_280 = vector.extract_strided_slice %reduce_sum3A_5 {offsets = [26], sizes = [1], strides = [1]} : vector<72xf32> to vector<1xf32>
    %squeeze3A_281 = vector.extract %slice3A_280[0] : f32 from vector<1xf32>
    %slice3A_282 = vector.extract_strided_slice %reduce_sum3A_5 {offsets = [26], sizes = [1], strides = [1]} : vector<72xf32> to vector<1xf32>
    %squeeze3A_283 = vector.extract %slice3A_282[0] : f32 from vector<1xf32>
    %mul3A_284 = arith.mulf %squeeze3A_281, %squeeze3A_283 : f32
    %add3A_285 = arith.addf %mul3A_279, %mul3A_284 : f32
    %slice3A_286 = vector.extract_strided_slice %reduce_sum3A_5 {offsets = [10], sizes = [1], strides = [1]} : vector<72xf32> to vector<1xf32>
    %squeeze3A_287 = vector.extract %slice3A_286[0] : f32 from vector<1xf32>
    %slice3A_288 = vector.extract_strided_slice %reduce_sum3A_5 {offsets = [10], sizes = [1], strides = [1]} : vector<72xf32> to vector<1xf32>
    %squeeze3A_289 = vector.extract %slice3A_288[0] : f32 from vector<1xf32>
    %mul3A_290 = arith.mulf %squeeze3A_287, %squeeze3A_289 : f32
    %slice3A_291 = vector.extract_strided_slice %reduce_sum3A_5 {offsets = [27], sizes = [1], strides = [1]} : vector<72xf32> to vector<1xf32>
    %squeeze3A_292 = vector.extract %slice3A_291[0] : f32 from vector<1xf32>
    %slice3A_293 = vector.extract_strided_slice %reduce_sum3A_5 {offsets = [27], sizes = [1], strides = [1]} : vector<72xf32> to vector<1xf32>
    %squeeze3A_294 = vector.extract %slice3A_293[0] : f32 from vector<1xf32>
    %mul3A_295 = arith.mulf %squeeze3A_292, %squeeze3A_294 : f32
    %add3A_296 = arith.addf %mul3A_290, %mul3A_295 : f32
    %slice3A_297 = vector.extract_strided_slice %reduce_sum3A_5 {offsets = [9], sizes = [1], strides = [1]} : vector<72xf32> to vector<1xf32>
    %squeeze3A_298 = vector.extract %slice3A_297[0] : f32 from vector<1xf32>
    %slice3A_299 = vector.extract_strided_slice %reduce_sum3A_5 {offsets = [10], sizes = [1], strides = [1]} : vector<72xf32> to vector<1xf32>
    %squeeze3A_300 = vector.extract %slice3A_299[0] : f32 from vector<1xf32>
    %mul3A_301 = arith.mulf %squeeze3A_298, %squeeze3A_300 : f32
    %slice3A_302 = vector.extract_strided_slice %reduce_sum3A_5 {offsets = [26], sizes = [1], strides = [1]} : vector<72xf32> to vector<1xf32>
    %squeeze3A_303 = vector.extract %slice3A_302[0] : f32 from vector<1xf32>
    %slice3A_304 = vector.extract_strided_slice %reduce_sum3A_5 {offsets = [27], sizes = [1], strides = [1]} : vector<72xf32> to vector<1xf32>
    %squeeze3A_305 = vector.extract %slice3A_304[0] : f32 from vector<1xf32>
    %mul3A_306 = arith.mulf %squeeze3A_303, %squeeze3A_305 : f32
    %add3A_307 = arith.addf %mul3A_301, %mul3A_306 : f32
    %slice3A_308 = vector.extract_strided_slice %reduce_sum3A_5 {offsets = [43], sizes = [1], strides = [1]} : vector<72xf32> to vector<1xf32>
    %squeeze3A_309 = vector.extract %slice3A_308[0] : f32 from vector<1xf32>
    %sub3A_310 = arith.subf %add3A_285, %squeeze3A_309 : f32
    %div3A_311 = arith.constant 6.000000e+00 : f32
    %div3A_312 = arith.divf %sub3A_310, %div3A_311 : f32
    %slice3A_313 = vector.extract_strided_slice %reduce_sum3A_5 {offsets = [44], sizes = [1], strides = [1]} : vector<72xf32> to vector<1xf32>
    %squeeze3A_314 = vector.extract %slice3A_313[0] : f32 from vector<1xf32>
    %sub3A_315 = arith.subf %add3A_296, %squeeze3A_314 : f32
    %div3A_316 = arith.constant 6.000000e+00 : f32
    %div3A_317 = arith.divf %sub3A_315, %div3A_316 : f32
    %add3A_318 = arith.addf %div3A_312, %div3A_317 : f32
    %slice3A_319 = vector.extract_strided_slice %reduce_sum3A_5 {offsets = [60], sizes = [1], strides = [1]} : vector<72xf32> to vector<1xf32>
    %squeeze3A_320 = vector.extract %slice3A_319[0] : f32 from vector<1xf32>
    %sub3A_321 = arith.subf %add3A_307, %squeeze3A_320 : f32
    %div3A_322 = arith.constant 6.000000e+00 : f32
    %div3A_323 = arith.divf %sub3A_321, %div3A_322 : f32
    %add3A_324 = arith.addf %add3A_318, %div3A_323 : f32
    %mul3A_325 = arith.constant 6.25000762 : f32
    %mul3A_326 = arith.mulf %mul3A_325, %add3A_324 : f32
    %add3A_327 = arith.addf %add3A_274, %mul3A_326 : f32
    %slice3A_328 = vector.extract_strided_slice %reduce_sum3A_5 {offsets = [10], sizes = [1], strides = [1]} : vector<72xf32> to vector<1xf32>
    %squeeze3A_329 = vector.extract %slice3A_328[0] : f32 from vector<1xf32>
    %slice3A_330 = vector.extract_strided_slice %reduce_sum3A_5 {offsets = [10], sizes = [1], strides = [1]} : vector<72xf32> to vector<1xf32>
    %squeeze3A_331 = vector.extract %slice3A_330[0] : f32 from vector<1xf32>
    %mul3A_332 = arith.mulf %squeeze3A_329, %squeeze3A_331 : f32
    %slice3A_333 = vector.extract_strided_slice %reduce_sum3A_5 {offsets = [27], sizes = [1], strides = [1]} : vector<72xf32> to vector<1xf32>
    %squeeze3A_334 = vector.extract %slice3A_333[0] : f32 from vector<1xf32>
    %slice3A_335 = vector.extract_strided_slice %reduce_sum3A_5 {offsets = [27], sizes = [1], strides = [1]} : vector<72xf32> to vector<1xf32>
    %squeeze3A_336 = vector.extract %slice3A_335[0] : f32 from vector<1xf32>
    %mul3A_337 = arith.mulf %squeeze3A_334, %squeeze3A_336 : f32
    %add3A_338 = arith.addf %mul3A_332, %mul3A_337 : f32
    %slice3A_339 = vector.extract_strided_slice %reduce_sum3A_5 {offsets = [11], sizes = [1], strides = [1]} : vector<72xf32> to vector<1xf32>
    %squeeze3A_340 = vector.extract %slice3A_339[0] : f32 from vector<1xf32>
    %slice3A_341 = vector.extract_strided_slice %reduce_sum3A_5 {offsets = [11], sizes = [1], strides = [1]} : vector<72xf32> to vector<1xf32>
    %squeeze3A_342 = vector.extract %slice3A_341[0] : f32 from vector<1xf32>
    %mul3A_343 = arith.mulf %squeeze3A_340, %squeeze3A_342 : f32
    %slice3A_344 = vector.extract_strided_slice %reduce_sum3A_5 {offsets = [28], sizes = [1], strides = [1]} : vector<72xf32> to vector<1xf32>
    %squeeze3A_345 = vector.extract %slice3A_344[0] : f32 from vector<1xf32>
    %slice3A_346 = vector.extract_strided_slice %reduce_sum3A_5 {offsets = [28], sizes = [1], strides = [1]} : vector<72xf32> to vector<1xf32>
    %squeeze3A_347 = vector.extract %slice3A_346[0] : f32 from vector<1xf32>
    %mul3A_348 = arith.mulf %squeeze3A_345, %squeeze3A_347 : f32
    %add3A_349 = arith.addf %mul3A_343, %mul3A_348 : f32
    %slice3A_350 = vector.extract_strided_slice %reduce_sum3A_5 {offsets = [10], sizes = [1], strides = [1]} : vector<72xf32> to vector<1xf32>
    %squeeze3A_351 = vector.extract %slice3A_350[0] : f32 from vector<1xf32>
    %slice3A_352 = vector.extract_strided_slice %reduce_sum3A_5 {offsets = [11], sizes = [1], strides = [1]} : vector<72xf32> to vector<1xf32>
    %squeeze3A_353 = vector.extract %slice3A_352[0] : f32 from vector<1xf32>
    %mul3A_354 = arith.mulf %squeeze3A_351, %squeeze3A_353 : f32
    %slice3A_355 = vector.extract_strided_slice %reduce_sum3A_5 {offsets = [27], sizes = [1], strides = [1]} : vector<72xf32> to vector<1xf32>
    %squeeze3A_356 = vector.extract %slice3A_355[0] : f32 from vector<1xf32>
    %slice3A_357 = vector.extract_strided_slice %reduce_sum3A_5 {offsets = [28], sizes = [1], strides = [1]} : vector<72xf32> to vector<1xf32>
    %squeeze3A_358 = vector.extract %slice3A_357[0] : f32 from vector<1xf32>
    %mul3A_359 = arith.mulf %squeeze3A_356, %squeeze3A_358 : f32
    %add3A_360 = arith.addf %mul3A_354, %mul3A_359 : f32
    %slice3A_361 = vector.extract_strided_slice %reduce_sum3A_5 {offsets = [44], sizes = [1], strides = [1]} : vector<72xf32> to vector<1xf32>
    %squeeze3A_362 = vector.extract %slice3A_361[0] : f32 from vector<1xf32>
    %sub3A_363 = arith.subf %add3A_338, %squeeze3A_362 : f32
    %div3A_364 = arith.constant 6.000000e+00 : f32
    %div3A_365 = arith.divf %sub3A_363, %div3A_364 : f32
    %slice3A_366 = vector.extract_strided_slice %reduce_sum3A_5 {offsets = [45], sizes = [1], strides = [1]} : vector<72xf32> to vector<1xf32>
    %squeeze3A_367 = vector.extract %slice3A_366[0] : f32 from vector<1xf32>
    %sub3A_368 = arith.subf %add3A_349, %squeeze3A_367 : f32
    %div3A_369 = arith.constant 6.000000e+00 : f32
    %div3A_370 = arith.divf %sub3A_368, %div3A_369 : f32
    %add3A_371 = arith.addf %div3A_365, %div3A_370 : f32
    %slice3A_372 = vector.extract_strided_slice %reduce_sum3A_5 {offsets = [61], sizes = [1], strides = [1]} : vector<72xf32> to vector<1xf32>
    %squeeze3A_373 = vector.extract %slice3A_372[0] : f32 from vector<1xf32>
    %sub3A_374 = arith.subf %add3A_360, %squeeze3A_373 : f32
    %div3A_375 = arith.constant 6.000000e+00 : f32
    %div3A_376 = arith.divf %sub3A_374, %div3A_375 : f32
    %add3A_377 = arith.addf %add3A_371, %div3A_376 : f32
    %mul3A_378 = arith.constant 6.25000381 : f32
    %mul3A_379 = arith.mulf %mul3A_378, %add3A_377 : f32
    %add3A_380 = arith.addf %add3A_327, %mul3A_379 : f32
    %slice3A_381 = vector.extract_strided_slice %reduce_sum3A_5 {offsets = [11], sizes = [1], strides = [1]} : vector<72xf32> to vector<1xf32>
    %squeeze3A_382 = vector.extract %slice3A_381[0] : f32 from vector<1xf32>
    %slice3A_383 = vector.extract_strided_slice %reduce_sum3A_5 {offsets = [11], sizes = [1], strides = [1]} : vector<72xf32> to vector<1xf32>
    %squeeze3A_384 = vector.extract %slice3A_383[0] : f32 from vector<1xf32>
    %mul3A_385 = arith.mulf %squeeze3A_382, %squeeze3A_384 : f32
    %slice3A_386 = vector.extract_strided_slice %reduce_sum3A_5 {offsets = [28], sizes = [1], strides = [1]} : vector<72xf32> to vector<1xf32>
    %squeeze3A_387 = vector.extract %slice3A_386[0] : f32 from vector<1xf32>
    %slice3A_388 = vector.extract_strided_slice %reduce_sum3A_5 {offsets = [28], sizes = [1], strides = [1]} : vector<72xf32> to vector<1xf32>
    %squeeze3A_389 = vector.extract %slice3A_388[0] : f32 from vector<1xf32>
    %mul3A_390 = arith.mulf %squeeze3A_387, %squeeze3A_389 : f32
    %add3A_391 = arith.addf %mul3A_385, %mul3A_390 : f32
    %slice3A_392 = vector.extract_strided_slice %reduce_sum3A_5 {offsets = [12], sizes = [1], strides = [1]} : vector<72xf32> to vector<1xf32>
    %squeeze3A_393 = vector.extract %slice3A_392[0] : f32 from vector<1xf32>
    %slice3A_394 = vector.extract_strided_slice %reduce_sum3A_5 {offsets = [12], sizes = [1], strides = [1]} : vector<72xf32> to vector<1xf32>
    %squeeze3A_395 = vector.extract %slice3A_394[0] : f32 from vector<1xf32>
    %mul3A_396 = arith.mulf %squeeze3A_393, %squeeze3A_395 : f32
    %slice3A_397 = vector.extract_strided_slice %reduce_sum3A_5 {offsets = [29], sizes = [1], strides = [1]} : vector<72xf32> to vector<1xf32>
    %squeeze3A_398 = vector.extract %slice3A_397[0] : f32 from vector<1xf32>
    %slice3A_399 = vector.extract_strided_slice %reduce_sum3A_5 {offsets = [29], sizes = [1], strides = [1]} : vector<72xf32> to vector<1xf32>
    %squeeze3A_400 = vector.extract %slice3A_399[0] : f32 from vector<1xf32>
    %mul3A_401 = arith.mulf %squeeze3A_398, %squeeze3A_400 : f32
    %add3A_402 = arith.addf %mul3A_396, %mul3A_401 : f32
    %slice3A_403 = vector.extract_strided_slice %reduce_sum3A_5 {offsets = [11], sizes = [1], strides = [1]} : vector<72xf32> to vector<1xf32>
    %squeeze3A_404 = vector.extract %slice3A_403[0] : f32 from vector<1xf32>
    %slice3A_405 = vector.extract_strided_slice %reduce_sum3A_5 {offsets = [12], sizes = [1], strides = [1]} : vector<72xf32> to vector<1xf32>
    %squeeze3A_406 = vector.extract %slice3A_405[0] : f32 from vector<1xf32>
    %mul3A_407 = arith.mulf %squeeze3A_404, %squeeze3A_406 : f32
    %slice3A_408 = vector.extract_strided_slice %reduce_sum3A_5 {offsets = [28], sizes = [1], strides = [1]} : vector<72xf32> to vector<1xf32>
    %squeeze3A_409 = vector.extract %slice3A_408[0] : f32 from vector<1xf32>
    %slice3A_410 = vector.extract_strided_slice %reduce_sum3A_5 {offsets = [29], sizes = [1], strides = [1]} : vector<72xf32> to vector<1xf32>
    %squeeze3A_411 = vector.extract %slice3A_410[0] : f32 from vector<1xf32>
    %mul3A_412 = arith.mulf %squeeze3A_409, %squeeze3A_411 : f32
    %add3A_413 = arith.addf %mul3A_407, %mul3A_412 : f32
    %slice3A_414 = vector.extract_strided_slice %reduce_sum3A_5 {offsets = [45], sizes = [1], strides = [1]} : vector<72xf32> to vector<1xf32>
    %squeeze3A_415 = vector.extract %slice3A_414[0] : f32 from vector<1xf32>
    %sub3A_416 = arith.subf %add3A_391, %squeeze3A_415 : f32
    %div3A_417 = arith.constant 6.000000e+00 : f32
    %div3A_418 = arith.divf %sub3A_416, %div3A_417 : f32
    %slice3A_419 = vector.extract_strided_slice %reduce_sum3A_5 {offsets = [46], sizes = [1], strides = [1]} : vector<72xf32> to vector<1xf32>
    %squeeze3A_420 = vector.extract %slice3A_419[0] : f32 from vector<1xf32>
    %sub3A_421 = arith.subf %add3A_402, %squeeze3A_420 : f32
    %div3A_422 = arith.constant 6.000000e+00 : f32
    %div3A_423 = arith.divf %sub3A_421, %div3A_422 : f32
    %add3A_424 = arith.addf %div3A_418, %div3A_423 : f32
    %slice3A_425 = vector.extract_strided_slice %reduce_sum3A_5 {offsets = [62], sizes = [1], strides = [1]} : vector<72xf32> to vector<1xf32>
    %squeeze3A_426 = vector.extract %slice3A_425[0] : f32 from vector<1xf32>
    %sub3A_427 = arith.subf %add3A_413, %squeeze3A_426 : f32
    %div3A_428 = arith.constant 6.000000e+00 : f32
    %div3A_429 = arith.divf %sub3A_427, %div3A_428 : f32
    %add3A_430 = arith.addf %add3A_424, %div3A_429 : f32
    %mul3A_431 = arith.constant 6.25000762 : f32
    %mul3A_432 = arith.mulf %mul3A_431, %add3A_430 : f32
    %add3A_433 = arith.addf %add3A_380, %mul3A_432 : f32
    %slice3A_434 = vector.extract_strided_slice %reduce_sum3A_5 {offsets = [12], sizes = [1], strides = [1]} : vector<72xf32> to vector<1xf32>
    %squeeze3A_435 = vector.extract %slice3A_434[0] : f32 from vector<1xf32>
    %slice3A_436 = vector.extract_strided_slice %reduce_sum3A_5 {offsets = [12], sizes = [1], strides = [1]} : vector<72xf32> to vector<1xf32>
    %squeeze3A_437 = vector.extract %slice3A_436[0] : f32 from vector<1xf32>
    %mul3A_438 = arith.mulf %squeeze3A_435, %squeeze3A_437 : f32
    %slice3A_439 = vector.extract_strided_slice %reduce_sum3A_5 {offsets = [29], sizes = [1], strides = [1]} : vector<72xf32> to vector<1xf32>
    %squeeze3A_440 = vector.extract %slice3A_439[0] : f32 from vector<1xf32>
    %slice3A_441 = vector.extract_strided_slice %reduce_sum3A_5 {offsets = [29], sizes = [1], strides = [1]} : vector<72xf32> to vector<1xf32>
    %squeeze3A_442 = vector.extract %slice3A_441[0] : f32 from vector<1xf32>
    %mul3A_443 = arith.mulf %squeeze3A_440, %squeeze3A_442 : f32
    %add3A_444 = arith.addf %mul3A_438, %mul3A_443 : f32
    %slice3A_445 = vector.extract_strided_slice %reduce_sum3A_5 {offsets = [13], sizes = [1], strides = [1]} : vector<72xf32> to vector<1xf32>
    %squeeze3A_446 = vector.extract %slice3A_445[0] : f32 from vector<1xf32>
    %slice3A_447 = vector.extract_strided_slice %reduce_sum3A_5 {offsets = [13], sizes = [1], strides = [1]} : vector<72xf32> to vector<1xf32>
    %squeeze3A_448 = vector.extract %slice3A_447[0] : f32 from vector<1xf32>
    %mul3A_449 = arith.mulf %squeeze3A_446, %squeeze3A_448 : f32
    %slice3A_450 = vector.extract_strided_slice %reduce_sum3A_5 {offsets = [30], sizes = [1], strides = [1]} : vector<72xf32> to vector<1xf32>
    %squeeze3A_451 = vector.extract %slice3A_450[0] : f32 from vector<1xf32>
    %slice3A_452 = vector.extract_strided_slice %reduce_sum3A_5 {offsets = [30], sizes = [1], strides = [1]} : vector<72xf32> to vector<1xf32>
    %squeeze3A_453 = vector.extract %slice3A_452[0] : f32 from vector<1xf32>
    %mul3A_454 = arith.mulf %squeeze3A_451, %squeeze3A_453 : f32
    %add3A_455 = arith.addf %mul3A_449, %mul3A_454 : f32
    %slice3A_456 = vector.extract_strided_slice %reduce_sum3A_5 {offsets = [12], sizes = [1], strides = [1]} : vector<72xf32> to vector<1xf32>
    %squeeze3A_457 = vector.extract %slice3A_456[0] : f32 from vector<1xf32>
    %slice3A_458 = vector.extract_strided_slice %reduce_sum3A_5 {offsets = [13], sizes = [1], strides = [1]} : vector<72xf32> to vector<1xf32>
    %squeeze3A_459 = vector.extract %slice3A_458[0] : f32 from vector<1xf32>
    %mul3A_460 = arith.mulf %squeeze3A_457, %squeeze3A_459 : f32
    %slice3A_461 = vector.extract_strided_slice %reduce_sum3A_5 {offsets = [29], sizes = [1], strides = [1]} : vector<72xf32> to vector<1xf32>
    %squeeze3A_462 = vector.extract %slice3A_461[0] : f32 from vector<1xf32>
    %slice3A_463 = vector.extract_strided_slice %reduce_sum3A_5 {offsets = [30], sizes = [1], strides = [1]} : vector<72xf32> to vector<1xf32>
    %squeeze3A_464 = vector.extract %slice3A_463[0] : f32 from vector<1xf32>
    %mul3A_465 = arith.mulf %squeeze3A_462, %squeeze3A_464 : f32
    %add3A_466 = arith.addf %mul3A_460, %mul3A_465 : f32
    %slice3A_467 = vector.extract_strided_slice %reduce_sum3A_5 {offsets = [46], sizes = [1], strides = [1]} : vector<72xf32> to vector<1xf32>
    %squeeze3A_468 = vector.extract %slice3A_467[0] : f32 from vector<1xf32>
    %sub3A_469 = arith.subf %add3A_444, %squeeze3A_468 : f32
    %div3A_470 = arith.constant 6.000000e+00 : f32
    %div3A_471 = arith.divf %sub3A_469, %div3A_470 : f32
    %slice3A_472 = vector.extract_strided_slice %reduce_sum3A_5 {offsets = [47], sizes = [1], strides = [1]} : vector<72xf32> to vector<1xf32>
    %squeeze3A_473 = vector.extract %slice3A_472[0] : f32 from vector<1xf32>
    %sub3A_474 = arith.subf %add3A_455, %squeeze3A_473 : f32
    %div3A_475 = arith.constant 6.000000e+00 : f32
    %div3A_476 = arith.divf %sub3A_474, %div3A_475 : f32
    %add3A_477 = arith.addf %div3A_471, %div3A_476 : f32
    %slice3A_478 = vector.extract_strided_slice %reduce_sum3A_5 {offsets = [63], sizes = [1], strides = [1]} : vector<72xf32> to vector<1xf32>
    %squeeze3A_479 = vector.extract %slice3A_478[0] : f32 from vector<1xf32>
    %sub3A_480 = arith.subf %add3A_466, %squeeze3A_479 : f32
    %div3A_481 = arith.constant 6.000000e+00 : f32
    %div3A_482 = arith.divf %sub3A_480, %div3A_481 : f32
    %add3A_483 = arith.addf %add3A_477, %div3A_482 : f32
    %mul3A_484 = arith.constant 6.25000762 : f32
    %mul3A_485 = arith.mulf %mul3A_484, %add3A_483 : f32
    %add3A_486 = arith.addf %add3A_433, %mul3A_485 : f32
    %slice3A_487 = vector.extract_strided_slice %reduce_sum3A_5 {offsets = [13], sizes = [1], strides = [1]} : vector<72xf32> to vector<1xf32>
    %squeeze3A_488 = vector.extract %slice3A_487[0] : f32 from vector<1xf32>
    %slice3A_489 = vector.extract_strided_slice %reduce_sum3A_5 {offsets = [13], sizes = [1], strides = [1]} : vector<72xf32> to vector<1xf32>
    %squeeze3A_490 = vector.extract %slice3A_489[0] : f32 from vector<1xf32>
    %mul3A_491 = arith.mulf %squeeze3A_488, %squeeze3A_490 : f32
    %slice3A_492 = vector.extract_strided_slice %reduce_sum3A_5 {offsets = [30], sizes = [1], strides = [1]} : vector<72xf32> to vector<1xf32>
    %squeeze3A_493 = vector.extract %slice3A_492[0] : f32 from vector<1xf32>
    %slice3A_494 = vector.extract_strided_slice %reduce_sum3A_5 {offsets = [30], sizes = [1], strides = [1]} : vector<72xf32> to vector<1xf32>
    %squeeze3A_495 = vector.extract %slice3A_494[0] : f32 from vector<1xf32>
    %mul3A_496 = arith.mulf %squeeze3A_493, %squeeze3A_495 : f32
    %add3A_497 = arith.addf %mul3A_491, %mul3A_496 : f32
    %slice3A_498 = vector.extract_strided_slice %reduce_sum3A_5 {offsets = [14], sizes = [1], strides = [1]} : vector<72xf32> to vector<1xf32>
    %squeeze3A_499 = vector.extract %slice3A_498[0] : f32 from vector<1xf32>
    %slice3A_500 = vector.extract_strided_slice %reduce_sum3A_5 {offsets = [14], sizes = [1], strides = [1]} : vector<72xf32> to vector<1xf32>
    %squeeze3A_501 = vector.extract %slice3A_500[0] : f32 from vector<1xf32>
    %mul3A_502 = arith.mulf %squeeze3A_499, %squeeze3A_501 : f32
    %slice3A_503 = vector.extract_strided_slice %reduce_sum3A_5 {offsets = [31], sizes = [1], strides = [1]} : vector<72xf32> to vector<1xf32>
    %squeeze3A_504 = vector.extract %slice3A_503[0] : f32 from vector<1xf32>
    %slice3A_505 = vector.extract_strided_slice %reduce_sum3A_5 {offsets = [31], sizes = [1], strides = [1]} : vector<72xf32> to vector<1xf32>
    %squeeze3A_506 = vector.extract %slice3A_505[0] : f32 from vector<1xf32>
    %mul3A_507 = arith.mulf %squeeze3A_504, %squeeze3A_506 : f32
    %add3A_508 = arith.addf %mul3A_502, %mul3A_507 : f32
    %slice3A_509 = vector.extract_strided_slice %reduce_sum3A_5 {offsets = [13], sizes = [1], strides = [1]} : vector<72xf32> to vector<1xf32>
    %squeeze3A_510 = vector.extract %slice3A_509[0] : f32 from vector<1xf32>
    %slice3A_511 = vector.extract_strided_slice %reduce_sum3A_5 {offsets = [14], sizes = [1], strides = [1]} : vector<72xf32> to vector<1xf32>
    %squeeze3A_512 = vector.extract %slice3A_511[0] : f32 from vector<1xf32>
    %mul3A_513 = arith.mulf %squeeze3A_510, %squeeze3A_512 : f32
    %slice3A_514 = vector.extract_strided_slice %reduce_sum3A_5 {offsets = [30], sizes = [1], strides = [1]} : vector<72xf32> to vector<1xf32>
    %squeeze3A_515 = vector.extract %slice3A_514[0] : f32 from vector<1xf32>
    %slice3A_516 = vector.extract_strided_slice %reduce_sum3A_5 {offsets = [31], sizes = [1], strides = [1]} : vector<72xf32> to vector<1xf32>
    %squeeze3A_517 = vector.extract %slice3A_516[0] : f32 from vector<1xf32>
    %mul3A_518 = arith.mulf %squeeze3A_515, %squeeze3A_517 : f32
    %add3A_519 = arith.addf %mul3A_513, %mul3A_518 : f32
    %slice3A_520 = vector.extract_strided_slice %reduce_sum3A_5 {offsets = [47], sizes = [1], strides = [1]} : vector<72xf32> to vector<1xf32>
    %squeeze3A_521 = vector.extract %slice3A_520[0] : f32 from vector<1xf32>
    %sub3A_522 = arith.subf %add3A_497, %squeeze3A_521 : f32
    %div3A_523 = arith.constant 6.000000e+00 : f32
    %div3A_524 = arith.divf %sub3A_522, %div3A_523 : f32
    %slice3A_525 = vector.extract_strided_slice %reduce_sum3A_5 {offsets = [48], sizes = [1], strides = [1]} : vector<72xf32> to vector<1xf32>
    %squeeze3A_526 = vector.extract %slice3A_525[0] : f32 from vector<1xf32>
    %sub3A_527 = arith.subf %add3A_508, %squeeze3A_526 : f32
    %div3A_528 = arith.constant 6.000000e+00 : f32
    %div3A_529 = arith.divf %sub3A_527, %div3A_528 : f32
    %add3A_530 = arith.addf %div3A_524, %div3A_529 : f32
    %slice3A_531 = vector.extract_strided_slice %reduce_sum3A_5 {offsets = [64], sizes = [1], strides = [1]} : vector<72xf32> to vector<1xf32>
    %squeeze3A_532 = vector.extract %slice3A_531[0] : f32 from vector<1xf32>
    %sub3A_533 = arith.subf %add3A_519, %squeeze3A_532 : f32
    %div3A_534 = arith.constant 6.000000e+00 : f32
    %div3A_535 = arith.divf %sub3A_533, %div3A_534 : f32
    %add3A_536 = arith.addf %add3A_530, %div3A_535 : f32
    %mul3A_537 = arith.constant 6.25000381 : f32
    %mul3A_538 = arith.mulf %mul3A_537, %add3A_536 : f32
    %add3A_539 = arith.addf %add3A_486, %mul3A_538 : f32
    %slice3A_540 = vector.extract_strided_slice %reduce_sum3A_5 {offsets = [14], sizes = [1], strides = [1]} : vector<72xf32> to vector<1xf32>
    %squeeze3A_541 = vector.extract %slice3A_540[0] : f32 from vector<1xf32>
    %slice3A_542 = vector.extract_strided_slice %reduce_sum3A_5 {offsets = [14], sizes = [1], strides = [1]} : vector<72xf32> to vector<1xf32>
    %squeeze3A_543 = vector.extract %slice3A_542[0] : f32 from vector<1xf32>
    %mul3A_544 = arith.mulf %squeeze3A_541, %squeeze3A_543 : f32
    %slice3A_545 = vector.extract_strided_slice %reduce_sum3A_5 {offsets = [31], sizes = [1], strides = [1]} : vector<72xf32> to vector<1xf32>
    %squeeze3A_546 = vector.extract %slice3A_545[0] : f32 from vector<1xf32>
    %slice3A_547 = vector.extract_strided_slice %reduce_sum3A_5 {offsets = [31], sizes = [1], strides = [1]} : vector<72xf32> to vector<1xf32>
    %squeeze3A_548 = vector.extract %slice3A_547[0] : f32 from vector<1xf32>
    %mul3A_549 = arith.mulf %squeeze3A_546, %squeeze3A_548 : f32
    %add3A_550 = arith.addf %mul3A_544, %mul3A_549 : f32
    %slice3A_551 = vector.extract_strided_slice %reduce_sum3A_5 {offsets = [15], sizes = [1], strides = [1]} : vector<72xf32> to vector<1xf32>
    %squeeze3A_552 = vector.extract %slice3A_551[0] : f32 from vector<1xf32>
    %slice3A_553 = vector.extract_strided_slice %reduce_sum3A_5 {offsets = [15], sizes = [1], strides = [1]} : vector<72xf32> to vector<1xf32>
    %squeeze3A_554 = vector.extract %slice3A_553[0] : f32 from vector<1xf32>
    %mul3A_555 = arith.mulf %squeeze3A_552, %squeeze3A_554 : f32
    %slice3A_556 = vector.extract_strided_slice %reduce_sum3A_5 {offsets = [32], sizes = [1], strides = [1]} : vector<72xf32> to vector<1xf32>
    %squeeze3A_557 = vector.extract %slice3A_556[0] : f32 from vector<1xf32>
    %slice3A_558 = vector.extract_strided_slice %reduce_sum3A_5 {offsets = [32], sizes = [1], strides = [1]} : vector<72xf32> to vector<1xf32>
    %squeeze3A_559 = vector.extract %slice3A_558[0] : f32 from vector<1xf32>
    %mul3A_560 = arith.mulf %squeeze3A_557, %squeeze3A_559 : f32
    %add3A_561 = arith.addf %mul3A_555, %mul3A_560 : f32
    %slice3A_562 = vector.extract_strided_slice %reduce_sum3A_5 {offsets = [14], sizes = [1], strides = [1]} : vector<72xf32> to vector<1xf32>
    %squeeze3A_563 = vector.extract %slice3A_562[0] : f32 from vector<1xf32>
    %slice3A_564 = vector.extract_strided_slice %reduce_sum3A_5 {offsets = [15], sizes = [1], strides = [1]} : vector<72xf32> to vector<1xf32>
    %squeeze3A_565 = vector.extract %slice3A_564[0] : f32 from vector<1xf32>
    %mul3A_566 = arith.mulf %squeeze3A_563, %squeeze3A_565 : f32
    %slice3A_567 = vector.extract_strided_slice %reduce_sum3A_5 {offsets = [31], sizes = [1], strides = [1]} : vector<72xf32> to vector<1xf32>
    %squeeze3A_568 = vector.extract %slice3A_567[0] : f32 from vector<1xf32>
    %slice3A_569 = vector.extract_strided_slice %reduce_sum3A_5 {offsets = [32], sizes = [1], strides = [1]} : vector<72xf32> to vector<1xf32>
    %squeeze3A_570 = vector.extract %slice3A_569[0] : f32 from vector<1xf32>
    %mul3A_571 = arith.mulf %squeeze3A_568, %squeeze3A_570 : f32
    %add3A_572 = arith.addf %mul3A_566, %mul3A_571 : f32
    %slice3A_573 = vector.extract_strided_slice %reduce_sum3A_5 {offsets = [48], sizes = [1], strides = [1]} : vector<72xf32> to vector<1xf32>
    %squeeze3A_574 = vector.extract %slice3A_573[0] : f32 from vector<1xf32>
    %sub3A_575 = arith.subf %add3A_550, %squeeze3A_574 : f32
    %div3A_576 = arith.constant 6.000000e+00 : f32
    %div3A_577 = arith.divf %sub3A_575, %div3A_576 : f32
    %slice3A_578 = vector.extract_strided_slice %reduce_sum3A_5 {offsets = [49], sizes = [1], strides = [1]} : vector<72xf32> to vector<1xf32>
    %squeeze3A_579 = vector.extract %slice3A_578[0] : f32 from vector<1xf32>
    %sub3A_580 = arith.subf %add3A_561, %squeeze3A_579 : f32
    %div3A_581 = arith.constant 6.000000e+00 : f32
    %div3A_582 = arith.divf %sub3A_580, %div3A_581 : f32
    %add3A_583 = arith.addf %div3A_577, %div3A_582 : f32
    %slice3A_584 = vector.extract_strided_slice %reduce_sum3A_5 {offsets = [65], sizes = [1], strides = [1]} : vector<72xf32> to vector<1xf32>
    %squeeze3A_585 = vector.extract %slice3A_584[0] : f32 from vector<1xf32>
    %sub3A_586 = arith.subf %add3A_572, %squeeze3A_585 : f32
    %div3A_587 = arith.constant 6.000000e+00 : f32
    %div3A_588 = arith.divf %sub3A_586, %div3A_587 : f32
    %add3A_589 = arith.addf %add3A_583, %div3A_588 : f32
    %mul3A_590 = arith.constant 6.25000762 : f32
    %mul3A_591 = arith.mulf %mul3A_590, %add3A_589 : f32
    %add3A_592 = arith.addf %add3A_539, %mul3A_591 : f32
    %slice3A_593 = vector.extract_strided_slice %reduce_sum3A_5 {offsets = [15], sizes = [1], strides = [1]} : vector<72xf32> to vector<1xf32>
    %squeeze3A_594 = vector.extract %slice3A_593[0] : f32 from vector<1xf32>
    %slice3A_595 = vector.extract_strided_slice %reduce_sum3A_5 {offsets = [15], sizes = [1], strides = [1]} : vector<72xf32> to vector<1xf32>
    %squeeze3A_596 = vector.extract %slice3A_595[0] : f32 from vector<1xf32>
    %mul3A_597 = arith.mulf %squeeze3A_594, %squeeze3A_596 : f32
    %slice3A_598 = vector.extract_strided_slice %reduce_sum3A_5 {offsets = [32], sizes = [1], strides = [1]} : vector<72xf32> to vector<1xf32>
    %squeeze3A_599 = vector.extract %slice3A_598[0] : f32 from vector<1xf32>
    %slice3A_600 = vector.extract_strided_slice %reduce_sum3A_5 {offsets = [32], sizes = [1], strides = [1]} : vector<72xf32> to vector<1xf32>
    %squeeze3A_601 = vector.extract %slice3A_600[0] : f32 from vector<1xf32>
    %mul3A_602 = arith.mulf %squeeze3A_599, %squeeze3A_601 : f32
    %add3A_603 = arith.addf %mul3A_597, %mul3A_602 : f32
    %slice3A_604 = vector.extract_strided_slice %reduce_sum3A_5 {offsets = [16], sizes = [1], strides = [1]} : vector<72xf32> to vector<1xf32>
    %squeeze3A_605 = vector.extract %slice3A_604[0] : f32 from vector<1xf32>
    %slice3A_606 = vector.extract_strided_slice %reduce_sum3A_5 {offsets = [16], sizes = [1], strides = [1]} : vector<72xf32> to vector<1xf32>
    %squeeze3A_607 = vector.extract %slice3A_606[0] : f32 from vector<1xf32>
    %mul3A_608 = arith.mulf %squeeze3A_605, %squeeze3A_607 : f32
    %slice3A_609 = vector.extract_strided_slice %reduce_sum3A_5 {offsets = [33], sizes = [1], strides = [1]} : vector<72xf32> to vector<1xf32>
    %squeeze3A_610 = vector.extract %slice3A_609[0] : f32 from vector<1xf32>
    %slice3A_611 = vector.extract_strided_slice %reduce_sum3A_5 {offsets = [33], sizes = [1], strides = [1]} : vector<72xf32> to vector<1xf32>
    %squeeze3A_612 = vector.extract %slice3A_611[0] : f32 from vector<1xf32>
    %mul3A_613 = arith.mulf %squeeze3A_610, %squeeze3A_612 : f32
    %add3A_614 = arith.addf %mul3A_608, %mul3A_613 : f32
    %slice3A_615 = vector.extract_strided_slice %reduce_sum3A_5 {offsets = [15], sizes = [1], strides = [1]} : vector<72xf32> to vector<1xf32>
    %squeeze3A_616 = vector.extract %slice3A_615[0] : f32 from vector<1xf32>
    %slice3A_617 = vector.extract_strided_slice %reduce_sum3A_5 {offsets = [16], sizes = [1], strides = [1]} : vector<72xf32> to vector<1xf32>
    %squeeze3A_618 = vector.extract %slice3A_617[0] : f32 from vector<1xf32>
    %mul3A_619 = arith.mulf %squeeze3A_616, %squeeze3A_618 : f32
    %slice3A_620 = vector.extract_strided_slice %reduce_sum3A_5 {offsets = [32], sizes = [1], strides = [1]} : vector<72xf32> to vector<1xf32>
    %squeeze3A_621 = vector.extract %slice3A_620[0] : f32 from vector<1xf32>
    %slice3A_622 = vector.extract_strided_slice %reduce_sum3A_5 {offsets = [33], sizes = [1], strides = [1]} : vector<72xf32> to vector<1xf32>
    %squeeze3A_623 = vector.extract %slice3A_622[0] : f32 from vector<1xf32>
    %mul3A_624 = arith.mulf %squeeze3A_621, %squeeze3A_623 : f32
    %add3A_625 = arith.addf %mul3A_619, %mul3A_624 : f32
    %slice3A_626 = vector.extract_strided_slice %reduce_sum3A_5 {offsets = [49], sizes = [1], strides = [1]} : vector<72xf32> to vector<1xf32>
    %squeeze3A_627 = vector.extract %slice3A_626[0] : f32 from vector<1xf32>
    %sub3A_628 = arith.subf %add3A_603, %squeeze3A_627 : f32
    %div3A_629 = arith.constant 6.000000e+00 : f32
    %div3A_630 = arith.divf %sub3A_628, %div3A_629 : f32
    %slice3A_631 = vector.extract_strided_slice %reduce_sum3A_5 {offsets = [50], sizes = [1], strides = [1]} : vector<72xf32> to vector<1xf32>
    %squeeze3A_632 = vector.extract %slice3A_631[0] : f32 from vector<1xf32>
    %sub3A_633 = arith.subf %add3A_614, %squeeze3A_632 : f32
    %div3A_634 = arith.constant 6.000000e+00 : f32
    %div3A_635 = arith.divf %sub3A_633, %div3A_634 : f32
    %add3A_636 = arith.addf %div3A_630, %div3A_635 : f32
    %slice3A_637 = vector.extract_strided_slice %reduce_sum3A_5 {offsets = [66], sizes = [1], strides = [1]} : vector<72xf32> to vector<1xf32>
    %squeeze3A_638 = vector.extract %slice3A_637[0] : f32 from vector<1xf32>
    %sub3A_639 = arith.subf %add3A_625, %squeeze3A_638 : f32
    %div3A_640 = arith.constant 6.000000e+00 : f32
    %div3A_641 = arith.divf %sub3A_639, %div3A_640 : f32
    %add3A_642 = arith.addf %add3A_636, %div3A_641 : f32
    %mul3A_643 = arith.constant 6.25000762 : f32
    %mul3A_644 = arith.mulf %mul3A_643, %add3A_642 : f32
    %add3A_645 = arith.addf %add3A_592, %mul3A_644 : f32
    %slice3A_646 = vector.extract_strided_slice %reduce_sum3A_5 {offsets = [16], sizes = [1], strides = [1]} : vector<72xf32> to vector<1xf32>
    %squeeze3A_647 = vector.extract %slice3A_646[0] : f32 from vector<1xf32>
    %slice3A_648 = vector.extract_strided_slice %reduce_sum3A_5 {offsets = [16], sizes = [1], strides = [1]} : vector<72xf32> to vector<1xf32>
    %squeeze3A_649 = vector.extract %slice3A_648[0] : f32 from vector<1xf32>
    %mul3A_650 = arith.mulf %squeeze3A_647, %squeeze3A_649 : f32
    %slice3A_651 = vector.extract_strided_slice %reduce_sum3A_5 {offsets = [33], sizes = [1], strides = [1]} : vector<72xf32> to vector<1xf32>
    %squeeze3A_652 = vector.extract %slice3A_651[0] : f32 from vector<1xf32>
    %slice3A_653 = vector.extract_strided_slice %reduce_sum3A_5 {offsets = [33], sizes = [1], strides = [1]} : vector<72xf32> to vector<1xf32>
    %squeeze3A_654 = vector.extract %slice3A_653[0] : f32 from vector<1xf32>
    %mul3A_655 = arith.mulf %squeeze3A_652, %squeeze3A_654 : f32
    %add3A_656 = arith.addf %mul3A_650, %mul3A_655 : f32
    %slice3A_657 = vector.extract_strided_slice %reduce_sum3A_5 {offsets = [17], sizes = [1], strides = [1]} : vector<72xf32> to vector<1xf32>
    %squeeze3A_658 = vector.extract %slice3A_657[0] : f32 from vector<1xf32>
    %slice3A_659 = vector.extract_strided_slice %reduce_sum3A_5 {offsets = [17], sizes = [1], strides = [1]} : vector<72xf32> to vector<1xf32>
    %squeeze3A_660 = vector.extract %slice3A_659[0] : f32 from vector<1xf32>
    %mul3A_661 = arith.mulf %squeeze3A_658, %squeeze3A_660 : f32
    %slice3A_662 = vector.extract_strided_slice %reduce_sum3A_5 {offsets = [34], sizes = [1], strides = [1]} : vector<72xf32> to vector<1xf32>
    %squeeze3A_663 = vector.extract %slice3A_662[0] : f32 from vector<1xf32>
    %slice3A_664 = vector.extract_strided_slice %reduce_sum3A_5 {offsets = [34], sizes = [1], strides = [1]} : vector<72xf32> to vector<1xf32>
    %squeeze3A_665 = vector.extract %slice3A_664[0] : f32 from vector<1xf32>
    %mul3A_666 = arith.mulf %squeeze3A_663, %squeeze3A_665 : f32
    %add3A_667 = arith.addf %mul3A_661, %mul3A_666 : f32
    %slice3A_668 = vector.extract_strided_slice %reduce_sum3A_5 {offsets = [16], sizes = [1], strides = [1]} : vector<72xf32> to vector<1xf32>
    %squeeze3A_669 = vector.extract %slice3A_668[0] : f32 from vector<1xf32>
    %slice3A_670 = vector.extract_strided_slice %reduce_sum3A_5 {offsets = [17], sizes = [1], strides = [1]} : vector<72xf32> to vector<1xf32>
    %squeeze3A_671 = vector.extract %slice3A_670[0] : f32 from vector<1xf32>
    %mul3A_672 = arith.mulf %squeeze3A_669, %squeeze3A_671 : f32
    %slice3A_673 = vector.extract_strided_slice %reduce_sum3A_5 {offsets = [33], sizes = [1], strides = [1]} : vector<72xf32> to vector<1xf32>
    %squeeze3A_674 = vector.extract %slice3A_673[0] : f32 from vector<1xf32>
    %slice3A_675 = vector.extract_strided_slice %reduce_sum3A_5 {offsets = [34], sizes = [1], strides = [1]} : vector<72xf32> to vector<1xf32>
    %squeeze3A_676 = vector.extract %slice3A_675[0] : f32 from vector<1xf32>
    %mul3A_677 = arith.mulf %squeeze3A_674, %squeeze3A_676 : f32
    %add3A_678 = arith.addf %mul3A_672, %mul3A_677 : f32
    %slice3A_679 = vector.extract_strided_slice %reduce_sum3A_5 {offsets = [50], sizes = [1], strides = [1]} : vector<72xf32> to vector<1xf32>
    %squeeze3A_680 = vector.extract %slice3A_679[0] : f32 from vector<1xf32>
    %sub3A_681 = arith.subf %add3A_656, %squeeze3A_680 : f32
    %div3A_682 = arith.constant 6.000000e+00 : f32
    %div3A_683 = arith.divf %sub3A_681, %div3A_682 : f32
    %slice3A_684 = vector.extract_strided_slice %reduce_sum3A_5 {offsets = [51], sizes = [1], strides = [1]} : vector<72xf32> to vector<1xf32>
    %squeeze3A_685 = vector.extract %slice3A_684[0] : f32 from vector<1xf32>
    %sub3A_686 = arith.subf %add3A_667, %squeeze3A_685 : f32
    %div3A_687 = arith.constant 6.000000e+00 : f32
    %div3A_688 = arith.divf %sub3A_686, %div3A_687 : f32
    %add3A_689 = arith.addf %div3A_683, %div3A_688 : f32
    %slice3A_690 = vector.extract_strided_slice %reduce_sum3A_5 {offsets = [67], sizes = [1], strides = [1]} : vector<72xf32> to vector<1xf32>
    %squeeze3A_691 = vector.extract %slice3A_690[0] : f32 from vector<1xf32>
    %sub3A_692 = arith.subf %add3A_678, %squeeze3A_691 : f32
    %div3A_693 = arith.constant 6.000000e+00 : f32
    %div3A_694 = arith.divf %sub3A_692, %div3A_693 : f32
    %add3A_695 = arith.addf %add3A_689, %div3A_694 : f32
    %mul3A_696 = arith.constant 6.25000762 : f32
    %mul3A_697 = arith.mulf %mul3A_696, %add3A_695 : f32
    %add3A_698 = arith.addf %add3A_645, %mul3A_697 : f32
    %slice3A_699 = vector.extract_strided_slice %reduce_sum3A_5 {offsets = [17], sizes = [1], strides = [1]} : vector<72xf32> to vector<1xf32>
    %squeeze3A_700 = vector.extract %slice3A_699[0] : f32 from vector<1xf32>
    %slice3A_701 = vector.extract_strided_slice %reduce_sum3A_5 {offsets = [17], sizes = [1], strides = [1]} : vector<72xf32> to vector<1xf32>
    %squeeze3A_702 = vector.extract %slice3A_701[0] : f32 from vector<1xf32>
    %mul3A_703 = arith.mulf %squeeze3A_700, %squeeze3A_702 : f32
    %slice3A_704 = vector.extract_strided_slice %reduce_sum3A_5 {offsets = [34], sizes = [1], strides = [1]} : vector<72xf32> to vector<1xf32>
    %squeeze3A_705 = vector.extract %slice3A_704[0] : f32 from vector<1xf32>
    %slice3A_706 = vector.extract_strided_slice %reduce_sum3A_5 {offsets = [34], sizes = [1], strides = [1]} : vector<72xf32> to vector<1xf32>
    %squeeze3A_707 = vector.extract %slice3A_706[0] : f32 from vector<1xf32>
    %mul3A_708 = arith.mulf %squeeze3A_705, %squeeze3A_707 : f32
    %add3A_709 = arith.addf %mul3A_703, %mul3A_708 : f32
    %slice3A_710 = vector.extract_strided_slice %reduce_sum3A_5 {offsets = [18], sizes = [1], strides = [1]} : vector<72xf32> to vector<1xf32>
    %squeeze3A_711 = vector.extract %slice3A_710[0] : f32 from vector<1xf32>
    %slice3A_712 = vector.extract_strided_slice %reduce_sum3A_5 {offsets = [18], sizes = [1], strides = [1]} : vector<72xf32> to vector<1xf32>
    %squeeze3A_713 = vector.extract %slice3A_712[0] : f32 from vector<1xf32>
    %mul3A_714 = arith.mulf %squeeze3A_711, %squeeze3A_713 : f32
    %slice3A_715 = vector.extract_strided_slice %reduce_sum3A_5 {offsets = [35], sizes = [1], strides = [1]} : vector<72xf32> to vector<1xf32>
    %squeeze3A_716 = vector.extract %slice3A_715[0] : f32 from vector<1xf32>
    %slice3A_717 = vector.extract_strided_slice %reduce_sum3A_5 {offsets = [35], sizes = [1], strides = [1]} : vector<72xf32> to vector<1xf32>
    %squeeze3A_718 = vector.extract %slice3A_717[0] : f32 from vector<1xf32>
    %mul3A_719 = arith.mulf %squeeze3A_716, %squeeze3A_718 : f32
    %add3A_720 = arith.addf %mul3A_714, %mul3A_719 : f32
    %slice3A_721 = vector.extract_strided_slice %reduce_sum3A_5 {offsets = [17], sizes = [1], strides = [1]} : vector<72xf32> to vector<1xf32>
    %squeeze3A_722 = vector.extract %slice3A_721[0] : f32 from vector<1xf32>
    %slice3A_723 = vector.extract_strided_slice %reduce_sum3A_5 {offsets = [18], sizes = [1], strides = [1]} : vector<72xf32> to vector<1xf32>
    %squeeze3A_724 = vector.extract %slice3A_723[0] : f32 from vector<1xf32>
    %mul3A_725 = arith.mulf %squeeze3A_722, %squeeze3A_724 : f32
    %slice3A_726 = vector.extract_strided_slice %reduce_sum3A_5 {offsets = [34], sizes = [1], strides = [1]} : vector<72xf32> to vector<1xf32>
    %squeeze3A_727 = vector.extract %slice3A_726[0] : f32 from vector<1xf32>
    %slice3A_728 = vector.extract_strided_slice %reduce_sum3A_5 {offsets = [35], sizes = [1], strides = [1]} : vector<72xf32> to vector<1xf32>
    %squeeze3A_729 = vector.extract %slice3A_728[0] : f32 from vector<1xf32>
    %mul3A_730 = arith.mulf %squeeze3A_727, %squeeze3A_729 : f32
    %add3A_731 = arith.addf %mul3A_725, %mul3A_730 : f32
    %slice3A_732 = vector.extract_strided_slice %reduce_sum3A_5 {offsets = [51], sizes = [1], strides = [1]} : vector<72xf32> to vector<1xf32>
    %squeeze3A_733 = vector.extract %slice3A_732[0] : f32 from vector<1xf32>
    %sub3A_734 = arith.subf %add3A_709, %squeeze3A_733 : f32
    %div3A_735 = arith.constant 6.000000e+00 : f32
    %div3A_736 = arith.divf %sub3A_734, %div3A_735 : f32
    %slice3A_737 = vector.extract_strided_slice %reduce_sum3A_5 {offsets = [52], sizes = [1], strides = [1]} : vector<72xf32> to vector<1xf32>
    %squeeze3A_738 = vector.extract %slice3A_737[0] : f32 from vector<1xf32>
    %sub3A_739 = arith.subf %add3A_720, %squeeze3A_738 : f32
    %div3A_740 = arith.constant 6.000000e+00 : f32
    %div3A_741 = arith.divf %sub3A_739, %div3A_740 : f32
    %add3A_742 = arith.addf %div3A_736, %div3A_741 : f32
    %slice3A_743 = vector.extract_strided_slice %reduce_sum3A_5 {offsets = [68], sizes = [1], strides = [1]} : vector<72xf32> to vector<1xf32>
    %squeeze3A_744 = vector.extract %slice3A_743[0] : f32 from vector<1xf32>
    %sub3A_745 = arith.subf %add3A_731, %squeeze3A_744 : f32
    %div3A_746 = arith.constant 6.000000e+00 : f32
    %div3A_747 = arith.divf %sub3A_745, %div3A_746 : f32
    %add3A_748 = arith.addf %add3A_742, %div3A_747 : f32
    %mul3A_749 = arith.constant 6.250000e+00 : f32
    %mul3A_750 = arith.mulf %mul3A_749, %add3A_748 : f32
    %add3A_751 = arith.addf %add3A_698, %mul3A_750 : f32
    %slice3A_752 = vector.extract_strided_slice %reduce_sum3A_5 {offsets = [18], sizes = [1], strides = [1]} : vector<72xf32> to vector<1xf32>
    %squeeze3A_753 = vector.extract %slice3A_752[0] : f32 from vector<1xf32>
    %slice3A_754 = vector.extract_strided_slice %reduce_sum3A_5 {offsets = [18], sizes = [1], strides = [1]} : vector<72xf32> to vector<1xf32>
    %squeeze3A_755 = vector.extract %slice3A_754[0] : f32 from vector<1xf32>
    %mul3A_756 = arith.mulf %squeeze3A_753, %squeeze3A_755 : f32
    %slice3A_757 = vector.extract_strided_slice %reduce_sum3A_5 {offsets = [35], sizes = [1], strides = [1]} : vector<72xf32> to vector<1xf32>
    %squeeze3A_758 = vector.extract %slice3A_757[0] : f32 from vector<1xf32>
    %slice3A_759 = vector.extract_strided_slice %reduce_sum3A_5 {offsets = [35], sizes = [1], strides = [1]} : vector<72xf32> to vector<1xf32>
    %squeeze3A_760 = vector.extract %slice3A_759[0] : f32 from vector<1xf32>
    %mul3A_761 = arith.mulf %squeeze3A_758, %squeeze3A_760 : f32
    %add3A_762 = arith.addf %mul3A_756, %mul3A_761 : f32
    %slice3A_763 = vector.extract_strided_slice %reduce_sum3A_5 {offsets = [19], sizes = [1], strides = [1]} : vector<72xf32> to vector<1xf32>
    %squeeze3A_764 = vector.extract %slice3A_763[0] : f32 from vector<1xf32>
    %slice3A_765 = vector.extract_strided_slice %reduce_sum3A_5 {offsets = [19], sizes = [1], strides = [1]} : vector<72xf32> to vector<1xf32>
    %squeeze3A_766 = vector.extract %slice3A_765[0] : f32 from vector<1xf32>
    %mul3A_767 = arith.mulf %squeeze3A_764, %squeeze3A_766 : f32
    %slice3A_768 = vector.extract_strided_slice %reduce_sum3A_5 {offsets = [36], sizes = [1], strides = [1]} : vector<72xf32> to vector<1xf32>
    %squeeze3A_769 = vector.extract %slice3A_768[0] : f32 from vector<1xf32>
    %slice3A_770 = vector.extract_strided_slice %reduce_sum3A_5 {offsets = [36], sizes = [1], strides = [1]} : vector<72xf32> to vector<1xf32>
    %squeeze3A_771 = vector.extract %slice3A_770[0] : f32 from vector<1xf32>
    %mul3A_772 = arith.mulf %squeeze3A_769, %squeeze3A_771 : f32
    %add3A_773 = arith.addf %mul3A_767, %mul3A_772 : f32
    %slice3A_774 = vector.extract_strided_slice %reduce_sum3A_5 {offsets = [18], sizes = [1], strides = [1]} : vector<72xf32> to vector<1xf32>
    %squeeze3A_775 = vector.extract %slice3A_774[0] : f32 from vector<1xf32>
    %slice3A_776 = vector.extract_strided_slice %reduce_sum3A_5 {offsets = [19], sizes = [1], strides = [1]} : vector<72xf32> to vector<1xf32>
    %squeeze3A_777 = vector.extract %slice3A_776[0] : f32 from vector<1xf32>
    %mul3A_778 = arith.mulf %squeeze3A_775, %squeeze3A_777 : f32
    %slice3A_779 = vector.extract_strided_slice %reduce_sum3A_5 {offsets = [35], sizes = [1], strides = [1]} : vector<72xf32> to vector<1xf32>
    %squeeze3A_780 = vector.extract %slice3A_779[0] : f32 from vector<1xf32>
    %slice3A_781 = vector.extract_strided_slice %reduce_sum3A_5 {offsets = [36], sizes = [1], strides = [1]} : vector<72xf32> to vector<1xf32>
    %squeeze3A_782 = vector.extract %slice3A_781[0] : f32 from vector<1xf32>
    %mul3A_783 = arith.mulf %squeeze3A_780, %squeeze3A_782 : f32
    %add3A_784 = arith.addf %mul3A_778, %mul3A_783 : f32
    %slice3A_785 = vector.extract_strided_slice %reduce_sum3A_5 {offsets = [52], sizes = [1], strides = [1]} : vector<72xf32> to vector<1xf32>
    %squeeze3A_786 = vector.extract %slice3A_785[0] : f32 from vector<1xf32>
    %sub3A_787 = arith.subf %add3A_762, %squeeze3A_786 : f32
    %div3A_788 = arith.constant 6.000000e+00 : f32
    %div3A_789 = arith.divf %sub3A_787, %div3A_788 : f32
    %slice3A_790 = vector.extract_strided_slice %reduce_sum3A_5 {offsets = [53], sizes = [1], strides = [1]} : vector<72xf32> to vector<1xf32>
    %squeeze3A_791 = vector.extract %slice3A_790[0] : f32 from vector<1xf32>
    %sub3A_792 = arith.subf %add3A_773, %squeeze3A_791 : f32
    %div3A_793 = arith.constant 6.000000e+00 : f32
    %div3A_794 = arith.divf %sub3A_792, %div3A_793 : f32
    %add3A_795 = arith.addf %div3A_789, %div3A_794 : f32
    %slice3A_796 = vector.extract_strided_slice %reduce_sum3A_5 {offsets = [69], sizes = [1], strides = [1]} : vector<72xf32> to vector<1xf32>
    %squeeze3A_797 = vector.extract %slice3A_796[0] : f32 from vector<1xf32>
    %sub3A_798 = arith.subf %add3A_784, %squeeze3A_797 : f32
    %div3A_799 = arith.constant 6.000000e+00 : f32
    %div3A_800 = arith.divf %sub3A_798, %div3A_799 : f32
    %add3A_801 = arith.addf %add3A_795, %div3A_800 : f32
    %mul3A_802 = arith.constant 6.25000762 : f32
    %mul3A_803 = arith.mulf %mul3A_802, %add3A_801 : f32
    %add3A_804 = arith.addf %add3A_751, %mul3A_803 : f32
    %slice3A_805 = vector.extract_strided_slice %reduce_sum3A_5 {offsets = [19], sizes = [1], strides = [1]} : vector<72xf32> to vector<1xf32>
    %squeeze3A_806 = vector.extract %slice3A_805[0] : f32 from vector<1xf32>
    %slice3A_807 = vector.extract_strided_slice %reduce_sum3A_5 {offsets = [19], sizes = [1], strides = [1]} : vector<72xf32> to vector<1xf32>
    %squeeze3A_808 = vector.extract %slice3A_807[0] : f32 from vector<1xf32>
    %mul3A_809 = arith.mulf %squeeze3A_806, %squeeze3A_808 : f32
    %slice3A_810 = vector.extract_strided_slice %reduce_sum3A_5 {offsets = [36], sizes = [1], strides = [1]} : vector<72xf32> to vector<1xf32>
    %squeeze3A_811 = vector.extract %slice3A_810[0] : f32 from vector<1xf32>
    %slice3A_812 = vector.extract_strided_slice %reduce_sum3A_5 {offsets = [36], sizes = [1], strides = [1]} : vector<72xf32> to vector<1xf32>
    %squeeze3A_813 = vector.extract %slice3A_812[0] : f32 from vector<1xf32>
    %mul3A_814 = arith.mulf %squeeze3A_811, %squeeze3A_813 : f32
    %add3A_815 = arith.addf %mul3A_809, %mul3A_814 : f32
    %slice3A_816 = vector.extract_strided_slice %reduce_sum3A_5 {offsets = [20], sizes = [1], strides = [1]} : vector<72xf32> to vector<1xf32>
    %squeeze3A_817 = vector.extract %slice3A_816[0] : f32 from vector<1xf32>
    %slice3A_818 = vector.extract_strided_slice %reduce_sum3A_5 {offsets = [20], sizes = [1], strides = [1]} : vector<72xf32> to vector<1xf32>
    %squeeze3A_819 = vector.extract %slice3A_818[0] : f32 from vector<1xf32>
    %mul3A_820 = arith.mulf %squeeze3A_817, %squeeze3A_819 : f32
    %slice3A_821 = vector.extract_strided_slice %reduce_sum3A_5 {offsets = [37], sizes = [1], strides = [1]} : vector<72xf32> to vector<1xf32>
    %squeeze3A_822 = vector.extract %slice3A_821[0] : f32 from vector<1xf32>
    %slice3A_823 = vector.extract_strided_slice %reduce_sum3A_5 {offsets = [37], sizes = [1], strides = [1]} : vector<72xf32> to vector<1xf32>
    %squeeze3A_824 = vector.extract %slice3A_823[0] : f32 from vector<1xf32>
    %mul3A_825 = arith.mulf %squeeze3A_822, %squeeze3A_824 : f32
    %add3A_826 = arith.addf %mul3A_820, %mul3A_825 : f32
    %slice3A_827 = vector.extract_strided_slice %reduce_sum3A_5 {offsets = [19], sizes = [1], strides = [1]} : vector<72xf32> to vector<1xf32>
    %squeeze3A_828 = vector.extract %slice3A_827[0] : f32 from vector<1xf32>
    %slice3A_829 = vector.extract_strided_slice %reduce_sum3A_5 {offsets = [20], sizes = [1], strides = [1]} : vector<72xf32> to vector<1xf32>
    %squeeze3A_830 = vector.extract %slice3A_829[0] : f32 from vector<1xf32>
    %mul3A_831 = arith.mulf %squeeze3A_828, %squeeze3A_830 : f32
    %slice3A_832 = vector.extract_strided_slice %reduce_sum3A_5 {offsets = [36], sizes = [1], strides = [1]} : vector<72xf32> to vector<1xf32>
    %squeeze3A_833 = vector.extract %slice3A_832[0] : f32 from vector<1xf32>
    %slice3A_834 = vector.extract_strided_slice %reduce_sum3A_5 {offsets = [37], sizes = [1], strides = [1]} : vector<72xf32> to vector<1xf32>
    %squeeze3A_835 = vector.extract %slice3A_834[0] : f32 from vector<1xf32>
    %mul3A_836 = arith.mulf %squeeze3A_833, %squeeze3A_835 : f32
    %add3A_837 = arith.addf %mul3A_831, %mul3A_836 : f32
    %slice3A_838 = vector.extract_strided_slice %reduce_sum3A_5 {offsets = [53], sizes = [1], strides = [1]} : vector<72xf32> to vector<1xf32>
    %squeeze3A_839 = vector.extract %slice3A_838[0] : f32 from vector<1xf32>
    %sub3A_840 = arith.subf %add3A_815, %squeeze3A_839 : f32
    %div3A_841 = arith.constant 6.000000e+00 : f32
    %div3A_842 = arith.divf %sub3A_840, %div3A_841 : f32
    %slice3A_843 = vector.extract_strided_slice %reduce_sum3A_5 {offsets = [54], sizes = [1], strides = [1]} : vector<72xf32> to vector<1xf32>
    %squeeze3A_844 = vector.extract %slice3A_843[0] : f32 from vector<1xf32>
    %sub3A_845 = arith.subf %add3A_826, %squeeze3A_844 : f32
    %div3A_846 = arith.constant 6.000000e+00 : f32
    %div3A_847 = arith.divf %sub3A_845, %div3A_846 : f32
    %add3A_848 = arith.addf %div3A_842, %div3A_847 : f32
    %slice3A_849 = vector.extract_strided_slice %reduce_sum3A_5 {offsets = [70], sizes = [1], strides = [1]} : vector<72xf32> to vector<1xf32>
    %squeeze3A_850 = vector.extract %slice3A_849[0] : f32 from vector<1xf32>
    %sub3A_851 = arith.subf %add3A_837, %squeeze3A_850 : f32
    %div3A_852 = arith.constant 6.000000e+00 : f32
    %div3A_853 = arith.divf %sub3A_851, %div3A_852 : f32
    %add3A_854 = arith.addf %add3A_848, %div3A_853 : f32
    %mul3A_855 = arith.constant 6.25000762 : f32
    %mul3A_856 = arith.mulf %mul3A_855, %add3A_854 : f32
    %add3A_857 = arith.addf %add3A_804, %mul3A_856 : f32
    %slice3A_858 = vector.extract_strided_slice %reduce_sum3A_5 {offsets = [0], sizes = [1], strides = [1]} : vector<72xf32> to vector<1xf32>
    %squeeze3A_859 = vector.extract %slice3A_858[0] : f32 from vector<1xf32>
    %sub3A_860 = arith.subf %add3A, %squeeze3A_859 : f32
    %add3A_861 = arith.addf %sub3A_860, %add3A_857 : f32
    %broadcast_in_dim3A = vector.broadcast %add3A_861 : f32 to vector<1x1xf32>
    %swap3A = arith.constant 0 : index
    %swap3A_862 = arith.constant 0 : index
    %swap3A_863 = vector.load %arg1[%swap3A, %swap3A_862] : memref<1x1xf32, #tpu.memory_space<vmem>>, vector<1x1xf32>
    tpu.vector_store %arg1[%swap3A, %swap3A_862], %broadcast_in_dim3A {strides = array<i32>} : memref<1x1xf32, #tpu.memory_space<vmem>>, vector<1x1xf32>,
    return
  }
}

</mosaic_0001>

<sc_bundles>
// kernel: kernel.5.cloned.1.call-start
scs
__scs_entry_jumppad:
0x0: {  	(pc) =	sbr.rel $0x88, $3  }
0x1: {  	(tag) =	ssettag $0x0;
	lr =	simm.s32 $0x1  }
0x2: {  	[smem:$0x3F9C] =	sst lr;
	_ =	strace $0xD0000000  }
0x3: {  	_ = 	snop  }
0x4: {  	_ = 	snop  }
0x5: {  	_ = 	snop  }
0x6: {  	_ = 	snop  }
0x7: {  	_ = 	snop  }
__scs_overlays_trampoline_lowered:
0x8: {  	[smem:$0x3FAB] =	sst s0  }
0x9: {  	[smem:$0x3FAC] =	sst s1  }
0xa: {  	[smem:$0x3FAD] =	sst s2  }
0xb: {  	[smem:$0x3FAE] =	sst s3  }
0xc: {  	[smem:$0x3FAF] =	sst s4  }
0xd: {  	[smem:$0x3FB0] =	sst s5  }
0xe: {  	[smem:$0x3FB1] =	sst s6  }
0xf: {  	[smem:$0x3FB2] =	sst s7  }
0x10: {  	[smem:$0x3FB3] =	sst s8  }
0x11: {  	[smem:$0x3FB4] =	sst s9;
	s0 =	simm.s32 @!p0 $0x0  }
0x12: {  	s1 =	sld [smem:$0x3F9A];
	s0 =	simm.s32 @p0 $0x1  }
0x13: {  	[smem:$0x3FB5] =	sst s0;
	s0 =	simm.s32 @!p1 $0x0  }
0x14: {  	s2 =	sld [smem:$0x3F99];
	s0 =	simm.s32 @p1 $0x1  }
0x15: {  	[smem:$0x3FB6] =	sst s0;
	s0 =	simm.s32 @!p2 $0x0  }
0x16: {  	s3 =	sld [smem:$0x3FDB];
	s0 =	simm.s32 @p2 $0x1  }
0x17: {  	s4 =	simm.s32 $0x1BF5;
	[smem:$0x3FB8] =	sst s0  }
0x18: {  	s0 =	sld [smem:$0x3F9B];
	_ =	swait.ge [sflag:s4], $0x0  }
0x19: {  	s7 =	sld [smem:$0x3F9C]  }
0x1a: {  	s8 =	sadd.s32 $0xFFFFE003, lr  }
0x1b: {  	s9 =	sadd.s32 $0xFFFFFEF7, lr;
	s5 =	simm.s32 $0xFFFFFFFF;
	p2 =	slt.u32 s8, $0xFFFFF086  }
0x1c: {  	p1 =	slt.u32 s9, $0xF7A;
	s5 =	simm.s32 @!p2 $0x0  }
0x1d: {  	s5 =	simm.s32 @p1 $0x1;
	p0 =	seq.s32 s7, s2  }
0x1e: {  	s7 =	smul.u32 @!p0 $0xF7A, s2;
	p2 =	seq.s32 @!p0 s5, $0x0  }
0x1f: {  	s9 =	smul.u32 $0xF7A, s1;
	s8 =	simm.s32 @!p0 $0x1BF5;
	p2 =	por !p2, p0  }
0x20: {  	[sflag:s8] =	ssyncset.s32 @!p0 $0xFFFFF086;
	s6 =	sadd.s32 @!p0 s3, s7;
	s7 =	simm.s32 @!p0 $0x108  }
0x21: {  	s3 =	sadd.s32 s3, s9;
	s6 =	sadd.s32 @!p0 $0x88, s6;
	s7 =	simm.s32 @p2 $0x1082  }
0x22: {  	[simem:s7], [sflag:s8] =	dma.local @!p0 [hbm:s6], $0xF7A  }
0x23: {  	s9 =	sor.u32 $0xD0000000, s2;
	s6 =	simm.s32 $0x108;
	_ =	swait.ge @!p0 [sflag:s8], $0x0  }
0x24: {  	s3 =	sadd.s32 $0x88, s3;
	s6 =	simm.s32 @!p1 $0x1082;
	[sflag:s4] =	ssyncset.s32 $0xFFFFF086  }
0x25: {  	[simem:s6], [sflag:s4] =	dma.local [hbm:s3], $0xF7A  }
0x26: {  	[smem:$0x3F9C] =	sst s1;
	(tag) =	ssettag s2;
	_ =	strace s9  }
0x27: {  	s1 =	sld [smem:$0x3FAC]  }
0x28: {  	s2 =	sld [smem:$0x3FAD]  }
0x29: {  	s4 =	sld [smem:$0x3FAF]  }
0x2a: {  	p0 =	seq.s32 s5, $0x0;
	s5 =	sld [smem:$0x3FB0]  }
0x2b: {  	s6 =	sld [smem:$0x3FB1]  }
0x2c: {  	s7 =	sld [smem:$0x3FB2]  }
0x2d: {  	s3 =	simm.s32 $0x108;
	s8 =	sld [smem:$0x3FB3]  }
0x2e: {  	s3 =	simm.s32 @!p0 $0x1082;
	s9 =	sld [smem:$0x3FB4]  }
0x2f: {  	lr =	sadd.s32 s0, s3;
	s0 =	sld [smem:$0x3FAB]  }
0x30: {  	s3 =	sld [smem:$0x3FAE]  }
0x31: {  	[smem:$0x3FB7] =	sst s10  }
0x32: {  	s10 =	sld [smem:$0x3FB5];
	_ =	sdelay $0x3  }
0x33: {  	p0 =	seq.s32 s10, $0x1;
	s10 =	sld [smem:$0x3FB7];
	_ =	sdelay $0x3  }
0x34: {  	[smem:$0x3FB7] =	sst s10  }
0x35: {  	s10 =	sld [smem:$0x3FB6];
	_ =	sdelay $0x3  }
0x36: {  	p1 =	seq.s32 s10, $0x1;
	s10 =	sld [smem:$0x3FB7];
	_ =	sdelay $0x3  }
0x37: {  	[smem:$0x3FB7] =	sst s10  }
0x38: {  	s10 =	sld [smem:$0x3FB8]  }
0x39: {  	_ = 	snop;
	(pc) =	sbr.ind lr, $3  }
0x3a: {  	_ = 	snop  }
0x3b: {  	_ = 	snop  }
0x3c: {  	p2 =	seq.s32 s10, $0x1;
	s10 =	sld [smem:$0x3FB7]  }
0x3d: {  	_ =	shalt  }
0x3e: {  	_ =	shalt  }
0x3f: {  	_ =	shalt  }
0x40: {  	_ =	shalt  }
0x41: {  	_ =	shalt  }
0x42: {  	_ =	shalt  }
0x43: {  	_ =	shalt  }
0x44: {  	_ =	shalt  }
0x45: {  	_ =	shalt  }
0x46: {  	_ =	shalt  }
0x47: {  	_ =	shalt  }
0x48: {  	_ =	shalt  }
0x49: {  	_ =	shalt  }
0x4a: {  	_ =	shalt  }
0x4b: {  	_ =	shalt  }
0x4c: {  	_ =	shalt  }
0x4d: {  	_ =	shalt  }
0x4e: {  	_ =	shalt  }
0x4f: {  	_ =	shalt  }
0x50: {  	_ =	shalt  }
0x51: {  	_ =	shalt  }
0x52: {  	_ =	shalt  }
0x53: {  	_ =	shalt  }
0x54: {  	_ =	shalt  }
0x55: {  	_ =	shalt  }
0x56: {  	_ =	shalt  }
0x57: {  	_ =	shalt  }
0x58: {  	_ =	shalt  }
0x59: {  	_ =	shalt  }
0x5a: {  	_ =	shalt  }
0x5b: {  	_ =	shalt  }
0x5c: {  	_ =	shalt  }
0x5d: {  	_ =	shalt  }
0x5e: {  	_ =	shalt  }
0x5f: {  	_ =	shalt  }
0x60: {  	_ =	shalt  }
0x61: {  	_ =	shalt  }
0x62: {  	_ =	shalt  }
0x63: {  	_ =	shalt  }
0x64: {  	_ =	shalt  }
0x65: {  	_ =	shalt  }
0x66: {  	_ =	shalt  }
0x67: {  	_ =	shalt  }
0x68: {  	_ =	shalt  }
0x69: {  	_ =	shalt  }
0x6a: {  	_ =	shalt  }
0x6b: {  	_ =	shalt  }
0x6c: {  	_ =	shalt  }
0x6d: {  	_ =	shalt  }
0x6e: {  	_ =	shalt  }
0x6f: {  	_ =	shalt  }
0x70: {  	_ =	shalt  }
0x71: {  	_ =	shalt  }
0x72: {  	_ =	shalt  }
0x73: {  	_ =	shalt  }
0x74: {  	_ =	shalt  }
0x75: {  	_ =	shalt  }
0x76: {  	_ =	shalt  }
0x77: {  	_ =	shalt  }
0x78: {  	_ =	shalt  }
0x79: {  	_ =	shalt  }
0x7a: {  	_ =	shalt  }
0x7b: {  	_ =	shalt  }
0x7c: {  	_ =	shalt  }
0x7d: {  	_ =	shalt  }
0x7e: {  	_ =	shalt  }
0x7f: {  	_ =	shalt  }
0x80: {  	_ =	shalt  }
0x81: {  	_ =	shalt  }
0x82: {  	_ =	shalt  }
0x83: {  	_ =	shalt  }
0x84: {  	_ =	shalt  }
0x85: {  	_ =	shalt  }
0x86: {  	_ =	shalt  }
0x87: {  	_ =	shalt  }
.Lfunc_end0:
.L_simem_size_0:
called_computation_lowered:
.L_overlay_start_0:
0x88: {  	s2 =	sld [smem:$0x3FD9]  }
0x89: {  	s3 =	sld [smem:$0x3FFE];
	_ =	sdelay $0x1  }
0x8a: {  	s1 =	srdreg.scid  }
0x8b: {  	s0 =	sand.u32 $0x1, s1  }
0x8c: {  	s17 =	sshll.u32 s0, $0xA;
	s2 =	sadd.s32 s3, s2  }
0x8d: {  	s2 =	sadd.s32 s2, s17  }
0x8e: {  	[smem:$0x3FC3] =	sst s2  }
0x8f: {  	_ = 	snop  }
0x90: {  	s2 =	sld [smem:$0x3FC8]  }
0x91: {  	s18 =	sld [smem:$0x3FC7]  }
0x92: {  	s4 =	sld [smem:$0x3FC6]  }
0x93: {  	s5 =	sld [smem:$0x3FC5];
	(tm) =	ssettm $0x1  }
0x94: {  	s6 =	sld [smem:$0x3FFB];
	_ =	sdelay $0x3  }
0x95: {  	_ =	strace s6  }
0x96: {  	s6 =	sld [smem:$0x3FFC];
	_ =	sdelay $0x3  }
0x97: {  	_ =	strace s6  }
0x98: {  	s6 =	sld [smem:$0x3FFD];
	_ =	sdelay $0x3  }
0x99: {  	_ =	strace s6  }
0x9a: {  	_ =	strace $0x8FFFFFFF  }
0x9b: {  	s19 =	sld [smem:$0x3FDB];
	_ =	sdelay $0x1  }
0x9c: {  	s7 =	simm.s32 $_scs_section_size  }
0x9d: {  	s8 =	simm.s32 $_size__tile_overlayer_lowered;
	s9 =	simm.s32 $_tile_overlayer_lowered  }
0x9e: {  	s22 =	simm.s32 $0x1BFF;
	s21 =	sshll.u32 s9, $0x1;
	s6 =	sadd.s32 s7, s19  }
0x9f: {  	s10 =	simm.s32 $0x0;
	s20 =	sshll.u32 s8, $0x1;
	s8 =	sadd.s32 s21, s6  }
0xa0: {  	[timem:s10], [sflag:s22] =	dma.local [hbm:s8], s20  }
0xa1: {  	_ =	swait.ge [sflag:s22], s20  }
0xa2: {  	s7 =	ssub.s32 $0x0, s20;
	[sflag:s22] =	ssyncset.done $0x0  }
0xa3: {  	[sflag:s22] =	ssyncadd.s32 s7;
	_ =	sdelay $0x1  }
0xa4: {  	s23 =	simm.s32 $0x1B8B  }
0xa5: {  	_ =	swait.ge [sflag:s23], $0x1  }
0xa6: {  	[sflag:s23] =	ssyncset.done $0x0  }
0xa7: {  	s25 =	simm.s32 $0x1B8E;
	s24 =	sld [smem:$0x3FFE];
	[sflag:s23] =	ssyncadd.s32 $0xFFFFFFFF  }
0xa8: {  	s26 =	simm.s32 $execute0_lowered;
	[smem:$0x3FD2] =	sst s25  }
0xa9: {  	s8 =	sshll.u32 s26, $0x1;
	_ =	strace $0x80000046;
	[dreg:$0x1] =	wrdreg $0xFFFFFFFF  }
0xaa: {  	s28 =	simm.s32 $_size_execute0_lowered;
	s6 =	sadd.s32 s6, s8;
	[dreg:$0x0] =	wrdreg $0x0  }
0xab: {  	s8 =	sshll.u32 s28, $0x1;
	[dreg:$0x2] =	wrdreg s6  }
0xac: {  	[dreg:$0x3] =	wrdreg s8  }
0xad: {  	[dreg:$0x4] =	wrdreg $0xC0  }
0xae: {  	_ =	task [dreg:s10], $0x5FFFF  }
0xaf: {  	[dreg:$0x1] =	wrdreg $0xFFFFFFFF  }
0xb0: {  	[dreg:$0x0] =	wrdreg $0x60  }
0xb1: {  	[dreg:$0x2] =	wrdreg s24  }
0xb2: {  	[dreg:$0x3] =	wrdreg s2  }
0xb3: {  	[dreg:$0x4] =	wrdreg s4  }
0xb4: {  	[dreg:$0x5] =	wrdreg s5  }
0xb5: {  	[dreg:$0x6] =	wrdreg s18  }
0xb6: {  	[dreg:$0x7] =	wrdreg $0x9  }
0xb7: {  	_ =	task.clear_ibuf [dreg:s10], $0x8FFFF;
	_ =	strace $0x90000046  }
0xb8: {  	s29 =	simm.s32 $0x9;
	_ =	strace $0x80000048  }
0xb9: {  	_ =	swait.ge [sflag:s29], $0x1  }
0xba: {  	[sflag:s29] =	ssyncadd.s32 $0xFFFFFFFF  }
0xbb: {  	_ =	strace $0x90000048  }
0xbc: {  	_ =	sfence  }
0xbd: {  	s30 =	sld [smem:$0x0];
	_ =	sdelay $0x2  }
0xbe: {  	s31 =	sshll.u32 s1, $0xD;
	s1 =	sshrl.u32 s1, $0x2  }
0xbf: {  	s3 =	sand.u32 $0x4000, s31;
	s1 =	sadd.s32 s1, s30  }
0xc0: {  	s0 =	sor.u32 s3, s0;
	s1 =	sshll.u32 s1, $0x11  }
0xc1: {  	s0 =	sor.u32 s1, s0  }
0xc2: {  	s0 =	sadd.s32 $0x8F2B, s0  }
0xc3: {  	[sflag:s0] =	ssyncadd.remote.s32 $0x1  }
0xc4: {  	_ =	sfence.sel $0xFFFF  }
0xc5: {  	[dreg:$0x0] =	wrdreg $0xFFFFFFFF;
	(pc) =	sbr.abs _section_cstart, $3  }
0xc6: {  	[dreg:$0x1] =	wrdreg $0xFFFFFFFF  }
0xc7: {  	_ =	task.clear_ibuf [dreg:s10], $0x2FFFF;
	_ =	strace $0x9FFFFFFF  }
0xc8: {  	(tm) =	ssettm $0x7FFFFFFF  }
0xc9: {  	_ =	shalt  }
tec
execute0_lowered:
.L_overlay_start_1:
0x0: {  	(tag) =	ssettag $0x1  }
0x1: {  	s3 =	rddreg [dreg:$0x0]  }
0x2: {  	s1 =	rddreg [dreg:$0x1]  }
0x3: {  	s2 =	rddreg [dreg:$0x2]  }
0x4: {  	s14 =	rddreg [dreg:$0x3];
	s5 =	simm.s32 $0x0;
	v0 =	vlaneseq.u32  }
0x5: {  	[smem:$0x7FF] =	sst s5;
	v0 =	vmul.u32 $0x8, v0  }
0x6: {  	s8 =	rddreg [dreg:$0x4];
	v1 =	vimm.f32 $6.250006200e+00;
	_ =	strace $0x80000047  }
0x7: {  	(erf) = vrcp.f32 v1;
	v1 =	vor.u32 $0x1, v0  }
0x8: {  	[tilespmem:$0x1FDA0] =	vst v1;
	v1 =	vor.u32 $0x2, v0  }
0x9: {  	[tilespmem:$0x1FDB0] =	vst v1;
	v1 =	vor.u32 $0x3, v0  }
0xa: {  	[tilespmem:$0x1FDC0] =	vst v1;
	v1 =	vor.u32 $0x4, v0  }
0xb: {  	[tilespmem:$0x1FDD0] =	vst v1;
	v1 =	vor.u32 $0x5, v0  }
0xc: {  	[tilespmem:$0x1FDE0] =	vst v1;
	v1 =	vor.u32 $0x6, v0  }
0xd: {  	[tilespmem:$0x1FDF0] =	vst v1;
	v1 =	vor.u32 $0x7, v0  }
0xe: {  	[tilespmem:$0x1FE00] =	vst v1;
	v1 =	vor.u32 $0x80, v0  }
0xf: {  	[tilespmem:$0x1FE10] =	vst v1;
	v1 =	vor.u32 $0x81, v0  }
0x10: {  	[tilespmem:$0x1FE20] =	vst v1;
	v1 =	vor.u32 $0x82, v0  }
0x11: {  	s0 =	srdreg.scid;
	s13 =	stileid.u32;
	[tilespmem:$0x1FE30] =	vst v1;
	v1 =	vor.u32 $0x83, v0  }
0x12: {  	s0 =	sand.u32 $0x1, s0;
	s6 =	sshll.u32 s13, $0x1;
	[tilespmem:$0x1FE40] =	vst v1;
	v1 =	vor.u32 $0x84, v0  }
0x13: {  	s9 =	sor.u32 s0, s6;
	[tilespmem:$0x1FE50] =	vst v1;
	v1 =	vor.u32 $0x85, v0  }
0x14: {  	s7 =	smul.u32 $0x90, s9;
	[tilespmem:$0x1FE60] =	vst v1;
	v1 =	vor.u32 $0x86, v0  }
0x15: {  	s31 =	simm.s32 $0x17080;
	s10 =	ssub.s32 $0x2, s0;
	s6 =	sadd.s32 $0x600, s3;
	[tilespmem:$0x1FE70] =	vst v1;
	v1 =	vor.u32 $0x87, v0  }
0x16: {  	s0 =	sshll.u32 s0, $0xF;
	s11 =	sshrl.u32 s10, $0x1;
	s3 =	sadd.s32 s7, s3;
	[tilespmem:$0x1FE80] =	vst v1;
	v1 =	vor.u32 $0x100, v0  }
0x17: {  	s7 =	ssub.s32 s10, s11;
	s10 =	sshll.u32 s9, $0xF;
	s9 =	sshll.u32 s9, $0x4;
	[tilespmem:$0x1FE90] =	vst v1;
	v1 =	vor.u32 $0x101, v0  }
0x18: {  	s24 =	smin.u32 s10, $0xF3A40;
	s12 =	sor.u32 $0x800, s10;
	s4 =	sadd.s32 s8, s9;
	[tilespmem:$0x1FEA0] =	vst v1;
	v1 =	vor.u32 $0x102, v0  }
0x19: {  	s15 =	sor.u32 $0x1000, s10;
	s17 =	sor.u32 $0x1800, s10;
	[dreg:$0x6] =	wrdreg s4;
	[tilespmem:$0x1FEB0] =	vst v1;
	v1 =	vor.u32 $0x103, v0  }
0x1a: {  	s25 =	sshrl.u32 s24, $0x3;
	s26 =	smin.u32 s12, $0xF3A40;
	s8 =	smin.u32 s15, $0xF3A40;
	[tilespmem:$0x1FEC0] =	vst v1;
	v1 =	vor.u32 $0x104, v0  }
0x1b: {  	s19 =	smin.u32 s17, $0xF3A40;
	s4 =	smov.u32 s2;
	s24 =	sshll.u32 s13, $0x10;
	[tilespmem:$0x1FED0] =	vst v1;
	v1 =	vor.u32 $0x105, v0  }
0x1c: {  	s15 =	simm.s32 $0x2;
	s17 =	simm.s32 $0xB000;
	s29 =	sadd.s32 s2, s25;
	[tilespmem:$0x1FEE0] =	vst v1;
	v1 =	vor.u32 $0x106, v0  }
0x1d: {  	s30 =	sadd.s32 s14, s25;
	s9 =	sshrl.u32 s26, $0x3;
	[dreg:$0x7] =	wrdreg s29;
	[tilespmem:$0x1FEF0] =	vst v1;
	v1 =	vor.u32 $0x107, v0  }
0x1e: {  	s11 =	sadd.s32 s1, s25;
	s8 =	sshrl.u32 s8, $0x3;
	[dreg:$0x8] =	wrdreg s30;
	[tilespmem:$0x1FF00] =	vst v1;
	v1 =	vor.u32 $0x180, v0  }
0x1f: {  	s25 =	sor.u32 $0x2000, s10;
	s0 =	sor.u32 s0, s24;
	[dreg:$0x9] =	wrdreg s11;
	[tilespmem:$0x1FF10] =	vst v1;
	v1 =	vor.u32 $0x181, v0  }
0x20: {  	s26 =	sadd.s32 $0x62200, s3;
	s3 =	simm.s32 $0x17480;
	[dreg:$0x13] =	wrdreg s25;
	[tilespmem:$0x1FF20] =	vst v1;
	v1 =	vor.u32 $0x182, v0  }
0x21: {  	s24 =	simm.s32 $0x3;
	s12 =	sadd.s32 s2, s9;
	[dreg:$0x15] =	wrdreg s26;
	[tilespmem:$0x1FF30] =	vst v1;
	v1 =	vor.u32 $0x183, v0  }
0x22: {  	v39 =	vor.u32 $0x207, v0;
	v40 =	vor.u32 $0x280, v0;
	s16 =	sadd.s32 s14, s9;
	s18 =	sadd.s32 s1, s9;
	[dreg:$0x14] =	wrdreg s0;
	[tilespmem:$0x1FF40] =	vst v1;
	v1 =	vor.u32 $0x184, v0  }
0x23: {  	v41 =	vor.u32 $0x281, v0;
	v42 =	vor.u32 $0x282, v0;
	s20 =	sadd.s32 s2, s8;
	s21 =	sadd.s32 s14, s8;
	[dreg:$0xa] =	wrdreg s12;
	[tilespmem:$0x1FF50] =	vst v1;
	v1 =	vor.u32 $0x185, v0  }
0x24: {  	v43 =	vor.u32 $0x283, v0;
	v44 =	vor.u32 $0x284, v0;
	s9 =	sshrl.u32 s19, $0x3;
	s22 =	sadd.s32 s1, s8;
	[dreg:$0xb] =	wrdreg s16;
	[tilespmem:$0x1FF60] =	vst v1;
	v1 =	vor.u32 $0x186, v0  }
0x25: {  	v45 =	vor.u32 $0x285, v0;
	v46 =	vor.u32 $0x286, v0;
	s29 =	smax.u32 s7, $0x1;
	s30 =	sor.u32 $0x800, s0;
	[dreg:$0xc] =	wrdreg s18;
	[tilespmem:$0x1FF70] =	vst v1;
	v1 =	vor.u32 $0x187, v0  }
0x26: {  	v47 =	vor.u32 $0x287, v0;
	v48 =	vor.u32 $0x300, v0;
	s26 =	sor.u32 $0x7000, s0;
	s28 =	sor.u32 $0x7800, s0;
	[dreg:$0xd] =	wrdreg s20;
	[tilespmem:$0x1FF80] =	vst v1;
	v1 =	vor.u32 $0x200, v0  }
0x27: {  	v49 =	vor.u32 $0x301, v0;
	v50 =	vor.u32 $0x302, v0;
	s8 =	simm.s32 $0x6;
	s7 =	simm.s32 $0x800;
	[dreg:$0xe] =	wrdreg s21;
	[tilespmem:$0x1FF90] =	vst v1;
	v1 =	vor.u32 $0x201, v0  }
0x28: {  	v51 =	vor.u32 $0x303, v0;
	v52 =	vor.u32 $0x304, v0;
	s19 =	simm.s32 $0x13000;
	s25 =	simm.s32 $0x4;
	[dreg:$0xf] =	wrdreg s22;
	[tilespmem:$0x1FFA0] =	vst v1;
	v1 =	vor.u32 $0x202, v0  }
0x29: {  	v53 =	vor.u32 $0x305, v0;
	v54 =	vor.u32 $0x306, v0;
	s2 =	sadd.s32 s2, s9;
	s20 =	smov.u32 s14;
	[dreg:$0x16] =	wrdreg s29;
	[tilespmem:$0x1FFB0] =	vst v1;
	v1 =	vor.u32 $0x203, v0  }
0x2a: {  	v55 =	vor.u32 $0x307, v0;
	v56 =	vor.u32 $0x380, v0;
	s23 =	sadd.s32 s14, s9;
	s21 =	sor.u32 $0x2800, s10;
	[dreg:$0x17] =	wrdreg s30;
	[tilespmem:$0x1FFC0] =	vst v1;
	v1 =	vor.u32 $0x204, v0  }
0x2b: {  	v57 =	vor.u32 $0x381, v0;
	v58 =	vor.u32 $0x382, v0;
	s10 =	simm.s32 $0x1;
	s12 =	simm.s32 $0x7000;
	[dreg:$0x10] =	wrdreg s2;
	[tilespmem:$0x1FFD0] =	vst v1;
	v1 =	vor.u32 $0x205, v0  }
0x2c: {  	v59 =	vor.u32 $0x383, v0;
	v60 =	vor.u32 $0x384, v0;
	[dreg:$0x11] =	wrdreg s23;
	s2 =	smov.u32 s1;
	s1 =	sadd.s32 s1, s9;
	[tilespmem:$0x1FFE0] =	vst v1;
	v1 =	vor.u32 $0x206, v0  }
0x2d: {  	v62 =	vor.u32 $0x385, v0;
	v63 =	vor.u32 $0x386, v0;
	s14 =	simm.s32 $0xF000;
	[dreg:$0x12] =	wrdreg s1;
	v61 =	vpop (erf);
	s1 =	simm.s32 $0x0;
	[tilespmem:$0x1FFF0] =	vst v1;
	v1 =	vimm.f32 $0.0e+00  }
.LBB2_1:
0x2e: {  	[dreg:$0x18] =	wrdreg s1  }
0x2f: {  	s0 =	rddreg [dreg:$0x6];
	s30 =	simm.s32 $0x17000  }
0x30: {  	[tilespmem:s30], [sflag:$0x6] =	stream.linear.gather [hbm4b:s0+s5], $0x80, $0x38;
	[tilespmem:$0x19900] =	vst v63  }
0x31: {  	_ =	swait.ge [sflag:s8], $0x80  }
0x32: {  	[sflag:s8] =	ssyncset.done $0x0  }
0x33: {  	v4 =	vld [tilespmem:$0x1FDA0];
	[sflag:s8] =	ssyncadd.s32 $0xFFFFFF80  }
0x34: {  	v2 =	vld [tilespmem:$0x17000];
	_ =	sdelay $0x4  }
0x35: {  	v2 =	vshll.u32 v2, $0x3  }
0x36: {  	[tilespmem:v0+s31+$0x0] =	vst.idx.msk $0xffff, v2;
	v3 =	vor.u32 $0x1, v2  }
0x37: {  	[tilespmem:v4+s31+$0x0] =	vst.idx.msk $0xffff, v3;
	v4 =	vld [tilespmem:$0x1FDB0];
	_ =	sdelay $0x6  }
0x38: {  	v3 =	vor.u32 $0x2, v2  }
0x39: {  	[tilespmem:v4+s31+$0x0] =	vst.idx.msk $0xffff, v3;
	v4 =	vld [tilespmem:$0x1FDC0];
	_ =	sdelay $0x6  }
0x3a: {  	v3 =	vor.u32 $0x3, v2  }
0x3b: {  	[tilespmem:v4+s31+$0x0] =	vst.idx.msk $0xffff, v3;
	v4 =	vld [tilespmem:$0x1FDD0];
	_ =	sdelay $0x6  }
0x3c: {  	v3 =	vor.u32 $0x4, v2  }
0x3d: {  	[tilespmem:v4+s31+$0x0] =	vst.idx.msk $0xffff, v3;
	v4 =	vld [tilespmem:$0x1FDE0];
	_ =	sdelay $0x6  }
0x3e: {  	v3 =	vor.u32 $0x5, v2  }
0x3f: {  	[tilespmem:v4+s31+$0x0] =	vst.idx.msk $0xffff, v3;
	v4 =	vld [tilespmem:$0x1FDF0];
	_ =	sdelay $0x6  }
0x40: {  	v3 =	vor.u32 $0x6, v2  }
0x41: {  	[tilespmem:v4+s31+$0x0] =	vst.idx.msk $0xffff, v3;
	v3 =	vld [tilespmem:$0x1FE00];
	_ =	sdelay $0x6  }
0x42: {  	v2 =	vor.u32 $0x7, v2  }
0x43: {  	[tilespmem:v3+s31+$0x0] =	vst.idx.msk $0xffff, v2;
	v3 =	vld [tilespmem:$0x1FE10]  }
0x44: {  	v4 =	vld [tilespmem:$0x1FE20]  }
0x45: {  	v2 =	vld [tilespmem:$0x17010];
	_ =	sdelay $0x4  }
0x46: {  	v2 =	vshll.u32 v2, $0x3  }
0x47: {  	[tilespmem:v3+s31+$0x0] =	vst.idx.msk $0xffff, v2;
	v3 =	vor.u32 $0x1, v2  }
0x48: {  	[tilespmem:v4+s31+$0x0] =	vst.idx.msk $0xffff, v3;
	v4 =	vld [tilespmem:$0x1FE30];
	_ =	sdelay $0x6  }
0x49: {  	v3 =	vor.u32 $0x2, v2  }
0x4a: {  	[tilespmem:v4+s31+$0x0] =	vst.idx.msk $0xffff, v3;
	v4 =	vld [tilespmem:$0x1FE40];
	_ =	sdelay $0x6  }
0x4b: {  	v3 =	vor.u32 $0x3, v2  }
0x4c: {  	[tilespmem:v4+s31+$0x0] =	vst.idx.msk $0xffff, v3;
	v4 =	vld [tilespmem:$0x1FE50];
	_ =	sdelay $0x6  }
0x4d: {  	v3 =	vor.u32 $0x4, v2  }
0x4e: {  	[tilespmem:v4+s31+$0x0] =	vst.idx.msk $0xffff, v3;
	v4 =	vld [tilespmem:$0x1FE60];
	_ =	sdelay $0x6  }
0x4f: {  	v3 =	vor.u32 $0x5, v2  }
0x50: {  	[tilespmem:v4+s31+$0x0] =	vst.idx.msk $0xffff, v3;
	v4 =	vld [tilespmem:$0x1FE70];
	_ =	sdelay $0x6  }
0x51: {  	v3 =	vor.u32 $0x6, v2  }
0x52: {  	[tilespmem:v4+s31+$0x0] =	vst.idx.msk $0xffff, v3;
	v3 =	vld [tilespmem:$0x1FE80];
	_ =	sdelay $0x6  }
0x53: {  	v2 =	vor.u32 $0x7, v2  }
0x54: {  	[tilespmem:v3+s31+$0x0] =	vst.idx.msk $0xffff, v2;
	v3 =	vld [tilespmem:$0x1FE90]  }
0x55: {  	v4 =	vld [tilespmem:$0x1FEA0]  }
0x56: {  	v2 =	vld [tilespmem:$0x17020];
	_ =	sdelay $0x4  }
0x57: {  	v2 =	vshll.u32 v2, $0x3  }
0x58: {  	[tilespmem:v3+s31+$0x0] =	vst.idx.msk $0xffff, v2;
	v3 =	vor.u32 $0x1, v2  }
0x59: {  	[tilespmem:v4+s31+$0x0] =	vst.idx.msk $0xffff, v3;
	v4 =	vld [tilespmem:$0x1FEB0];
	_ =	sdelay $0x6  }
0x5a: {  	v3 =	vor.u32 $0x2, v2  }
0x5b: {  	[tilespmem:v4+s31+$0x0] =	vst.idx.msk $0xffff, v3;
	v4 =	vld [tilespmem:$0x1FEC0];
	_ =	sdelay $0x6  }
0x5c: {  	v3 =	vor.u32 $0x3, v2  }
0x5d: {  	[tilespmem:v4+s31+$0x0] =	vst.idx.msk $0xffff, v3;
	v4 =	vld [tilespmem:$0x1FED0];
	_ =	sdelay $0x6  }
0x5e: {  	v3 =	vor.u32 $0x4, v2  }
0x5f: {  	[tilespmem:v4+s31+$0x0] =	vst.idx.msk $0xffff, v3;
	v4 =	vld [tilespmem:$0x1FEE0];
	_ =	sdelay $0x6  }
0x60: {  	v3 =	vor.u32 $0x5, v2  }
0x61: {  	[tilespmem:v4+s31+$0x0] =	vst.idx.msk $0xffff, v3;
	v4 =	vld [tilespmem:$0x1FEF0];
	_ =	sdelay $0x6  }
0x62: {  	v3 =	vor.u32 $0x6, v2  }
0x63: {  	[tilespmem:v4+s31+$0x0] =	vst.idx.msk $0xffff, v3;
	v3 =	vld [tilespmem:$0x1FF00];
	_ =	sdelay $0x6  }
0x64: {  	v2 =	vor.u32 $0x7, v2  }
0x65: {  	[tilespmem:v3+s31+$0x0] =	vst.idx.msk $0xffff, v2;
	v3 =	vld [tilespmem:$0x1FF10]  }
0x66: {  	v4 =	vld [tilespmem:$0x1FF20]  }
0x67: {  	v2 =	vld [tilespmem:$0x17030];
	_ =	sdelay $0x4  }
0x68: {  	v2 =	vshll.u32 v2, $0x3  }
0x69: {  	[tilespmem:v3+s31+$0x0] =	vst.idx.msk $0xffff, v2;
	v3 =	vor.u32 $0x1, v2  }
0x6a: {  	[tilespmem:v4+s31+$0x0] =	vst.idx.msk $0xffff, v3;
	v4 =	vld [tilespmem:$0x1FF30];
	_ =	sdelay $0x6  }
0x6b: {  	v3 =	vor.u32 $0x2, v2  }
0x6c: {  	[tilespmem:v4+s31+$0x0] =	vst.idx.msk $0xffff, v3;
	v4 =	vld [tilespmem:$0x1FF40];
	_ =	sdelay $0x6  }
0x6d: {  	v3 =	vor.u32 $0x3, v2  }
0x6e: {  	[tilespmem:v4+s31+$0x0] =	vst.idx.msk $0xffff, v3;
	v4 =	vld [tilespmem:$0x1FF50];
	_ =	sdelay $0x6  }
0x6f: {  	v3 =	vor.u32 $0x4, v2  }
0x70: {  	[tilespmem:v4+s31+$0x0] =	vst.idx.msk $0xffff, v3;
	v4 =	vld [tilespmem:$0x1FF60];
	_ =	sdelay $0x6  }
0x71: {  	v3 =	vor.u32 $0x5, v2  }
0x72: {  	[tilespmem:v4+s31+$0x0] =	vst.idx.msk $0xffff, v3;
	v4 =	vld [tilespmem:$0x1FF70];
	_ =	sdelay $0x6  }
0x73: {  	v3 =	vor.u32 $0x6, v2  }
0x74: {  	[tilespmem:v4+s31+$0x0] =	vst.idx.msk $0xffff, v3;
	v3 =	vld [tilespmem:$0x1FF80];
	_ =	sdelay $0x6  }
0x75: {  	v2 =	vor.u32 $0x7, v2  }
0x76: {  	[tilespmem:v3+s31+$0x0] =	vst.idx.msk $0xffff, v2;
	v3 =	vld [tilespmem:$0x1FF90]  }
0x77: {  	v4 =	vld [tilespmem:$0x1FFA0]  }
0x78: {  	v2 =	vld [tilespmem:$0x17040];
	_ =	sdelay $0x4  }
0x79: {  	v2 =	vshll.u32 v2, $0x3  }
0x7a: {  	[tilespmem:v3+s31+$0x0] =	vst.idx.msk $0xffff, v2;
	v3 =	vor.u32 $0x1, v2  }
0x7b: {  	[tilespmem:v4+s31+$0x0] =	vst.idx.msk $0xffff, v3;
	v4 =	vld [tilespmem:$0x1FFB0];
	_ =	sdelay $0x6  }
0x7c: {  	v3 =	vor.u32 $0x2, v2  }
0x7d: {  	[tilespmem:v4+s31+$0x0] =	vst.idx.msk $0xffff, v3;
	v4 =	vld [tilespmem:$0x1FFC0];
	_ =	sdelay $0x6  }
0x7e: {  	v3 =	vor.u32 $0x3, v2  }
0x7f: {  	[tilespmem:v4+s31+$0x0] =	vst.idx.msk $0xffff, v3;
	v4 =	vld [tilespmem:$0x1FFD0];
	_ =	sdelay $0x6  }
0x80: {  	v3 =	vor.u32 $0x4, v2  }
0x81: {  	[tilespmem:v4+s31+$0x0] =	vst.idx.msk $0xffff, v3;
	v4 =	vld [tilespmem:$0x1FFE0];
	_ =	sdelay $0x6  }
0x82: {  	v3 =	vor.u32 $0x5, v2  }
0x83: {  	[tilespmem:v4+s31+$0x0] =	vst.idx.msk $0xffff, v3;
	v4 =	vld [tilespmem:$0x1FFF0];
	_ =	sdelay $0x6  }
0x84: {  	v3 =	vor.u32 $0x6, v2  }
0x85: {  	v2 =	vor.u32 $0x7, v2;
	[tilespmem:v4+s31+$0x0] =	vst.idx.msk $0xffff, v3  }
0x86: {  	[tilespmem:v39+s31+$0x0] =	vst.idx.msk $0xffff, v2  }
0x87: {  	v2 =	vld [tilespmem:$0x17050];
	_ =	sdelay $0x4  }
0x88: {  	v2 =	vshll.u32 v2, $0x3  }
0x89: {  	[tilespmem:v40+s31+$0x0] =	vst.idx.msk $0xffff, v2;
	v3 =	vor.u32 $0x1, v2  }
0x8a: {  	[tilespmem:v41+s31+$0x0] =	vst.idx.msk $0xffff, v3;
	v3 =	vor.u32 $0x2, v2  }
0x8b: {  	[tilespmem:v42+s31+$0x0] =	vst.idx.msk $0xffff, v3;
	v3 =	vor.u32 $0x3, v2  }
0x8c: {  	[tilespmem:v43+s31+$0x0] =	vst.idx.msk $0xffff, v3;
	v3 =	vor.u32 $0x4, v2  }
0x8d: {  	[tilespmem:v44+s31+$0x0] =	vst.idx.msk $0xffff, v3;
	v3 =	vor.u32 $0x5, v2  }
0x8e: {  	[tilespmem:v45+s31+$0x0] =	vst.idx.msk $0xffff, v3;
	v3 =	vor.u32 $0x6, v2  }
0x8f: {  	v2 =	vor.u32 $0x7, v2;
	[tilespmem:v46+s31+$0x0] =	vst.idx.msk $0xffff, v3  }
0x90: {  	[tilespmem:v47+s31+$0x0] =	vst.idx.msk $0xffff, v2  }
0x91: {  	v2 =	vld [tilespmem:$0x17060];
	_ =	sdelay $0x4  }
0x92: {  	v2 =	vshll.u32 v2, $0x3  }
0x93: {  	[tilespmem:v48+s31+$0x0] =	vst.idx.msk $0xffff, v2;
	v3 =	vor.u32 $0x1, v2  }
0x94: {  	[tilespmem:v49+s31+$0x0] =	vst.idx.msk $0xffff, v3;
	v3 =	vor.u32 $0x2, v2  }
0x95: {  	[tilespmem:v50+s31+$0x0] =	vst.idx.msk $0xffff, v3;
	v3 =	vor.u32 $0x3, v2  }
0x96: {  	[tilespmem:v51+s31+$0x0] =	vst.idx.msk $0xffff, v3;
	v3 =	vor.u32 $0x4, v2  }
0x97: {  	[tilespmem:v52+s31+$0x0] =	vst.idx.msk $0xffff, v3;
	v3 =	vor.u32 $0x5, v2  }
0x98: {  	[tilespmem:v53+s31+$0x0] =	vst.idx.msk $0xffff, v3;
	v3 =	vor.u32 $0x6, v2  }
0x99: {  	v2 =	vor.u32 $0x7, v2;
	[tilespmem:v54+s31+$0x0] =	vst.idx.msk $0xffff, v3  }
0x9a: {  	[tilespmem:v55+s31+$0x0] =	vst.idx.msk $0xffff, v2  }
0x9b: {  	v2 =	vld [tilespmem:$0x17070];
	_ =	sdelay $0x4  }
0x9c: {  	v2 =	vshll.u32 v2, $0x3  }
0x9d: {  	[tilespmem:v56+s31+$0x0] =	vst.idx.msk $0xffff, v2;
	v3 =	vor.u32 $0x1, v2  }
0x9e: {  	[tilespmem:v57+s31+$0x0] =	vst.idx.msk $0xffff, v3;
	v3 =	vor.u32 $0x2, v2  }
0x9f: {  	v4 =	vor.u32 $0x387, v0;
	[tilespmem:v58+s31+$0x0] =	vst.idx.msk $0xffff, v3;
	v3 =	vor.u32 $0x3, v2  }
0xa0: {  	[tilespmem:v59+s31+$0x0] =	vst.idx.msk $0xffff, v3;
	v3 =	vor.u32 $0x4, v2  }
0xa1: {  	[tilespmem:v60+s31+$0x0] =	vst.idx.msk $0xffff, v3;
	v3 =	vor.u32 $0x5, v2  }
0xa2: {  	[tilespmem:v62+s31+$0x0] =	vst.idx.msk $0xffff, v3;
	v3 =	vor.u32 $0x6, v2  }
0xa3: {  	v2 =	vor.u32 $0x7, v2;
	[tilespmem:v63+s31+$0x0] =	vst.idx.msk $0xffff, v3  }
0xa4: {  	s1 =	simm.s32 $0x400;
	[tilespmem:v4+s31+$0x0] =	vst.idx.msk $0xffff, v2  }
0xa5: {  	[tilespmem:s3], [sflag:$0x5] =	stream.indirect.gather [hbm4b:s6+s1], $0x8, s31, s1, $0xb8;
	[tilespmem:$0x19900] =	vst v63  }
0xa6: {  	s8 =	rddreg [dreg:$0x7]  }
0xa7: {  	[tilespmem:s5], [sflag:$0x1] =	stream.linear.gather [hbm4b:s8+s5], $0x800, $0x38;
	[tilespmem:$0x19900] =	vst v63  }
0xa8: {  	s11 =	simm.s32 $0x1000;
	s9 =	rddreg [dreg:$0x8]  }
0xa9: {  	[tilespmem:s11], [sflag:$0x1] =	stream.linear.gather [hbm4b:s9+s5], $0x800, $0x38;
	[tilespmem:$0x19900] =	vst v63  }
0xaa: {  	s16 =	simm.s32 $0x2000;
	s13 =	rddreg [dreg:$0x9]  }
0xab: {  	[tilespmem:s16], [sflag:$0x1] =	stream.linear.gather [hbm4b:s13+s5], $0x800, $0x38;
	[tilespmem:$0x19900] =	vst v63  }
0xac: {  	s18 =	rddreg [dreg:$0xa]  }
0xad: {  	[tilespmem:s7], [sflag:$0x2] =	stream.linear.gather [hbm4b:s18+s5], $0x800, $0x38;
	[tilespmem:$0x19900] =	vst v63  }
0xae: {  	s23 =	simm.s32 $0x1800;
	s22 =	rddreg [dreg:$0xb]  }
0xaf: {  	[tilespmem:s23], [sflag:$0x2] =	stream.linear.gather [hbm4b:s22+s5], $0x800, $0x38;
	[tilespmem:$0x19900] =	vst v63  }
0xb0: {  	s30 =	simm.s32 $0x2800;
	s29 =	rddreg [dreg:$0xc]  }
0xb1: {  	[tilespmem:s30], [sflag:$0x2] =	stream.linear.gather [hbm4b:s29+s5], $0x800, $0x38;
	[tilespmem:$0x19900] =	vst v63  }
0xb2: {  	_ =	swait.ge [sflag:s10], $0x800  }
0xb3: {  	[sflag:s10] =	ssyncset.done $0x0  }
0xb4: {  	[sflag:s10] =	ssyncadd.s32 $0xFFFFF800  }
0xb5: {  	_ =	swait.ge [sflag:s10], $0x800  }
0xb6: {  	[sflag:s10] =	ssyncset.done $0x0  }
0xb7: {  	[sflag:s10] =	ssyncadd.s32 $0xFFFFF800  }
0xb8: {  	_ =	swait.ge [sflag:s10], $0x800  }
0xb9: {  	[sflag:s10] =	ssyncset.done $0x0  }
0xba: {  	s8 =	simm.s32 $0x0;
	[sflag:s10] =	ssyncadd.s32 $0xFFFFF800  }
0xbb: {  	v2 =	vld [tilespmem:s8+$0x2000];
	_ =	sdelay $0x1  }
0xbc: {  	v4 =	vld [tilespmem:s8+$0x0];
	_ =	sdelay $0x1  }
0xbd: {  	v7 =	vld [tilespmem:s8+$0x1000]  }
0xbe: {  	s0 =	simm.s32 $0x10;
	v3 =	vmul.f32 v2, v61  }
0xbf: {  	v5 =	vld [tilespmem:s0+$0x2000]  }
0xc0: {  	v6 =	vshll.u32 v4, $0x3;
	v4 =	vld [tilespmem:s0+$0x0];
	v2 =	vtrunc.f32 v3  }
0xc1: {  	v8 =	vcvt.f32.s32 v2;
	v2 =	vld [tilespmem:s0+$0x1000]  }
0xc2: {  	v7 =	vshll.u32 v7, $0x3  }
0xc3: {  	s9 =	simm.s32 $0x80;
	v9 =	vcvt.s32.f32 v8;
	v10 =	vshrl.u32 v8, $0x1;
	v8 =	vshll.u32 v8, $0x1  }
.LBB2_2:
0xc4: {  	s11 =	sshra.s32 s9, $0x2;
	p0 =	sne.s32 s9, $0x1FC0;
	s9 =	sadd.s32 $0x40, s9;
	v11 =	vmul.f32 v5, v61;
	v12 =	vadd.s32 v6, v10;
	v10 =	vadd.s32 v7, v10  }
.Ltmp0:
0xc5: {  	v8 =	vand.u32 $0x2, v8;
	v5 =	vld [tilespmem:s11+$0x2000];
	v6 =	vshll.u32 v4, $0x3;
	v9 =	vsub.f32 v3, v9;
	[tilespmem:s8+$0x4000] =	vst v12;
	(pc) =	sbr.rel @p0 .LBB2_2-.Ltmp0, $4  }
0xc6: {  	v4 =	vld [tilespmem:s11+$0x0];
	v12 =	vtrunc.f32 v11;
	v7 =	vshll.u32 v2, $0x3;
	[tilespmem:s8+$0x5000] =	vst v10;
	v3 =	vmov v11  }
0xc7: {  	v2 =	vld [tilespmem:s11+$0x1000];
	v11 =	vcvt.f32.s32 v12;
	[tilespmem:s8+$0x3000] =	vst v9  }
0xc8: {  	[tilespmem:s8+$0x6000] =	vst v8;
	s8 =	smov.u32 s0;
	s0 =	smov.u32 s11  }
0xc9: {  	v9 =	vcvt.s32.f32 v11;
	v10 =	vshrl.u32 v11, $0x1;
	v8 =	vshll.u32 v11, $0x1  }
0xca: {  	v5 =	vmul.f32 v5, v61;
	_ =	sdelay $0x1  }
0xcb: {  	v6 =	vadd.s32 v6, v10;
	v11 =	vtrunc.f32 v5  }
0xcc: {  	v7 =	vadd.s32 v7, v10;
	v3 =	vsub.f32 v3, v9;
	[tilespmem:s8+$0x4000] =	vst v6;
	v6 =	vcvt.f32.s32 v11  }
0xcd: {  	v4 =	vshll.u32 v4, $0x3;
	[tilespmem:s8+$0x5000] =	vst v7  }
0xce: {  	v7 =	vand.u32 $0x2, v8;
	[tilespmem:s8+$0x3000] =	vst v3;
	v3 =	vcvt.s32.f32 v6;
	v8 =	vshrl.u32 v6, $0x1  }
0xcf: {  	v2 =	vshll.u32 v2, $0x3;
	[tilespmem:s8+$0x6000] =	vst v7;
	v4 =	vadd.s32 v4, v8  }
0xd0: {  	v2 =	vadd.s32 v2, v8;
	v3 =	vsub.f32 v5, v3;
	[tilespmem:s0+$0x4000] =	vst v4  }
0xd1: {  	v4 =	vshll.u32 v6, $0x1;
	[tilespmem:s0+$0x5000] =	vst v2  }
0xd2: {  	v2 =	vand.u32 $0x2, v4;
	[tilespmem:s0+$0x3000] =	vst v3  }
0xd3: {  	s29 =	simm.s32 $0x4000;
	[tilespmem:s0+$0x6000] =	vst v2  }
0xd4: {  	[tilespmem:s12], [sflag:$0x3] =	stream.indirect.gather [hbm4b:s6+s7], $0x8, s29, s7, $0xb8;
	[tilespmem:$0x19900] =	vst v63  }
0xd5: {  	s30 =	simm.s32 $0x5000  }
0xd6: {  	[tilespmem:s14], [sflag:$0x3] =	stream.indirect.gather [hbm4b:s6+s7], $0x8, s30, s7, $0xb8;
	[tilespmem:$0x19900] =	vst v63  }
0xd7: {  	_ =	swait.ge [sflag:s15], $0x800  }
0xd8: {  	[sflag:s15] =	ssyncset.done $0x0  }
0xd9: {  	[sflag:s15] =	ssyncadd.s32 $0xFFFFF800  }
0xda: {  	_ =	swait.ge [sflag:s15], $0x800  }
0xdb: {  	[sflag:s15] =	ssyncset.done $0x0  }
0xdc: {  	[sflag:s15] =	ssyncadd.s32 $0xFFFFF800  }
0xdd: {  	_ =	swait.ge [sflag:s15], $0x800  }
0xde: {  	[sflag:s15] =	ssyncset.done $0x0  }
0xdf: {  	s8 =	simm.s32 $0x0;
	[sflag:s15] =	ssyncadd.s32 $0xFFFFF800  }
0xe0: {  	v2 =	vld [tilespmem:s8+$0x2800];
	_ =	sdelay $0x1  }
0xe1: {  	v4 =	vld [tilespmem:s8+$0x800];
	_ =	sdelay $0x1  }
0xe2: {  	v7 =	vld [tilespmem:s8+$0x1800]  }
0xe3: {  	s0 =	simm.s32 $0x10;
	v3 =	vmul.f32 v2, v61  }
0xe4: {  	v5 =	vld [tilespmem:s0+$0x2800]  }
0xe5: {  	v6 =	vshll.u32 v4, $0x3;
	v4 =	vld [tilespmem:s0+$0x800];
	v2 =	vtrunc.f32 v3  }
0xe6: {  	v8 =	vcvt.f32.s32 v2;
	v2 =	vld [tilespmem:s0+$0x1800]  }
0xe7: {  	v7 =	vshll.u32 v7, $0x3  }
0xe8: {  	s9 =	simm.s32 $0x80;
	v9 =	vcvt.s32.f32 v8;
	v10 =	vshrl.u32 v8, $0x1;
	v8 =	vshll.u32 v8, $0x1  }
.LBB2_4:
0xe9: {  	s11 =	sshra.s32 s9, $0x2;
	p0 =	sne.s32 s9, $0x1FC0;
	s9 =	sadd.s32 $0x40, s9;
	v11 =	vmul.f32 v5, v61;
	v12 =	vadd.s32 v6, v10;
	v10 =	vadd.s32 v7, v10  }
.Ltmp1:
0xea: {  	v8 =	vand.u32 $0x2, v8;
	v5 =	vld [tilespmem:s11+$0x2800];
	v6 =	vshll.u32 v4, $0x3;
	v9 =	vsub.f32 v3, v9;
	[tilespmem:s8+$0x4800] =	vst v12;
	(pc) =	sbr.rel @p0 .LBB2_4-.Ltmp1, $4  }
0xeb: {  	v4 =	vld [tilespmem:s11+$0x800];
	v12 =	vtrunc.f32 v11;
	v7 =	vshll.u32 v2, $0x3;
	[tilespmem:s8+$0x5800] =	vst v10;
	v3 =	vmov v11  }
0xec: {  	v2 =	vld [tilespmem:s11+$0x1800];
	v11 =	vcvt.f32.s32 v12;
	[tilespmem:s8+$0x3800] =	vst v9  }
0xed: {  	[tilespmem:s8+$0x6800] =	vst v8;
	s8 =	smov.u32 s0;
	s0 =	smov.u32 s11  }
0xee: {  	v9 =	vcvt.s32.f32 v11;
	v10 =	vshrl.u32 v11, $0x1;
	v8 =	vshll.u32 v11, $0x1  }
0xef: {  	v5 =	vmul.f32 v5, v61;
	_ =	sdelay $0x1  }
0xf0: {  	v6 =	vadd.s32 v6, v10;
	v11 =	vtrunc.f32 v5  }
0xf1: {  	v7 =	vadd.s32 v7, v10;
	v3 =	vsub.f32 v3, v9;
	[tilespmem:s8+$0x4800] =	vst v6;
	v6 =	vcvt.f32.s32 v11  }
0xf2: {  	v4 =	vshll.u32 v4, $0x3;
	[tilespmem:s8+$0x5800] =	vst v7  }
0xf3: {  	v7 =	vand.u32 $0x2, v8;
	[tilespmem:s8+$0x3800] =	vst v3;
	v3 =	vcvt.s32.f32 v6;
	v38 =	vshrl.u32 v6, $0x1  }
0xf4: {  	v2 =	vshll.u32 v2, $0x3;
	[tilespmem:s8+$0x6800] =	vst v7;
	v4 =	vadd.s32 v4, v38  }
0xf5: {  	v2 =	vadd.s32 v2, v38;
	v3 =	vsub.f32 v5, v3;
	[tilespmem:s0+$0x4800] =	vst v4  }
0xf6: {  	v4 =	vshll.u32 v6, $0x1;
	[tilespmem:s0+$0x5800] =	vst v2  }
0xf7: {  	v2 =	vand.u32 $0x2, v4;
	[tilespmem:s0+$0x3800] =	vst v3  }
0xf8: {  	s29 =	simm.s32 $0x4800;
	[tilespmem:s0+$0x6800] =	vst v2  }
0xf9: {  	[tilespmem:s17], [sflag:$0x4] =	stream.indirect.gather [hbm4b:s6+s7], $0x8, s29, s7, $0xb8;
	[tilespmem:$0x19900] =	vst v63  }
0xfa: {  	s30 =	simm.s32 $0x5800  }
0xfb: {  	[tilespmem:s19], [sflag:$0x4] =	stream.indirect.gather [hbm4b:s6+s7], $0x8, s30, s7, $0xb8;
	[tilespmem:$0x19900] =	vst v63  }
0xfc: {  	s11 =	simm.s32 $0x0;
	s1 =	rddreg [dreg:$0xd]  }
0xfd: {  	[tilespmem:s11], [sflag:$0x1] =	stream.linear.gather [hbm4b:s1+s11], $0x800, $0x38;
	[tilespmem:$0x19900] =	vst v63  }
0xfe: {  	s8 =	rddreg [dreg:$0xe];
	s1 =	simm.s32 $0x1000  }
0xff: {  	[tilespmem:s1], [sflag:$0x1] =	stream.linear.gather [hbm4b:s8+s11], $0x800, $0x38;
	[tilespmem:$0x19900] =	vst v63  }
0x100: {  	s9 =	rddreg [dreg:$0xf];
	s13 =	simm.s32 $0x2000  }
0x101: {  	[tilespmem:s13], [sflag:$0x1] =	stream.linear.gather [hbm4b:s9+s11], $0x800, $0x38;
	[tilespmem:$0x19900] =	vst v63  }
0x102: {  	s16 =	rddreg [dreg:$0x10]  }
0x103: {  	[tilespmem:s7], [sflag:$0x2] =	stream.linear.gather [hbm4b:s16+s11], $0x800, $0x38;
	[tilespmem:$0x19900] =	vst v63  }
0x104: {  	s18 =	rddreg [dreg:$0x11];
	s22 =	simm.s32 $0x1800  }
0x105: {  	[tilespmem:s22], [sflag:$0x2] =	stream.linear.gather [hbm4b:s18+s11], $0x800, $0x38;
	[tilespmem:$0x19900] =	vst v63  }
0x106: {  	s23 =	rddreg [dreg:$0x12];
	s29 =	simm.s32 $0x2800;
	s30 =	simm.s32 $0x5  }
0x107: {  	[tilespmem:s29], [sflag:$0x2] =	stream.linear.gather [hbm4b:s23+s11], $0x800, $0x38;
	[tilespmem:$0x19900] =	vst v63  }
0x108: {  	_ =	swait.ge [sflag:s30], $0x2000  }
0x109: {  	[sflag:s30] =	ssyncset.done $0x0  }
0x10a: {  	v4 =	vimm.f32 $0.0e+00;
	v3 =	vimm.f32 $0.0e+00;
	v2 =	vimm.f32 $0.0e+00;
	s16 =	simm.s32 $0x0;
	[sflag:s30] =	ssyncadd.s32 $0xFFFFE000  }
.LBB2_6:
0x10b: {  	s13 =	sadd.s32 $0x1, s16  }
0x10c: {  	s0 =	sshrl.u32 s16, $0x1;
	v5 =	vmov s11;
	s8 =	sshrl.u32 s13, $0x1  }
0x10d: {  	s18 =	sshll.u32 s16, $0x1;
	s0 =	smin.u32 s0, $0x7;
	v5 =	vshll.u32 v5, $0x3;
	s8 =	smin.u32 s8, $0x7  }
0x10e: {  	s22 =	sshll.u32 s13, $0x1;
	s9 =	sshll.u32 s0, $0x2;
	v9 =	vmov s0;
	v5 =	vor.u32 v0, v5;
	s1 =	sshll.u32 s8, $0x2  }
0x10f: {  	s9 =	ssub.s32 s18, s9;
	v10 =	vmov s8;
	v12 =	vor.u32 v9, v5;
	s18 =	ssub.s32 s22, s1  }
0x110: {  	v6 =	vmov s9;
	v5 =	vor.u32 v10, v5;
	v13 =	vmov s18  }
0x111: {  	v7 =	vand.u32 $0x6, v6;
	v11 =	vand.u32 $0xFFFFFFF8, v6;
	v6 =	vshll.u32 v12, $0x3  }
0x112: {  	v5 =	vshll.u32 v5, $0x3;
	v8 =	vor.u32 $0x1, v7;
	v6 =	vadd.s32 v11, v6  }
0x113: {  	v12 =	vand.u32 $0xFFFFFFF8, v13;
	v13 =	vand.u32 $0x6, v13;
	v15 =	vor.u32 v7, v6  }
0x114: {  	v14 =	vor.u32 $0x1, v13;
	v5 =	vadd.s32 v12, v5;
	v6 =	vor.u32 v8, v6  }
0x115: {  	v16 =	vor.u32 v14, v5  }
0x116: {  	v5 =	vor.u32 v13, v5;
	_ =	sdelay $0x1  }
0x117: {  	v15 =	vld.idx.msk [tilespmem:v15+s3+$0x0], $0xffff  }
0x118: {  	v22 =	vld.idx.msk [tilespmem:v6+s3+$0x0], $0xffff  }
0x119: {  	s23 =	simm.s32 $0x10;
	v23 =	vld.idx.msk [tilespmem:v16+s3+$0x0], $0xffff  }
0x11a: {  	v16 =	vld.idx.msk [tilespmem:v5+s3+$0x0], $0xffff;
	v5 =	vmov s23  }
0x11b: {  	v5 =	vshll.u32 v5, $0x3  }
0x11c: {  	v5 =	vor.u32 v0, v5  }
0x11d: {  	v18 =	vor.u32 v9, v5;
	v6 =	vmul.f32 v15, v15;
	v17 =	vmul.f32 v22, v22  }
0x11e: {  	v5 =	vor.u32 v10, v5;
	v18 =	vshll.u32 v18, $0x3  }
0x11f: {  	v5 =	vshll.u32 v5, $0x3;
	v6 =	vadd.f32 v17, v6;
	v17 =	vadd.s32 v11, v18  }
0x120: {  	v19 =	vmul.f32 v23, v23;
	v20 =	vmul.f32 v16, v16;
	v18 =	vor.u32 v7, v17  }
0x121: {  	v5 =	vadd.s32 v12, v5;
	v17 =	vor.u32 v8, v17  }
0x122: {  	v19 =	vadd.f32 v19, v20;
	v20 =	vor.u32 v14, v5  }
0x123: {  	v21 =	vsub.f32 v16, v15  }
0x124: {  	v19 =	vmul.f32 v19, v6  }
0x125: {  	v27 =	vsub.f32 v23, v22;
	v30 =	vmul.f32 v16, v15;
	v21 =	vmul.f32 v21, v21;
	v26 =	vld.idx.msk [tilespmem:v18+s3+$0x0], $0xffff  }
0x126: {  	s29 =	simm.s32 $0x20;
	v24 =	vshra.s32 v19, $0x1;
	v25 =	vmul.f32 $5.000000000e-01, v19;
	v19 =	vor.u32 v13, v5;
	v5 =	vld.idx.msk [tilespmem:v17+s3+$0x0], $0xffff  }
0x127: {  	v28 =	vadd.f32 v6, v3;
	v18 =	vsub.s32 $0x5F3759DF, v24;
	v6 =	vld.idx.msk [tilespmem:v20+s3+$0x0], $0xffff;
	v20 =	vmov s29  }
0x128: {  	v16 =	vadd.f32 v15, v3;
	v17 =	vmul.f32 v18, v25;
	v20 =	vshll.u32 v20, $0x3  }
0x129: {  	v27 =	vmul.f32 v27, v27;
	v21 =	vadd.f32 v21, v3;
	v15 =	vor.u32 v0, v20  }
0x12a: {  	v17 =	vmul.f32 v18, v17;
	v20 =	vor.u32 v9, v15  }
0x12b: {  	v21 =	vadd.f32 v27, v21;
	v15 =	vor.u32 v10, v15;
	v20 =	vshll.u32 v20, $0x3  }
0x12c: {  	v19 =	vld.idx.msk [tilespmem:v19+s3+$0x0], $0xffff;
	v17 =	vsub.f32 $1.500000000e+00, v17;
	v27 =	vmul.f32 v26, v26;
	v29 =	vmul.f32 v5, v5  }
0x12d: {  	v15 =	vshll.u32 v15, $0x3;
	v20 =	vadd.s32 v11, v20  }
0x12e: {  	v32 =	vmul.f32 v18, v17;
	v27 =	vadd.f32 v29, v27;
	v29 =	vor.u32 v7, v20  }
0x12f: {  	v24 =	vadd.f32 v22, v3;
	v31 =	vmul.f32 v6, v6;
	v15 =	vadd.s32 v12, v15  }
0x130: {  	v16 =	vadd.f32 v26, v16;
	v33 =	vor.u32 v8, v20;
	v17 =	vmul.f32 v32, v25  }
0x131: {  	v38 =	vor.u32 v14, v15;
	v20 =	vmul.f32 v19, v19;
	v34 =	vsub.f32 v19, v26  }
0x132: {  	v18 =	vadd.f32 v5, v24;
	v24 =	vmul.f32 v17, v32;
	v17 =	vadd.f32 v27, v28  }
0x133: {  	v28 =	vadd.f32 v31, v20;
	v31 =	vmul.f32 v34, v34;
	v20 =	vld.idx.msk [tilespmem:v29+s3+$0x0], $0xffff;
	v29 =	vsub.f32 v6, v5  }
0x134: {  	v35 =	vor.u32 v13, v15;
	v15 =	vmul.f32 v19, v26;
	v24 =	vsub.f32 $1.500000000e+00, v24  }
0x135: {  	v19 =	vld.idx.msk [tilespmem:v33+s3+$0x0], $0xffff;
	v28 =	vmul.f32 v28, v27;
	v31 =	vadd.f32 v31, v21;
	v26 =	vmul.f32 v29, v29  }
0x136: {  	v22 =	vmul.f32 v23, v22;
	v27 =	vmul.f32 v24, v32  }
0x137: {  	s30 =	simm.s32 $0x30;
	v24 =	vshra.s32 v28, $0x1;
	v21 =	vmul.f32 $5.000000000e-01, v28;
	v23 =	vadd.f32 v26, v31;
	v26 =	vld.idx.msk [tilespmem:v38+s3+$0x0], $0xffff  }
0x138: {  	v34 =	vmov s30;
	v29 =	vsub.s32 $0x5F3759DF, v24  }
0x139: {  	v28 =	vadd.f32 v22, v30;
	v24 =	vmul.f32 v27, v25;
	v25 =	vmul.f32 v29, v21  }
0x13a: {  	v22 =	vimm.f32 $0.0e+00;
	v33 =	vmul.f32 v19, v19;
	v32 =	vmul.f32 v20, v20  }
0x13b: {  	s0 =	simm.s32 $0x40;
	v30 =	vmul.f32 v24, v27;
	v24 =	vld.idx.msk [tilespmem:v35+s3+$0x0], $0xffff;
	v31 =	vmul.f32 v29, v25;
	v25 =	vimm.f32 $0.0e+00  }
.LBB2_7:
0x13c: {  	p0 =	sne.s32 s0, $0x70;
	v34 =	vshll.u32 v34, $0x3;
	v35 =	vmul.f32 v26, v26;
	v25 =	vadd.f32 v28, v25;
	v36 =	vmovc v26;
	s8 =	smov.u32 s0;
	s0 =	sadd.s32 $0x10, s0  }
0x13d: {  	v30 =	vsub.f32 $1.500000000e+00, v30;
	v26 =	vor.u32 v0, v34;
	v32 =	vadd.f32 v33, v32  }
0x13e: {  	v31 =	vsub.f32 $1.500000000e+00, v31;
	v33 =	vor.u32 v9, v26;
	v26 =	vor.u32 v10, v26  }
0x13f: {  	v27 =	vmul.f32 v30, v27;
	v33 =	vshll.u32 v33, $0x3;
	v26 =	vshll.u32 v26, $0x3  }
0x140: {  	v29 =	vmul.f32 v29, v31;
	v30 =	vadd.s32 v11, v33;
	v26 =	vadd.s32 v12, v26  }
0x141: {  	v27 =	vmul.f32 v27, v28;
	v31 =	vor.u32 v7, v30;
	v30 =	vor.u32 v8, v30  }
0x142: {  	v28 =	vor.u32 v13, v26;
	v26 =	vor.u32 v14, v26;
	v33 =	vmul.f32 v29, v21  }
0x143: {  	v37 =	vsub.f32 v24, v20;
	v34 =	vmul.f32 v24, v24;
	v27 =	vadd.f32 $-1.000000000e+00, v27  }
0x144: {  	v18 =	vadd.f32 v19, v18;
	v17 =	vadd.f32 v32, v17;
	v33 =	vmul.f32 v33, v29  }
0x145: {  	v34 =	vadd.f32 v35, v34;
	v35 =	vmul.f32 v37, v37;
	v27 =	vmul.f32 v27, v27  }
0x146: {  	v37 =	vmul.f32 v24, v20;
	v24 =	vsub.f32 v36, v19;
	v33 =	vsub.f32 $1.500000000e+00, v33;
	v31 =	vld.idx.msk [tilespmem:v31+s3+$0x0], $0xffff  }
0x147: {  	v23 =	vadd.f32 v35, v23;
	v22 =	vadd.f32 v27, v22;
	v38 =	vld.idx.msk [tilespmem:v30+s3+$0x0], $0xffff;
	v30 =	vmul.f32 v34, v32  }
0x148: {  	v16 =	vadd.f32 v20, v16;
	v20 =	vmul.f32 v24, v24;
	v27 =	vmul.f32 v33, v29;
	v26 =	vld.idx.msk [tilespmem:v26+s3+$0x0], $0xffff  }
.Ltmp2:
0x149: {  	v33 =	vmul.f32 v6, v5;
	v5 =	vmovc v19;
	v6 =	vmovc v36;
	v24 =	vld.idx.msk [tilespmem:v28+s3+$0x0], $0xffff;
	v28 =	vshra.s32 v30, $0x1;
	v30 =	vmul.f32 $5.000000000e-01, v30;
	(pc) =	sbr.rel @p0 .LBB2_7-.Ltmp2, $4  }
0x14a: {  	v23 =	vadd.f32 v20, v23;
	v36 =	vmul.f32 v27, v21;
	v29 =	vsub.s32 $0x5F3759DF, v28  }
0x14b: {  	v35 =	vmul.f32 v29, v30;
	v21 =	vmov v30  }
0x14c: {  	v28 =	vadd.f32 v33, v15;
	v32 =	vmul.f32 v31, v31;
	v30 =	vmul.f32 v36, v27;
	v20 =	vmovc v31  }
0x14d: {  	v34 =	vmov s8;
	v15 =	vmovc v37;
	v33 =	vmul.f32 v38, v38;
	v19 =	vmovc v38;
	v31 =	vmul.f32 v29, v35  }
0x14e: {  	v34 =	vshll.u32 v34, $0x3  }
0x14f: {  	v34 =	vor.u32 v0, v34  }
0x150: {  	v9 =	vor.u32 v9, v34  }
0x151: {  	v9 =	vshll.u32 v9, $0x3  }
0x152: {  	v10 =	vor.u32 v10, v34;
	v9 =	vadd.s32 v11, v9  }
0x153: {  	v10 =	vshll.u32 v10, $0x3;
	v7 =	vor.u32 v7, v9  }
0x154: {  	v10 =	vadd.s32 v12, v10;
	v8 =	vor.u32 v8, v9  }
0x155: {  	v36 =	vor.u32 v14, v10  }
0x156: {  	v10 =	vor.u32 v13, v10;
	_ =	sdelay $0x1  }
0x157: {  	v7 =	vld.idx.msk [tilespmem:v7+s3+$0x0], $0xffff  }
0x158: {  	v8 =	vld.idx.msk [tilespmem:v8+s3+$0x0], $0xffff  }
0x159: {  	v9 =	vld.idx.msk [tilespmem:v36+s3+$0x0], $0xffff  }
0x15a: {  	v10 =	vld.idx.msk [tilespmem:v10+s3+$0x0], $0xffff;
	_ =	sdelay $0x1  }
0x15b: {  	v37 =	vmul.f32 v26, v26;
	v38 =	vmul.f32 v24, v24;
	_ =	sdelay $0x1  }
0x15c: {  	v11 =	vadd.f32 v37, v38;
	v14 =	vmul.f32 v7, v7;
	v36 =	vmul.f32 v8, v8  }
0x15d: {  	v13 =	vadd.f32 v33, v32;
	v37 =	vmul.f32 v9, v9;
	v38 =	vmul.f32 v10, v10;
	_ =	sdelay $0x1  }
0x15e: {  	v11 =	vmul.f32 v11, v13;
	v14 =	vadd.f32 v36, v14;
	v12 =	vadd.f32 v37, v38;
	_ =	sdelay $0x1  }
0x15f: {  	v36 =	vshra.s32 v11, $0x1;
	v11 =	vmul.f32 $5.000000000e-01, v11;
	v12 =	vmul.f32 v12, v14  }
0x160: {  	v32 =	vsub.s32 $0x5F3759DF, v36  }
0x161: {  	v37 =	vmul.f32 v32, v11;
	v38 =	vshra.s32 v12, $0x1;
	v12 =	vmul.f32 $5.000000000e-01, v12  }
0x162: {  	v31 =	vsub.f32 $1.500000000e+00, v31;
	v34 =	vsub.s32 $0x5F3759DF, v38  }
0x163: {  	v33 =	vmul.f32 v32, v37;
	v35 =	vmul.f32 v34, v12  }
0x164: {  	v29 =	vmul.f32 v29, v31  }
0x165: {  	v36 =	vsub.f32 $1.500000000e+00, v33;
	v37 =	vmul.f32 v34, v35  }
0x166: {  	v30 =	vsub.f32 $1.500000000e+00, v30;
	v38 =	vmul.f32 v29, v21  }
0x167: {  	v31 =	vmul.f32 v32, v36;
	v36 =	vsub.f32 $1.500000000e+00, v37  }
0x168: {  	v27 =	vmul.f32 v30, v27;
	v37 =	vmul.f32 v38, v29  }
0x169: {  	v38 =	vmul.f32 v31, v11;
	v32 =	vmul.f32 v34, v36  }
0x16a: {  	v27 =	vmul.f32 v27, v28;
	v30 =	vsub.f32 $1.500000000e+00, v37  }
0x16b: {  	v36 =	vmul.f32 v38, v31;
	v37 =	vmul.f32 v32, v12  }
0x16c: {  	v25 =	vadd.f32 v28, v25;
	v18 =	vadd.f32 v19, v18;
	v29 =	vmul.f32 v30, v29  }
0x16d: {  	v27 =	vadd.f32 $-1.000000000e+00, v27;
	v28 =	vsub.f32 $1.500000000e+00, v36;
	v33 =	vmul.f32 v37, v32  }
0x16e: {  	v5 =	vmul.f32 v6, v5;
	v38 =	vsub.f32 v24, v20;
	v35 =	vmul.f32 v29, v21  }
0x16f: {  	v27 =	vmul.f32 v27, v27;
	v28 =	vmul.f32 v28, v31;
	v30 =	vsub.f32 $1.500000000e+00, v33  }
0x170: {  	v5 =	vadd.f32 v5, v15;
	v34 =	vmul.f32 v38, v38;
	v21 =	vmul.f32 v35, v29  }
0x171: {  	v13 =	vadd.f32 v13, v17;
	v11 =	vmul.f32 v28, v11;
	v38 =	vmul.f32 v30, v32  }
0x172: {  	v22 =	vadd.f32 v27, v22;
	v18 =	vadd.f32 v8, v18  }
0x173: {  	v6 =	vsub.f32 $1.500000000e+00, v21;
	v11 =	vmul.f32 v11, v28;
	v12 =	vmul.f32 v38, v12  }
0x174: {  	v36 =	vmul.f32 v24, v20;
	v37 =	vsub.f32 v26, v19;
	v30 =	vmul.f32 v26, v19  }
0x175: {  	v6 =	vmul.f32 v6, v29;
	v11 =	vsub.f32 $1.500000000e+00, v11;
	v12 =	vmul.f32 v12, v38  }
0x176: {  	v33 =	vmul.f32 v9, v8;
	v32 =	vmul.f32 v10, v7;
	v15 =	vadd.f32 v30, v36  }
0x177: {  	v6 =	vmul.f32 v6, v5;
	v11 =	vmul.f32 v11, v28;
	v12 =	vsub.f32 $1.500000000e+00, v12  }
0x178: {  	v17 =	vadd.f32 v34, v23;
	v34 =	vadd.f32 v33, v32  }
0x179: {  	v6 =	vadd.f32 $-1.000000000e+00, v6;
	v11 =	vmul.f32 v11, v15;
	v12 =	vmul.f32 v12, v38  }
0x17a: {  	v31 =	vmul.f32 v37, v37;
	v8 =	vsub.f32 v9, v8;
	v10 =	vsub.f32 v10, v7  }
0x17b: {  	v6 =	vmul.f32 v6, v6;
	v11 =	vadd.f32 $-1.000000000e+00, v11;
	v12 =	vmul.f32 v12, v34  }
0x17c: {  	v17 =	vadd.f32 v31, v17;
	v10 =	vmul.f32 v10, v10;
	v5 =	vadd.f32 v5, v25  }
0x17d: {  	v6 =	vadd.f32 v6, v22;
	v35 =	vmul.f32 v11, v11;
	v36 =	vadd.f32 $-1.000000000e+00, v12  }
0x17e: {  	v16 =	vadd.f32 v20, v16;
	v8 =	vmul.f32 v8, v8;
	v10 =	vadd.f32 v10, v17  }
0x17f: {  	v5 =	vadd.f32 v15, v5;
	v6 =	vadd.f32 v35, v6;
	v37 =	vmul.f32 v36, v36  }
0x180: {  	v7 =	vadd.f32 v7, v16;
	v8 =	vadd.f32 v8, v10  }
0x181: {  	s0 =	sshll.u32 s16, $0x4;
	v5 =	vadd.f32 v34, v5;
	v6 =	vadd.f32 v37, v6  }
0x182: {  	p0 =	seq.s32 s16, $0x10;
	s0 =	sand.u32 $0x3FFFFFF0, s0  }
0x183: {  	[tilespmem:s0+$0x194C0] =	vst v7;
	v7 =	vpsel p0, $0x0, v8;
	v5 =	vpsel p0, $0x0, v5;
	v6 =	vpsel p0, $0x0, v6;
	p0 =	sne.s32 s13, $0x11  }
.Ltmp3:
0x184: {  	_ = 	snop;
	(pc) =	sbr.rel @p0 .LBB2_6-.Ltmp3, $4  }
0x185: {  	v38 =	vadd.f32 v14, v13  }
0x186: {  	[tilespmem:s0+$0x195D0] =	vst v18  }
0x187: {  	[tilespmem:s0+$0x196E0] =	vst v38  }
0x188: {  	s16 =	smov.u32 s13;
	v4 =	vadd.f32 v7, v4;
	[tilespmem:s0+$0x197F0] =	vst v5;
	v2 =	vadd.f32 v6, v2  }
0x189: {  	_ = 	snop  }
0x18a: {  	[tilespmem:$0x19490] =	vst v4  }
0x18b: {  	s30 =	rddreg [dreg:$0x17];
	[tilespmem:$0x194A0] =	vst v2;
	v2 =	vimm.f32 $0.0e+00  }
0x18c: {  	s23 =	simm.s32 $0x0;
	s22 =	rddreg [dreg:$0x14];
	s11 =	simm.s32 $0x0;
	[tilespmem:$0x194B0] =	vst v2  }
.LBB2_10:
0x18d: {  	_ =	swait.ge [sflag:s24], $0x4000  }
0x18e: {  	[sflag:s24] =	ssyncset.done $0x0  }
0x18f: {  	[sflag:s24] =	ssyncadd.s32 $0xFFFFC000  }
0x190: {  	_ =	swait.ge [sflag:s24], $0x4000  }
0x191: {  	[sflag:s24] =	ssyncset.done $0x0  }
0x192: {  	s0 =	simm.s32 $0x6000;
	[sflag:s24] =	ssyncadd.s32 $0xFFFFC000  }
0x193: {  	v3 =	vld [tilespmem:s0+$0x0];
	_ =	sdelay $0x2  }
0x194: {  	v4 =	vmov s23  }
0x195: {  	v4 =	vshll.u32 v4, $0x3  }
0x196: {  	v4 =	vor.u32 v0, v4;
	v5 =	vand.u32 $0xFFFFFFF8, v3  }
0x197: {  	v6 =	vand.u32 $0x7, v3;
	v7 =	vadd.s32 $0x1, v3;
	v5 =	vadd.s32 v4, v5  }
0x198: {  	v9 =	vand.u32 $0x7, v7;
	v7 =	vand.u32 $0xFFFFFFF8, v7;
	v5 =	vor.u32 v6, v5  }
0x199: {  	v8 =	vadd.s32 $0x2, v3;
	v3 =	vadd.s32 $0x3, v3;
	v7 =	vadd.s32 v4, v7  }
0x19a: {  	s18 =	simm.s32 $0x6010;
	v6 =	vand.u32 $0x7, v8;
	v8 =	vand.u32 $0xFFFFFFF8, v8;
	v7 =	vor.u32 v9, v7  }
0x19b: {  	s16 =	simm.s32 $0x3000;
	v10 =	vand.u32 $0xFFFFFFF8, v3;
	v8 =	vadd.s32 v4, v8;
	v9 =	vld [tilespmem:s18+$0x0]  }
0x19c: {  	v3 =	vand.u32 $0x7, v3;
	v4 =	vadd.s32 v4, v10;
	v6 =	vor.u32 v6, v8;
	v8 =	vld [tilespmem:s16+$0x0]  }
0x19d: {  	v3 =	vor.u32 v3, v4;
	v4 =	vld.idx.msk [tilespmem:v5+s12+$0x0], $0xffff  }
0x19e: {  	v5 =	vld.idx.msk [tilespmem:v5+s14+$0x0], $0xffff  }
0x19f: {  	v10 =	vld.idx.msk [tilespmem:v7+s12+$0x0], $0xffff  }
0x1a0: {  	v7 =	vld.idx.msk [tilespmem:v7+s14+$0x0], $0xffff  }
0x1a1: {  	v11 =	vld.idx.msk [tilespmem:v6+s12+$0x0], $0xffff  }
0x1a2: {  	v12 =	vld.idx.msk [tilespmem:v3+s12+$0x0], $0xffff  }
0x1a3: {  	s16 =	simm.s32 $0x10;
	v6 =	vld.idx.msk [tilespmem:v6+s14+$0x0], $0xffff  }
0x1a4: {  	v14 =	vmov s16;
	v13 =	vsub.f32 $1.000000000e+00, v8;
	v3 =	vld.idx.msk [tilespmem:v3+s14+$0x0], $0xffff  }
0x1a5: {  	v14 =	vshll.u32 v14, $0x3  }
0x1a6: {  	v14 =	vor.u32 v0, v14;
	v4 =	vmul.f32 v13, v4;
	v5 =	vmul.f32 v13, v5  }
0x1a7: {  	v15 =	vand.u32 $0xFFFFFFF8, v9;
	v10 =	vmul.f32 v13, v10;
	v7 =	vmul.f32 v13, v7  }
0x1a8: {  	v16 =	vand.u32 $0x7, v9;
	v11 =	vmul.f32 v8, v11;
	v12 =	vmul.f32 v8, v12  }
0x1a9: {  	v6 =	vmul.f32 v8, v6;
	v3 =	vmul.f32 v8, v3;
	v8 =	vadd.s32 $0x1, v9  }
0x1aa: {  	v4 =	vadd.f32 v4, v11;
	v10 =	vadd.f32 v10, v12;
	v11 =	vadd.s32 $0x2, v9  }
0x1ab: {  	v5 =	vadd.f32 v5, v6;
	v3 =	vadd.f32 v7, v3;
	v6 =	vadd.s32 $0x3, v9  }
0x1ac: {  	v7 =	vadd.s32 v14, v15;
	v9 =	vand.u32 $0x7, v8;
	v8 =	vand.u32 $0xFFFFFFF8, v8  }
0x1ad: {  	v7 =	vor.u32 v16, v7;
	v4 =	vmul.f32 v5, v4;
	v3 =	vmul.f32 v3, v10  }
0x1ae: {  	v8 =	vadd.s32 v14, v8;
	v5 =	vand.u32 $0x7, v6;
	v10 =	vand.u32 $0xFFFFFFF8, v11  }
0x1af: {  	s8 =	simm.s32 $0x6020;
	v3 =	vadd.f32 v3, v4;
	v4 =	vand.u32 $0xFFFFFFF8, v6;
	v6 =	vor.u32 v9, v8  }
0x1b0: {  	s0 =	simm.s32 $0x3010;
	v12 =	vand.u32 $0x7, v11;
	v11 =	vld [tilespmem:s8+$0x0];
	v8 =	vadd.s32 v14, v10  }
0x1b1: {  	v9 =	vld [tilespmem:s0+$0x0];
	v8 =	vor.u32 v12, v8;
	v4 =	vadd.s32 v14, v4;
	v10 =	vand.u32 $0x7FFFFF, v3  }
0x1b2: {  	v4 =	vor.u32 v5, v4;
	v13 =	vld.idx.msk [tilespmem:v7+s14+$0x0], $0xffff;
	v5 =	vor.u32 $0x3F800000, v10  }
0x1b3: {  	v10 =	vld.idx.msk [tilespmem:v7+s12+$0x0], $0xffff;
	v12 =	vmul.f32 $5.000000000e-01, v5  }
0x1b4: {  	vm0 =	vgt.f32 v5, $1.414213540e+00;
	v14 =	vld.idx.msk [tilespmem:v6+s12+$0x0], $0xffff  }
0x1b5: {  	v17 =	vld.idx.msk [tilespmem:v6+s14+$0x0], $0xffff;
	v15 =	vsel vm0, v12, v5  }
0x1b6: {  	v12 =	vld.idx.msk [tilespmem:v8+s12+$0x0], $0xffff;
	v5 =	vadd.f32 $1.000000000e+00, v15  }
0x1b7: {  	v16 =	vld.idx.msk [tilespmem:v4+s12+$0x0], $0xffff  }
0x1b8: {  	s18 =	simm.s32 $0x20;
	v4 =	vld.idx.msk [tilespmem:v4+s14+$0x0], $0xffff;
	(erf) = vrcp.f32 v5  }
0x1b9: {  	v7 =	vmov s18;
	v19 =	vsub.f32 $1.000000000e+00, v9;
	v18 =	vld.idx.msk [tilespmem:v8+s14+$0x0], $0xffff  }
0x1ba: {  	v20 =	vadd.s32 $0x1, v11;
	v21 =	vadd.s32 $0x2, v11;
	v6 =	vand.u32 $0x7, v11  }
0x1bb: {  	v8 =	vand.u32 $0xFFFFFFF8, v11;
	v13 =	vmul.f32 v19, v13;
	v10 =	vmul.f32 v19, v10  }
0x1bc: {  	v5 =	vshll.u32 v7, $0x3;
	v7 =	vadd.s32 $0x3, v11;
	v14 =	vmul.f32 v19, v14  }
0x1bd: {  	v5 =	vor.u32 v0, v5;
	v17 =	vmul.f32 v19, v17;
	v4 =	vmul.f32 v9, v4  }
0x1be: {  	v19 =	vadd.f32 $-1.000000000e+00, v15;
	v12 =	vmul.f32 v9, v12;
	v18 =	vmul.f32 v9, v18  }
0x1bf: {  	v11 =	vadd.s32 v5, v8;
	v8 =	vand.u32 $0x7, v20;
	v16 =	vmul.f32 v9, v16  }
0x1c0: {  	v9 =	vand.u32 $0x7, v21;
	v12 =	vadd.f32 v10, v12;
	v15 =	vadd.f32 v13, v18  }
0x1c1: {  	v13 =	vand.u32 $0x7, v7;
	v10 =	vadd.f32 v14, v16;
	v14 =	vadd.f32 v17, v4;
	v4 =	vpop (erf)  }
0x1c2: {  	s13 =	sshll.u32 s11, $0xC;
	s9 =	simm.s32 $0x30;
	s29 =	simm.s32 $0x0;
	v17 =	vand.u32 $0xFFFFFFF8, v20;
	v16 =	vand.u32 $0xFFFFFFF8, v21;
	v4 =	vmul.f32 v4, v19  }
.LBB2_11:
0x1c3: {  	p0 =	sne.s32 s9, $0x7F0;
	v6 =	vor.u32 v6, v11;
	v11 =	vmul.f32 v15, v12;
	v10 =	vmul.f32 v14, v10  }
0x1c4: {  	v12 =	vadd.s32 v5, v17;
	v7 =	vand.u32 $0xFFFFFFF8, v7;
	v14 =	vmul.f32 v4, v4  }
0x1c5: {  	s0 =	sadd.s32 $0x10, s0;
	v8 =	vor.u32 v8, v12;
	v12 =	vadd.s32 v5, v16;
	v10 =	vadd.f32 v10, v11  }
0x1c6: {  	s8 =	sadd.s32 $0x10, s8;
	v5 =	vadd.s32 v5, v7;
	v9 =	vor.u32 v9, v12;
	v15 =	vld [tilespmem:s0+$0x0];
	v7 =	vmul.f32 $2.857142980e-01, v14  }
0x1c7: {  	vm1 =	vmmov vm0;
	v12 =	vor.u32 v13, v5;
	v11 =	vld [tilespmem:s8+$0x0];
	v5 =	vand.u32 $0x7FFFFF, v10  }
0x1c8: {  	v13 =	vmov s9;
	v16 =	vld.idx.msk [tilespmem:v6+s12+$0x0], $0xffff;
	v17 =	vor.u32 $0x3F800000, v5;
	v7 =	vadd.f32 $4.000000060e-01, v7  }
0x1c9: {  	v5 =	vshll.u32 v13, $0x3;
	v13 =	vld.idx.msk [tilespmem:v6+s14+$0x0], $0xffff;
	v6 =	vmul.f32 $5.000000000e-01, v17  }
0x1ca: {  	v5 =	vor.u32 v0, v5;
	vm0 =	vgt.f32 v17, $1.414213540e+00;
	v18 =	vld.idx.msk [tilespmem:v8+s12+$0x0], $0xffff;
	v7 =	vmul.f32 v7, v14  }
0x1cb: {  	v19 =	vld.idx.msk [tilespmem:v9+s12+$0x0], $0xffff;
	v20 =	vsub.f32 $1.000000000e+00, v15;
	v17 =	vsel vm0, v6, v17;
	v6 =	vshra.s32 v3, $0x17;
	v3 =	vmovc v10  }
0x1cc: {  	v10 =	vld.idx.msk [tilespmem:v12+s12+$0x0], $0xffff;
	v21 =	vadd.f32 $1.000000000e+00, v17;
	v22 =	vadd.s32 $0xFFFFFF81, v6;
	v7 =	vadd.f32 $6.666666860e-01, v7  }
0x1cd: {  	v23 =	vand.u32 $0xFFFFFFF8, v11;
	v6 =	vand.u32 $0x7, v11;
	v24 =	vld.idx.msk [tilespmem:v8+s14+$0x0], $0xffff;
	v8 =	vcvt.s32.f32 v22  }
0x1ce: {  	v22 =	vadd.s32 $0x1, v11;
	v25 =	vld.idx.msk [tilespmem:v9+s14+$0x0], $0xffff;
	(erf) = vrcp.f32 v21;
	v9 =	vmul.f32 v7, v14  }
0x1cf: {  	v21 =	vadd.s32 $0x2, v11;
	v7 =	vadd.s32 $0x3, v11;
	v11 =	vsel vm1, $0x3F800000, v1;
	v14 =	vld.idx.msk [tilespmem:v12+s14+$0x0], $0xffff  }
0x1d0: {  	v12 =	vmul.f32 v20, v16;
	v16 =	vadd.f32 v8, v11;
	v9 =	vadd.f32 $2.000000000e+00, v9  }
0x1d1: {  	v13 =	vmul.f32 v20, v13;
	v11 =	vadd.s32 v5, v23;
	v19 =	vmul.f32 v15, v19  }
0x1d2: {  	v8 =	vand.u32 $0x7, v22;
	v16 =	vmul.f32 $6.931471820e-01, v16;
	v4 =	vmul.f32 v9, v4  }
0x1d3: {  	v18 =	vmul.f32 v20, v18;
	v10 =	vmul.f32 v15, v10;
	v9 =	vand.u32 $0x7, v21  }
.Ltmp4:
0x1d4: {  	s1 =	sadd.s32 s29, s22;
	s29 =	smov.u32 s16;
	v20 =	vmul.f32 v20, v24;
	v23 =	vmul.f32 v15, v25;
	v4 =	vadd.f32 v4, v16;
	(pc) =	sbr.rel @p0 .LBB2_11-.Ltmp4, $4  }
0x1d5: {  	s16 =	smov.u32 s18;
	s18 =	smov.u32 s9;
	p1 =	slt.u32 s1, $0xF4240;
	v12 =	vadd.f32 v12, v19;
	v10 =	vadd.f32 v18, v10;
	v14 =	vmul.f32 v15, v14  }
0x1d6: {  	v18 =	vadd.f32 $-1.000000000e+00, v17;
	v15 =	vadd.f32 v13, v23;
	v4 =	vpsel !p1, $0x0, v4  }
0x1d7: {  	v13 =	vand.u32 $0x7, v7;
	v14 =	vadd.f32 v20, v14;
	v19 =	vpop (erf);
	v2 =	vadd.f32 v4, v2  }
0x1d8: {  	s9 =	sadd.s32 $0x10, s9;
	v17 =	vand.u32 $0xFFFFFFF8, v22;
	v16 =	vand.u32 $0xFFFFFFF8, v21;
	v4 =	vmul.f32 v19, v18  }
0x1d9: {  	v6 =	vor.u32 v6, v11  }
0x1da: {  	v11 =	vadd.s32 v5, v17  }
0x1db: {  	v8 =	vor.u32 v8, v11  }
0x1dc: {  	v7 =	vand.u32 $0xFFFFFFF8, v7;
	s0 =	sadd.s32 $0x10, s0;
	v11 =	vadd.s32 v5, v16  }
0x1dd: {  	v5 =	vadd.s32 v5, v7;
	v7 =	vld [tilespmem:s0+$0x0];
	v9 =	vor.u32 v9, v11  }
0x1de: {  	v5 =	vor.u32 v13, v5;
	v11 =	vld.idx.msk [tilespmem:v6+s12+$0x0], $0xffff  }
0x1df: {  	v6 =	vld.idx.msk [tilespmem:v6+s14+$0x0], $0xffff  }
0x1e0: {  	v28 =	vld.idx.msk [tilespmem:v8+s12+$0x0], $0xffff  }
0x1e1: {  	v8 =	vld.idx.msk [tilespmem:v8+s14+$0x0], $0xffff  }
0x1e2: {  	v29 =	vld.idx.msk [tilespmem:v9+s12+$0x0], $0xffff  }
0x1e3: {  	v30 =	vld.idx.msk [tilespmem:v5+s12+$0x0], $0xffff  }
0x1e4: {  	v9 =	vld.idx.msk [tilespmem:v9+s14+$0x0], $0xffff  }
0x1e5: {  	v18 =	vsub.f32 $1.000000000e+00, v7;
	v5 =	vld.idx.msk [tilespmem:v5+s14+$0x0], $0xffff  }
0x1e6: {  	v12 =	vmul.f32 v15, v12  }
0x1e7: {  	v11 =	vmul.f32 v18, v11;
	v6 =	vmul.f32 v18, v6  }
0x1e8: {  	v13 =	vmul.f32 v18, v28;
	v8 =	vmul.f32 v18, v8  }
0x1e9: {  	v31 =	vmul.f32 v7, v29;
	v32 =	vmul.f32 v7, v30  }
0x1ea: {  	v9 =	vmul.f32 v7, v9;
	v5 =	vmul.f32 v7, v5  }
0x1eb: {  	v7 =	vmul.f32 v14, v10;
	v10 =	vadd.f32 v11, v31;
	v11 =	vadd.f32 v13, v32  }
0x1ec: {  	v6 =	vadd.f32 v6, v9;
	v5 =	vadd.f32 v8, v5  }
0x1ed: {  	v7 =	vadd.f32 v7, v12  }
0x1ee: {  	v6 =	vmul.f32 v6, v10;
	v5 =	vmul.f32 v5, v11  }
0x1ef: {  	v8 =	vand.u32 $0x7FFFFF, v7  }
0x1f0: {  	v8 =	vor.u32 $0x3F800000, v8;
	v5 =	vadd.f32 v5, v6  }
0x1f1: {  	v6 =	vmul.f32 $5.000000000e-01, v8  }
0x1f2: {  	vm2 =	vgt.f32 v8, $1.414213540e+00;
	v9 =	vand.u32 $0x7FFFFF, v5  }
0x1f3: {  	v6 =	vsel vm2, v6, v8;
	v8 =	vor.u32 $0x3F800000, v9  }
0x1f4: {  	v9 =	vadd.f32 $1.000000000e+00, v6;
	v10 =	vmul.f32 $5.000000000e-01, v8  }
0x1f5: {  	vm1 =	vgt.f32 v8, $1.414213540e+00  }
0x1f6: {  	(erf) = vrcp.f32 v9;
	v8 =	vsel vm1, v10, v8  }
0x1f7: {  	v9 =	vadd.f32 $1.000000000e+00, v8;
	_ =	sdelay $0x1  }
0x1f8: {  	(erf) = vrcp.f32 v9;
	_ =	sdelay $0x2  }
0x1f9: {  	v9 =	vmul.f32 v4, v4;
	_ =	sdelay $0x1  }
0x1fa: {  	v6 =	vadd.f32 $-1.000000000e+00, v6;
	v10 =	vmul.f32 $2.857142980e-01, v9  }
0x1fb: {  	v11 =	vpop (erf)  }
0x1fc: {  	v10 =	vadd.f32 $4.000000060e-01, v10;
	v6 =	vmul.f32 v11, v6  }
0x1fd: {  	v8 =	vadd.f32 $-1.000000000e+00, v8  }
0x1fe: {  	v10 =	vmul.f32 v10, v9;
	v11 =	vmul.f32 v6, v6;
	v33 =	vpop (erf)  }
0x1ff: {  	v8 =	vmul.f32 v33, v8  }
0x200: {  	v10 =	vadd.f32 $6.666666860e-01, v10;
	v34 =	vmul.f32 $2.857142980e-01, v11  }
0x201: {  	v3 =	vshra.s32 v3, $0x17;
	v35 =	vmul.f32 v8, v8  }
0x202: {  	v3 =	vadd.s32 $0xFFFFFF81, v3;
	v9 =	vmul.f32 v10, v9;
	v10 =	vadd.f32 $4.000000060e-01, v34  }
0x203: {  	vm0 =	vmmov vm0;
	v3 =	vcvt.s32.f32 v3;
	_ =	swait.ge [sflag:s10], $0x800;
	v36 =	vmul.f32 $2.857142980e-01, v35  }
0x204: {  	v37 =	vsel vm0, $0x3F800000, v1;
	[sflag:s10] =	ssyncset.done $0x0;
	v9 =	vadd.f32 $2.000000000e+00, v9;
	v10 =	vmul.f32 v10, v11  }
0x205: {  	v3 =	vadd.f32 v3, v37;
	[sflag:s10] =	ssyncadd.s32 $0xFFFFF800;
	v12 =	vadd.f32 $4.000000060e-01, v36  }
0x206: {  	v7 =	vshra.s32 v7, $0x17;
	_ =	swait.ge [sflag:s10], $0x800;
	v4 =	vmul.f32 v9, v4;
	v9 =	vadd.f32 $6.666666860e-01, v10  }
0x207: {  	v3 =	vmul.f32 $6.931471820e-01, v3;
	v7 =	vadd.s32 $0xFFFFFF81, v7;
	[sflag:s10] =	ssyncset.done $0x0;
	v10 =	vmul.f32 v12, v35  }
0x208: {  	v7 =	vcvt.s32.f32 v7;
	v5 =	vshra.s32 v5, $0x17;
	[sflag:s10] =	ssyncadd.s32 $0xFFFFF800;
	v9 =	vmul.f32 v9, v11  }
0x209: {  	vm14 =	vmmov vm2;
	v5 =	vadd.s32 $0xFFFFFF81, v5;
	_ =	swait.ge [sflag:s10], $0x800;
	v10 =	vadd.f32 $6.666666860e-01, v10  }
0x20a: {  	v5 =	vcvt.s32.f32 v5;
	[sflag:s10] =	ssyncset.done $0x0;
	v11 =	vsel vm14, $0x3F800000, v1;
	v9 =	vadd.f32 $2.000000000e+00, v9  }
0x20b: {  	s0 =	simm.s32 $0x0;
	vm15 =	vmmov vm1;
	[sflag:s10] =	ssyncadd.s32 $0xFFFFF800;
	v7 =	vadd.f32 v7, v11;
	v10 =	vmul.f32 v10, v35  }
0x20c: {  	s1 =	sadd.s32 s29, s22;
	v3 =	vadd.f32 v4, v3;
	v11 =	vld [tilespmem:s0+$0x2000];
	v4 =	vmul.f32 v9, v6;
	v6 =	vsel vm15, $0x3F800000, v1  }
0x20d: {  	p0 =	slt.u32 s1, $0xF4240;
	v7 =	vmul.f32 $6.931471820e-01, v7;
	v5 =	vadd.f32 v5, v6;
	v6 =	vadd.f32 $2.000000000e+00, v10  }
0x20e: {  	v3 =	vpsel !p0, $0x0, v3  }
0x20f: {  	s16 =	sadd.s32 s16, s22;
	v4 =	vadd.f32 v4, v7;
	v5 =	vmul.f32 $6.931471820e-01, v5;
	v6 =	vmul.f32 v6, v8  }
0x210: {  	p5 =	slt.u32 s16, $0xF4240;
	v2 =	vadd.f32 v3, v2  }
0x211: {  	s29 =	sadd.s32 s18, s22;
	v9 =	vld [tilespmem:s0+$0x0];
	v3 =	vmul.f32 v11, v61;
	v4 =	vpsel !p5, $0x0, v4;
	v5 =	vadd.f32 v6, v5  }
0x212: {  	s8 =	simm.s32 $0x10;
	p6 =	slt.u32 s29, $0xF4240;
	v8 =	vld [tilespmem:s0+$0x1000];
	v2 =	vadd.f32 v4, v2  }
0x213: {  	v4 =	vtrunc.f32 v3;
	v6 =	vld [tilespmem:s8+$0x2000];
	v5 =	vpsel !p6, $0x0, v5  }
0x214: {  	v38 =	vcvt.f32.s32 v4;
	v2 =	vadd.f32 v5, v2;
	v5 =	vld [tilespmem:s8+$0x0]  }
0x215: {  	v4 =	vld [tilespmem:s8+$0x1000]  }
0x216: {  	v7 =	vshll.u32 v9, $0x3;
	v10 =	vcvt.s32.f32 v38  }
0x217: {  	s9 =	simm.s32 $0x80;
	v11 =	vshrl.u32 v38, $0x1;
	v9 =	vshll.u32 v38, $0x1;
	v8 =	vshll.u32 v8, $0x3  }
.LBB2_13:
0x218: {  	s1 =	sshra.s32 s9, $0x2;
	p0 =	sne.s32 s9, $0x1FC0;
	s9 =	sadd.s32 $0x40, s9;
	v12 =	vmul.f32 v6, v61;
	v13 =	vadd.s32 v7, v11;
	v11 =	vadd.s32 v8, v11  }
.Ltmp5:
0x219: {  	v9 =	vand.u32 $0x2, v9;
	v6 =	vld [tilespmem:s1+$0x2000];
	v7 =	vshll.u32 v5, $0x3;
	v10 =	vsub.f32 v3, v10;
	[tilespmem:s0+$0x4000] =	vst v13;
	(pc) =	sbr.rel @p0 .LBB2_13-.Ltmp5, $4  }
0x21a: {  	v5 =	vld [tilespmem:s1+$0x0];
	v13 =	vtrunc.f32 v12;
	v8 =	vshll.u32 v4, $0x3;
	[tilespmem:s0+$0x5000] =	vst v11;
	v3 =	vmov v12  }
0x21b: {  	v4 =	vld [tilespmem:s1+$0x1000];
	v12 =	vcvt.f32.s32 v13;
	[tilespmem:s0+$0x3000] =	vst v10  }
0x21c: {  	[tilespmem:s0+$0x6000] =	vst v9;
	s0 =	smov.u32 s8;
	s8 =	smov.u32 s1  }
0x21d: {  	v10 =	vcvt.s32.f32 v12;
	v11 =	vshrl.u32 v12, $0x1;
	v9 =	vshll.u32 v12, $0x1  }
0x21e: {  	v6 =	vmul.f32 v6, v61;
	_ =	sdelay $0x1  }
0x21f: {  	v7 =	vadd.s32 v7, v11;
	v12 =	vtrunc.f32 v6  }
0x220: {  	v8 =	vadd.s32 v8, v11;
	v3 =	vsub.f32 v3, v10;
	[tilespmem:s0+$0x4000] =	vst v7;
	v7 =	vcvt.f32.s32 v12  }
0x221: {  	v5 =	vshll.u32 v5, $0x3;
	[tilespmem:s0+$0x5000] =	vst v8  }
0x222: {  	v8 =	vand.u32 $0x2, v9;
	[tilespmem:s0+$0x3000] =	vst v3;
	v3 =	vcvt.s32.f32 v7;
	v9 =	vshrl.u32 v7, $0x1  }
0x223: {  	v4 =	vshll.u32 v4, $0x3;
	[tilespmem:s0+$0x6000] =	vst v8;
	v5 =	vadd.s32 v5, v9  }
0x224: {  	v4 =	vadd.s32 v4, v9;
	v3 =	vsub.f32 v6, v3;
	[tilespmem:s8+$0x4000] =	vst v5  }
0x225: {  	s1 =	rddreg [dreg:$0x13];
	v5 =	vshll.u32 v7, $0x1;
	[tilespmem:s8+$0x5000] =	vst v4  }
0x226: {  	s0 =	sadd.s32 s13, s1;
	v4 =	vand.u32 $0x2, v5;
	[tilespmem:s8+$0x3000] =	vst v3  }
0x227: {  	s16 =	simm.s32 $0x4000;
	s0 =	smin.u32 s0, $0xF3A40;
	[tilespmem:s8+$0x6000] =	vst v4  }
0x228: {  	[tilespmem:s12], [sflag:$0x3] =	stream.indirect.gather [hbm4b:s6+s7], $0x8, s16, s7, $0xb8;
	[tilespmem:$0x19900] =	vst v63  }
0x229: {  	s18 =	simm.s32 $0x5000;
	s0 =	sshrl.u32 s0, $0x3  }
0x22a: {  	[tilespmem:s14], [sflag:$0x3] =	stream.indirect.gather [hbm4b:s6+s7], $0x8, s18, s7, $0xb8;
	[tilespmem:$0x19900] =	vst v63  }
0x22b: {  	s1 =	sadd.s32 s4, s0;
	s16 =	simm.s32 $0x0  }
0x22c: {  	[tilespmem:s16], [sflag:$0x1] =	stream.linear.gather [hbm4b:s1+s16], $0x800, $0x38;
	[tilespmem:$0x19900] =	vst v63  }
0x22d: {  	s9 =	simm.s32 $0x1000;
	s8 =	sadd.s32 s20, s0  }
0x22e: {  	[tilespmem:s9], [sflag:$0x1] =	stream.linear.gather [hbm4b:s8+s16], $0x800, $0x38;
	[tilespmem:$0x19900] =	vst v63  }
0x22f: {  	s0 =	sadd.s32 s2, s0;
	s18 =	simm.s32 $0x2000  }
0x230: {  	[tilespmem:s18], [sflag:$0x1] =	stream.linear.gather [hbm4b:s0+s16], $0x800, $0x38;
	[tilespmem:$0x19900] =	vst v63  }
0x231: {  	_ =	swait.ge [sflag:s25], $0x4000  }
0x232: {  	[sflag:s25] =	ssyncset.done $0x0  }
0x233: {  	[sflag:s25] =	ssyncadd.s32 $0xFFFFC000  }
0x234: {  	_ =	swait.ge [sflag:s25], $0x4000  }
0x235: {  	[sflag:s25] =	ssyncset.done $0x0  }
0x236: {  	s8 =	simm.s32 $0x6800;
	[sflag:s25] =	ssyncadd.s32 $0xFFFFC000  }
0x237: {  	v3 =	vld [tilespmem:s8+$0x0];
	_ =	sdelay $0x2  }
0x238: {  	v4 =	vmov s16  }
0x239: {  	v4 =	vshll.u32 v4, $0x3  }
0x23a: {  	v4 =	vor.u32 v0, v4;
	v5 =	vand.u32 $0xFFFFFFF8, v3  }
0x23b: {  	v6 =	vand.u32 $0x7, v3;
	v7 =	vadd.s32 $0x1, v3;
	v5 =	vadd.s32 v4, v5  }
0x23c: {  	v9 =	vand.u32 $0x7, v7;
	v7 =	vand.u32 $0xFFFFFFF8, v7;
	v5 =	vor.u32 v6, v5  }
0x23d: {  	v8 =	vadd.s32 $0x2, v3;
	v3 =	vadd.s32 $0x3, v3;
	v7 =	vadd.s32 v4, v7  }
0x23e: {  	s18 =	simm.s32 $0x6810;
	v6 =	vand.u32 $0x7, v8;
	v8 =	vand.u32 $0xFFFFFFF8, v8;
	v7 =	vor.u32 v9, v7  }
0x23f: {  	s9 =	simm.s32 $0x3800;
	v10 =	vand.u32 $0xFFFFFFF8, v3;
	v8 =	vadd.s32 v4, v8;
	v9 =	vld [tilespmem:s18+$0x0]  }
0x240: {  	v3 =	vand.u32 $0x7, v3;
	v4 =	vadd.s32 v4, v10;
	v6 =	vor.u32 v6, v8;
	v8 =	vld [tilespmem:s9+$0x0]  }
0x241: {  	v3 =	vor.u32 v3, v4;
	v4 =	vld.idx.msk [tilespmem:v5+s17+$0x0], $0xffff  }
0x242: {  	v5 =	vld.idx.msk [tilespmem:v5+s19+$0x0], $0xffff  }
0x243: {  	v10 =	vld.idx.msk [tilespmem:v7+s17+$0x0], $0xffff  }
0x244: {  	v7 =	vld.idx.msk [tilespmem:v7+s19+$0x0], $0xffff  }
0x245: {  	v11 =	vld.idx.msk [tilespmem:v6+s17+$0x0], $0xffff  }
0x246: {  	v12 =	vld.idx.msk [tilespmem:v3+s17+$0x0], $0xffff  }
0x247: {  	s18 =	simm.s32 $0x10;
	v6 =	vld.idx.msk [tilespmem:v6+s19+$0x0], $0xffff  }
0x248: {  	v14 =	vmov s18;
	v13 =	vsub.f32 $1.000000000e+00, v8;
	v3 =	vld.idx.msk [tilespmem:v3+s19+$0x0], $0xffff  }
0x249: {  	v14 =	vshll.u32 v14, $0x3  }
0x24a: {  	v14 =	vor.u32 v0, v14;
	v4 =	vmul.f32 v13, v4;
	v5 =	vmul.f32 v13, v5  }
0x24b: {  	v15 =	vand.u32 $0xFFFFFFF8, v9;
	v10 =	vmul.f32 v13, v10;
	v7 =	vmul.f32 v13, v7  }
0x24c: {  	v16 =	vand.u32 $0x7, v9;
	v11 =	vmul.f32 v8, v11;
	v12 =	vmul.f32 v8, v12  }
0x24d: {  	v6 =	vmul.f32 v8, v6;
	v3 =	vmul.f32 v8, v3;
	v8 =	vadd.s32 $0x1, v9  }
0x24e: {  	v4 =	vadd.f32 v4, v11;
	v10 =	vadd.f32 v10, v12;
	v11 =	vadd.s32 $0x2, v9  }
0x24f: {  	v5 =	vadd.f32 v5, v6;
	v3 =	vadd.f32 v7, v3;
	v6 =	vadd.s32 $0x3, v9  }
0x250: {  	v7 =	vadd.s32 v14, v15;
	v9 =	vand.u32 $0x7, v8;
	v8 =	vand.u32 $0xFFFFFFF8, v8  }
0x251: {  	v7 =	vor.u32 v16, v7;
	v4 =	vmul.f32 v5, v4;
	v3 =	vmul.f32 v3, v10  }
0x252: {  	v8 =	vadd.s32 v14, v8;
	v5 =	vand.u32 $0x7, v6;
	v10 =	vand.u32 $0xFFFFFFF8, v11  }
0x253: {  	s8 =	simm.s32 $0x6820;
	v3 =	vadd.f32 v3, v4;
	v4 =	vand.u32 $0xFFFFFFF8, v6;
	v6 =	vor.u32 v9, v8  }
0x254: {  	s0 =	simm.s32 $0x3810;
	v12 =	vand.u32 $0x7, v11;
	v11 =	vld [tilespmem:s8+$0x0];
	v8 =	vadd.s32 v14, v10  }
0x255: {  	v9 =	vld [tilespmem:s0+$0x0];
	v8 =	vor.u32 v12, v8;
	v4 =	vadd.s32 v14, v4;
	v10 =	vand.u32 $0x7FFFFF, v3  }
0x256: {  	v4 =	vor.u32 v5, v4;
	v13 =	vld.idx.msk [tilespmem:v7+s19+$0x0], $0xffff;
	v5 =	vor.u32 $0x3F800000, v10  }
0x257: {  	v10 =	vld.idx.msk [tilespmem:v7+s17+$0x0], $0xffff;
	v12 =	vmul.f32 $5.000000000e-01, v5  }
0x258: {  	vm0 =	vgt.f32 v5, $1.414213540e+00;
	v14 =	vld.idx.msk [tilespmem:v6+s17+$0x0], $0xffff  }
0x259: {  	v17 =	vld.idx.msk [tilespmem:v6+s19+$0x0], $0xffff;
	v15 =	vsel vm0, v12, v5  }
0x25a: {  	v12 =	vld.idx.msk [tilespmem:v8+s17+$0x0], $0xffff;
	v5 =	vadd.f32 $1.000000000e+00, v15  }
0x25b: {  	v16 =	vld.idx.msk [tilespmem:v4+s17+$0x0], $0xffff  }
0x25c: {  	s29 =	simm.s32 $0x20;
	v4 =	vld.idx.msk [tilespmem:v4+s19+$0x0], $0xffff;
	(erf) = vrcp.f32 v5  }
0x25d: {  	v7 =	vmov s29;
	v19 =	vsub.f32 $1.000000000e+00, v9;
	v18 =	vld.idx.msk [tilespmem:v8+s19+$0x0], $0xffff  }
0x25e: {  	v20 =	vadd.s32 $0x1, v11;
	v21 =	vadd.s32 $0x2, v11;
	v6 =	vand.u32 $0x7, v11  }
0x25f: {  	v8 =	vand.u32 $0xFFFFFFF8, v11;
	v13 =	vmul.f32 v19, v13;
	v10 =	vmul.f32 v19, v10  }
0x260: {  	v5 =	vshll.u32 v7, $0x3;
	v7 =	vadd.s32 $0x3, v11;
	v14 =	vmul.f32 v19, v14  }
0x261: {  	v5 =	vor.u32 v0, v5;
	v17 =	vmul.f32 v19, v17;
	v4 =	vmul.f32 v9, v4  }
0x262: {  	v19 =	vadd.f32 $-1.000000000e+00, v15;
	v12 =	vmul.f32 v9, v12;
	v18 =	vmul.f32 v9, v18  }
0x263: {  	v11 =	vadd.s32 v5, v8;
	v8 =	vand.u32 $0x7, v20;
	v16 =	vmul.f32 v9, v16  }
0x264: {  	v9 =	vand.u32 $0x7, v21;
	v12 =	vadd.f32 v10, v12;
	v15 =	vadd.f32 v13, v18  }
0x265: {  	v13 =	vand.u32 $0x7, v7;
	v10 =	vadd.f32 v14, v16;
	v14 =	vadd.f32 v17, v4;
	v4 =	vpop (erf)  }
0x266: {  	s9 =	simm.s32 $0x30;
	v17 =	vand.u32 $0xFFFFFFF8, v20;
	v16 =	vand.u32 $0xFFFFFFF8, v21;
	v4 =	vmul.f32 v4, v19  }
.LBB2_15:
0x267: {  	p0 =	sne.s32 s9, $0x7F0;
	v6 =	vor.u32 v6, v11;
	v11 =	vmul.f32 v15, v12;
	v10 =	vmul.f32 v14, v10  }
0x268: {  	v12 =	vadd.s32 v5, v17;
	v7 =	vand.u32 $0xFFFFFFF8, v7;
	v14 =	vmul.f32 v4, v4  }
0x269: {  	s0 =	sadd.s32 $0x10, s0;
	v8 =	vor.u32 v8, v12;
	v12 =	vadd.s32 v5, v16;
	v10 =	vadd.f32 v10, v11  }
0x26a: {  	s8 =	sadd.s32 $0x10, s8;
	v5 =	vadd.s32 v5, v7;
	v9 =	vor.u32 v9, v12;
	v15 =	vld [tilespmem:s0+$0x0];
	v7 =	vmul.f32 $2.857142980e-01, v14  }
0x26b: {  	vm1 =	vmmov vm0;
	v12 =	vor.u32 v13, v5;
	v11 =	vld [tilespmem:s8+$0x0];
	v5 =	vand.u32 $0x7FFFFF, v10  }
0x26c: {  	v13 =	vmov s9;
	v16 =	vld.idx.msk [tilespmem:v6+s17+$0x0], $0xffff;
	v17 =	vor.u32 $0x3F800000, v5;
	v7 =	vadd.f32 $4.000000060e-01, v7  }
0x26d: {  	v5 =	vshll.u32 v13, $0x3;
	v13 =	vld.idx.msk [tilespmem:v6+s19+$0x0], $0xffff;
	v6 =	vmul.f32 $5.000000000e-01, v17  }
0x26e: {  	v5 =	vor.u32 v0, v5;
	vm0 =	vgt.f32 v17, $1.414213540e+00;
	v18 =	vld.idx.msk [tilespmem:v8+s17+$0x0], $0xffff;
	v7 =	vmul.f32 v7, v14  }
0x26f: {  	v19 =	vld.idx.msk [tilespmem:v9+s17+$0x0], $0xffff;
	v20 =	vsub.f32 $1.000000000e+00, v15;
	v17 =	vsel vm0, v6, v17;
	v6 =	vshra.s32 v3, $0x17;
	v3 =	vmovc v10  }
0x270: {  	v10 =	vld.idx.msk [tilespmem:v12+s17+$0x0], $0xffff;
	v21 =	vadd.f32 $1.000000000e+00, v17;
	v22 =	vadd.s32 $0xFFFFFF81, v6;
	v7 =	vadd.f32 $6.666666860e-01, v7  }
0x271: {  	v23 =	vand.u32 $0xFFFFFFF8, v11;
	v6 =	vand.u32 $0x7, v11;
	v24 =	vld.idx.msk [tilespmem:v8+s19+$0x0], $0xffff;
	v8 =	vcvt.s32.f32 v22  }
0x272: {  	v22 =	vadd.s32 $0x1, v11;
	v25 =	vld.idx.msk [tilespmem:v9+s19+$0x0], $0xffff;
	(erf) = vrcp.f32 v21;
	v9 =	vmul.f32 v7, v14  }
0x273: {  	v21 =	vadd.s32 $0x2, v11;
	v7 =	vadd.s32 $0x3, v11;
	v11 =	vsel vm1, $0x3F800000, v1;
	v14 =	vld.idx.msk [tilespmem:v12+s19+$0x0], $0xffff  }
0x274: {  	v12 =	vmul.f32 v20, v16;
	v16 =	vadd.f32 v8, v11;
	v9 =	vadd.f32 $2.000000000e+00, v9  }
0x275: {  	v13 =	vmul.f32 v20, v13;
	v11 =	vadd.s32 v5, v23;
	v19 =	vmul.f32 v15, v19  }
0x276: {  	v8 =	vand.u32 $0x7, v22;
	v16 =	vmul.f32 $6.931471820e-01, v16;
	v4 =	vmul.f32 v9, v4  }
0x277: {  	v18 =	vmul.f32 v20, v18;
	v10 =	vmul.f32 v15, v10;
	v9 =	vand.u32 $0x7, v21  }
.Ltmp6:
0x278: {  	s1 =	sadd.s32 s16, s30;
	s16 =	smov.u32 s18;
	v20 =	vmul.f32 v20, v24;
	v23 =	vmul.f32 v15, v25;
	v4 =	vadd.f32 v4, v16;
	(pc) =	sbr.rel @p0 .LBB2_15-.Ltmp6, $4  }
0x279: {  	s18 =	smov.u32 s29;
	s29 =	smov.u32 s9;
	p1 =	slt.u32 s1, $0xF4240;
	v12 =	vadd.f32 v12, v19;
	v10 =	vadd.f32 v18, v10;
	v14 =	vmul.f32 v15, v14  }
0x27a: {  	v18 =	vadd.f32 $-1.000000000e+00, v17;
	v15 =	vadd.f32 v13, v23;
	v4 =	vpsel !p1, $0x0, v4  }
0x27b: {  	v13 =	vand.u32 $0x7, v7;
	v14 =	vadd.f32 v20, v14;
	v19 =	vpop (erf);
	v2 =	vadd.f32 v4, v2  }
0x27c: {  	s9 =	sadd.s32 $0x10, s9;
	v17 =	vand.u32 $0xFFFFFFF8, v22;
	v16 =	vand.u32 $0xFFFFFFF8, v21;
	v4 =	vmul.f32 v19, v18  }
0x27d: {  	v6 =	vor.u32 v6, v11  }
0x27e: {  	v11 =	vadd.s32 v5, v17  }
0x27f: {  	v8 =	vor.u32 v8, v11  }
0x280: {  	v7 =	vand.u32 $0xFFFFFFF8, v7;
	s0 =	sadd.s32 $0x10, s0;
	v11 =	vadd.s32 v5, v16  }
0x281: {  	v5 =	vadd.s32 v5, v7;
	v7 =	vld [tilespmem:s0+$0x0];
	v9 =	vor.u32 v9, v11  }
0x282: {  	v5 =	vor.u32 v13, v5;
	v11 =	vld.idx.msk [tilespmem:v6+s17+$0x0], $0xffff  }
0x283: {  	v6 =	vld.idx.msk [tilespmem:v6+s19+$0x0], $0xffff  }
0x284: {  	v28 =	vld.idx.msk [tilespmem:v8+s17+$0x0], $0xffff  }
0x285: {  	v8 =	vld.idx.msk [tilespmem:v8+s19+$0x0], $0xffff  }
0x286: {  	v29 =	vld.idx.msk [tilespmem:v9+s17+$0x0], $0xffff  }
0x287: {  	v30 =	vld.idx.msk [tilespmem:v5+s17+$0x0], $0xffff  }
0x288: {  	v9 =	vld.idx.msk [tilespmem:v9+s19+$0x0], $0xffff  }
0x289: {  	v18 =	vsub.f32 $1.000000000e+00, v7;
	v5 =	vld.idx.msk [tilespmem:v5+s19+$0x0], $0xffff  }
0x28a: {  	v12 =	vmul.f32 v15, v12  }
0x28b: {  	v11 =	vmul.f32 v18, v11;
	v6 =	vmul.f32 v18, v6  }
0x28c: {  	v13 =	vmul.f32 v18, v28;
	v8 =	vmul.f32 v18, v8  }
0x28d: {  	v31 =	vmul.f32 v7, v29;
	v32 =	vmul.f32 v7, v30  }
0x28e: {  	v9 =	vmul.f32 v7, v9;
	v5 =	vmul.f32 v7, v5  }
0x28f: {  	v7 =	vmul.f32 v14, v10;
	v10 =	vadd.f32 v11, v31;
	v11 =	vadd.f32 v13, v32  }
0x290: {  	v6 =	vadd.f32 v6, v9;
	v5 =	vadd.f32 v8, v5  }
0x291: {  	v7 =	vadd.f32 v7, v12  }
0x292: {  	v6 =	vmul.f32 v6, v10;
	v5 =	vmul.f32 v5, v11  }
0x293: {  	v8 =	vand.u32 $0x7FFFFF, v7  }
0x294: {  	v8 =	vor.u32 $0x3F800000, v8;
	v5 =	vadd.f32 v5, v6  }
0x295: {  	v6 =	vmul.f32 $5.000000000e-01, v8  }
0x296: {  	vm2 =	vgt.f32 v8, $1.414213540e+00;
	v9 =	vand.u32 $0x7FFFFF, v5  }
0x297: {  	v6 =	vsel vm2, v6, v8;
	v8 =	vor.u32 $0x3F800000, v9  }
0x298: {  	v9 =	vadd.f32 $1.000000000e+00, v6;
	v10 =	vmul.f32 $5.000000000e-01, v8  }
0x299: {  	vm1 =	vgt.f32 v8, $1.414213540e+00  }
0x29a: {  	(erf) = vrcp.f32 v9;
	v8 =	vsel vm1, v10, v8  }
0x29b: {  	v9 =	vadd.f32 $1.000000000e+00, v8;
	_ =	sdelay $0x1  }
0x29c: {  	(erf) = vrcp.f32 v9;
	_ =	sdelay $0x2  }
0x29d: {  	v9 =	vmul.f32 v4, v4;
	_ =	sdelay $0x1  }
0x29e: {  	v6 =	vadd.f32 $-1.000000000e+00, v6;
	v10 =	vmul.f32 $2.857142980e-01, v9  }
0x29f: {  	v11 =	vpop (erf)  }
0x2a0: {  	v10 =	vadd.f32 $4.000000060e-01, v10;
	v6 =	vmul.f32 v11, v6  }
0x2a1: {  	v8 =	vadd.f32 $-1.000000000e+00, v8  }
0x2a2: {  	v10 =	vmul.f32 v10, v9;
	v11 =	vmul.f32 v6, v6;
	v33 =	vpop (erf)  }
0x2a3: {  	v8 =	vmul.f32 v33, v8  }
0x2a4: {  	v10 =	vadd.f32 $6.666666860e-01, v10;
	v34 =	vmul.f32 $2.857142980e-01, v11  }
0x2a5: {  	v3 =	vshra.s32 v3, $0x17;
	v35 =	vmul.f32 v8, v8  }
0x2a6: {  	v3 =	vadd.s32 $0xFFFFFF81, v3;
	v9 =	vmul.f32 v10, v9;
	v10 =	vadd.f32 $4.000000060e-01, v34  }
0x2a7: {  	vm0 =	vmmov vm0;
	v3 =	vcvt.s32.f32 v3;
	_ =	swait.ge [sflag:s15], $0x800;
	v36 =	vmul.f32 $2.857142980e-01, v35  }
0x2a8: {  	v37 =	vsel vm0, $0x3F800000, v1;
	[sflag:s15] =	ssyncset.done $0x0;
	v9 =	vadd.f32 $2.000000000e+00, v9;
	v10 =	vmul.f32 v10, v11  }
0x2a9: {  	v3 =	vadd.f32 v3, v37;
	[sflag:s15] =	ssyncadd.s32 $0xFFFFF800;
	v12 =	vadd.f32 $4.000000060e-01, v36  }
0x2aa: {  	v7 =	vshra.s32 v7, $0x17;
	_ =	swait.ge [sflag:s15], $0x800;
	v4 =	vmul.f32 v9, v4;
	v9 =	vadd.f32 $6.666666860e-01, v10  }
0x2ab: {  	v3 =	vmul.f32 $6.931471820e-01, v3;
	v7 =	vadd.s32 $0xFFFFFF81, v7;
	[sflag:s15] =	ssyncset.done $0x0;
	v10 =	vmul.f32 v12, v35  }
0x2ac: {  	v7 =	vcvt.s32.f32 v7;
	v5 =	vshra.s32 v5, $0x17;
	[sflag:s15] =	ssyncadd.s32 $0xFFFFF800;
	v9 =	vmul.f32 v9, v11  }
0x2ad: {  	vm14 =	vmmov vm2;
	v5 =	vadd.s32 $0xFFFFFF81, v5;
	_ =	swait.ge [sflag:s15], $0x800;
	v10 =	vadd.f32 $6.666666860e-01, v10  }
0x2ae: {  	v5 =	vcvt.s32.f32 v5;
	[sflag:s15] =	ssyncset.done $0x0;
	v11 =	vsel vm14, $0x3F800000, v1;
	v9 =	vadd.f32 $2.000000000e+00, v9  }
0x2af: {  	s0 =	simm.s32 $0x0;
	vm15 =	vmmov vm1;
	[sflag:s15] =	ssyncadd.s32 $0xFFFFF800;
	v7 =	vadd.f32 v7, v11;
	v10 =	vmul.f32 v10, v35  }
0x2b0: {  	s1 =	sadd.s32 s16, s30;
	v3 =	vadd.f32 v4, v3;
	v11 =	vld [tilespmem:s0+$0x2800];
	v4 =	vmul.f32 v9, v6;
	v6 =	vsel vm15, $0x3F800000, v1  }
0x2b1: {  	p0 =	slt.u32 s1, $0xF4240;
	v7 =	vmul.f32 $6.931471820e-01, v7;
	v5 =	vadd.f32 v5, v6;
	v6 =	vadd.f32 $2.000000000e+00, v10  }
0x2b2: {  	v3 =	vpsel !p0, $0x0, v3  }
0x2b3: {  	s18 =	sadd.s32 s18, s30;
	v4 =	vadd.f32 v4, v7;
	v5 =	vmul.f32 $6.931471820e-01, v5;
	v6 =	vmul.f32 v6, v8  }
0x2b4: {  	p5 =	slt.u32 s18, $0xF4240;
	v2 =	vadd.f32 v3, v2  }
0x2b5: {  	s29 =	sadd.s32 s29, s30;
	v9 =	vld [tilespmem:s0+$0x800];
	v3 =	vmul.f32 v11, v61;
	v4 =	vpsel !p5, $0x0, v4;
	v5 =	vadd.f32 v6, v5  }
0x2b6: {  	s8 =	simm.s32 $0x10;
	p6 =	slt.u32 s29, $0xF4240;
	v8 =	vld [tilespmem:s0+$0x1800];
	v2 =	vadd.f32 v4, v2  }
0x2b7: {  	v4 =	vtrunc.f32 v3;
	v6 =	vld [tilespmem:s8+$0x2800];
	v5 =	vpsel !p6, $0x0, v5  }
0x2b8: {  	v38 =	vcvt.f32.s32 v4;
	v2 =	vadd.f32 v5, v2;
	v5 =	vld [tilespmem:s8+$0x800]  }
0x2b9: {  	v4 =	vld [tilespmem:s8+$0x1800]  }
0x2ba: {  	v7 =	vshll.u32 v9, $0x3;
	v10 =	vcvt.s32.f32 v38  }
0x2bb: {  	s9 =	simm.s32 $0x80;
	v11 =	vshrl.u32 v38, $0x1;
	v9 =	vshll.u32 v38, $0x1;
	v8 =	vshll.u32 v8, $0x3  }
.LBB2_17:
0x2bc: {  	s1 =	sshra.s32 s9, $0x2;
	p0 =	sne.s32 s9, $0x1FC0;
	s9 =	sadd.s32 $0x40, s9;
	v12 =	vmul.f32 v6, v61;
	v13 =	vadd.s32 v7, v11;
	v11 =	vadd.s32 v8, v11  }
.Ltmp7:
0x2bd: {  	v9 =	vand.u32 $0x2, v9;
	v6 =	vld [tilespmem:s1+$0x2800];
	v7 =	vshll.u32 v5, $0x3;
	v10 =	vsub.f32 v3, v10;
	[tilespmem:s0+$0x4800] =	vst v13;
	(pc) =	sbr.rel @p0 .LBB2_17-.Ltmp7, $4  }
0x2be: {  	v5 =	vld [tilespmem:s1+$0x800];
	v13 =	vtrunc.f32 v12;
	v8 =	vshll.u32 v4, $0x3;
	[tilespmem:s0+$0x5800] =	vst v11;
	v3 =	vmov v12  }
0x2bf: {  	v4 =	vld [tilespmem:s1+$0x1800];
	v12 =	vcvt.f32.s32 v13;
	[tilespmem:s0+$0x3800] =	vst v10  }
0x2c0: {  	[tilespmem:s0+$0x6800] =	vst v9;
	s0 =	smov.u32 s8;
	s8 =	smov.u32 s1  }
0x2c1: {  	v10 =	vcvt.s32.f32 v12;
	v11 =	vshrl.u32 v12, $0x1;
	v9 =	vshll.u32 v12, $0x1  }
0x2c2: {  	v6 =	vmul.f32 v6, v61;
	_ =	sdelay $0x1  }
0x2c3: {  	v7 =	vadd.s32 v7, v11;
	v12 =	vtrunc.f32 v6  }
0x2c4: {  	v8 =	vadd.s32 v8, v11;
	[tilespmem:s0+$0x4800] =	vst v7;
	v34 =	vcvt.f32.s32 v12  }
0x2c5: {  	v35 =	vand.u32 $0x2, v9;
	v3 =	vsub.f32 v3, v10;
	[tilespmem:s0+$0x5800] =	vst v8  }
0x2c6: {  	v5 =	vshll.u32 v5, $0x3;
	[tilespmem:s0+$0x6800] =	vst v35;
	v36 =	vshrl.u32 v34, $0x1  }
0x2c7: {  	v4 =	vshll.u32 v4, $0x3;
	[tilespmem:s0+$0x3800] =	vst v3;
	v3 =	vcvt.s32.f32 v34;
	v5 =	vadd.s32 v5, v36  }
0x2c8: {  	v37 =	vshll.u32 v34, $0x1;
	v4 =	vadd.s32 v4, v36;
	[tilespmem:s8+$0x4800] =	vst v5  }
0x2c9: {  	v38 =	vand.u32 $0x2, v37;
	v3 =	vsub.f32 v6, v3;
	[tilespmem:s8+$0x5800] =	vst v4  }
0x2ca: {  	s13 =	sadd.s32 s13, s21;
	[tilespmem:s8+$0x6800] =	vst v38  }
0x2cb: {  	s0 =	smin.u32 s13, $0xF3A40;
	[tilespmem:s8+$0x3800] =	vst v3;
	s8 =	simm.s32 $0x4800  }
0x2cc: {  	[tilespmem:s17], [sflag:$0x4] =	stream.indirect.gather [hbm4b:s6+s7], $0x8, s8, s7, $0xb8;
	[tilespmem:$0x19900] =	vst v63  }
0x2cd: {  	s9 =	simm.s32 $0x5800;
	s11 =	sadd.s32 $0x1, s11;
	s0 =	sshrl.u32 s0, $0x3  }
0x2ce: {  	[tilespmem:s19], [sflag:$0x4] =	stream.indirect.gather [hbm4b:s6+s7], $0x8, s9, s7, $0xb8;
	[tilespmem:$0x19900] =	vst v63  }
0x2cf: {  	p0 =	sne.s32 s11, $0x7;
	s1 =	sadd.s32 s4, s0  }
0x2d0: {  	[tilespmem:s7], [sflag:$0x2] =	stream.linear.gather [hbm4b:s1+s5], $0x800, $0x38;
	[tilespmem:$0x19900] =	vst v63  }
.Ltmp8:
0x2d1: {  	_ = 	snop;
	(pc) =	sbr.rel @p0 .LBB2_10-.Ltmp8, $4  }
0x2d2: {  	s18 =	simm.s32 $0x1800;
	s29 =	simm.s32 $0x2800;
	s16 =	sadd.s32 s20, s0  }
0x2d3: {  	[tilespmem:s18], [sflag:$0x2] =	stream.linear.gather [hbm4b:s16+s5], $0x800, $0x38;
	[tilespmem:$0x19900] =	vst v63  }
0x2d4: {  	s22 =	sadd.s32 $0x1000, s22;
	s30 =	sadd.s32 $0x1000, s30;
	s0 =	sadd.s32 s2, s0  }
0x2d5: {  	[tilespmem:s29], [sflag:$0x2] =	stream.linear.gather [hbm4b:s0+s5], $0x800, $0x38;
	[tilespmem:$0x19900] =	vst v63  }
0x2d6: {  	_ =	swait.ge [sflag:s24], $0x4000  }
0x2d7: {  	[sflag:s24] =	ssyncset.done $0x0  }
0x2d8: {  	[sflag:s24] =	ssyncadd.s32 $0xFFFFC000  }
0x2d9: {  	_ =	swait.ge [sflag:s24], $0x4000  }
0x2da: {  	[sflag:s24] =	ssyncset.done $0x0  }
0x2db: {  	s0 =	simm.s32 $0x6000;
	[sflag:s24] =	ssyncadd.s32 $0xFFFFC000  }
0x2dc: {  	v3 =	vld [tilespmem:s0+$0x0];
	_ =	sdelay $0x1  }
0x2dd: {  	s11 =	simm.s32 $0x0  }
0x2de: {  	v4 =	vmov s11  }
0x2df: {  	v4 =	vshll.u32 v4, $0x3  }
0x2e0: {  	v4 =	vor.u32 v0, v4;
	v5 =	vand.u32 $0xFFFFFFF8, v3  }
0x2e1: {  	v6 =	vand.u32 $0x7, v3;
	v7 =	vadd.s32 $0x1, v3;
	v5 =	vadd.s32 v4, v5  }
0x2e2: {  	v9 =	vand.u32 $0x7, v7;
	v7 =	vand.u32 $0xFFFFFFF8, v7;
	v5 =	vor.u32 v6, v5  }
0x2e3: {  	v8 =	vadd.s32 $0x2, v3;
	v3 =	vadd.s32 $0x3, v3;
	v7 =	vadd.s32 v4, v7  }
0x2e4: {  	s30 =	simm.s32 $0x6010;
	v6 =	vand.u32 $0x7, v8;
	v8 =	vand.u32 $0xFFFFFFF8, v8;
	v7 =	vor.u32 v9, v7  }
0x2e5: {  	s29 =	simm.s32 $0x3000;
	v10 =	vand.u32 $0xFFFFFFF8, v3;
	v8 =	vadd.s32 v4, v8;
	v9 =	vld [tilespmem:s30+$0x0]  }
0x2e6: {  	v3 =	vand.u32 $0x7, v3;
	v4 =	vadd.s32 v4, v10;
	v6 =	vor.u32 v6, v8;
	v8 =	vld [tilespmem:s29+$0x0]  }
0x2e7: {  	v3 =	vor.u32 v3, v4;
	v4 =	vld.idx.msk [tilespmem:v5+s12+$0x0], $0xffff  }
0x2e8: {  	v5 =	vld.idx.msk [tilespmem:v5+s14+$0x0], $0xffff  }
0x2e9: {  	v10 =	vld.idx.msk [tilespmem:v7+s12+$0x0], $0xffff  }
0x2ea: {  	v7 =	vld.idx.msk [tilespmem:v7+s14+$0x0], $0xffff  }
0x2eb: {  	v11 =	vld.idx.msk [tilespmem:v6+s12+$0x0], $0xffff  }
0x2ec: {  	v12 =	vld.idx.msk [tilespmem:v3+s12+$0x0], $0xffff  }
0x2ed: {  	v6 =	vld.idx.msk [tilespmem:v6+s14+$0x0], $0xffff  }
0x2ee: {  	s13 =	simm.s32 $0x10;
	v13 =	vsub.f32 $1.000000000e+00, v8;
	v3 =	vld.idx.msk [tilespmem:v3+s14+$0x0], $0xffff  }
0x2ef: {  	v14 =	vmov s13  }
0x2f0: {  	v14 =	vshll.u32 v14, $0x3;
	v4 =	vmul.f32 v13, v4;
	v5 =	vmul.f32 v13, v5  }
0x2f1: {  	v14 =	vor.u32 v0, v14;
	v10 =	vmul.f32 v13, v10;
	v7 =	vmul.f32 v13, v7  }
0x2f2: {  	v15 =	vand.u32 $0xFFFFFFF8, v9;
	v11 =	vmul.f32 v8, v11;
	v12 =	vmul.f32 v8, v12  }
0x2f3: {  	v16 =	vand.u32 $0x7, v9;
	v6 =	vmul.f32 v8, v6;
	v3 =	vmul.f32 v8, v3  }
0x2f4: {  	v8 =	vadd.s32 $0x1, v9;
	v4 =	vadd.f32 v4, v11;
	v10 =	vadd.f32 v10, v12  }
0x2f5: {  	v11 =	vadd.s32 $0x2, v9;
	v5 =	vadd.f32 v5, v6;
	v3 =	vadd.f32 v7, v3  }
0x2f6: {  	v6 =	vadd.s32 $0x3, v9;
	v7 =	vadd.s32 v14, v15;
	v9 =	vand.u32 $0x7, v8  }
0x2f7: {  	v8 =	vand.u32 $0xFFFFFFF8, v8;
	v4 =	vmul.f32 v5, v4;
	v3 =	vmul.f32 v3, v10  }
0x2f8: {  	v12 =	vand.u32 $0x7, v11;
	v7 =	vor.u32 v16, v7;
	v8 =	vadd.s32 v14, v8  }
0x2f9: {  	v5 =	vand.u32 $0x7, v6;
	v10 =	vand.u32 $0xFFFFFFF8, v11;
	v3 =	vadd.f32 v3, v4  }
0x2fa: {  	s8 =	simm.s32 $0x6020;
	v4 =	vand.u32 $0xFFFFFFF8, v6;
	v6 =	vor.u32 v9, v8;
	v8 =	vadd.s32 v14, v10  }
0x2fb: {  	s0 =	simm.s32 $0x3010;
	v11 =	vld [tilespmem:s8+$0x0];
	v8 =	vor.u32 v12, v8;
	v4 =	vadd.s32 v14, v4;
	v10 =	vand.u32 $0x7FFFFF, v3  }
0x2fc: {  	v9 =	vld [tilespmem:s0+$0x0];
	v4 =	vor.u32 v5, v4;
	v5 =	vor.u32 $0x3F800000, v10  }
0x2fd: {  	v13 =	vld.idx.msk [tilespmem:v7+s14+$0x0], $0xffff;
	v12 =	vmul.f32 $5.000000000e-01, v5  }
0x2fe: {  	v10 =	vld.idx.msk [tilespmem:v7+s12+$0x0], $0xffff;
	vm0 =	vgt.f32 v5, $1.414213540e+00  }
0x2ff: {  	v14 =	vld.idx.msk [tilespmem:v6+s12+$0x0], $0xffff;
	v15 =	vsel vm0, v12, v5  }
0x300: {  	v12 =	vld.idx.msk [tilespmem:v8+s12+$0x0], $0xffff;
	v5 =	vadd.f32 $1.000000000e+00, v15  }
0x301: {  	v16 =	vld.idx.msk [tilespmem:v4+s12+$0x0], $0xffff  }
0x302: {  	s16 =	simm.s32 $0x20;
	v4 =	vld.idx.msk [tilespmem:v4+s14+$0x0], $0xffff;
	(erf) = vrcp.f32 v5  }
0x303: {  	v7 =	vmov s16;
	v18 =	vsub.f32 $1.000000000e+00, v9;
	v8 =	vld.idx.msk [tilespmem:v8+s14+$0x0], $0xffff  }
0x304: {  	v19 =	vand.u32 $0xFFFFFFF8, v11;
	v20 =	vadd.s32 $0x1, v11;
	v21 =	vadd.s32 $0x2, v11;
	v17 =	vld.idx.msk [tilespmem:v6+s14+$0x0], $0xffff  }
0x305: {  	v6 =	vand.u32 $0x7, v11;
	v13 =	vmul.f32 v18, v13;
	v5 =	vshll.u32 v7, $0x3  }
0x306: {  	v7 =	vadd.s32 $0x3, v11;
	v11 =	vmul.f32 v18, v10;
	v10 =	vand.u32 $0x7, v20  }
0x307: {  	v5 =	vor.u32 v0, v5;
	v14 =	vmul.f32 v18, v14;
	v4 =	vmul.f32 v9, v4  }
0x308: {  	v22 =	vmul.f32 v9, v12;
	v12 =	vadd.s32 v5, v19;
	v19 =	vmul.f32 v9, v8  }
0x309: {  	v17 =	vmul.f32 v18, v17;
	v18 =	vadd.f32 $-1.000000000e+00, v15;
	v16 =	vmul.f32 v9, v16  }
0x30a: {  	v15 =	vand.u32 $0x7, v7;
	v8 =	vadd.f32 v11, v22;
	v13 =	vadd.f32 v13, v19  }
0x30b: {  	v11 =	vand.u32 $0x7, v21;
	v9 =	vadd.f32 v14, v16;
	v14 =	vadd.f32 v17, v4;
	v4 =	vpop (erf)  }
0x30c: {  	s9 =	simm.s32 $0x30;
	v17 =	vand.u32 $0xFFFFFFF8, v20;
	v16 =	vand.u32 $0xFFFFFFF8, v21;
	v4 =	vmul.f32 v4, v18  }
.LBB2_20:
0x30d: {  	p0 =	sne.s32 s9, $0x7F0;
	v6 =	vor.u32 v6, v12;
	v8 =	vmul.f32 v13, v8;
	v9 =	vmul.f32 v14, v9  }
0x30e: {  	v12 =	vadd.s32 v5, v17;
	v7 =	vand.u32 $0xFFFFFFF8, v7;
	v13 =	vmul.f32 v4, v4  }
0x30f: {  	s0 =	sadd.s32 $0x10, s0;
	v10 =	vor.u32 v10, v12;
	v12 =	vadd.s32 v5, v16;
	v8 =	vadd.f32 v9, v8  }
0x310: {  	s8 =	sadd.s32 $0x10, s8;
	v5 =	vadd.s32 v5, v7;
	v9 =	vor.u32 v11, v12;
	v14 =	vld [tilespmem:s0+$0x0];
	v7 =	vmul.f32 $2.857142980e-01, v13  }
0x311: {  	vm1 =	vmmov vm0;
	v12 =	vor.u32 v15, v5;
	v11 =	vld [tilespmem:s8+$0x0];
	v5 =	vand.u32 $0x7FFFFF, v8  }
0x312: {  	v15 =	vmov s9;
	v16 =	vld.idx.msk [tilespmem:v6+s12+$0x0], $0xffff;
	v17 =	vor.u32 $0x3F800000, v5;
	v7 =	vadd.f32 $4.000000060e-01, v7  }
0x313: {  	v5 =	vshll.u32 v15, $0x3;
	v15 =	vld.idx.msk [tilespmem:v6+s14+$0x0], $0xffff;
	v6 =	vmul.f32 $5.000000000e-01, v17  }
0x314: {  	v5 =	vor.u32 v0, v5;
	vm0 =	vgt.f32 v17, $1.414213540e+00;
	v18 =	vld.idx.msk [tilespmem:v10+s12+$0x0], $0xffff;
	v7 =	vmul.f32 v7, v13  }
0x315: {  	v19 =	vld.idx.msk [tilespmem:v9+s12+$0x0], $0xffff;
	v20 =	vsub.f32 $1.000000000e+00, v14;
	v17 =	vsel vm0, v6, v17;
	v6 =	vshra.s32 v3, $0x17;
	v3 =	vmovc v8  }
0x316: {  	v8 =	vld.idx.msk [tilespmem:v12+s12+$0x0], $0xffff;
	v21 =	vadd.f32 $1.000000000e+00, v17;
	v22 =	vadd.s32 $0xFFFFFF81, v6;
	v7 =	vadd.f32 $6.666666860e-01, v7  }
0x317: {  	v23 =	vand.u32 $0xFFFFFFF8, v11;
	v6 =	vand.u32 $0x7, v11;
	v24 =	vld.idx.msk [tilespmem:v10+s14+$0x0], $0xffff;
	v10 =	vcvt.s32.f32 v22  }
0x318: {  	v22 =	vadd.s32 $0x1, v11;
	v9 =	vld.idx.msk [tilespmem:v9+s14+$0x0], $0xffff;
	(erf) = vrcp.f32 v21;
	v13 =	vmul.f32 v7, v13  }
0x319: {  	v21 =	vadd.s32 $0x2, v11;
	v7 =	vadd.s32 $0x3, v11;
	v11 =	vsel vm1, $0x3F800000, v1;
	v25 =	vld.idx.msk [tilespmem:v12+s14+$0x0], $0xffff  }
0x31a: {  	v16 =	vmul.f32 v20, v16;
	v11 =	vadd.f32 v10, v11;
	v13 =	vadd.f32 $2.000000000e+00, v13  }
0x31b: {  	v15 =	vmul.f32 v20, v15;
	v12 =	vadd.s32 v5, v23;
	v19 =	vmul.f32 v14, v19  }
0x31c: {  	v10 =	vand.u32 $0x7, v22;
	v4 =	vmul.f32 v13, v4;
	v13 =	vmul.f32 $6.931471820e-01, v11  }
0x31d: {  	v18 =	vmul.f32 v20, v18;
	v23 =	vmul.f32 v14, v8;
	v11 =	vand.u32 $0x7, v21  }
.Ltmp9:
0x31e: {  	s1 =	sadd.s32 s11, s26;
	s11 =	smov.u32 s13;
	v20 =	vmul.f32 v20, v24;
	v26 =	vmul.f32 v14, v9;
	v4 =	vadd.f32 v4, v13;
	(pc) =	sbr.rel @p0 .LBB2_20-.Ltmp9, $4  }
0x31f: {  	s13 =	smov.u32 s16;
	s16 =	smov.u32 s9;
	p1 =	slt.u32 s1, $0xF4240;
	v8 =	vadd.f32 v16, v19;
	v9 =	vadd.f32 v18, v23;
	v14 =	vmul.f32 v14, v25  }
0x320: {  	v18 =	vadd.f32 $-1.000000000e+00, v17;
	v13 =	vadd.f32 v15, v26;
	v4 =	vpsel !p1, $0x0, v4  }
0x321: {  	v15 =	vand.u32 $0x7, v7;
	v14 =	vadd.f32 v20, v14;
	v19 =	vpop (erf);
	v2 =	vadd.f32 v4, v2  }
0x322: {  	s9 =	sadd.s32 $0x10, s9;
	v16 =	vand.u32 $0xFFFFFFF8, v21;
	v17 =	vand.u32 $0xFFFFFFF8, v22;
	v4 =	vmul.f32 v19, v18  }
0x323: {  	v6 =	vor.u32 v6, v12  }
0x324: {  	v12 =	vadd.s32 v5, v17  }
0x325: {  	v10 =	vor.u32 v10, v12  }
0x326: {  	v7 =	vand.u32 $0xFFFFFFF8, v7;
	s0 =	sadd.s32 $0x10, s0;
	v12 =	vadd.s32 v5, v16  }
0x327: {  	v5 =	vadd.s32 v5, v7;
	v7 =	vld [tilespmem:s0+$0x0];
	v11 =	vor.u32 v11, v12  }
0x328: {  	v5 =	vor.u32 v15, v5;
	v12 =	vld.idx.msk [tilespmem:v6+s12+$0x0], $0xffff  }
0x329: {  	v6 =	vld.idx.msk [tilespmem:v6+s14+$0x0], $0xffff  }
0x32a: {  	v15 =	vld.idx.msk [tilespmem:v10+s12+$0x0], $0xffff  }
0x32b: {  	v10 =	vld.idx.msk [tilespmem:v10+s14+$0x0], $0xffff  }
0x32c: {  	v16 =	vld.idx.msk [tilespmem:v11+s12+$0x0], $0xffff  }
0x32d: {  	v17 =	vld.idx.msk [tilespmem:v5+s12+$0x0], $0xffff  }
0x32e: {  	v11 =	vld.idx.msk [tilespmem:v11+s14+$0x0], $0xffff  }
0x32f: {  	v18 =	vsub.f32 $1.000000000e+00, v7;
	v5 =	vld.idx.msk [tilespmem:v5+s14+$0x0], $0xffff;
	_ =	sdelay $0x1  }
0x330: {  	v12 =	vmul.f32 v18, v12;
	v6 =	vmul.f32 v18, v6  }
0x331: {  	v15 =	vmul.f32 v18, v15;
	v10 =	vmul.f32 v18, v10  }
0x332: {  	v16 =	vmul.f32 v7, v16;
	v17 =	vmul.f32 v7, v17  }
0x333: {  	v11 =	vmul.f32 v7, v11;
	v5 =	vmul.f32 v7, v5  }
0x334: {  	v7 =	vadd.f32 v12, v16;
	v12 =	vadd.f32 v15, v17  }
0x335: {  	v6 =	vadd.f32 v6, v11;
	v5 =	vadd.f32 v10, v5  }
0x336: {  	v8 =	vmul.f32 v13, v8;
	v9 =	vmul.f32 v14, v9  }
0x337: {  	v6 =	vmul.f32 v6, v7;
	v5 =	vmul.f32 v5, v12  }
0x338: {  	v7 =	vadd.f32 v9, v8  }
0x339: {  	v5 =	vadd.f32 v5, v6  }
0x33a: {  	v6 =	vand.u32 $0x7FFFFF, v7  }
0x33b: {  	v6 =	vor.u32 $0x3F800000, v6;
	v8 =	vand.u32 $0x7FFFFF, v5  }
0x33c: {  	v9 =	vmul.f32 $5.000000000e-01, v6;
	v8 =	vor.u32 $0x3F800000, v8  }
0x33d: {  	vm2 =	vgt.f32 v6, $1.414213540e+00;
	v10 =	vmul.f32 $5.000000000e-01, v8  }
0x33e: {  	v6 =	vsel vm2, v9, v6;
	vm1 =	vgt.f32 v8, $1.414213540e+00  }
0x33f: {  	v9 =	vadd.f32 $1.000000000e+00, v6;
	v8 =	vsel vm1, v10, v8  }
0x340: {  	v10 =	vadd.f32 $1.000000000e+00, v8  }
0x341: {  	(erf) = vrcp.f32 v9  }
0x342: {  	(erf) = vrcp.f32 v10;
	_ =	sdelay $0x6  }
0x343: {  	v9 =	vmul.f32 v4, v4  }
0x344: {  	v10 =	vpop (erf)  }
0x345: {  	v6 =	vadd.f32 $-1.000000000e+00, v6;
	v11 =	vmul.f32 $2.857142980e-01, v9;
	v12 =	vpop (erf)  }
0x346: {  	_ =	swait.ge [sflag:s25], $0x4000  }
0x347: {  	v11 =	vadd.f32 $4.000000060e-01, v11;
	v6 =	vmul.f32 v10, v6;
	[sflag:s25] =	ssyncset.done $0x0  }
0x348: {  	[sflag:s25] =	ssyncadd.s32 $0xFFFFC000  }
0x349: {  	v10 =	vmul.f32 v11, v9;
	v11 =	vmul.f32 v6, v6;
	_ =	swait.ge [sflag:s25], $0x4000  }
0x34a: {  	v3 =	vshra.s32 v3, $0x17;
	s1 =	simm.s32 $0x6800;
	[sflag:s25] =	ssyncset.done $0x0  }
0x34b: {  	v3 =	vadd.s32 $0xFFFFFF81, v3;
	v10 =	vadd.f32 $6.666666860e-01, v10;
	v13 =	vmul.f32 $2.857142980e-01, v11;
	[sflag:s25] =	ssyncadd.s32 $0xFFFFC000  }
0x34c: {  	vm0 =	vmmov vm0;
	v3 =	vcvt.s32.f32 v3;
	v8 =	vadd.f32 $-1.000000000e+00, v8;
	v14 =	vld [tilespmem:s1+$0x0]  }
0x34d: {  	s22 =	simm.s32 $0x0;
	v15 =	vsel vm0, $0x3F800000, v1;
	v9 =	vmul.f32 v10, v9;
	v10 =	vadd.f32 $4.000000060e-01, v13  }
0x34e: {  	v3 =	vadd.f32 v3, v15;
	v8 =	vmul.f32 v12, v8;
	v12 =	vmov s22  }
0x34f: {  	v12 =	vshll.u32 v12, $0x3;
	v9 =	vadd.f32 $2.000000000e+00, v9;
	v10 =	vmul.f32 v10, v11  }
0x350: {  	v3 =	vmul.f32 $6.931471820e-01, v3;
	v12 =	vor.u32 v0, v12;
	v13 =	vmul.f32 v8, v8  }
0x351: {  	v4 =	vmul.f32 v9, v4;
	v9 =	vadd.f32 $6.666666860e-01, v10;
	v15 =	vand.u32 $0xFFFFFFF8, v14  }
0x352: {  	v16 =	vand.u32 $0x7, v14;
	v17 =	vadd.s32 $0x1, v14;
	v15 =	vadd.s32 v12, v15  }
0x353: {  	v19 =	vand.u32 $0x7, v17;
	v17 =	vand.u32 $0xFFFFFFF8, v17;
	v15 =	vor.u32 v16, v15  }
0x354: {  	v18 =	vadd.s32 $0x2, v14;
	v14 =	vadd.s32 $0x3, v14;
	v17 =	vadd.s32 v12, v17  }
0x355: {  	s9 =	simm.s32 $0x6810;
	v16 =	vand.u32 $0x7, v18;
	v18 =	vand.u32 $0xFFFFFFF8, v18;
	v17 =	vor.u32 v19, v17  }
0x356: {  	s8 =	simm.s32 $0x3800;
	v10 =	vld [tilespmem:s9+$0x0];
	v9 =	vmul.f32 v9, v11;
	v20 =	vand.u32 $0xFFFFFFF8, v14;
	v18 =	vadd.s32 v12, v18  }
0x357: {  	v14 =	vand.u32 $0x7, v14;
	v12 =	vadd.s32 v12, v20;
	v16 =	vor.u32 v16, v18;
	v18 =	vld [tilespmem:s8+$0x0]  }
0x358: {  	v7 =	vshra.s32 v7, $0x17;
	v12 =	vor.u32 v14, v12;
	v14 =	vmul.f32 $2.857142980e-01, v13;
	v19 =	vld.idx.msk [tilespmem:v15+s17+$0x0], $0xffff  }
0x359: {  	v4 =	vadd.f32 v4, v3;
	v3 =	vadd.s32 $0xFFFFFF81, v7;
	v9 =	vadd.f32 $2.000000000e+00, v9;
	v11 =	vld.idx.msk [tilespmem:v15+s19+$0x0], $0xffff  }
0x35a: {  	vm0 =	vmmov vm2;
	v3 =	vcvt.s32.f32 v3;
	v7 =	vadd.f32 $4.000000060e-01, v14;
	v14 =	vld.idx.msk [tilespmem:v17+s17+$0x0], $0xffff  }
0x35b: {  	v5 =	vshra.s32 v5, $0x17;
	v34 =	vsel vm0, $0x3F800000, v1;
	v6 =	vmul.f32 v9, v6;
	v9 =	vld.idx.msk [tilespmem:v17+s19+$0x0], $0xffff  }
0x35c: {  	v5 =	vadd.s32 $0xFFFFFF81, v5;
	v3 =	vadd.f32 v3, v34;
	v7 =	vmul.f32 v7, v13;
	v15 =	vld.idx.msk [tilespmem:v16+s17+$0x0], $0xffff  }
0x35d: {  	v5 =	vcvt.s32.f32 v5;
	vm0 =	vmmov vm1;
	v21 =	vld.idx.msk [tilespmem:v12+s17+$0x0], $0xffff  }
0x35e: {  	s23 =	simm.s32 $0x10;
	v17 =	vmul.f32 $6.931471820e-01, v3;
	v3 =	vsel vm0, $0x3F800000, v1;
	v16 =	vld.idx.msk [tilespmem:v16+s19+$0x0], $0xffff;
	v7 =	vadd.f32 $6.666666860e-01, v7  }
0x35f: {  	v35 =	vsub.f32 $1.000000000e+00, v18;
	v12 =	vld.idx.msk [tilespmem:v12+s19+$0x0], $0xffff;
	v5 =	vadd.f32 v5, v3;
	v3 =	vmov s23  }
0x360: {  	v3 =	vshll.u32 v3, $0x3;
	v7 =	vmul.f32 v7, v13  }
0x361: {  	v13 =	vmul.f32 v35, v19;
	v19 =	vor.u32 v0, v3;
	v3 =	vmul.f32 v35, v11  }
0x362: {  	v11 =	vmul.f32 v35, v14;
	v9 =	vmul.f32 v35, v9  }
0x363: {  	v22 =	vand.u32 $0x7, v10;
	v15 =	vmul.f32 v18, v15;
	v21 =	vmul.f32 v18, v21  }
0x364: {  	v16 =	vmul.f32 v18, v16;
	v12 =	vmul.f32 v18, v12;
	v7 =	vadd.f32 $2.000000000e+00, v7  }
0x365: {  	v14 =	vand.u32 $0xFFFFFFF8, v10;
	v13 =	vadd.f32 v13, v15;
	v11 =	vadd.f32 v11, v21  }
0x366: {  	v18 =	vadd.s32 $0x1, v10;
	v3 =	vadd.f32 v3, v16;
	v9 =	vadd.f32 v9, v12  }
0x367: {  	v15 =	vadd.s32 $0x2, v10;
	v10 =	vadd.s32 $0x3, v10;
	v12 =	vadd.s32 v19, v14  }
0x368: {  	v14 =	vand.u32 $0x7, v18;
	v3 =	vmul.f32 v3, v13;
	v9 =	vmul.f32 v9, v11  }
0x369: {  	v16 =	vand.u32 $0x7, v15;
	v12 =	vor.u32 v22, v12;
	v13 =	vand.u32 $0xFFFFFFF8, v18  }
0x36a: {  	v15 =	vand.u32 $0xFFFFFFF8, v15;
	v13 =	vadd.s32 v19, v13;
	v3 =	vadd.f32 v9, v3  }
0x36b: {  	s18 =	simm.s32 $0x3810;
	v11 =	vand.u32 $0x7, v10;
	v9 =	vand.u32 $0xFFFFFFF8, v10;
	v10 =	vor.u32 v14, v13  }
0x36c: {  	s29 =	simm.s32 $0x6820;
	v13 =	vadd.s32 v19, v15;
	v14 =	vld [tilespmem:s18+$0x0];
	v9 =	vadd.s32 v19, v9;
	v15 =	vand.u32 $0x7FFFFF, v3  }
0x36d: {  	s11 =	sadd.s32 s11, s26;
	v13 =	vor.u32 v16, v13;
	v16 =	vld [tilespmem:s29+$0x0];
	v9 =	vor.u32 v11, v9;
	v11 =	vor.u32 $0x3F800000, v15  }
0x36e: {  	p0 =	slt.u32 s11, $0xF4240;
	v6 =	vadd.f32 v6, v17;
	v7 =	vmul.f32 v7, v8;
	v8 =	vld.idx.msk [tilespmem:v12+s19+$0x0], $0xffff;
	v17 =	vmul.f32 $5.000000000e-01, v11  }
0x36f: {  	s13 =	sadd.s32 s13, s26;
	v4 =	vpsel !p0, $0x0, v4;
	v5 =	vmul.f32 $6.931471820e-01, v5;
	v15 =	vld.idx.msk [tilespmem:v12+s17+$0x0], $0xffff;
	vm0 =	vgt.f32 v11, $1.414213540e+00  }
0x370: {  	p5 =	slt.u32 s13, $0xF4240;
	v2 =	vadd.f32 v4, v2;
	v4 =	vld.idx.msk [tilespmem:v10+s17+$0x0], $0xffff;
	v17 =	vsel vm0, v17, v11  }
0x371: {  	s30 =	sadd.s32 s16, s26;
	v6 =	vpsel !p5, $0x0, v6;
	v5 =	vadd.f32 v7, v5;
	v10 =	vld.idx.msk [tilespmem:v10+s19+$0x0], $0xffff;
	v7 =	vadd.f32 $1.000000000e+00, v17  }
0x372: {  	p6 =	slt.u32 s30, $0xF4240;
	s11 =	simm.s32 $0x20;
	v2 =	vadd.f32 v6, v2;
	v11 =	vld.idx.msk [tilespmem:v13+s17+$0x0], $0xffff  }
0x373: {  	v6 =	vmov s11;
	v5 =	vpsel !p6, $0x0, v5;
	v13 =	vld.idx.msk [tilespmem:v13+s19+$0x0], $0xffff;
	(erf) = vrcp.f32 v7  }
0x374: {  	v2 =	vadd.f32 v5, v2;
	v5 =	vshll.u32 v6, $0x3;
	v18 =	vsub.f32 $1.000000000e+00, v14;
	v12 =	vld.idx.msk [tilespmem:v9+s17+$0x0], $0xffff  }
0x375: {  	v5 =	vor.u32 v0, v5;
	v19 =	vand.u32 $0xFFFFFFF8, v16;
	v6 =	vand.u32 $0x7, v16;
	v9 =	vld.idx.msk [tilespmem:v9+s19+$0x0], $0xffff  }
0x376: {  	v36 =	vadd.s32 $0x1, v16;
	v37 =	vadd.s32 $0x2, v16;
	v15 =	vmul.f32 v18, v15  }
0x377: {  	v7 =	vadd.s32 $0x3, v16;
	v4 =	vmul.f32 v18, v4;
	v16 =	vmul.f32 v14, v11  }
0x378: {  	v11 =	vadd.s32 v5, v19;
	v19 =	vmul.f32 v18, v8;
	v18 =	vmul.f32 v18, v10  }
0x379: {  	v8 =	vand.u32 $0x7, v36;
	v38 =	vmul.f32 v14, v12  }
0x37a: {  	v13 =	vmul.f32 v14, v13;
	v14 =	vmul.f32 v14, v9;
	v12 =	vadd.f32 v15, v16  }
0x37b: {  	v9 =	vand.u32 $0x7, v37;
	v10 =	vadd.f32 v4, v38;
	v4 =	vadd.f32 $-1.000000000e+00, v17  }
0x37c: {  	v15 =	vadd.f32 v19, v13;
	v13 =	vand.u32 $0x7, v7;
	v14 =	vadd.f32 v18, v14;
	v18 =	vpop (erf)  }
0x37d: {  	s0 =	simm.s32 $0x30;
	v16 =	vand.u32 $0xFFFFFFF8, v37;
	v17 =	vand.u32 $0xFFFFFFF8, v36;
	v4 =	vmul.f32 v18, v4  }
.LBB2_22:
0x37e: {  	p0 =	sne.s32 s0, $0x7F0;
	v6 =	vor.u32 v6, v11;
	v11 =	vmul.f32 v15, v12;
	v10 =	vmul.f32 v14, v10  }
0x37f: {  	v12 =	vadd.s32 v5, v17;
	v7 =	vand.u32 $0xFFFFFFF8, v7;
	v14 =	vmul.f32 v4, v4  }
0x380: {  	s18 =	sadd.s32 $0x10, s18;
	v8 =	vor.u32 v8, v12;
	v12 =	vadd.s32 v5, v16;
	v10 =	vadd.f32 v10, v11  }
0x381: {  	s29 =	sadd.s32 $0x10, s29;
	v5 =	vadd.s32 v5, v7;
	v9 =	vor.u32 v9, v12;
	v15 =	vld [tilespmem:s18+$0x0];
	v7 =	vmul.f32 $2.857142980e-01, v14  }
0x382: {  	vm1 =	vmmov vm0;
	v12 =	vor.u32 v13, v5;
	v11 =	vld [tilespmem:s29+$0x0];
	v5 =	vand.u32 $0x7FFFFF, v10  }
0x383: {  	v13 =	vmov s0;
	v16 =	vld.idx.msk [tilespmem:v6+s17+$0x0], $0xffff;
	v17 =	vor.u32 $0x3F800000, v5;
	v7 =	vadd.f32 $4.000000060e-01, v7  }
0x384: {  	v5 =	vshll.u32 v13, $0x3;
	v13 =	vld.idx.msk [tilespmem:v6+s19+$0x0], $0xffff;
	v6 =	vmul.f32 $5.000000000e-01, v17  }
0x385: {  	v5 =	vor.u32 v0, v5;
	vm0 =	vgt.f32 v17, $1.414213540e+00;
	v18 =	vld.idx.msk [tilespmem:v8+s17+$0x0], $0xffff;
	v7 =	vmul.f32 v7, v14  }
0x386: {  	v19 =	vld.idx.msk [tilespmem:v9+s17+$0x0], $0xffff;
	v20 =	vsub.f32 $1.000000000e+00, v15;
	v17 =	vsel vm0, v6, v17;
	v6 =	vshra.s32 v3, $0x17;
	v3 =	vmovc v10  }
0x387: {  	v10 =	vld.idx.msk [tilespmem:v12+s17+$0x0], $0xffff;
	v21 =	vadd.f32 $1.000000000e+00, v17;
	v22 =	vadd.s32 $0xFFFFFF81, v6;
	v7 =	vadd.f32 $6.666666860e-01, v7  }
0x388: {  	v23 =	vand.u32 $0xFFFFFFF8, v11;
	v6 =	vand.u32 $0x7, v11;
	v24 =	vld.idx.msk [tilespmem:v8+s19+$0x0], $0xffff;
	v8 =	vcvt.s32.f32 v22  }
0x389: {  	v22 =	vadd.s32 $0x1, v11;
	v25 =	vld.idx.msk [tilespmem:v9+s19+$0x0], $0xffff;
	(erf) = vrcp.f32 v21;
	v9 =	vmul.f32 v7, v14  }
0x38a: {  	v21 =	vadd.s32 $0x2, v11;
	v7 =	vadd.s32 $0x3, v11;
	v11 =	vsel vm1, $0x3F800000, v1;
	v14 =	vld.idx.msk [tilespmem:v12+s19+$0x0], $0xffff  }
0x38b: {  	v12 =	vmul.f32 v20, v16;
	v16 =	vadd.f32 v8, v11;
	v9 =	vadd.f32 $2.000000000e+00, v9  }
0x38c: {  	v13 =	vmul.f32 v20, v13;
	v11 =	vadd.s32 v5, v23;
	v19 =	vmul.f32 v15, v19  }
0x38d: {  	v8 =	vand.u32 $0x7, v22;
	v16 =	vmul.f32 $6.931471820e-01, v16;
	v4 =	vmul.f32 v9, v4  }
0x38e: {  	v18 =	vmul.f32 v20, v18;
	v10 =	vmul.f32 v15, v10;
	v9 =	vand.u32 $0x7, v21  }
.Ltmp10:
0x38f: {  	s1 =	sadd.s32 s22, s28;
	s22 =	smov.u32 s23;
	v20 =	vmul.f32 v20, v24;
	v23 =	vmul.f32 v15, v25;
	v4 =	vadd.f32 v4, v16;
	(pc) =	sbr.rel @p0 .LBB2_22-.Ltmp10, $4  }
0x390: {  	s23 =	smov.u32 s11;
	s11 =	smov.u32 s0;
	p1 =	slt.u32 s1, $0xF4240;
	v12 =	vadd.f32 v12, v19;
	v10 =	vadd.f32 v18, v10;
	v14 =	vmul.f32 v15, v14  }
0x391: {  	v18 =	vadd.f32 $-1.000000000e+00, v17;
	v15 =	vadd.f32 v13, v23;
	v4 =	vpsel !p1, $0x0, v4  }
0x392: {  	v13 =	vand.u32 $0x7, v7;
	v14 =	vadd.f32 v20, v14;
	v19 =	vpop (erf);
	v2 =	vadd.f32 v4, v2  }
0x393: {  	s0 =	sadd.s32 $0x10, s0;
	v17 =	vand.u32 $0xFFFFFFF8, v22;
	v16 =	vand.u32 $0xFFFFFFF8, v21;
	v4 =	vmul.f32 v19, v18  }
0x394: {  	v6 =	vor.u32 v6, v11  }
0x395: {  	v27 =	vadd.s32 v5, v17  }
0x396: {  	v28 =	vadd.s32 v5, v16;
	v8 =	vor.u32 v8, v27  }
0x397: {  	s0 =	sadd.s32 $0x10, s18;
	v9 =	vor.u32 v9, v28  }
0x398: {  	v7 =	vand.u32 $0xFFFFFFF8, v7;
	v30 =	vld [tilespmem:s0+$0x0]  }
0x399: {  	v29 =	vadd.s32 v5, v7;
	v31 =	vld.idx.msk [tilespmem:v6+s17+$0x0], $0xffff  }
0x39a: {  	v5 =	vor.u32 v13, v29;
	v6 =	vld.idx.msk [tilespmem:v6+s19+$0x0], $0xffff  }
0x39b: {  	v32 =	vld.idx.msk [tilespmem:v8+s17+$0x0], $0xffff  }
0x39c: {  	v33 =	vld.idx.msk [tilespmem:v9+s17+$0x0], $0xffff  }
0x39d: {  	v8 =	vld.idx.msk [tilespmem:v8+s19+$0x0], $0xffff  }
0x39e: {  	v9 =	vld.idx.msk [tilespmem:v9+s19+$0x0], $0xffff  }
0x39f: {  	v34 =	vld.idx.msk [tilespmem:v5+s17+$0x0], $0xffff  }
0x3a0: {  	v18 =	vsub.f32 $1.000000000e+00, v30;
	v5 =	vld.idx.msk [tilespmem:v5+s19+$0x0], $0xffff;
	_ =	sdelay $0x1  }
0x3a1: {  	v11 =	vmul.f32 v18, v31;
	v6 =	vmul.f32 v18, v6  }
0x3a2: {  	v35 =	vmul.f32 v30, v33;
	v13 =	vmul.f32 v18, v32  }
0x3a3: {  	v9 =	vmul.f32 v30, v9;
	v8 =	vmul.f32 v18, v8  }
0x3a4: {  	v36 =	vmul.f32 v30, v34;
	v5 =	vmul.f32 v30, v5  }
0x3a5: {  	v12 =	vmul.f32 v15, v12;
	v38 =	vadd.f32 v11, v35;
	v6 =	vadd.f32 v6, v9  }
0x3a6: {  	v37 =	vmul.f32 v14, v10;
	v14 =	vadd.f32 v13, v36;
	v5 =	vadd.f32 v8, v5;
	_ =	sdelay $0x1  }
0x3a7: {  	v7 =	vadd.f32 v37, v12;
	v6 =	vmul.f32 v6, v38;
	v5 =	vmul.f32 v5, v14;
	_ =	sdelay $0x1  }
0x3a8: {  	v15 =	vand.u32 $0x7FFFFF, v7;
	v5 =	vadd.f32 v5, v6  }
0x3a9: {  	v8 =	vor.u32 $0x3F800000, v15  }
0x3aa: {  	v16 =	vmul.f32 $5.000000000e-01, v8;
	v17 =	vand.u32 $0x7FFFFF, v5  }
0x3ab: {  	vm2 =	vgt.f32 v8, $1.414213540e+00;
	v18 =	vor.u32 $0x3F800000, v17  }
0x3ac: {  	v6 =	vsel vm2, v16, v8;
	v20 =	vmul.f32 $5.000000000e-01, v18  }
0x3ad: {  	v19 =	vadd.f32 $1.000000000e+00, v6;
	vm1 =	vgt.f32 v18, $1.414213540e+00  }
0x3ae: {  	v8 =	vsel vm1, v20, v18  }
0x3af: {  	(erf) = vrcp.f32 v19;
	v21 =	vadd.f32 $1.000000000e+00, v8;
	_ =	sdelay $0x1  }
0x3b0: {  	(erf) = vrcp.f32 v21;
	_ =	sdelay $0x4  }
0x3b1: {  	v22 =	vmul.f32 v4, v4  }
0x3b2: {  	v6 =	vadd.f32 $-1.000000000e+00, v6  }
0x3b3: {  	v23 =	vmul.f32 $2.857142980e-01, v22;
	v24 =	vpop (erf)  }
0x3b4: {  	v8 =	vadd.f32 $-1.000000000e+00, v8;
	v6 =	vmul.f32 v24, v6  }
0x3b5: {  	v10 =	vadd.f32 $4.000000060e-01, v23;
	v25 =	vpop (erf)  }
0x3b6: {  	v11 =	vmul.f32 v6, v6;
	v8 =	vmul.f32 v25, v8  }
0x3b7: {  	v10 =	vmul.f32 v10, v22  }
0x3b8: {  	v3 =	vshra.s32 v3, $0x17;
	v26 =	vmul.f32 $2.857142980e-01, v11;
	v27 =	vmul.f32 v8, v8  }
0x3b9: {  	vm0 =	vmmov vm0;
	v3 =	vadd.s32 $0xFFFFFF81, v3;
	v10 =	vadd.f32 $6.666666860e-01, v10  }
0x3ba: {  	v7 =	vshra.s32 v7, $0x17;
	v28 =	vadd.f32 $4.000000060e-01, v26;
	v29 =	vmul.f32 $2.857142980e-01, v27  }
0x3bb: {  	v3 =	vcvt.s32.f32 v3;
	v7 =	vadd.s32 $0xFFFFFF81, v7;
	v9 =	vmul.f32 v10, v22;
	_ =	swait.ge [sflag:s10], $0x800  }
0x3bc: {  	v30 =	vsel vm0, $0x3F800000, v1;
	[sflag:s10] =	ssyncset.done $0x0;
	v10 =	vmul.f32 v28, v11;
	v12 =	vadd.f32 $4.000000060e-01, v29  }
0x3bd: {  	v7 =	vcvt.s32.f32 v7;
	v3 =	vadd.f32 v3, v30;
	v9 =	vadd.f32 $2.000000000e+00, v9;
	[sflag:s10] =	ssyncadd.s32 $0xFFFFF800  }
0x3be: {  	vm14 =	vmmov vm2;
	_ =	swait.ge [sflag:s10], $0x800;
	v32 =	vadd.f32 $6.666666860e-01, v10;
	v33 =	vmul.f32 v12, v27  }
0x3bf: {  	v31 =	vmul.f32 v9, v4;
	v34 =	vsel vm14, $0x3F800000, v1;
	v5 =	vshra.s32 v5, $0x17;
	[sflag:s10] =	ssyncset.done $0x0  }
0x3c0: {  	v5 =	vadd.s32 $0xFFFFFF81, v5;
	[sflag:s10] =	ssyncadd.s32 $0xFFFFF800;
	v9 =	vmul.f32 v32, v11;
	v10 =	vadd.f32 $6.666666860e-01, v33  }
0x3c1: {  	v3 =	vmul.f32 $6.931471820e-01, v3;
	v7 =	vadd.f32 v7, v34;
	v5 =	vcvt.s32.f32 v5;
	_ =	swait.ge [sflag:s10], $0x800  }
0x3c2: {  	vm15 =	vmmov vm1;
	[sflag:s10] =	ssyncset.done $0x0;
	v9 =	vadd.f32 $2.000000000e+00, v9;
	v10 =	vmul.f32 v10, v27  }
0x3c3: {  	s16 =	sadd.s32 s22, s28;
	v3 =	vadd.f32 v31, v3;
	v7 =	vmul.f32 $6.931471820e-01, v7;
	v36 =	vsel vm15, $0x3F800000, v1;
	[sflag:s10] =	ssyncadd.s32 $0xFFFFF800  }
0x3c4: {  	p0 =	slt.u32 s16, $0xF4240;
	v5 =	vadd.f32 v5, v36;
	_ =	swait.ge [sflag:s15], $0x800;
	v35 =	vmul.f32 v9, v6;
	v37 =	vadd.f32 $2.000000000e+00, v10  }
0x3c5: {  	v3 =	vpsel !p0, $0x0, v3;
	[sflag:s15] =	ssyncset.done $0x0  }
0x3c6: {  	s18 =	sadd.s32 s23, s28;
	v5 =	vmul.f32 $6.931471820e-01, v5;
	[sflag:s15] =	ssyncadd.s32 $0xFFFFF800;
	v4 =	vadd.f32 v35, v7;
	v6 =	vmul.f32 v37, v8  }
0x3c7: {  	p5 =	slt.u32 s18, $0xF4240;
	v2 =	vadd.f32 v3, v2;
	_ =	swait.ge [sflag:s15], $0x800  }
0x3c8: {  	s22 =	sadd.s32 s11, s28;
	[sflag:s15] =	ssyncset.done $0x0;
	v3 =	vpsel !p5, $0x0, v4;
	v38 =	vadd.f32 v6, v5  }
0x3c9: {  	p6 =	slt.u32 s22, $0xF4240;
	[sflag:s15] =	ssyncadd.s32 $0xFFFFF800;
	v2 =	vadd.f32 v3, v2  }
0x3ca: {  	_ =	swait.ge [sflag:s15], $0x800;
	v3 =	vpsel !p6, $0x0, v38  }
0x3cb: {  	[sflag:s15] =	ssyncset.done $0x0;
	v2 =	vadd.f32 v3, v2  }
0x3cc: {  	[sflag:s15] =	ssyncadd.s32 $0xFFFFF800  }
0x3cd: {  	s1 =	simm.s32 $0x19480;
	s8 =	simm.s32 $0x6;
	s23 =	rddreg [dreg:$0x15];
	[tilespmem:$0x19480] =	vst v2  }
0x3ce: {  	[hbm4b:s23+s5] =	stream.linear.scatter [tilespmem:s1], [sflag:$0x6], $0x480, $0x38;
	[tilespmem:$0x19900] =	vst v63  }
0x3cf: {  	_ =	swait.ge [sflag:s8], $0x480  }
0x3d0: {  	s29 =	rddreg [dreg:$0x18]  }
0x3d1: {  	s30 =	rddreg [dreg:$0x16];
	s1 =	sadd.s32 $0x1, s29  }
0x3d2: {  	p0 =	sne.s32 s1, s30  }
.Ltmp11:
0x3d3: {  	_ = 	snop;
	(pc) =	sbr.rel @p0 .LBB2_1-.Ltmp11, $3  }
0x3d4: {  	_ =	sdelay $0x1  }
0x3d5: {  	[sflag:s8] =	ssyncset.done $0x0  }
0x3d6: {  	[sflag:s8] =	ssyncadd.s32 $0xFFFFFB80  }
0x3d7: {  	_ =	sfence.sel $0x180000  }
0x3d8: {  	[bflag:$0x0] =	sbarrier.arrive $0xFFFF  }
0x3d9: {  	_ =	strace $0x90000047  }
0x3da: {  	s0 =	stileid.u32;
	[bflag:$0x2] =	sbarrier.arrive $0xFFFF  }
0x3db: {  	p0 =	sne.s32 s0, $0x0;
	s0 =	rddreg [dreg:$0x5]  }
0x3dc: {  	s0 =	sadd.s32 @!p0 $0x100000, s0  }
0x3dd: {  	[sflag:s0] =	ssyncadd.tile.s32 @!p0 $0x1;
	_ =	shalt  }
.Lfunc_end2:
_tile_overlayer_lowered:
.L_overlay_start_2:
0x3de: {  	(tag) =	ssettag $0x2  }
0x3df: {  	s0 =	rddreg [dreg:$0x0];
	s2 =	stileid.u32  }
0x3e0: {  	s1 =	rddreg [dreg:$0x1];
	p0 =	sne.s32 s2, $0x0  }
0x3e1: {  	s3 =	rddreg [dreg:$0x2];
	[bflag:$0x3] =	sbarrier.arrive $0xFFFF;
	s2 =	simm.s32 @!p0 $0x1C06  }
0x3e2: {  	[timem:s3], [sflag:s2] =	dma.local @!p0 [hbm:s0], s1  }
0x3e3: {  	s0 =	simm.s32 @!p0 $0x6  }
0x3e4: {  	_ =	swait.ge @!p0 [sflag:s0], s1  }
0x3e5: {  	s1 =	ssub.s32 @!p0 $0x0, s1;
	[sflag:s0] =	ssyncset.done @!p0 $0x0  }
0x3e6: {  	[sflag:s0] =	ssyncadd.s32 @!p0 s1  }
0x3e7: {  	[bflag:$0x3] =	sbarrier.arrive $0xFFFF  }
0x3e8: {  	_ =	shalt  }

</sc_bundles>
